<compile_context>
chip_gen: v7x
topology: tpu7x:2x2x1
jax: 0.10.2.dev20260603
libtpu: 0.0.44.dev20260713+nightly
codegen_flags: <defaults>
</compile_context>

<pallas_src>
import functools
import math

import jax
import jax.numpy as jnp
from jax import lax
from jax.experimental import pallas as pl
from jax.experimental.pallas import tpu as pltpu
from jax.experimental.pallas import tpu_sc as plsc

VOCAB = 100000
D = 128
SCALE = math.sqrt(D)

NC = 2
NS = 16
NW = NC * NS

CH = 128
NBUF = 6
LEAD = 3


def _make_gather(B):
    assert B % (8 * NW) == 0
    bpw = B // NW
    assert bpw % CH == 0
    nch = bpw // CH
    assert nch >= 2 * NBUF and NBUF == 2 * LEAD
    mesh = plsc.VectorSubcoreMesh(core_axis_name="c", subcore_axis_name="s")

    @functools.partial(
        pl.kernel,
        mesh=mesh,
        out_type=jax.ShapeDtypeStruct((B, D), jnp.float32),
        scratch_types=[
            pltpu.VMEM((bpw,), jnp.int32),
            tuple(pltpu.VMEM((CH, D), jnp.float32) for _ in range(NBUF)),
            tuple(pltpu.SemaphoreType.DMA for _ in range(NBUF)),
            tuple(pltpu.SemaphoreType.DMA for _ in range(NBUF)),
        ],
    )
    def gather_k(table_hbm, idx_hbm, out_hbm, idx_v, bufs, gsems, ssems):
        wid = lax.axis_index("s") * NC + lax.axis_index("c")
        base = wid * bpw
        pltpu.sync_copy(idx_hbm.at[pl.ds(base, bpw)], idx_v)

        def start_gather(c, b):
            pltpu.async_copy(
                table_hbm.at[idx_v.at[pl.ds(c * CH, CH)]], bufs[b], gsems[b]
            )

        def wait_gather(c, b):
            pltpu.make_async_copy(
                table_hbm.at[idx_v.at[pl.ds(c * CH, CH)]], bufs[b], gsems[b]
            ).wait()

        def scale_buf(b):
            buf = bufs[b]

            def row(r, carry):
                for j in range(D // 16):
                    sl = pl.ds(j * 16, 16)
                    buf[r, sl] = buf[r, sl] * SCALE
                return carry

            lax.fori_loop(0, CH, row, 0, unroll=2)

        def start_store(c, b):
            pltpu.async_copy(
                bufs[b], out_hbm.at[pl.ds(base + c * CH, CH)], ssems[b]
            )

        def wait_store(c, b):
            pltpu.make_async_copy(
                bufs[b], out_hbm.at[pl.ds(base + c * CH, CH)], ssems[b]
            ).wait()

        for c in range(2 * LEAD):
            start_gather(c, c % NBUF)
        for c in range(LEAD):
            wait_gather(c, c % NBUF)
            scale_buf(c % NBUF)
            start_store(c, c % NBUF)

        def group(g, carry):
            c0 = LEAD + g * NBUF
            for b in range(NBUF):
                c = c0 + b
                cur = (LEAD + b) % NBUF
                bb = (LEAD + b + LEAD) % NBUF
                wait_store(c - LEAD, bb)
                start_gather(c + LEAD, bb)
                wait_gather(c, cur)
                scale_buf(cur)
                start_store(c, cur)
            return carry

        ngroups = (nch - 2 * LEAD) // NBUF
        lax.fori_loop(0, ngroups, group, 0, unroll=False)

        rem = LEAD + ngroups * NBUF
        for c in range(rem, nch - LEAD):
            wait_store(c - LEAD, (c + LEAD) % NBUF)
            start_gather(c + LEAD, (c + LEAD) % NBUF)
            wait_gather(c, c % NBUF)
            scale_buf(c % NBUF)
            start_store(c, c % NBUF)

        for c in range(max(nch - LEAD, LEAD), nch):
            wait_gather(c, c % NBUF)
            scale_buf(c % NBUF)
            start_store(c, c % NBUF)
        for c in range(nch - NBUF, nch):
            wait_store(c, c % NBUF)

    return gather_k


@jax.jit
def kernel(x, table):
    flat_idx = x.reshape(-1).astype(jnp.int32)
    B = flat_idx.shape[0]
    out = _make_gather(B)(table, flat_idx)
    return out.reshape(x.shape + (D,))

# --- scband reference (transcript-rebuilt; emitter-appended) ---
"""Pipeline reference for scband-token-embedding-88776974008925 (READ-ONLY COPY).

The authoritative reference and input builder live on the scoring server;
editing this copy changes nothing except your own understanding.
"""

import jax, jax.numpy as jnp
import numpy as np
import math

VOCAB = 100000
EMBED_DIM = 128
BATCH = 4096
SEQ = 200

def setup_inputs(seed: int = 0) -> dict:
    key = jax.random.key(seed)
    k_idx, k_tab = jax.random.split(key)
    x = jax.random.randint(k_idx, (BATCH, SEQ), 0, VOCAB, dtype=jnp.int64 if jax.config.jax_enable_x64 else jnp.int32)
    table = jax.random.normal(k_tab, (VOCAB, EMBED_DIM), dtype=jnp.float32)
    return {"x": x, "table": table}

def reference(x, table):
    # nn.Embedding lookup followed by scaling by sqrt(embedding_dim)
    emb = jnp.take(table, x, axis=0)
    return emb * math.sqrt(EMBED_DIM)

if __name__ == "__main__":
    import jax
    _d = setup_inputs()
    print(jax.jit(kernel)(*tuple(_d.values())))

</pallas_src>

<mosaic_0001>
#map = affine_map<(d0, d1) -> (0, 0)>
#map1 = affine_map<(d0, d1) -> (0)>
module attributes {stable_mosaic.version = 14 : i64} {
  func.func @gather_k(%arg0: i32, %arg1: i32, %arg2: memref<100000x128xf32, #tpu.memory_space<hbm>>, %arg3: memref<819200xi32, #tpu.memory_space<hbm>>, %arg4: memref<819200x128xf32, #tpu.memory_space<hbm>>, %arg5: memref<25600xi32, #tpu.memory_space<vmem>>, %arg6: memref<128x128xf32, #tpu.memory_space<vmem>>, %arg7: memref<128x128xf32, #tpu.memory_space<vmem>>, %arg8: memref<128x128xf32, #tpu.memory_space<vmem>>, %arg9: memref<128x128xf32, #tpu.memory_space<vmem>>, %arg10: memref<128x128xf32, #tpu.memory_space<vmem>>, %arg11: memref<128x128xf32, #tpu.memory_space<vmem>>, %arg12: memref<!tpu.dma_semaphore, #tpu.memory_space<semaphore_mem>>, %arg13: memref<!tpu.dma_semaphore, #tpu.memory_space<semaphore_mem>>, %arg14: memref<!tpu.dma_semaphore, #tpu.memory_space<semaphore_mem>>, %arg15: memref<!tpu.dma_semaphore, #tpu.memory_space<semaphore_mem>>, %arg16: memref<!tpu.dma_semaphore, #tpu.memory_space<semaphore_mem>>, %arg17: memref<!tpu.dma_semaphore, #tpu.memory_space<semaphore_mem>>, %arg18: memref<!tpu.dma_semaphore, #tpu.memory_space<semaphore_mem>>, %arg19: memref<!tpu.dma_semaphore, #tpu.memory_space<semaphore_mem>>, %arg20: memref<!tpu.dma_semaphore, #tpu.memory_space<semaphore_mem>>, %arg21: memref<!tpu.dma_semaphore, #tpu.memory_space<semaphore_mem>>, %arg22: memref<!tpu.dma_semaphore, #tpu.memory_space<semaphore_mem>>, %arg23: memref<!tpu.dma_semaphore, #tpu.memory_space<semaphore_mem>>) attributes {dimension_semantics = [#tpu.dimension_semantics<core_parallel>, #tpu.dimension_semantics<subcore_parallel>], iteration_bounds = array<i64: 2, 16>, scalar_prefetch = 0 : i64, scratch_operands = 19 : i64, tpu.core_type = #tpu.core_type<sc_vector_subcore>, window_params = [{transform_indices = #map}, {transform_indices = #map1}, {transform_indices = #map}]} {
    %mul3A = arith.constant 2 : i32
    %mul3A_0 = arith.muli %arg1, %mul3A : i32
    %add3A = arith.addi %mul3A_0, %arg0 : i32
    %mul3A_1 = arith.constant 25600 : i32
    %mul3A_2 = arith.muli %add3A, %mul3A_1 : i32
    "tpu.region"() ({
      %run_scoped3A = tpu.sem_alloc : memref<!tpu.dma_semaphore, #tpu.memory_space<semaphore_mem>>
      %dma_start3A_230 = tpu.memref_slice %arg3[%mul3A_2] : memref<819200xi32, #tpu.memory_space<hbm>> -> memref<25600xi32, #tpu.memory_space<hbm>>
      %dma_start3A_231 = tpu.memref_slice %arg3[%mul3A_2] : memref<819200xi32, #tpu.memory_space<hbm>> -> memref<25600xi32, #tpu.memory_space<hbm>>
      tpu.enqueue_dma source(%dma_start3A_231 : memref<25600xi32, #tpu.memory_space<hbm>>) target(%arg5 : memref<25600xi32, #tpu.memory_space<vmem>>) target_semaphore(%run_scoped3A : memref<!tpu.dma_semaphore, #tpu.memory_space<semaphore_mem>>)
      %dma_wait3A_232 = tpu.memref_slice %arg3[%mul3A_2] : memref<819200xi32, #tpu.memory_space<hbm>> -> memref<25600xi32, #tpu.memory_space<hbm>>
      %dma_wait3A_233 = tpu.memref_slice %arg3[%mul3A_2] : memref<819200xi32, #tpu.memory_space<hbm>> -> memref<25600xi32, #tpu.memory_space<hbm>>
      tpu.wait_dma2 semaphore(%run_scoped3A : memref<!tpu.dma_semaphore, #tpu.memory_space<semaphore_mem>>) src(%dma_wait3A_233 : memref<25600xi32, #tpu.memory_space<hbm>>) dst(%arg5 : memref<25600xi32, #tpu.memory_space<vmem>>)
      tpu.yield
    }) : () -> ()
    %dma_start3A = arith.constant 0 : i32
    %dma_start3A_3 = tpu.memref_slice %arg5[%dma_start3A] : memref<25600xi32, #tpu.memory_space<vmem>> -> memref<128xi32, #tpu.memory_space<vmem>>
    %dma_start3A_4 = arith.constant 0 : i32
    %dma_start3A_5 = arith.constant 0 : i32
    %dma_start3A_6 = tpu.memref_slice %arg2[%dma_start3A_4, %dma_start3A_5] : memref<100000x128xf32, #tpu.memory_space<hbm>> -> memref<100000x128xf32, #tpu.memory_space<hbm>>
    tpu.enqueue_indirect_dma source(%dma_start3A_6 : memref<100000x128xf32, #tpu.memory_space<hbm>>) target(%arg6 : memref<128x128xf32, #tpu.memory_space<vmem>>) offsets(%dma_start3A_3 : memref<128xi32, #tpu.memory_space<vmem>>) semaphore(%arg12 : memref<!tpu.dma_semaphore, #tpu.memory_space<semaphore_mem>>)
    %dma_start3A_7 = arith.constant 128 : i32
    %dma_start3A_8 = tpu.memref_slice %arg5[%dma_start3A_7] : memref<25600xi32, #tpu.memory_space<vmem>> -> memref<128xi32, #tpu.memory_space<vmem>>
    %dma_start3A_9 = arith.constant 0 : i32
    %dma_start3A_10 = arith.constant 0 : i32
    %dma_start3A_11 = tpu.memref_slice %arg2[%dma_start3A_9, %dma_start3A_10] : memref<100000x128xf32, #tpu.memory_space<hbm>> -> memref<100000x128xf32, #tpu.memory_space<hbm>>
    tpu.enqueue_indirect_dma source(%dma_start3A_11 : memref<100000x128xf32, #tpu.memory_space<hbm>>) target(%arg7 : memref<128x128xf32, #tpu.memory_space<vmem>>) offsets(%dma_start3A_8 : memref<128xi32, #tpu.memory_space<vmem>>) semaphore(%arg13 : memref<!tpu.dma_semaphore, #tpu.memory_space<semaphore_mem>>)
    %dma_start3A_12 = arith.constant 256 : i32
    %dma_start3A_13 = tpu.memref_slice %arg5[%dma_start3A_12] : memref<25600xi32, #tpu.memory_space<vmem>> -> memref<128xi32, #tpu.memory_space<vmem>>
    %dma_start3A_14 = arith.constant 0 : i32
    %dma_start3A_15 = arith.constant 0 : i32
    %dma_start3A_16 = tpu.memref_slice %arg2[%dma_start3A_14, %dma_start3A_15] : memref<100000x128xf32, #tpu.memory_space<hbm>> -> memref<100000x128xf32, #tpu.memory_space<hbm>>
    tpu.enqueue_indirect_dma source(%dma_start3A_16 : memref<100000x128xf32, #tpu.memory_space<hbm>>) target(%arg8 : memref<128x128xf32, #tpu.memory_space<vmem>>) offsets(%dma_start3A_13 : memref<128xi32, #tpu.memory_space<vmem>>) semaphore(%arg14 : memref<!tpu.dma_semaphore, #tpu.memory_space<semaphore_mem>>)
    %dma_start3A_17 = arith.constant 384 : i32
    %dma_start3A_18 = tpu.memref_slice %arg5[%dma_start3A_17] : memref<25600xi32, #tpu.memory_space<vmem>> -> memref<128xi32, #tpu.memory_space<vmem>>
    %dma_start3A_19 = arith.constant 0 : i32
    %dma_start3A_20 = arith.constant 0 : i32
    %dma_start3A_21 = tpu.memref_slice %arg2[%dma_start3A_19, %dma_start3A_20] : memref<100000x128xf32, #tpu.memory_space<hbm>> -> memref<100000x128xf32, #tpu.memory_space<hbm>>
    tpu.enqueue_indirect_dma source(%dma_start3A_21 : memref<100000x128xf32, #tpu.memory_space<hbm>>) target(%arg9 : memref<128x128xf32, #tpu.memory_space<vmem>>) offsets(%dma_start3A_18 : memref<128xi32, #tpu.memory_space<vmem>>) semaphore(%arg15 : memref<!tpu.dma_semaphore, #tpu.memory_space<semaphore_mem>>)
    %dma_start3A_22 = arith.constant 512 : i32
    %dma_start3A_23 = tpu.memref_slice %arg5[%dma_start3A_22] : memref<25600xi32, #tpu.memory_space<vmem>> -> memref<128xi32, #tpu.memory_space<vmem>>
    %dma_start3A_24 = arith.constant 0 : i32
    %dma_start3A_25 = arith.constant 0 : i32
    %dma_start3A_26 = tpu.memref_slice %arg2[%dma_start3A_24, %dma_start3A_25] : memref<100000x128xf32, #tpu.memory_space<hbm>> -> memref<100000x128xf32, #tpu.memory_space<hbm>>
    tpu.enqueue_indirect_dma source(%dma_start3A_26 : memref<100000x128xf32, #tpu.memory_space<hbm>>) target(%arg10 : memref<128x128xf32, #tpu.memory_space<vmem>>) offsets(%dma_start3A_23 : memref<128xi32, #tpu.memory_space<vmem>>) semaphore(%arg16 : memref<!tpu.dma_semaphore, #tpu.memory_space<semaphore_mem>>)
    %dma_start3A_27 = arith.constant 640 : i32
    %dma_start3A_28 = tpu.memref_slice %arg5[%dma_start3A_27] : memref<25600xi32, #tpu.memory_space<vmem>> -> memref<128xi32, #tpu.memory_space<vmem>>
    %dma_start3A_29 = arith.constant 0 : i32
    %dma_start3A_30 = arith.constant 0 : i32
    %dma_start3A_31 = tpu.memref_slice %arg2[%dma_start3A_29, %dma_start3A_30] : memref<100000x128xf32, #tpu.memory_space<hbm>> -> memref<100000x128xf32, #tpu.memory_space<hbm>>
    tpu.enqueue_indirect_dma source(%dma_start3A_31 : memref<100000x128xf32, #tpu.memory_space<hbm>>) target(%arg11 : memref<128x128xf32, #tpu.memory_space<vmem>>) offsets(%dma_start3A_28 : memref<128xi32, #tpu.memory_space<vmem>>) semaphore(%arg17 : memref<!tpu.dma_semaphore, #tpu.memory_space<semaphore_mem>>)
    %dma_wait3A = arith.constant 0 : i32
    %dma_wait3A_32 = tpu.memref_slice %arg5[%dma_wait3A] : memref<25600xi32, #tpu.memory_space<vmem>> -> memref<128xi32, #tpu.memory_space<vmem>>
    %dma_wait3A_33 = arith.constant 0 : i32
    %dma_wait3A_34 = arith.constant 0 : i32
    %dma_wait3A_35 = tpu.memref_slice %arg2[%dma_wait3A_33, %dma_wait3A_34] : memref<100000x128xf32, #tpu.memory_space<hbm>> -> memref<100000x128xf32, #tpu.memory_space<hbm>>
    tpu.wait_indirect_dma semaphore(%arg12 : memref<!tpu.dma_semaphore, #tpu.memory_space<semaphore_mem>>) src(%dma_wait3A_35 : memref<100000x128xf32, #tpu.memory_space<hbm>>) dst(%arg6 : memref<128x128xf32, #tpu.memory_space<vmem>>)
    %scan3A = arith.constant 0 : i32
    %scan3A_36 = arith.constant 0 : i32
    %scan3A_37 = arith.constant 128 : i32
    %scan3A_38 = arith.addi %scan3A_36, %scan3A_37 : i32
    %scan3A_39 = arith.constant 2 : i32
    scf.for %scan3A_230 = %scan3A_36 to %scan3A_38 step %scan3A_39  : i32 {
      %get3A = arith.index_cast %scan3A_230 : i32 to index
      %get3A_231 = arith.constant 0 : index
      %get3A_232 = tpu.vector_load %arg6[%get3A, %get3A_231] {strides = array<i32>} : memref<128x128xf32, #tpu.memory_space<vmem>>, vector<1x16xf32>,
      %get3A_233 = vector.shape_cast %get3A_232 : vector<1x16xf32> to vector<16xf32>
      %mul3A_234 = arith.constant 11.3137083 : f32
      %mul3A_235 = vector.broadcast %mul3A_234 : f32 to vector<16xf32>
      %mul3A_236 = arith.mulf %get3A_233, %mul3A_235 : vector<16xf32>
      %swap3A = arith.index_cast %scan3A_230 : i32 to index
      %swap3A_237 = arith.constant 0 : index
      %swap3A_238 = tpu.vector_load %arg6[%swap3A, %swap3A_237] {strides = array<i32>} : memref<128x128xf32, #tpu.memory_space<vmem>>, vector<1x16xf32>,
      %swap3A_239 = vector.shape_cast %swap3A_238 : vector<1x16xf32> to vector<16xf32>
      %swap3A_240 = vector.shape_cast %mul3A_236 : vector<16xf32> to vector<1x16xf32>
      tpu.vector_store %arg6[%swap3A, %swap3A_237], %swap3A_240 {strides = array<i32>} : memref<128x128xf32, #tpu.memory_space<vmem>>, vector<1x16xf32>,
      %get3A_241 = arith.index_cast %scan3A_230 : i32 to index
      %get3A_242 = arith.constant 16 : index
      %get3A_243 = tpu.vector_load %arg6[%get3A_241, %get3A_242] {strides = array<i32>} : memref<128x128xf32, #tpu.memory_space<vmem>>, vector<1x16xf32>,
      %get3A_244 = vector.shape_cast %get3A_243 : vector<1x16xf32> to vector<16xf32>
      %mul3A_245 = arith.constant 11.3137083 : f32
      %mul3A_246 = vector.broadcast %mul3A_245 : f32 to vector<16xf32>
      %mul3A_247 = arith.mulf %get3A_244, %mul3A_246 : vector<16xf32>
      %swap3A_248 = arith.index_cast %scan3A_230 : i32 to index
      %swap3A_249 = arith.constant 16 : index
      %swap3A_250 = tpu.vector_load %arg6[%swap3A_248, %swap3A_249] {strides = array<i32>} : memref<128x128xf32, #tpu.memory_space<vmem>>, vector<1x16xf32>,
      %swap3A_251 = vector.shape_cast %swap3A_250 : vector<1x16xf32> to vector<16xf32>
      %swap3A_252 = vector.shape_cast %mul3A_247 : vector<16xf32> to vector<1x16xf32>
      tpu.vector_store %arg6[%swap3A_248, %swap3A_249], %swap3A_252 {strides = array<i32>} : memref<128x128xf32, #tpu.memory_space<vmem>>, vector<1x16xf32>,
      %get3A_253 = arith.index_cast %scan3A_230 : i32 to index
      %get3A_254 = arith.constant 32 : index
      %get3A_255 = tpu.vector_load %arg6[%get3A_253, %get3A_254] {strides = array<i32>} : memref<128x128xf32, #tpu.memory_space<vmem>>, vector<1x16xf32>,
      %get3A_256 = vector.shape_cast %get3A_255 : vector<1x16xf32> to vector<16xf32>
      %mul3A_257 = arith.constant 11.3137083 : f32
      %mul3A_258 = vector.broadcast %mul3A_257 : f32 to vector<16xf32>
      %mul3A_259 = arith.mulf %get3A_256, %mul3A_258 : vector<16xf32>
      %swap3A_260 = arith.index_cast %scan3A_230 : i32 to index
      %swap3A_261 = arith.constant 32 : index
      %swap3A_262 = tpu.vector_load %arg6[%swap3A_260, %swap3A_261] {strides = array<i32>} : memref<128x128xf32, #tpu.memory_space<vmem>>, vector<1x16xf32>,
      %swap3A_263 = vector.shape_cast %swap3A_262 : vector<1x16xf32> to vector<16xf32>
      %swap3A_264 = vector.shape_cast %mul3A_259 : vector<16xf32> to vector<1x16xf32>
      tpu.vector_store %arg6[%swap3A_260, %swap3A_261], %swap3A_264 {strides = array<i32>} : memref<128x128xf32, #tpu.memory_space<vmem>>, vector<1x16xf32>,
      %get3A_265 = arith.index_cast %scan3A_230 : i32 to index
      %get3A_266 = arith.constant 48 : index
      %get3A_267 = tpu.vector_load %arg6[%get3A_265, %get3A_266] {strides = array<i32>} : memref<128x128xf32, #tpu.memory_space<vmem>>, vector<1x16xf32>,
      %get3A_268 = vector.shape_cast %get3A_267 : vector<1x16xf32> to vector<16xf32>
      %mul3A_269 = arith.constant 11.3137083 : f32
      %mul3A_270 = vector.broadcast %mul3A_269 : f32 to vector<16xf32>
      %mul3A_271 = arith.mulf %get3A_268, %mul3A_270 : vector<16xf32>
      %swap3A_272 = arith.index_cast %scan3A_230 : i32 to index
      %swap3A_273 = arith.constant 48 : index
      %swap3A_274 = tpu.vector_load %arg6[%swap3A_272, %swap3A_273] {strides = array<i32>} : memref<128x128xf32, #tpu.memory_space<vmem>>, vector<1x16xf32>,
      %swap3A_275 = vector.shape_cast %swap3A_274 : vector<1x16xf32> to vector<16xf32>
      %swap3A_276 = vector.shape_cast %mul3A_271 : vector<16xf32> to vector<1x16xf32>
      tpu.vector_store %arg6[%swap3A_272, %swap3A_273], %swap3A_276 {strides = array<i32>} : memref<128x128xf32, #tpu.memory_space<vmem>>, vector<1x16xf32>,
      %get3A_277 = arith.index_cast %scan3A_230 : i32 to index
      %get3A_278 = arith.constant 64 : index
      %get3A_279 = tpu.vector_load %arg6[%get3A_277, %get3A_278] {strides = array<i32>} : memref<128x128xf32, #tpu.memory_space<vmem>>, vector<1x16xf32>,
      %get3A_280 = vector.shape_cast %get3A_279 : vector<1x16xf32> to vector<16xf32>
      %mul3A_281 = arith.constant 11.3137083 : f32
      %mul3A_282 = vector.broadcast %mul3A_281 : f32 to vector<16xf32>
      %mul3A_283 = arith.mulf %get3A_280, %mul3A_282 : vector<16xf32>
      %swap3A_284 = arith.index_cast %scan3A_230 : i32 to index
      %swap3A_285 = arith.constant 64 : index
      %swap3A_286 = tpu.vector_load %arg6[%swap3A_284, %swap3A_285] {strides = array<i32>} : memref<128x128xf32, #tpu.memory_space<vmem>>, vector<1x16xf32>,
      %swap3A_287 = vector.shape_cast %swap3A_286 : vector<1x16xf32> to vector<16xf32>
      %swap3A_288 = vector.shape_cast %mul3A_283 : vector<16xf32> to vector<1x16xf32>
      tpu.vector_store %arg6[%swap3A_284, %swap3A_285], %swap3A_288 {strides = array<i32>} : memref<128x128xf32, #tpu.memory_space<vmem>>, vector<1x16xf32>,
      %get3A_289 = arith.index_cast %scan3A_230 : i32 to index
      %get3A_290 = arith.constant 80 : index
      %get3A_291 = tpu.vector_load %arg6[%get3A_289, %get3A_290] {strides = array<i32>} : memref<128x128xf32, #tpu.memory_space<vmem>>, vector<1x16xf32>,
      %get3A_292 = vector.shape_cast %get3A_291 : vector<1x16xf32> to vector<16xf32>
      %mul3A_293 = arith.constant 11.3137083 : f32
      %mul3A_294 = vector.broadcast %mul3A_293 : f32 to vector<16xf32>
      %mul3A_295 = arith.mulf %get3A_292, %mul3A_294 : vector<16xf32>
      %swap3A_296 = arith.index_cast %scan3A_230 : i32 to index
      %swap3A_297 = arith.constant 80 : index
      %swap3A_298 = tpu.vector_load %arg6[%swap3A_296, %swap3A_297] {strides = array<i32>} : memref<128x128xf32, #tpu.memory_space<vmem>>, vector<1x16xf32>,
      %swap3A_299 = vector.shape_cast %swap3A_298 : vector<1x16xf32> to vector<16xf32>
      %swap3A_300 = vector.shape_cast %mul3A_295 : vector<16xf32> to vector<1x16xf32>
      tpu.vector_store %arg6[%swap3A_296, %swap3A_297], %swap3A_300 {strides = array<i32>} : memref<128x128xf32, #tpu.memory_space<vmem>>, vector<1x16xf32>,
      %get3A_301 = arith.index_cast %scan3A_230 : i32 to index
      %get3A_302 = arith.constant 96 : index
      %get3A_303 = tpu.vector_load %arg6[%get3A_301, %get3A_302] {strides = array<i32>} : memref<128x128xf32, #tpu.memory_space<vmem>>, vector<1x16xf32>,
      %get3A_304 = vector.shape_cast %get3A_303 : vector<1x16xf32> to vector<16xf32>
      %mul3A_305 = arith.constant 11.3137083 : f32
      %mul3A_306 = vector.broadcast %mul3A_305 : f32 to vector<16xf32>
      %mul3A_307 = arith.mulf %get3A_304, %mul3A_306 : vector<16xf32>
      %swap3A_308 = arith.index_cast %scan3A_230 : i32 to index
      %swap3A_309 = arith.constant 96 : index
      %swap3A_310 = tpu.vector_load %arg6[%swap3A_308, %swap3A_309] {strides = array<i32>} : memref<128x128xf32, #tpu.memory_space<vmem>>, vector<1x16xf32>,
      %swap3A_311 = vector.shape_cast %swap3A_310 : vector<1x16xf32> to vector<16xf32>
      %swap3A_312 = vector.shape_cast %mul3A_307 : vector<16xf32> to vector<1x16xf32>
      tpu.vector_store %arg6[%swap3A_308, %swap3A_309], %swap3A_312 {strides = array<i32>} : memref<128x128xf32, #tpu.memory_space<vmem>>, vector<1x16xf32>,
      %get3A_313 = arith.index_cast %scan3A_230 : i32 to index
      %get3A_314 = arith.constant 112 : index
      %get3A_315 = tpu.vector_load %arg6[%get3A_313, %get3A_314] {strides = array<i32>} : memref<128x128xf32, #tpu.memory_space<vmem>>, vector<1x16xf32>,
      %get3A_316 = vector.shape_cast %get3A_315 : vector<1x16xf32> to vector<16xf32>
      %mul3A_317 = arith.constant 11.3137083 : f32
      %mul3A_318 = vector.broadcast %mul3A_317 : f32 to vector<16xf32>
      %mul3A_319 = arith.mulf %get3A_316, %mul3A_318 : vector<16xf32>
      %swap3A_320 = arith.index_cast %scan3A_230 : i32 to index
      %swap3A_321 = arith.constant 112 : index
      %swap3A_322 = tpu.vector_load %arg6[%swap3A_320, %swap3A_321] {strides = array<i32>} : memref<128x128xf32, #tpu.memory_space<vmem>>, vector<1x16xf32>,
      %swap3A_323 = vector.shape_cast %swap3A_322 : vector<1x16xf32> to vector<16xf32>
      %swap3A_324 = vector.shape_cast %mul3A_319 : vector<16xf32> to vector<1x16xf32>
      tpu.vector_store %arg6[%swap3A_320, %swap3A_321], %swap3A_324 {strides = array<i32>} : memref<128x128xf32, #tpu.memory_space<vmem>>, vector<1x16xf32>,
      %scan3A_325 = arith.constant 1 : i32
      %scan3A_326 = arith.addi %scan3A_230, %scan3A_325 : i32
      %get3A_327 = arith.index_cast %scan3A_326 : i32 to index
      %get3A_328 = arith.constant 0 : index
      %get3A_329 = tpu.vector_load %arg6[%get3A_327, %get3A_328] {strides = array<i32>} : memref<128x128xf32, #tpu.memory_space<vmem>>, vector<1x16xf32>,
      %get3A_330 = vector.shape_cast %get3A_329 : vector<1x16xf32> to vector<16xf32>
      %mul3A_331 = arith.constant 11.3137083 : f32
      %mul3A_332 = vector.broadcast %mul3A_331 : f32 to vector<16xf32>
      %mul3A_333 = arith.mulf %get3A_330, %mul3A_332 : vector<16xf32>
      %swap3A_334 = arith.index_cast %scan3A_326 : i32 to index
      %swap3A_335 = arith.constant 0 : index
      %swap3A_336 = tpu.vector_load %arg6[%swap3A_334, %swap3A_335] {strides = array<i32>} : memref<128x128xf32, #tpu.memory_space<vmem>>, vector<1x16xf32>,
      %swap3A_337 = vector.shape_cast %swap3A_336 : vector<1x16xf32> to vector<16xf32>
      %swap3A_338 = vector.shape_cast %mul3A_333 : vector<16xf32> to vector<1x16xf32>
      tpu.vector_store %arg6[%swap3A_334, %swap3A_335], %swap3A_338 {strides = array<i32>} : memref<128x128xf32, #tpu.memory_space<vmem>>, vector<1x16xf32>,
      %get3A_339 = arith.index_cast %scan3A_326 : i32 to index
      %get3A_340 = arith.constant 16 : index
      %get3A_341 = tpu.vector_load %arg6[%get3A_339, %get3A_340] {strides = array<i32>} : memref<128x128xf32, #tpu.memory_space<vmem>>, vector<1x16xf32>,
      %get3A_342 = vector.shape_cast %get3A_341 : vector<1x16xf32> to vector<16xf32>
      %mul3A_343 = arith.constant 11.3137083 : f32
      %mul3A_344 = vector.broadcast %mul3A_343 : f32 to vector<16xf32>
      %mul3A_345 = arith.mulf %get3A_342, %mul3A_344 : vector<16xf32>
      %swap3A_346 = arith.index_cast %scan3A_326 : i32 to index
      %swap3A_347 = arith.constant 16 : index
      %swap3A_348 = tpu.vector_load %arg6[%swap3A_346, %swap3A_347] {strides = array<i32>} : memref<128x128xf32, #tpu.memory_space<vmem>>, vector<1x16xf32>,
      %swap3A_349 = vector.shape_cast %swap3A_348 : vector<1x16xf32> to vector<16xf32>
      %swap3A_350 = vector.shape_cast %mul3A_345 : vector<16xf32> to vector<1x16xf32>
      tpu.vector_store %arg6[%swap3A_346, %swap3A_347], %swap3A_350 {strides = array<i32>} : memref<128x128xf32, #tpu.memory_space<vmem>>, vector<1x16xf32>,
      %get3A_351 = arith.index_cast %scan3A_326 : i32 to index
      %get3A_352 = arith.constant 32 : index
      %get3A_353 = tpu.vector_load %arg6[%get3A_351, %get3A_352] {strides = array<i32>} : memref<128x128xf32, #tpu.memory_space<vmem>>, vector<1x16xf32>,
      %get3A_354 = vector.shape_cast %get3A_353 : vector<1x16xf32> to vector<16xf32>
      %mul3A_355 = arith.constant 11.3137083 : f32
      %mul3A_356 = vector.broadcast %mul3A_355 : f32 to vector<16xf32>
      %mul3A_357 = arith.mulf %get3A_354, %mul3A_356 : vector<16xf32>
      %swap3A_358 = arith.index_cast %scan3A_326 : i32 to index
      %swap3A_359 = arith.constant 32 : index
      %swap3A_360 = tpu.vector_load %arg6[%swap3A_358, %swap3A_359] {strides = array<i32>} : memref<128x128xf32, #tpu.memory_space<vmem>>, vector<1x16xf32>,
      %swap3A_361 = vector.shape_cast %swap3A_360 : vector<1x16xf32> to vector<16xf32>
      %swap3A_362 = vector.shape_cast %mul3A_357 : vector<16xf32> to vector<1x16xf32>
      tpu.vector_store %arg6[%swap3A_358, %swap3A_359], %swap3A_362 {strides = array<i32>} : memref<128x128xf32, #tpu.memory_space<vmem>>, vector<1x16xf32>,
      %get3A_363 = arith.index_cast %scan3A_326 : i32 to index
      %get3A_364 = arith.constant 48 : index
      %get3A_365 = tpu.vector_load %arg6[%get3A_363, %get3A_364] {strides = array<i32>} : memref<128x128xf32, #tpu.memory_space<vmem>>, vector<1x16xf32>,
      %get3A_366 = vector.shape_cast %get3A_365 : vector<1x16xf32> to vector<16xf32>
      %mul3A_367 = arith.constant 11.3137083 : f32
      %mul3A_368 = vector.broadcast %mul3A_367 : f32 to vector<16xf32>
      %mul3A_369 = arith.mulf %get3A_366, %mul3A_368 : vector<16xf32>
      %swap3A_370 = arith.index_cast %scan3A_326 : i32 to index
      %swap3A_371 = arith.constant 48 : index
      %swap3A_372 = tpu.vector_load %arg6[%swap3A_370, %swap3A_371] {strides = array<i32>} : memref<128x128xf32, #tpu.memory_space<vmem>>, vector<1x16xf32>,
      %swap3A_373 = vector.shape_cast %swap3A_372 : vector<1x16xf32> to vector<16xf32>
      %swap3A_374 = vector.shape_cast %mul3A_369 : vector<16xf32> to vector<1x16xf32>
      tpu.vector_store %arg6[%swap3A_370, %swap3A_371], %swap3A_374 {strides = array<i32>} : memref<128x128xf32, #tpu.memory_space<vmem>>, vector<1x16xf32>,
      %get3A_375 = arith.index_cast %scan3A_326 : i32 to index
      %get3A_376 = arith.constant 64 : index
      %get3A_377 = tpu.vector_load %arg6[%get3A_375, %get3A_376] {strides = array<i32>} : memref<128x128xf32, #tpu.memory_space<vmem>>, vector<1x16xf32>,
      %get3A_378 = vector.shape_cast %get3A_377 : vector<1x16xf32> to vector<16xf32>
      %mul3A_379 = arith.constant 11.3137083 : f32
      %mul3A_380 = vector.broadcast %mul3A_379 : f32 to vector<16xf32>
      %mul3A_381 = arith.mulf %get3A_378, %mul3A_380 : vector<16xf32>
      %swap3A_382 = arith.index_cast %scan3A_326 : i32 to index
      %swap3A_383 = arith.constant 64 : index
      %swap3A_384 = tpu.vector_load %arg6[%swap3A_382, %swap3A_383] {strides = array<i32>} : memref<128x128xf32, #tpu.memory_space<vmem>>, vector<1x16xf32>,
      %swap3A_385 = vector.shape_cast %swap3A_384 : vector<1x16xf32> to vector<16xf32>
      %swap3A_386 = vector.shape_cast %mul3A_381 : vector<16xf32> to vector<1x16xf32>
      tpu.vector_store %arg6[%swap3A_382, %swap3A_383], %swap3A_386 {strides = array<i32>} : memref<128x128xf32, #tpu.memory_space<vmem>>, vector<1x16xf32>,
      %get3A_387 = arith.index_cast %scan3A_326 : i32 to index
      %get3A_388 = arith.constant 80 : index
      %get3A_389 = tpu.vector_load %arg6[%get3A_387, %get3A_388] {strides = array<i32>} : memref<128x128xf32, #tpu.memory_space<vmem>>, vector<1x16xf32>,
      %get3A_390 = vector.shape_cast %get3A_389 : vector<1x16xf32> to vector<16xf32>
      %mul3A_391 = arith.constant 11.3137083 : f32
      %mul3A_392 = vector.broadcast %mul3A_391 : f32 to vector<16xf32>
      %mul3A_393 = arith.mulf %get3A_390, %mul3A_392 : vector<16xf32>
      %swap3A_394 = arith.index_cast %scan3A_326 : i32 to index
      %swap3A_395 = arith.constant 80 : index
      %swap3A_396 = tpu.vector_load %arg6[%swap3A_394, %swap3A_395] {strides = array<i32>} : memref<128x128xf32, #tpu.memory_space<vmem>>, vector<1x16xf32>,
      %swap3A_397 = vector.shape_cast %swap3A_396 : vector<1x16xf32> to vector<16xf32>
      %swap3A_398 = vector.shape_cast %mul3A_393 : vector<16xf32> to vector<1x16xf32>
      tpu.vector_store %arg6[%swap3A_394, %swap3A_395], %swap3A_398 {strides = array<i32>} : memref<128x128xf32, #tpu.memory_space<vmem>>, vector<1x16xf32>,
      %get3A_399 = arith.index_cast %scan3A_326 : i32 to index
      %get3A_400 = arith.constant 96 : index
      %get3A_401 = tpu.vector_load %arg6[%get3A_399, %get3A_400] {strides = array<i32>} : memref<128x128xf32, #tpu.memory_space<vmem>>, vector<1x16xf32>,
      %get3A_402 = vector.shape_cast %get3A_401 : vector<1x16xf32> to vector<16xf32>
      %mul3A_403 = arith.constant 11.3137083 : f32
      %mul3A_404 = vector.broadcast %mul3A_403 : f32 to vector<16xf32>
      %mul3A_405 = arith.mulf %get3A_402, %mul3A_404 : vector<16xf32>
      %swap3A_406 = arith.index_cast %scan3A_326 : i32 to index
      %swap3A_407 = arith.constant 96 : index
      %swap3A_408 = tpu.vector_load %arg6[%swap3A_406, %swap3A_407] {strides = array<i32>} : memref<128x128xf32, #tpu.memory_space<vmem>>, vector<1x16xf32>,
      %swap3A_409 = vector.shape_cast %swap3A_408 : vector<1x16xf32> to vector<16xf32>
      %swap3A_410 = vector.shape_cast %mul3A_405 : vector<16xf32> to vector<1x16xf32>
      tpu.vector_store %arg6[%swap3A_406, %swap3A_407], %swap3A_410 {strides = array<i32>} : memref<128x128xf32, #tpu.memory_space<vmem>>, vector<1x16xf32>,
      %get3A_411 = arith.index_cast %scan3A_326 : i32 to index
      %get3A_412 = arith.constant 112 : index
      %get3A_413 = tpu.vector_load %arg6[%get3A_411, %get3A_412] {strides = array<i32>} : memref<128x128xf32, #tpu.memory_space<vmem>>, vector<1x16xf32>,
      %get3A_414 = vector.shape_cast %get3A_413 : vector<1x16xf32> to vector<16xf32>
      %mul3A_415 = arith.constant 11.3137083 : f32
      %mul3A_416 = vector.broadcast %mul3A_415 : f32 to vector<16xf32>
      %mul3A_417 = arith.mulf %get3A_414, %mul3A_416 : vector<16xf32>
      %swap3A_418 = arith.index_cast %scan3A_326 : i32 to index
      %swap3A_419 = arith.constant 112 : index
      %swap3A_420 = tpu.vector_load %arg6[%swap3A_418, %swap3A_419] {strides = array<i32>} : memref<128x128xf32, #tpu.memory_space<vmem>>, vector<1x16xf32>,
      %swap3A_421 = vector.shape_cast %swap3A_420 : vector<1x16xf32> to vector<16xf32>
      %swap3A_422 = vector.shape_cast %mul3A_417 : vector<16xf32> to vector<1x16xf32>
      tpu.vector_store %arg6[%swap3A_418, %swap3A_419], %swap3A_422 {strides = array<i32>} : memref<128x128xf32, #tpu.memory_space<vmem>>, vector<1x16xf32>,
    }
    %scan3A_40 = arith.constant 128 : i32
    %add3A_41 = arith.constant 0 : i32
    %add3A_42 = arith.addi %mul3A_2, %add3A_41 : i32
    %dma_start3A_43 = arith.constant 0 : i32
    %dma_start3A_44 = tpu.memref_slice %arg4[%add3A_42, %dma_start3A_43] : memref<819200x128xf32, #tpu.memory_space<hbm>> -> memref<128x128xf32, #tpu.memory_space<hbm>>
    %dma_start3A_45 = arith.constant 0 : i32
    %dma_start3A_46 = tpu.memref_slice %arg4[%add3A_42, %dma_start3A_45] : memref<819200x128xf32, #tpu.memory_space<hbm>> -> memref<128x128xf32, #tpu.memory_space<hbm>>
    tpu.enqueue_dma source(%arg6 : memref<128x128xf32, #tpu.memory_space<vmem>>) target(%dma_start3A_46 : memref<128x128xf32, #tpu.memory_space<hbm>>) target_semaphore(%arg18 : memref<!tpu.dma_semaphore, #tpu.memory_space<semaphore_mem>>)
    %dma_wait3A_47 = arith.constant 128 : i32
    %dma_wait3A_48 = tpu.memref_slice %arg5[%dma_wait3A_47] : memref<25600xi32, #tpu.memory_space<vmem>> -> memref<128xi32, #tpu.memory_space<vmem>>
    %dma_wait3A_49 = arith.constant 0 : i32
    %dma_wait3A_50 = arith.constant 0 : i32
    %dma_wait3A_51 = tpu.memref_slice %arg2[%dma_wait3A_49, %dma_wait3A_50] : memref<100000x128xf32, #tpu.memory_space<hbm>> -> memref<100000x128xf32, #tpu.memory_space<hbm>>
    tpu.wait_indirect_dma semaphore(%arg13 : memref<!tpu.dma_semaphore, #tpu.memory_space<semaphore_mem>>) src(%dma_wait3A_51 : memref<100000x128xf32, #tpu.memory_space<hbm>>) dst(%arg7 : memref<128x128xf32, #tpu.memory_space<vmem>>)
    %scan3A_52 = arith.constant 0 : i32
    %scan3A_53 = arith.constant 0 : i32
    %scan3A_54 = arith.constant 128 : i32
    %scan3A_55 = arith.addi %scan3A_53, %scan3A_54 : i32
    %scan3A_56 = arith.constant 2 : i32
    scf.for %scan3A_230 = %scan3A_53 to %scan3A_55 step %scan3A_56  : i32 {
      %get3A = arith.index_cast %scan3A_230 : i32 to index
      %get3A_231 = arith.constant 0 : index
      %get3A_232 = tpu.vector_load %arg7[%get3A, %get3A_231] {strides = array<i32>} : memref<128x128xf32, #tpu.memory_space<vmem>>, vector<1x16xf32>,
      %get3A_233 = vector.shape_cast %get3A_232 : vector<1x16xf32> to vector<16xf32>
      %mul3A_234 = arith.constant 11.3137083 : f32
      %mul3A_235 = vector.broadcast %mul3A_234 : f32 to vector<16xf32>
      %mul3A_236 = arith.mulf %get3A_233, %mul3A_235 : vector<16xf32>
      %swap3A = arith.index_cast %scan3A_230 : i32 to index
      %swap3A_237 = arith.constant 0 : index
      %swap3A_238 = tpu.vector_load %arg7[%swap3A, %swap3A_237] {strides = array<i32>} : memref<128x128xf32, #tpu.memory_space<vmem>>, vector<1x16xf32>,
      %swap3A_239 = vector.shape_cast %swap3A_238 : vector<1x16xf32> to vector<16xf32>
      %swap3A_240 = vector.shape_cast %mul3A_236 : vector<16xf32> to vector<1x16xf32>
      tpu.vector_store %arg7[%swap3A, %swap3A_237], %swap3A_240 {strides = array<i32>} : memref<128x128xf32, #tpu.memory_space<vmem>>, vector<1x16xf32>,
      %get3A_241 = arith.index_cast %scan3A_230 : i32 to index
      %get3A_242 = arith.constant 16 : index
      %get3A_243 = tpu.vector_load %arg7[%get3A_241, %get3A_242] {strides = array<i32>} : memref<128x128xf32, #tpu.memory_space<vmem>>, vector<1x16xf32>,
      %get3A_244 = vector.shape_cast %get3A_243 : vector<1x16xf32> to vector<16xf32>
      %mul3A_245 = arith.constant 11.3137083 : f32
      %mul3A_246 = vector.broadcast %mul3A_245 : f32 to vector<16xf32>
      %mul3A_247 = arith.mulf %get3A_244, %mul3A_246 : vector<16xf32>
      %swap3A_248 = arith.index_cast %scan3A_230 : i32 to index
      %swap3A_249 = arith.constant 16 : index
      %swap3A_250 = tpu.vector_load %arg7[%swap3A_248, %swap3A_249] {strides = array<i32>} : memref<128x128xf32, #tpu.memory_space<vmem>>, vector<1x16xf32>,
      %swap3A_251 = vector.shape_cast %swap3A_250 : vector<1x16xf32> to vector<16xf32>
      %swap3A_252 = vector.shape_cast %mul3A_247 : vector<16xf32> to vector<1x16xf32>
      tpu.vector_store %arg7[%swap3A_248, %swap3A_249], %swap3A_252 {strides = array<i32>} : memref<128x128xf32, #tpu.memory_space<vmem>>, vector<1x16xf32>,
      %get3A_253 = arith.index_cast %scan3A_230 : i32 to index
      %get3A_254 = arith.constant 32 : index
      %get3A_255 = tpu.vector_load %arg7[%get3A_253, %get3A_254] {strides = array<i32>} : memref<128x128xf32, #tpu.memory_space<vmem>>, vector<1x16xf32>,
      %get3A_256 = vector.shape_cast %get3A_255 : vector<1x16xf32> to vector<16xf32>
      %mul3A_257 = arith.constant 11.3137083 : f32
      %mul3A_258 = vector.broadcast %mul3A_257 : f32 to vector<16xf32>
      %mul3A_259 = arith.mulf %get3A_256, %mul3A_258 : vector<16xf32>
      %swap3A_260 = arith.index_cast %scan3A_230 : i32 to index
      %swap3A_261 = arith.constant 32 : index
      %swap3A_262 = tpu.vector_load %arg7[%swap3A_260, %swap3A_261] {strides = array<i32>} : memref<128x128xf32, #tpu.memory_space<vmem>>, vector<1x16xf32>,
      %swap3A_263 = vector.shape_cast %swap3A_262 : vector<1x16xf32> to vector<16xf32>
      %swap3A_264 = vector.shape_cast %mul3A_259 : vector<16xf32> to vector<1x16xf32>
      tpu.vector_store %arg7[%swap3A_260, %swap3A_261], %swap3A_264 {strides = array<i32>} : memref<128x128xf32, #tpu.memory_space<vmem>>, vector<1x16xf32>,
      %get3A_265 = arith.index_cast %scan3A_230 : i32 to index
      %get3A_266 = arith.constant 48 : index
      %get3A_267 = tpu.vector_load %arg7[%get3A_265, %get3A_266] {strides = array<i32>} : memref<128x128xf32, #tpu.memory_space<vmem>>, vector<1x16xf32>,
      %get3A_268 = vector.shape_cast %get3A_267 : vector<1x16xf32> to vector<16xf32>
      %mul3A_269 = arith.constant 11.3137083 : f32
      %mul3A_270 = vector.broadcast %mul3A_269 : f32 to vector<16xf32>
      %mul3A_271 = arith.mulf %get3A_268, %mul3A_270 : vector<16xf32>
      %swap3A_272 = arith.index_cast %scan3A_230 : i32 to index
      %swap3A_273 = arith.constant 48 : index
      %swap3A_274 = tpu.vector_load %arg7[%swap3A_272, %swap3A_273] {strides = array<i32>} : memref<128x128xf32, #tpu.memory_space<vmem>>, vector<1x16xf32>,
      %swap3A_275 = vector.shape_cast %swap3A_274 : vector<1x16xf32> to vector<16xf32>
      %swap3A_276 = vector.shape_cast %mul3A_271 : vector<16xf32> to vector<1x16xf32>
      tpu.vector_store %arg7[%swap3A_272, %swap3A_273], %swap3A_276 {strides = array<i32>} : memref<128x128xf32, #tpu.memory_space<vmem>>, vector<1x16xf32>,
      %get3A_277 = arith.index_cast %scan3A_230 : i32 to index
      %get3A_278 = arith.constant 64 : index
      %get3A_279 = tpu.vector_load %arg7[%get3A_277, %get3A_278] {strides = array<i32>} : memref<128x128xf32, #tpu.memory_space<vmem>>, vector<1x16xf32>,
      %get3A_280 = vector.shape_cast %get3A_279 : vector<1x16xf32> to vector<16xf32>
      %mul3A_281 = arith.constant 11.3137083 : f32
      %mul3A_282 = vector.broadcast %mul3A_281 : f32 to vector<16xf32>
      %mul3A_283 = arith.mulf %get3A_280, %mul3A_282 : vector<16xf32>
      %swap3A_284 = arith.index_cast %scan3A_230 : i32 to index
      %swap3A_285 = arith.constant 64 : index
      %swap3A_286 = tpu.vector_load %arg7[%swap3A_284, %swap3A_285] {strides = array<i32>} : memref<128x128xf32, #tpu.memory_space<vmem>>, vector<1x16xf32>,
      %swap3A_287 = vector.shape_cast %swap3A_286 : vector<1x16xf32> to vector<16xf32>
      %swap3A_288 = vector.shape_cast %mul3A_283 : vector<16xf32> to vector<1x16xf32>
      tpu.vector_store %arg7[%swap3A_284, %swap3A_285], %swap3A_288 {strides = array<i32>} : memref<128x128xf32, #tpu.memory_space<vmem>>, vector<1x16xf32>,
      %get3A_289 = arith.index_cast %scan3A_230 : i32 to index
      %get3A_290 = arith.constant 80 : index
      %get3A_291 = tpu.vector_load %arg7[%get3A_289, %get3A_290] {strides = array<i32>} : memref<128x128xf32, #tpu.memory_space<vmem>>, vector<1x16xf32>,
      %get3A_292 = vector.shape_cast %get3A_291 : vector<1x16xf32> to vector<16xf32>
      %mul3A_293 = arith.constant 11.3137083 : f32
      %mul3A_294 = vector.broadcast %mul3A_293 : f32 to vector<16xf32>
      %mul3A_295 = arith.mulf %get3A_292, %mul3A_294 : vector<16xf32>
      %swap3A_296 = arith.index_cast %scan3A_230 : i32 to index
      %swap3A_297 = arith.constant 80 : index
      %swap3A_298 = tpu.vector_load %arg7[%swap3A_296, %swap3A_297] {strides = array<i32>} : memref<128x128xf32, #tpu.memory_space<vmem>>, vector<1x16xf32>,
      %swap3A_299 = vector.shape_cast %swap3A_298 : vector<1x16xf32> to vector<16xf32>
      %swap3A_300 = vector.shape_cast %mul3A_295 : vector<16xf32> to vector<1x16xf32>
      tpu.vector_store %arg7[%swap3A_296, %swap3A_297], %swap3A_300 {strides = array<i32>} : memref<128x128xf32, #tpu.memory_space<vmem>>, vector<1x16xf32>,
      %get3A_301 = arith.index_cast %scan3A_230 : i32 to index
      %get3A_302 = arith.constant 96 : index
      %get3A_303 = tpu.vector_load %arg7[%get3A_301, %get3A_302] {strides = array<i32>} : memref<128x128xf32, #tpu.memory_space<vmem>>, vector<1x16xf32>,
      %get3A_304 = vector.shape_cast %get3A_303 : vector<1x16xf32> to vector<16xf32>
      %mul3A_305 = arith.constant 11.3137083 : f32
      %mul3A_306 = vector.broadcast %mul3A_305 : f32 to vector<16xf32>
      %mul3A_307 = arith.mulf %get3A_304, %mul3A_306 : vector<16xf32>
      %swap3A_308 = arith.index_cast %scan3A_230 : i32 to index
      %swap3A_309 = arith.constant 96 : index
      %swap3A_310 = tpu.vector_load %arg7[%swap3A_308, %swap3A_309] {strides = array<i32>} : memref<128x128xf32, #tpu.memory_space<vmem>>, vector<1x16xf32>,
      %swap3A_311 = vector.shape_cast %swap3A_310 : vector<1x16xf32> to vector<16xf32>
      %swap3A_312 = vector.shape_cast %mul3A_307 : vector<16xf32> to vector<1x16xf32>
      tpu.vector_store %arg7[%swap3A_308, %swap3A_309], %swap3A_312 {strides = array<i32>} : memref<128x128xf32, #tpu.memory_space<vmem>>, vector<1x16xf32>,
      %get3A_313 = arith.index_cast %scan3A_230 : i32 to index
      %get3A_314 = arith.constant 112 : index
      %get3A_315 = tpu.vector_load %arg7[%get3A_313, %get3A_314] {strides = array<i32>} : memref<128x128xf32, #tpu.memory_space<vmem>>, vector<1x16xf32>,
      %get3A_316 = vector.shape_cast %get3A_315 : vector<1x16xf32> to vector<16xf32>
      %mul3A_317 = arith.constant 11.3137083 : f32
      %mul3A_318 = vector.broadcast %mul3A_317 : f32 to vector<16xf32>
      %mul3A_319 = arith.mulf %get3A_316, %mul3A_318 : vector<16xf32>
      %swap3A_320 = arith.index_cast %scan3A_230 : i32 to index
      %swap3A_321 = arith.constant 112 : index
      %swap3A_322 = tpu.vector_load %arg7[%swap3A_320, %swap3A_321] {strides = array<i32>} : memref<128x128xf32, #tpu.memory_space<vmem>>, vector<1x16xf32>,
      %swap3A_323 = vector.shape_cast %swap3A_322 : vector<1x16xf32> to vector<16xf32>
      %swap3A_324 = vector.shape_cast %mul3A_319 : vector<16xf32> to vector<1x16xf32>
      tpu.vector_store %arg7[%swap3A_320, %swap3A_321], %swap3A_324 {strides = array<i32>} : memref<128x128xf32, #tpu.memory_space<vmem>>, vector<1x16xf32>,
      %scan3A_325 = arith.constant 1 : i32
      %scan3A_326 = arith.addi %scan3A_230, %scan3A_325 : i32
      %get3A_327 = arith.index_cast %scan3A_326 : i32 to index
      %get3A_328 = arith.constant 0 : index
      %get3A_329 = tpu.vector_load %arg7[%get3A_327, %get3A_328] {strides = array<i32>} : memref<128x128xf32, #tpu.memory_space<vmem>>, vector<1x16xf32>,
      %get3A_330 = vector.shape_cast %get3A_329 : vector<1x16xf32> to vector<16xf32>
      %mul3A_331 = arith.constant 11.3137083 : f32
      %mul3A_332 = vector.broadcast %mul3A_331 : f32 to vector<16xf32>
      %mul3A_333 = arith.mulf %get3A_330, %mul3A_332 : vector<16xf32>
      %swap3A_334 = arith.index_cast %scan3A_326 : i32 to index
      %swap3A_335 = arith.constant 0 : index
      %swap3A_336 = tpu.vector_load %arg7[%swap3A_334, %swap3A_335] {strides = array<i32>} : memref<128x128xf32, #tpu.memory_space<vmem>>, vector<1x16xf32>,
      %swap3A_337 = vector.shape_cast %swap3A_336 : vector<1x16xf32> to vector<16xf32>
      %swap3A_338 = vector.shape_cast %mul3A_333 : vector<16xf32> to vector<1x16xf32>
      tpu.vector_store %arg7[%swap3A_334, %swap3A_335], %swap3A_338 {strides = array<i32>} : memref<128x128xf32, #tpu.memory_space<vmem>>, vector<1x16xf32>,
      %get3A_339 = arith.index_cast %scan3A_326 : i32 to index
      %get3A_340 = arith.constant 16 : index
      %get3A_341 = tpu.vector_load %arg7[%get3A_339, %get3A_340] {strides = array<i32>} : memref<128x128xf32, #tpu.memory_space<vmem>>, vector<1x16xf32>,
      %get3A_342 = vector.shape_cast %get3A_341 : vector<1x16xf32> to vector<16xf32>
      %mul3A_343 = arith.constant 11.3137083 : f32
      %mul3A_344 = vector.broadcast %mul3A_343 : f32 to vector<16xf32>
      %mul3A_345 = arith.mulf %get3A_342, %mul3A_344 : vector<16xf32>
      %swap3A_346 = arith.index_cast %scan3A_326 : i32 to index
      %swap3A_347 = arith.constant 16 : index
      %swap3A_348 = tpu.vector_load %arg7[%swap3A_346, %swap3A_347] {strides = array<i32>} : memref<128x128xf32, #tpu.memory_space<vmem>>, vector<1x16xf32>,
      %swap3A_349 = vector.shape_cast %swap3A_348 : vector<1x16xf32> to vector<16xf32>
      %swap3A_350 = vector.shape_cast %mul3A_345 : vector<16xf32> to vector<1x16xf32>
      tpu.vector_store %arg7[%swap3A_346, %swap3A_347], %swap3A_350 {strides = array<i32>} : memref<128x128xf32, #tpu.memory_space<vmem>>, vector<1x16xf32>,
      %get3A_351 = arith.index_cast %scan3A_326 : i32 to index
      %get3A_352 = arith.constant 32 : index
      %get3A_353 = tpu.vector_load %arg7[%get3A_351, %get3A_352] {strides = array<i32>} : memref<128x128xf32, #tpu.memory_space<vmem>>, vector<1x16xf32>,
      %get3A_354 = vector.shape_cast %get3A_353 : vector<1x16xf32> to vector<16xf32>
      %mul3A_355 = arith.constant 11.3137083 : f32
      %mul3A_356 = vector.broadcast %mul3A_355 : f32 to vector<16xf32>
      %mul3A_357 = arith.mulf %get3A_354, %mul3A_356 : vector<16xf32>
      %swap3A_358 = arith.index_cast %scan3A_326 : i32 to index
      %swap3A_359 = arith.constant 32 : index
      %swap3A_360 = tpu.vector_load %arg7[%swap3A_358, %swap3A_359] {strides = array<i32>} : memref<128x128xf32, #tpu.memory_space<vmem>>, vector<1x16xf32>,
      %swap3A_361 = vector.shape_cast %swap3A_360 : vector<1x16xf32> to vector<16xf32>
      %swap3A_362 = vector.shape_cast %mul3A_357 : vector<16xf32> to vector<1x16xf32>
      tpu.vector_store %arg7[%swap3A_358, %swap3A_359], %swap3A_362 {strides = array<i32>} : memref<128x128xf32, #tpu.memory_space<vmem>>, vector<1x16xf32>,
      %get3A_363 = arith.index_cast %scan3A_326 : i32 to index
      %get3A_364 = arith.constant 48 : index
      %get3A_365 = tpu.vector_load %arg7[%get3A_363, %get3A_364] {strides = array<i32>} : memref<128x128xf32, #tpu.memory_space<vmem>>, vector<1x16xf32>,
      %get3A_366 = vector.shape_cast %get3A_365 : vector<1x16xf32> to vector<16xf32>
      %mul3A_367 = arith.constant 11.3137083 : f32
      %mul3A_368 = vector.broadcast %mul3A_367 : f32 to vector<16xf32>
      %mul3A_369 = arith.mulf %get3A_366, %mul3A_368 : vector<16xf32>
      %swap3A_370 = arith.index_cast %scan3A_326 : i32 to index
      %swap3A_371 = arith.constant 48 : index
      %swap3A_372 = tpu.vector_load %arg7[%swap3A_370, %swap3A_371] {strides = array<i32>} : memref<128x128xf32, #tpu.memory_space<vmem>>, vector<1x16xf32>,
      %swap3A_373 = vector.shape_cast %swap3A_372 : vector<1x16xf32> to vector<16xf32>
      %swap3A_374 = vector.shape_cast %mul3A_369 : vector<16xf32> to vector<1x16xf32>
      tpu.vector_store %arg7[%swap3A_370, %swap3A_371], %swap3A_374 {strides = array<i32>} : memref<128x128xf32, #tpu.memory_space<vmem>>, vector<1x16xf32>,
      %get3A_375 = arith.index_cast %scan3A_326 : i32 to index
      %get3A_376 = arith.constant 64 : index
      %get3A_377 = tpu.vector_load %arg7[%get3A_375, %get3A_376] {strides = array<i32>} : memref<128x128xf32, #tpu.memory_space<vmem>>, vector<1x16xf32>,
      %get3A_378 = vector.shape_cast %get3A_377 : vector<1x16xf32> to vector<16xf32>
      %mul3A_379 = arith.constant 11.3137083 : f32
      %mul3A_380 = vector.broadcast %mul3A_379 : f32 to vector<16xf32>
      %mul3A_381 = arith.mulf %get3A_378, %mul3A_380 : vector<16xf32>
      %swap3A_382 = arith.index_cast %scan3A_326 : i32 to index
      %swap3A_383 = arith.constant 64 : index
      %swap3A_384 = tpu.vector_load %arg7[%swap3A_382, %swap3A_383] {strides = array<i32>} : memref<128x128xf32, #tpu.memory_space<vmem>>, vector<1x16xf32>,
      %swap3A_385 = vector.shape_cast %swap3A_384 : vector<1x16xf32> to vector<16xf32>
      %swap3A_386 = vector.shape_cast %mul3A_381 : vector<16xf32> to vector<1x16xf32>
      tpu.vector_store %arg7[%swap3A_382, %swap3A_383], %swap3A_386 {strides = array<i32>} : memref<128x128xf32, #tpu.memory_space<vmem>>, vector<1x16xf32>,
      %get3A_387 = arith.index_cast %scan3A_326 : i32 to index
      %get3A_388 = arith.constant 80 : index
      %get3A_389 = tpu.vector_load %arg7[%get3A_387, %get3A_388] {strides = array<i32>} : memref<128x128xf32, #tpu.memory_space<vmem>>, vector<1x16xf32>,
      %get3A_390 = vector.shape_cast %get3A_389 : vector<1x16xf32> to vector<16xf32>
      %mul3A_391 = arith.constant 11.3137083 : f32
      %mul3A_392 = vector.broadcast %mul3A_391 : f32 to vector<16xf32>
      %mul3A_393 = arith.mulf %get3A_390, %mul3A_392 : vector<16xf32>
      %swap3A_394 = arith.index_cast %scan3A_326 : i32 to index
      %swap3A_395 = arith.constant 80 : index
      %swap3A_396 = tpu.vector_load %arg7[%swap3A_394, %swap3A_395] {strides = array<i32>} : memref<128x128xf32, #tpu.memory_space<vmem>>, vector<1x16xf32>,
      %swap3A_397 = vector.shape_cast %swap3A_396 : vector<1x16xf32> to vector<16xf32>
      %swap3A_398 = vector.shape_cast %mul3A_393 : vector<16xf32> to vector<1x16xf32>
      tpu.vector_store %arg7[%swap3A_394, %swap3A_395], %swap3A_398 {strides = array<i32>} : memref<128x128xf32, #tpu.memory_space<vmem>>, vector<1x16xf32>,
      %get3A_399 = arith.index_cast %scan3A_326 : i32 to index
      %get3A_400 = arith.constant 96 : index
      %get3A_401 = tpu.vector_load %arg7[%get3A_399, %get3A_400] {strides = array<i32>} : memref<128x128xf32, #tpu.memory_space<vmem>>, vector<1x16xf32>,
      %get3A_402 = vector.shape_cast %get3A_401 : vector<1x16xf32> to vector<16xf32>
      %mul3A_403 = arith.constant 11.3137083 : f32
      %mul3A_404 = vector.broadcast %mul3A_403 : f32 to vector<16xf32>
      %mul3A_405 = arith.mulf %get3A_402, %mul3A_404 : vector<16xf32>
      %swap3A_406 = arith.index_cast %scan3A_326 : i32 to index
      %swap3A_407 = arith.constant 96 : index
      %swap3A_408 = tpu.vector_load %arg7[%swap3A_406, %swap3A_407] {strides = array<i32>} : memref<128x128xf32, #tpu.memory_space<vmem>>, vector<1x16xf32>,
      %swap3A_409 = vector.shape_cast %swap3A_408 : vector<1x16xf32> to vector<16xf32>
      %swap3A_410 = vector.shape_cast %mul3A_405 : vector<16xf32> to vector<1x16xf32>
      tpu.vector_store %arg7[%swap3A_406, %swap3A_407], %swap3A_410 {strides = array<i32>} : memref<128x128xf32, #tpu.memory_space<vmem>>, vector<1x16xf32>,
      %get3A_411 = arith.index_cast %scan3A_326 : i32 to index
      %get3A_412 = arith.constant 112 : index
      %get3A_413 = tpu.vector_load %arg7[%get3A_411, %get3A_412] {strides = array<i32>} : memref<128x128xf32, #tpu.memory_space<vmem>>, vector<1x16xf32>,
      %get3A_414 = vector.shape_cast %get3A_413 : vector<1x16xf32> to vector<16xf32>
      %mul3A_415 = arith.constant 11.3137083 : f32
      %mul3A_416 = vector.broadcast %mul3A_415 : f32 to vector<16xf32>
      %mul3A_417 = arith.mulf %get3A_414, %mul3A_416 : vector<16xf32>
      %swap3A_418 = arith.index_cast %scan3A_326 : i32 to index
      %swap3A_419 = arith.constant 112 : index
      %swap3A_420 = tpu.vector_load %arg7[%swap3A_418, %swap3A_419] {strides = array<i32>} : memref<128x128xf32, #tpu.memory_space<vmem>>, vector<1x16xf32>,
      %swap3A_421 = vector.shape_cast %swap3A_420 : vector<1x16xf32> to vector<16xf32>
      %swap3A_422 = vector.shape_cast %mul3A_417 : vector<16xf32> to vector<1x16xf32>
      tpu.vector_store %arg7[%swap3A_418, %swap3A_419], %swap3A_422 {strides = array<i32>} : memref<128x128xf32, #tpu.memory_space<vmem>>, vector<1x16xf32>,
    }
    %scan3A_57 = arith.constant 128 : i32
    %add3A_58 = arith.constant 128 : i32
    %add3A_59 = arith.addi %mul3A_2, %add3A_58 : i32
    %dma_start3A_60 = arith.constant 0 : i32
    %dma_start3A_61 = tpu.memref_slice %arg4[%add3A_59, %dma_start3A_60] : memref<819200x128xf32, #tpu.memory_space<hbm>> -> memref<128x128xf32, #tpu.memory_space<hbm>>
    %dma_start3A_62 = arith.constant 0 : i32
    %dma_start3A_63 = tpu.memref_slice %arg4[%add3A_59, %dma_start3A_62] : memref<819200x128xf32, #tpu.memory_space<hbm>> -> memref<128x128xf32, #tpu.memory_space<hbm>>
    tpu.enqueue_dma source(%arg7 : memref<128x128xf32, #tpu.memory_space<vmem>>) target(%dma_start3A_63 : memref<128x128xf32, #tpu.memory_space<hbm>>) target_semaphore(%arg19 : memref<!tpu.dma_semaphore, #tpu.memory_space<semaphore_mem>>)
    %dma_wait3A_64 = arith.constant 256 : i32
    %dma_wait3A_65 = tpu.memref_slice %arg5[%dma_wait3A_64] : memref<25600xi32, #tpu.memory_space<vmem>> -> memref<128xi32, #tpu.memory_space<vmem>>
    %dma_wait3A_66 = arith.constant 0 : i32
    %dma_wait3A_67 = arith.constant 0 : i32
    %dma_wait3A_68 = tpu.memref_slice %arg2[%dma_wait3A_66, %dma_wait3A_67] : memref<100000x128xf32, #tpu.memory_space<hbm>> -> memref<100000x128xf32, #tpu.memory_space<hbm>>
    tpu.wait_indirect_dma semaphore(%arg14 : memref<!tpu.dma_semaphore, #tpu.memory_space<semaphore_mem>>) src(%dma_wait3A_68 : memref<100000x128xf32, #tpu.memory_space<hbm>>) dst(%arg8 : memref<128x128xf32, #tpu.memory_space<vmem>>)
    %scan3A_69 = arith.constant 0 : i32
    %scan3A_70 = arith.constant 0 : i32
    %scan3A_71 = arith.constant 128 : i32
    %scan3A_72 = arith.addi %scan3A_70, %scan3A_71 : i32
    %scan3A_73 = arith.constant 2 : i32
    scf.for %scan3A_230 = %scan3A_70 to %scan3A_72 step %scan3A_73  : i32 {
      %get3A = arith.index_cast %scan3A_230 : i32 to index
      %get3A_231 = arith.constant 0 : index
      %get3A_232 = tpu.vector_load %arg8[%get3A, %get3A_231] {strides = array<i32>} : memref<128x128xf32, #tpu.memory_space<vmem>>, vector<1x16xf32>,
      %get3A_233 = vector.shape_cast %get3A_232 : vector<1x16xf32> to vector<16xf32>
      %mul3A_234 = arith.constant 11.3137083 : f32
      %mul3A_235 = vector.broadcast %mul3A_234 : f32 to vector<16xf32>
      %mul3A_236 = arith.mulf %get3A_233, %mul3A_235 : vector<16xf32>
      %swap3A = arith.index_cast %scan3A_230 : i32 to index
      %swap3A_237 = arith.constant 0 : index
      %swap3A_238 = tpu.vector_load %arg8[%swap3A, %swap3A_237] {strides = array<i32>} : memref<128x128xf32, #tpu.memory_space<vmem>>, vector<1x16xf32>,
      %swap3A_239 = vector.shape_cast %swap3A_238 : vector<1x16xf32> to vector<16xf32>
      %swap3A_240 = vector.shape_cast %mul3A_236 : vector<16xf32> to vector<1x16xf32>
      tpu.vector_store %arg8[%swap3A, %swap3A_237], %swap3A_240 {strides = array<i32>} : memref<128x128xf32, #tpu.memory_space<vmem>>, vector<1x16xf32>,
      %get3A_241 = arith.index_cast %scan3A_230 : i32 to index
      %get3A_242 = arith.constant 16 : index
      %get3A_243 = tpu.vector_load %arg8[%get3A_241, %get3A_242] {strides = array<i32>} : memref<128x128xf32, #tpu.memory_space<vmem>>, vector<1x16xf32>,
      %get3A_244 = vector.shape_cast %get3A_243 : vector<1x16xf32> to vector<16xf32>
      %mul3A_245 = arith.constant 11.3137083 : f32
      %mul3A_246 = vector.broadcast %mul3A_245 : f32 to vector<16xf32>
      %mul3A_247 = arith.mulf %get3A_244, %mul3A_246 : vector<16xf32>
      %swap3A_248 = arith.index_cast %scan3A_230 : i32 to index
      %swap3A_249 = arith.constant 16 : index
      %swap3A_250 = tpu.vector_load %arg8[%swap3A_248, %swap3A_249] {strides = array<i32>} : memref<128x128xf32, #tpu.memory_space<vmem>>, vector<1x16xf32>,
      %swap3A_251 = vector.shape_cast %swap3A_250 : vector<1x16xf32> to vector<16xf32>
      %swap3A_252 = vector.shape_cast %mul3A_247 : vector<16xf32> to vector<1x16xf32>
      tpu.vector_store %arg8[%swap3A_248, %swap3A_249], %swap3A_252 {strides = array<i32>} : memref<128x128xf32, #tpu.memory_space<vmem>>, vector<1x16xf32>,
      %get3A_253 = arith.index_cast %scan3A_230 : i32 to index
      %get3A_254 = arith.constant 32 : index
      %get3A_255 = tpu.vector_load %arg8[%get3A_253, %get3A_254] {strides = array<i32>} : memref<128x128xf32, #tpu.memory_space<vmem>>, vector<1x16xf32>,
      %get3A_256 = vector.shape_cast %get3A_255 : vector<1x16xf32> to vector<16xf32>
      %mul3A_257 = arith.constant 11.3137083 : f32
      %mul3A_258 = vector.broadcast %mul3A_257 : f32 to vector<16xf32>
      %mul3A_259 = arith.mulf %get3A_256, %mul3A_258 : vector<16xf32>
      %swap3A_260 = arith.index_cast %scan3A_230 : i32 to index
      %swap3A_261 = arith.constant 32 : index
      %swap3A_262 = tpu.vector_load %arg8[%swap3A_260, %swap3A_261] {strides = array<i32>} : memref<128x128xf32, #tpu.memory_space<vmem>>, vector<1x16xf32>,
      %swap3A_263 = vector.shape_cast %swap3A_262 : vector<1x16xf32> to vector<16xf32>
      %swap3A_264 = vector.shape_cast %mul3A_259 : vector<16xf32> to vector<1x16xf32>
      tpu.vector_store %arg8[%swap3A_260, %swap3A_261], %swap3A_264 {strides = array<i32>} : memref<128x128xf32, #tpu.memory_space<vmem>>, vector<1x16xf32>,
      %get3A_265 = arith.index_cast %scan3A_230 : i32 to index
      %get3A_266 = arith.constant 48 : index
      %get3A_267 = tpu.vector_load %arg8[%get3A_265, %get3A_266] {strides = array<i32>} : memref<128x128xf32, #tpu.memory_space<vmem>>, vector<1x16xf32>,
      %get3A_268 = vector.shape_cast %get3A_267 : vector<1x16xf32> to vector<16xf32>
      %mul3A_269 = arith.constant 11.3137083 : f32
      %mul3A_270 = vector.broadcast %mul3A_269 : f32 to vector<16xf32>
      %mul3A_271 = arith.mulf %get3A_268, %mul3A_270 : vector<16xf32>
      %swap3A_272 = arith.index_cast %scan3A_230 : i32 to index
      %swap3A_273 = arith.constant 48 : index
      %swap3A_274 = tpu.vector_load %arg8[%swap3A_272, %swap3A_273] {strides = array<i32>} : memref<128x128xf32, #tpu.memory_space<vmem>>, vector<1x16xf32>,
      %swap3A_275 = vector.shape_cast %swap3A_274 : vector<1x16xf32> to vector<16xf32>
      %swap3A_276 = vector.shape_cast %mul3A_271 : vector<16xf32> to vector<1x16xf32>
      tpu.vector_store %arg8[%swap3A_272, %swap3A_273], %swap3A_276 {strides = array<i32>} : memref<128x128xf32, #tpu.memory_space<vmem>>, vector<1x16xf32>,
      %get3A_277 = arith.index_cast %scan3A_230 : i32 to index
      %get3A_278 = arith.constant 64 : index
      %get3A_279 = tpu.vector_load %arg8[%get3A_277, %get3A_278] {strides = array<i32>} : memref<128x128xf32, #tpu.memory_space<vmem>>, vector<1x16xf32>,
      %get3A_280 = vector.shape_cast %get3A_279 : vector<1x16xf32> to vector<16xf32>
      %mul3A_281 = arith.constant 11.3137083 : f32
      %mul3A_282 = vector.broadcast %mul3A_281 : f32 to vector<16xf32>
      %mul3A_283 = arith.mulf %get3A_280, %mul3A_282 : vector<16xf32>
      %swap3A_284 = arith.index_cast %scan3A_230 : i32 to index
      %swap3A_285 = arith.constant 64 : index
      %swap3A_286 = tpu.vector_load %arg8[%swap3A_284, %swap3A_285] {strides = array<i32>} : memref<128x128xf32, #tpu.memory_space<vmem>>, vector<1x16xf32>,
      %swap3A_287 = vector.shape_cast %swap3A_286 : vector<1x16xf32> to vector<16xf32>
      %swap3A_288 = vector.shape_cast %mul3A_283 : vector<16xf32> to vector<1x16xf32>
      tpu.vector_store %arg8[%swap3A_284, %swap3A_285], %swap3A_288 {strides = array<i32>} : memref<128x128xf32, #tpu.memory_space<vmem>>, vector<1x16xf32>,
      %get3A_289 = arith.index_cast %scan3A_230 : i32 to index
      %get3A_290 = arith.constant 80 : index
      %get3A_291 = tpu.vector_load %arg8[%get3A_289, %get3A_290] {strides = array<i32>} : memref<128x128xf32, #tpu.memory_space<vmem>>, vector<1x16xf32>,
      %get3A_292 = vector.shape_cast %get3A_291 : vector<1x16xf32> to vector<16xf32>
      %mul3A_293 = arith.constant 11.3137083 : f32
      %mul3A_294 = vector.broadcast %mul3A_293 : f32 to vector<16xf32>
      %mul3A_295 = arith.mulf %get3A_292, %mul3A_294 : vector<16xf32>
      %swap3A_296 = arith.index_cast %scan3A_230 : i32 to index
      %swap3A_297 = arith.constant 80 : index
      %swap3A_298 = tpu.vector_load %arg8[%swap3A_296, %swap3A_297] {strides = array<i32>} : memref<128x128xf32, #tpu.memory_space<vmem>>, vector<1x16xf32>,
      %swap3A_299 = vector.shape_cast %swap3A_298 : vector<1x16xf32> to vector<16xf32>
      %swap3A_300 = vector.shape_cast %mul3A_295 : vector<16xf32> to vector<1x16xf32>
      tpu.vector_store %arg8[%swap3A_296, %swap3A_297], %swap3A_300 {strides = array<i32>} : memref<128x128xf32, #tpu.memory_space<vmem>>, vector<1x16xf32>,
      %get3A_301 = arith.index_cast %scan3A_230 : i32 to index
      %get3A_302 = arith.constant 96 : index
      %get3A_303 = tpu.vector_load %arg8[%get3A_301, %get3A_302] {strides = array<i32>} : memref<128x128xf32, #tpu.memory_space<vmem>>, vector<1x16xf32>,
      %get3A_304 = vector.shape_cast %get3A_303 : vector<1x16xf32> to vector<16xf32>
      %mul3A_305 = arith.constant 11.3137083 : f32
      %mul3A_306 = vector.broadcast %mul3A_305 : f32 to vector<16xf32>
      %mul3A_307 = arith.mulf %get3A_304, %mul3A_306 : vector<16xf32>
      %swap3A_308 = arith.index_cast %scan3A_230 : i32 to index
      %swap3A_309 = arith.constant 96 : index
      %swap3A_310 = tpu.vector_load %arg8[%swap3A_308, %swap3A_309] {strides = array<i32>} : memref<128x128xf32, #tpu.memory_space<vmem>>, vector<1x16xf32>,
      %swap3A_311 = vector.shape_cast %swap3A_310 : vector<1x16xf32> to vector<16xf32>
      %swap3A_312 = vector.shape_cast %mul3A_307 : vector<16xf32> to vector<1x16xf32>
      tpu.vector_store %arg8[%swap3A_308, %swap3A_309], %swap3A_312 {strides = array<i32>} : memref<128x128xf32, #tpu.memory_space<vmem>>, vector<1x16xf32>,
      %get3A_313 = arith.index_cast %scan3A_230 : i32 to index
      %get3A_314 = arith.constant 112 : index
      %get3A_315 = tpu.vector_load %arg8[%get3A_313, %get3A_314] {strides = array<i32>} : memref<128x128xf32, #tpu.memory_space<vmem>>, vector<1x16xf32>,
      %get3A_316 = vector.shape_cast %get3A_315 : vector<1x16xf32> to vector<16xf32>
      %mul3A_317 = arith.constant 11.3137083 : f32
      %mul3A_318 = vector.broadcast %mul3A_317 : f32 to vector<16xf32>
      %mul3A_319 = arith.mulf %get3A_316, %mul3A_318 : vector<16xf32>
      %swap3A_320 = arith.index_cast %scan3A_230 : i32 to index
      %swap3A_321 = arith.constant 112 : index
      %swap3A_322 = tpu.vector_load %arg8[%swap3A_320, %swap3A_321] {strides = array<i32>} : memref<128x128xf32, #tpu.memory_space<vmem>>, vector<1x16xf32>,
      %swap3A_323 = vector.shape_cast %swap3A_322 : vector<1x16xf32> to vector<16xf32>
      %swap3A_324 = vector.shape_cast %mul3A_319 : vector<16xf32> to vector<1x16xf32>
      tpu.vector_store %arg8[%swap3A_320, %swap3A_321], %swap3A_324 {strides = array<i32>} : memref<128x128xf32, #tpu.memory_space<vmem>>, vector<1x16xf32>,
      %scan3A_325 = arith.constant 1 : i32
      %scan3A_326 = arith.addi %scan3A_230, %scan3A_325 : i32
      %get3A_327 = arith.index_cast %scan3A_326 : i32 to index
      %get3A_328 = arith.constant 0 : index
      %get3A_329 = tpu.vector_load %arg8[%get3A_327, %get3A_328] {strides = array<i32>} : memref<128x128xf32, #tpu.memory_space<vmem>>, vector<1x16xf32>,
      %get3A_330 = vector.shape_cast %get3A_329 : vector<1x16xf32> to vector<16xf32>
      %mul3A_331 = arith.constant 11.3137083 : f32
      %mul3A_332 = vector.broadcast %mul3A_331 : f32 to vector<16xf32>
      %mul3A_333 = arith.mulf %get3A_330, %mul3A_332 : vector<16xf32>
      %swap3A_334 = arith.index_cast %scan3A_326 : i32 to index
      %swap3A_335 = arith.constant 0 : index
      %swap3A_336 = tpu.vector_load %arg8[%swap3A_334, %swap3A_335] {strides = array<i32>} : memref<128x128xf32, #tpu.memory_space<vmem>>, vector<1x16xf32>,
      %swap3A_337 = vector.shape_cast %swap3A_336 : vector<1x16xf32> to vector<16xf32>
      %swap3A_338 = vector.shape_cast %mul3A_333 : vector<16xf32> to vector<1x16xf32>
      tpu.vector_store %arg8[%swap3A_334, %swap3A_335], %swap3A_338 {strides = array<i32>} : memref<128x128xf32, #tpu.memory_space<vmem>>, vector<1x16xf32>,
      %get3A_339 = arith.index_cast %scan3A_326 : i32 to index
      %get3A_340 = arith.constant 16 : index
      %get3A_341 = tpu.vector_load %arg8[%get3A_339, %get3A_340] {strides = array<i32>} : memref<128x128xf32, #tpu.memory_space<vmem>>, vector<1x16xf32>,
      %get3A_342 = vector.shape_cast %get3A_341 : vector<1x16xf32> to vector<16xf32>
      %mul3A_343 = arith.constant 11.3137083 : f32
      %mul3A_344 = vector.broadcast %mul3A_343 : f32 to vector<16xf32>
      %mul3A_345 = arith.mulf %get3A_342, %mul3A_344 : vector<16xf32>
      %swap3A_346 = arith.index_cast %scan3A_326 : i32 to index
      %swap3A_347 = arith.constant 16 : index
      %swap3A_348 = tpu.vector_load %arg8[%swap3A_346, %swap3A_347] {strides = array<i32>} : memref<128x128xf32, #tpu.memory_space<vmem>>, vector<1x16xf32>,
      %swap3A_349 = vector.shape_cast %swap3A_348 : vector<1x16xf32> to vector<16xf32>
      %swap3A_350 = vector.shape_cast %mul3A_345 : vector<16xf32> to vector<1x16xf32>
      tpu.vector_store %arg8[%swap3A_346, %swap3A_347], %swap3A_350 {strides = array<i32>} : memref<128x128xf32, #tpu.memory_space<vmem>>, vector<1x16xf32>,
      %get3A_351 = arith.index_cast %scan3A_326 : i32 to index
      %get3A_352 = arith.constant 32 : index
      %get3A_353 = tpu.vector_load %arg8[%get3A_351, %get3A_352] {strides = array<i32>} : memref<128x128xf32, #tpu.memory_space<vmem>>, vector<1x16xf32>,
      %get3A_354 = vector.shape_cast %get3A_353 : vector<1x16xf32> to vector<16xf32>
      %mul3A_355 = arith.constant 11.3137083 : f32
      %mul3A_356 = vector.broadcast %mul3A_355 : f32 to vector<16xf32>
      %mul3A_357 = arith.mulf %get3A_354, %mul3A_356 : vector<16xf32>
      %swap3A_358 = arith.index_cast %scan3A_326 : i32 to index
      %swap3A_359 = arith.constant 32 : index
      %swap3A_360 = tpu.vector_load %arg8[%swap3A_358, %swap3A_359] {strides = array<i32>} : memref<128x128xf32, #tpu.memory_space<vmem>>, vector<1x16xf32>,
      %swap3A_361 = vector.shape_cast %swap3A_360 : vector<1x16xf32> to vector<16xf32>
      %swap3A_362 = vector.shape_cast %mul3A_357 : vector<16xf32> to vector<1x16xf32>
      tpu.vector_store %arg8[%swap3A_358, %swap3A_359], %swap3A_362 {strides = array<i32>} : memref<128x128xf32, #tpu.memory_space<vmem>>, vector<1x16xf32>,
      %get3A_363 = arith.index_cast %scan3A_326 : i32 to index
      %get3A_364 = arith.constant 48 : index
      %get3A_365 = tpu.vector_load %arg8[%get3A_363, %get3A_364] {strides = array<i32>} : memref<128x128xf32, #tpu.memory_space<vmem>>, vector<1x16xf32>,
      %get3A_366 = vector.shape_cast %get3A_365 : vector<1x16xf32> to vector<16xf32>
      %mul3A_367 = arith.constant 11.3137083 : f32
      %mul3A_368 = vector.broadcast %mul3A_367 : f32 to vector<16xf32>
      %mul3A_369 = arith.mulf %get3A_366, %mul3A_368 : vector<16xf32>
      %swap3A_370 = arith.index_cast %scan3A_326 : i32 to index
      %swap3A_371 = arith.constant 48 : index
      %swap3A_372 = tpu.vector_load %arg8[%swap3A_370, %swap3A_371] {strides = array<i32>} : memref<128x128xf32, #tpu.memory_space<vmem>>, vector<1x16xf32>,
      %swap3A_373 = vector.shape_cast %swap3A_372 : vector<1x16xf32> to vector<16xf32>
      %swap3A_374 = vector.shape_cast %mul3A_369 : vector<16xf32> to vector<1x16xf32>
      tpu.vector_store %arg8[%swap3A_370, %swap3A_371], %swap3A_374 {strides = array<i32>} : memref<128x128xf32, #tpu.memory_space<vmem>>, vector<1x16xf32>,
      %get3A_375 = arith.index_cast %scan3A_326 : i32 to index
      %get3A_376 = arith.constant 64 : index
      %get3A_377 = tpu.vector_load %arg8[%get3A_375, %get3A_376] {strides = array<i32>} : memref<128x128xf32, #tpu.memory_space<vmem>>, vector<1x16xf32>,
      %get3A_378 = vector.shape_cast %get3A_377 : vector<1x16xf32> to vector<16xf32>
      %mul3A_379 = arith.constant 11.3137083 : f32
      %mul3A_380 = vector.broadcast %mul3A_379 : f32 to vector<16xf32>
      %mul3A_381 = arith.mulf %get3A_378, %mul3A_380 : vector<16xf32>
      %swap3A_382 = arith.index_cast %scan3A_326 : i32 to index
      %swap3A_383 = arith.constant 64 : index
      %swap3A_384 = tpu.vector_load %arg8[%swap3A_382, %swap3A_383] {strides = array<i32>} : memref<128x128xf32, #tpu.memory_space<vmem>>, vector<1x16xf32>,
      %swap3A_385 = vector.shape_cast %swap3A_384 : vector<1x16xf32> to vector<16xf32>
      %swap3A_386 = vector.shape_cast %mul3A_381 : vector<16xf32> to vector<1x16xf32>
      tpu.vector_store %arg8[%swap3A_382, %swap3A_383], %swap3A_386 {strides = array<i32>} : memref<128x128xf32, #tpu.memory_space<vmem>>, vector<1x16xf32>,
      %get3A_387 = arith.index_cast %scan3A_326 : i32 to index
      %get3A_388 = arith.constant 80 : index
      %get3A_389 = tpu.vector_load %arg8[%get3A_387, %get3A_388] {strides = array<i32>} : memref<128x128xf32, #tpu.memory_space<vmem>>, vector<1x16xf32>,
      %get3A_390 = vector.shape_cast %get3A_389 : vector<1x16xf32> to vector<16xf32>
      %mul3A_391 = arith.constant 11.3137083 : f32
      %mul3A_392 = vector.broadcast %mul3A_391 : f32 to vector<16xf32>
      %mul3A_393 = arith.mulf %get3A_390, %mul3A_392 : vector<16xf32>
      %swap3A_394 = arith.index_cast %scan3A_326 : i32 to index
      %swap3A_395 = arith.constant 80 : index
      %swap3A_396 = tpu.vector_load %arg8[%swap3A_394, %swap3A_395] {strides = array<i32>} : memref<128x128xf32, #tpu.memory_space<vmem>>, vector<1x16xf32>,
      %swap3A_397 = vector.shape_cast %swap3A_396 : vector<1x16xf32> to vector<16xf32>
      %swap3A_398 = vector.shape_cast %mul3A_393 : vector<16xf32> to vector<1x16xf32>
      tpu.vector_store %arg8[%swap3A_394, %swap3A_395], %swap3A_398 {strides = array<i32>} : memref<128x128xf32, #tpu.memory_space<vmem>>, vector<1x16xf32>,
      %get3A_399 = arith.index_cast %scan3A_326 : i32 to index
      %get3A_400 = arith.constant 96 : index
      %get3A_401 = tpu.vector_load %arg8[%get3A_399, %get3A_400] {strides = array<i32>} : memref<128x128xf32, #tpu.memory_space<vmem>>, vector<1x16xf32>,
      %get3A_402 = vector.shape_cast %get3A_401 : vector<1x16xf32> to vector<16xf32>
      %mul3A_403 = arith.constant 11.3137083 : f32
      %mul3A_404 = vector.broadcast %mul3A_403 : f32 to vector<16xf32>
      %mul3A_405 = arith.mulf %get3A_402, %mul3A_404 : vector<16xf32>
      %swap3A_406 = arith.index_cast %scan3A_326 : i32 to index
      %swap3A_407 = arith.constant 96 : index
      %swap3A_408 = tpu.vector_load %arg8[%swap3A_406, %swap3A_407] {strides = array<i32>} : memref<128x128xf32, #tpu.memory_space<vmem>>, vector<1x16xf32>,
      %swap3A_409 = vector.shape_cast %swap3A_408 : vector<1x16xf32> to vector<16xf32>
      %swap3A_410 = vector.shape_cast %mul3A_405 : vector<16xf32> to vector<1x16xf32>
      tpu.vector_store %arg8[%swap3A_406, %swap3A_407], %swap3A_410 {strides = array<i32>} : memref<128x128xf32, #tpu.memory_space<vmem>>, vector<1x16xf32>,
      %get3A_411 = arith.index_cast %scan3A_326 : i32 to index
      %get3A_412 = arith.constant 112 : index
      %get3A_413 = tpu.vector_load %arg8[%get3A_411, %get3A_412] {strides = array<i32>} : memref<128x128xf32, #tpu.memory_space<vmem>>, vector<1x16xf32>,
      %get3A_414 = vector.shape_cast %get3A_413 : vector<1x16xf32> to vector<16xf32>
      %mul3A_415 = arith.constant 11.3137083 : f32
      %mul3A_416 = vector.broadcast %mul3A_415 : f32 to vector<16xf32>
      %mul3A_417 = arith.mulf %get3A_414, %mul3A_416 : vector<16xf32>
      %swap3A_418 = arith.index_cast %scan3A_326 : i32 to index
      %swap3A_419 = arith.constant 112 : index
      %swap3A_420 = tpu.vector_load %arg8[%swap3A_418, %swap3A_419] {strides = array<i32>} : memref<128x128xf32, #tpu.memory_space<vmem>>, vector<1x16xf32>,
      %swap3A_421 = vector.shape_cast %swap3A_420 : vector<1x16xf32> to vector<16xf32>
      %swap3A_422 = vector.shape_cast %mul3A_417 : vector<16xf32> to vector<1x16xf32>
      tpu.vector_store %arg8[%swap3A_418, %swap3A_419], %swap3A_422 {strides = array<i32>} : memref<128x128xf32, #tpu.memory_space<vmem>>, vector<1x16xf32>,
    }
    %scan3A_74 = arith.constant 128 : i32
    %add3A_75 = arith.constant 256 : i32
    %add3A_76 = arith.addi %mul3A_2, %add3A_75 : i32
    %dma_start3A_77 = arith.constant 0 : i32
    %dma_start3A_78 = tpu.memref_slice %arg4[%add3A_76, %dma_start3A_77] : memref<819200x128xf32, #tpu.memory_space<hbm>> -> memref<128x128xf32, #tpu.memory_space<hbm>>
    %dma_start3A_79 = arith.constant 0 : i32
    %dma_start3A_80 = tpu.memref_slice %arg4[%add3A_76, %dma_start3A_79] : memref<819200x128xf32, #tpu.memory_space<hbm>> -> memref<128x128xf32, #tpu.memory_space<hbm>>
    tpu.enqueue_dma source(%arg8 : memref<128x128xf32, #tpu.memory_space<vmem>>) target(%dma_start3A_80 : memref<128x128xf32, #tpu.memory_space<hbm>>) target_semaphore(%arg20 : memref<!tpu.dma_semaphore, #tpu.memory_space<semaphore_mem>>)
    %scan3A_81 = arith.constant 0 : i32
    %scan3A_82 = arith.constant 0 : i32
    %scan3A_83 = arith.constant 32 : i32
    %scan3A_84 = arith.addi %scan3A_82, %scan3A_83 : i32
    %scan3A_85 = arith.constant 1 : i32
    scf.for %scan3A_230 = %scan3A_82 to %scan3A_84 step %scan3A_85  : i32 {
      %mul3A_231 = arith.constant 6 : i32
      %mul3A_232 = arith.muli %scan3A_230, %mul3A_231 : i32
      %add3A_233 = arith.constant 3 : i32
      %add3A_234 = arith.addi %add3A_233, %mul3A_232 : i32
      %add3A_235 = arith.constant 0 : i32
      %add3A_236 = arith.addi %add3A_234, %add3A_235 : i32
      %sub3A = arith.constant 3 : i32
      %sub3A_237 = arith.subi %add3A_236, %sub3A : i32
      %mul3A_238 = arith.constant 128 : i32
      %mul3A_239 = arith.muli %sub3A_237, %mul3A_238 : i32
      %add3A_240 = arith.addi %mul3A_2, %mul3A_239 : i32
      %dma_wait3A_241 = arith.constant 0 : i32
      %dma_wait3A_242 = tpu.memref_slice %arg4[%add3A_240, %dma_wait3A_241] : memref<819200x128xf32, #tpu.memory_space<hbm>> -> memref<128x128xf32, #tpu.memory_space<hbm>>
      %dma_wait3A_243 = arith.constant 0 : i32
      %dma_wait3A_244 = tpu.memref_slice %arg4[%add3A_240, %dma_wait3A_243] : memref<819200x128xf32, #tpu.memory_space<hbm>> -> memref<128x128xf32, #tpu.memory_space<hbm>>
      tpu.wait_dma2 semaphore(%arg18 : memref<!tpu.dma_semaphore, #tpu.memory_space<semaphore_mem>>) src(%arg6 : memref<128x128xf32, #tpu.memory_space<vmem>>) dst(%dma_wait3A_244 : memref<128x128xf32, #tpu.memory_space<hbm>>)
      %add3A_245 = arith.constant 3 : i32
      %add3A_246 = arith.addi %add3A_236, %add3A_245 : i32
      %mul3A_247 = arith.constant 128 : i32
      %mul3A_248 = arith.muli %add3A_246, %mul3A_247 : i32
      %dma_start3A_249 = tpu.memref_slice %arg5[%mul3A_248] : memref<25600xi32, #tpu.memory_space<vmem>> -> memref<128xi32, #tpu.memory_space<vmem>>
      %dma_start3A_250 = arith.constant 0 : i32
      %dma_start3A_251 = arith.constant 0 : i32
      %dma_start3A_252 = tpu.memref_slice %arg2[%dma_start3A_250, %dma_start3A_251] : memref<100000x128xf32, #tpu.memory_space<hbm>> -> memref<100000x128xf32, #tpu.memory_space<hbm>>
      tpu.enqueue_indirect_dma source(%dma_start3A_252 : memref<100000x128xf32, #tpu.memory_space<hbm>>) target(%arg6 : memref<128x128xf32, #tpu.memory_space<vmem>>) offsets(%dma_start3A_249 : memref<128xi32, #tpu.memory_space<vmem>>) semaphore(%arg12 : memref<!tpu.dma_semaphore, #tpu.memory_space<semaphore_mem>>)
      %mul3A_253 = arith.constant 128 : i32
      %mul3A_254 = arith.muli %add3A_236, %mul3A_253 : i32
      %dma_wait3A_255 = tpu.memref_slice %arg5[%mul3A_254] : memref<25600xi32, #tpu.memory_space<vmem>> -> memref<128xi32, #tpu.memory_space<vmem>>
      %dma_wait3A_256 = arith.constant 0 : i32
      %dma_wait3A_257 = arith.constant 0 : i32
      %dma_wait3A_258 = tpu.memref_slice %arg2[%dma_wait3A_256, %dma_wait3A_257] : memref<100000x128xf32, #tpu.memory_space<hbm>> -> memref<100000x128xf32, #tpu.memory_space<hbm>>
      tpu.wait_indirect_dma semaphore(%arg15 : memref<!tpu.dma_semaphore, #tpu.memory_space<semaphore_mem>>) src(%dma_wait3A_258 : memref<100000x128xf32, #tpu.memory_space<hbm>>) dst(%arg9 : memref<128x128xf32, #tpu.memory_space<vmem>>)
      %scan3A_259 = arith.constant 0 : i32
      %scan3A_260 = arith.constant 0 : i32
      %scan3A_261 = arith.constant 128 : i32
      %scan3A_262 = arith.addi %scan3A_260, %scan3A_261 : i32
      %scan3A_263 = arith.constant 2 : i32
      scf.for %scan3A_462 = %scan3A_260 to %scan3A_262 step %scan3A_263  : i32 {
        %get3A = arith.index_cast %scan3A_462 : i32 to index
        %get3A_463 = arith.constant 0 : index
        %get3A_464 = tpu.vector_load %arg9[%get3A, %get3A_463] {strides = array<i32>} : memref<128x128xf32, #tpu.memory_space<vmem>>, vector<1x16xf32>,
        %get3A_465 = vector.shape_cast %get3A_464 : vector<1x16xf32> to vector<16xf32>
        %mul3A_466 = arith.constant 11.3137083 : f32
        %mul3A_467 = vector.broadcast %mul3A_466 : f32 to vector<16xf32>
        %mul3A_468 = arith.mulf %get3A_465, %mul3A_467 : vector<16xf32>
        %swap3A = arith.index_cast %scan3A_462 : i32 to index
        %swap3A_469 = arith.constant 0 : index
        %swap3A_470 = tpu.vector_load %arg9[%swap3A, %swap3A_469] {strides = array<i32>} : memref<128x128xf32, #tpu.memory_space<vmem>>, vector<1x16xf32>,
        %swap3A_471 = vector.shape_cast %swap3A_470 : vector<1x16xf32> to vector<16xf32>
        %swap3A_472 = vector.shape_cast %mul3A_468 : vector<16xf32> to vector<1x16xf32>
        tpu.vector_store %arg9[%swap3A, %swap3A_469], %swap3A_472 {strides = array<i32>} : memref<128x128xf32, #tpu.memory_space<vmem>>, vector<1x16xf32>,
        %get3A_473 = arith.index_cast %scan3A_462 : i32 to index
        %get3A_474 = arith.constant 16 : index
        %get3A_475 = tpu.vector_load %arg9[%get3A_473, %get3A_474] {strides = array<i32>} : memref<128x128xf32, #tpu.memory_space<vmem>>, vector<1x16xf32>,
        %get3A_476 = vector.shape_cast %get3A_475 : vector<1x16xf32> to vector<16xf32>
        %mul3A_477 = arith.constant 11.3137083 : f32
        %mul3A_478 = vector.broadcast %mul3A_477 : f32 to vector<16xf32>
        %mul3A_479 = arith.mulf %get3A_476, %mul3A_478 : vector<16xf32>
        %swap3A_480 = arith.index_cast %scan3A_462 : i32 to index
        %swap3A_481 = arith.constant 16 : index
        %swap3A_482 = tpu.vector_load %arg9[%swap3A_480, %swap3A_481] {strides = array<i32>} : memref<128x128xf32, #tpu.memory_space<vmem>>, vector<1x16xf32>,
        %swap3A_483 = vector.shape_cast %swap3A_482 : vector<1x16xf32> to vector<16xf32>
        %swap3A_484 = vector.shape_cast %mul3A_479 : vector<16xf32> to vector<1x16xf32>
        tpu.vector_store %arg9[%swap3A_480, %swap3A_481], %swap3A_484 {strides = array<i32>} : memref<128x128xf32, #tpu.memory_space<vmem>>, vector<1x16xf32>,
        %get3A_485 = arith.index_cast %scan3A_462 : i32 to index
        %get3A_486 = arith.constant 32 : index
        %get3A_487 = tpu.vector_load %arg9[%get3A_485, %get3A_486] {strides = array<i32>} : memref<128x128xf32, #tpu.memory_space<vmem>>, vector<1x16xf32>,
        %get3A_488 = vector.shape_cast %get3A_487 : vector<1x16xf32> to vector<16xf32>
        %mul3A_489 = arith.constant 11.3137083 : f32
        %mul3A_490 = vector.broadcast %mul3A_489 : f32 to vector<16xf32>
        %mul3A_491 = arith.mulf %get3A_488, %mul3A_490 : vector<16xf32>
        %swap3A_492 = arith.index_cast %scan3A_462 : i32 to index
        %swap3A_493 = arith.constant 32 : index
        %swap3A_494 = tpu.vector_load %arg9[%swap3A_492, %swap3A_493] {strides = array<i32>} : memref<128x128xf32, #tpu.memory_space<vmem>>, vector<1x16xf32>,
        %swap3A_495 = vector.shape_cast %swap3A_494 : vector<1x16xf32> to vector<16xf32>
        %swap3A_496 = vector.shape_cast %mul3A_491 : vector<16xf32> to vector<1x16xf32>
        tpu.vector_store %arg9[%swap3A_492, %swap3A_493], %swap3A_496 {strides = array<i32>} : memref<128x128xf32, #tpu.memory_space<vmem>>, vector<1x16xf32>,
        %get3A_497 = arith.index_cast %scan3A_462 : i32 to index
        %get3A_498 = arith.constant 48 : index
        %get3A_499 = tpu.vector_load %arg9[%get3A_497, %get3A_498] {strides = array<i32>} : memref<128x128xf32, #tpu.memory_space<vmem>>, vector<1x16xf32>,
        %get3A_500 = vector.shape_cast %get3A_499 : vector<1x16xf32> to vector<16xf32>
        %mul3A_501 = arith.constant 11.3137083 : f32
        %mul3A_502 = vector.broadcast %mul3A_501 : f32 to vector<16xf32>
        %mul3A_503 = arith.mulf %get3A_500, %mul3A_502 : vector<16xf32>
        %swap3A_504 = arith.index_cast %scan3A_462 : i32 to index
        %swap3A_505 = arith.constant 48 : index
        %swap3A_506 = tpu.vector_load %arg9[%swap3A_504, %swap3A_505] {strides = array<i32>} : memref<128x128xf32, #tpu.memory_space<vmem>>, vector<1x16xf32>,
        %swap3A_507 = vector.shape_cast %swap3A_506 : vector<1x16xf32> to vector<16xf32>
        %swap3A_508 = vector.shape_cast %mul3A_503 : vector<16xf32> to vector<1x16xf32>
        tpu.vector_store %arg9[%swap3A_504, %swap3A_505], %swap3A_508 {strides = array<i32>} : memref<128x128xf32, #tpu.memory_space<vmem>>, vector<1x16xf32>,
        %get3A_509 = arith.index_cast %scan3A_462 : i32 to index
        %get3A_510 = arith.constant 64 : index
        %get3A_511 = tpu.vector_load %arg9[%get3A_509, %get3A_510] {strides = array<i32>} : memref<128x128xf32, #tpu.memory_space<vmem>>, vector<1x16xf32>,
        %get3A_512 = vector.shape_cast %get3A_511 : vector<1x16xf32> to vector<16xf32>
        %mul3A_513 = arith.constant 11.3137083 : f32
        %mul3A_514 = vector.broadcast %mul3A_513 : f32 to vector<16xf32>
        %mul3A_515 = arith.mulf %get3A_512, %mul3A_514 : vector<16xf32>
        %swap3A_516 = arith.index_cast %scan3A_462 : i32 to index
        %swap3A_517 = arith.constant 64 : index
        %swap3A_518 = tpu.vector_load %arg9[%swap3A_516, %swap3A_517] {strides = array<i32>} : memref<128x128xf32, #tpu.memory_space<vmem>>, vector<1x16xf32>,
        %swap3A_519 = vector.shape_cast %swap3A_518 : vector<1x16xf32> to vector<16xf32>
        %swap3A_520 = vector.shape_cast %mul3A_515 : vector<16xf32> to vector<1x16xf32>
        tpu.vector_store %arg9[%swap3A_516, %swap3A_517], %swap3A_520 {strides = array<i32>} : memref<128x128xf32, #tpu.memory_space<vmem>>, vector<1x16xf32>,
        %get3A_521 = arith.index_cast %scan3A_462 : i32 to index
        %get3A_522 = arith.constant 80 : index
        %get3A_523 = tpu.vector_load %arg9[%get3A_521, %get3A_522] {strides = array<i32>} : memref<128x128xf32, #tpu.memory_space<vmem>>, vector<1x16xf32>,
        %get3A_524 = vector.shape_cast %get3A_523 : vector<1x16xf32> to vector<16xf32>
        %mul3A_525 = arith.constant 11.3137083 : f32
        %mul3A_526 = vector.broadcast %mul3A_525 : f32 to vector<16xf32>
        %mul3A_527 = arith.mulf %get3A_524, %mul3A_526 : vector<16xf32>
        %swap3A_528 = arith.index_cast %scan3A_462 : i32 to index
        %swap3A_529 = arith.constant 80 : index
        %swap3A_530 = tpu.vector_load %arg9[%swap3A_528, %swap3A_529] {strides = array<i32>} : memref<128x128xf32, #tpu.memory_space<vmem>>, vector<1x16xf32>,
        %swap3A_531 = vector.shape_cast %swap3A_530 : vector<1x16xf32> to vector<16xf32>
        %swap3A_532 = vector.shape_cast %mul3A_527 : vector<16xf32> to vector<1x16xf32>
        tpu.vector_store %arg9[%swap3A_528, %swap3A_529], %swap3A_532 {strides = array<i32>} : memref<128x128xf32, #tpu.memory_space<vmem>>, vector<1x16xf32>,
        %get3A_533 = arith.index_cast %scan3A_462 : i32 to index
        %get3A_534 = arith.constant 96 : index
        %get3A_535 = tpu.vector_load %arg9[%get3A_533, %get3A_534] {strides = array<i32>} : memref<128x128xf32, #tpu.memory_space<vmem>>, vector<1x16xf32>,
        %get3A_536 = vector.shape_cast %get3A_535 : vector<1x16xf32> to vector<16xf32>
        %mul3A_537 = arith.constant 11.3137083 : f32
        %mul3A_538 = vector.broadcast %mul3A_537 : f32 to vector<16xf32>
        %mul3A_539 = arith.mulf %get3A_536, %mul3A_538 : vector<16xf32>
        %swap3A_540 = arith.index_cast %scan3A_462 : i32 to index
        %swap3A_541 = arith.constant 96 : index
        %swap3A_542 = tpu.vector_load %arg9[%swap3A_540, %swap3A_541] {strides = array<i32>} : memref<128x128xf32, #tpu.memory_space<vmem>>, vector<1x16xf32>,
        %swap3A_543 = vector.shape_cast %swap3A_542 : vector<1x16xf32> to vector<16xf32>
        %swap3A_544 = vector.shape_cast %mul3A_539 : vector<16xf32> to vector<1x16xf32>
        tpu.vector_store %arg9[%swap3A_540, %swap3A_541], %swap3A_544 {strides = array<i32>} : memref<128x128xf32, #tpu.memory_space<vmem>>, vector<1x16xf32>,
        %get3A_545 = arith.index_cast %scan3A_462 : i32 to index
        %get3A_546 = arith.constant 112 : index
        %get3A_547 = tpu.vector_load %arg9[%get3A_545, %get3A_546] {strides = array<i32>} : memref<128x128xf32, #tpu.memory_space<vmem>>, vector<1x16xf32>,
        %get3A_548 = vector.shape_cast %get3A_547 : vector<1x16xf32> to vector<16xf32>
        %mul3A_549 = arith.constant 11.3137083 : f32
        %mul3A_550 = vector.broadcast %mul3A_549 : f32 to vector<16xf32>
        %mul3A_551 = arith.mulf %get3A_548, %mul3A_550 : vector<16xf32>
        %swap3A_552 = arith.index_cast %scan3A_462 : i32 to index
        %swap3A_553 = arith.constant 112 : index
        %swap3A_554 = tpu.vector_load %arg9[%swap3A_552, %swap3A_553] {strides = array<i32>} : memref<128x128xf32, #tpu.memory_space<vmem>>, vector<1x16xf32>,
        %swap3A_555 = vector.shape_cast %swap3A_554 : vector<1x16xf32> to vector<16xf32>
        %swap3A_556 = vector.shape_cast %mul3A_551 : vector<16xf32> to vector<1x16xf32>
        tpu.vector_store %arg9[%swap3A_552, %swap3A_553], %swap3A_556 {strides = array<i32>} : memref<128x128xf32, #tpu.memory_space<vmem>>, vector<1x16xf32>,
        %scan3A_557 = arith.constant 1 : i32
        %scan3A_558 = arith.addi %scan3A_462, %scan3A_557 : i32
        %get3A_559 = arith.index_cast %scan3A_558 : i32 to index
        %get3A_560 = arith.constant 0 : index
        %get3A_561 = tpu.vector_load %arg9[%get3A_559, %get3A_560] {strides = array<i32>} : memref<128x128xf32, #tpu.memory_space<vmem>>, vector<1x16xf32>,
        %get3A_562 = vector.shape_cast %get3A_561 : vector<1x16xf32> to vector<16xf32>
        %mul3A_563 = arith.constant 11.3137083 : f32
        %mul3A_564 = vector.broadcast %mul3A_563 : f32 to vector<16xf32>
        %mul3A_565 = arith.mulf %get3A_562, %mul3A_564 : vector<16xf32>
        %swap3A_566 = arith.index_cast %scan3A_558 : i32 to index
        %swap3A_567 = arith.constant 0 : index
        %swap3A_568 = tpu.vector_load %arg9[%swap3A_566, %swap3A_567] {strides = array<i32>} : memref<128x128xf32, #tpu.memory_space<vmem>>, vector<1x16xf32>,
        %swap3A_569 = vector.shape_cast %swap3A_568 : vector<1x16xf32> to vector<16xf32>
        %swap3A_570 = vector.shape_cast %mul3A_565 : vector<16xf32> to vector<1x16xf32>
        tpu.vector_store %arg9[%swap3A_566, %swap3A_567], %swap3A_570 {strides = array<i32>} : memref<128x128xf32, #tpu.memory_space<vmem>>, vector<1x16xf32>,
        %get3A_571 = arith.index_cast %scan3A_558 : i32 to index
        %get3A_572 = arith.constant 16 : index
        %get3A_573 = tpu.vector_load %arg9[%get3A_571, %get3A_572] {strides = array<i32>} : memref<128x128xf32, #tpu.memory_space<vmem>>, vector<1x16xf32>,
        %get3A_574 = vector.shape_cast %get3A_573 : vector<1x16xf32> to vector<16xf32>
        %mul3A_575 = arith.constant 11.3137083 : f32
        %mul3A_576 = vector.broadcast %mul3A_575 : f32 to vector<16xf32>
        %mul3A_577 = arith.mulf %get3A_574, %mul3A_576 : vector<16xf32>
        %swap3A_578 = arith.index_cast %scan3A_558 : i32 to index
        %swap3A_579 = arith.constant 16 : index
        %swap3A_580 = tpu.vector_load %arg9[%swap3A_578, %swap3A_579] {strides = array<i32>} : memref<128x128xf32, #tpu.memory_space<vmem>>, vector<1x16xf32>,
        %swap3A_581 = vector.shape_cast %swap3A_580 : vector<1x16xf32> to vector<16xf32>
        %swap3A_582 = vector.shape_cast %mul3A_577 : vector<16xf32> to vector<1x16xf32>
        tpu.vector_store %arg9[%swap3A_578, %swap3A_579], %swap3A_582 {strides = array<i32>} : memref<128x128xf32, #tpu.memory_space<vmem>>, vector<1x16xf32>,
        %get3A_583 = arith.index_cast %scan3A_558 : i32 to index
        %get3A_584 = arith.constant 32 : index
        %get3A_585 = tpu.vector_load %arg9[%get3A_583, %get3A_584] {strides = array<i32>} : memref<128x128xf32, #tpu.memory_space<vmem>>, vector<1x16xf32>,
        %get3A_586 = vector.shape_cast %get3A_585 : vector<1x16xf32> to vector<16xf32>
        %mul3A_587 = arith.constant 11.3137083 : f32
        %mul3A_588 = vector.broadcast %mul3A_587 : f32 to vector<16xf32>
        %mul3A_589 = arith.mulf %get3A_586, %mul3A_588 : vector<16xf32>
        %swap3A_590 = arith.index_cast %scan3A_558 : i32 to index
        %swap3A_591 = arith.constant 32 : index
        %swap3A_592 = tpu.vector_load %arg9[%swap3A_590, %swap3A_591] {strides = array<i32>} : memref<128x128xf32, #tpu.memory_space<vmem>>, vector<1x16xf32>,
        %swap3A_593 = vector.shape_cast %swap3A_592 : vector<1x16xf32> to vector<16xf32>
        %swap3A_594 = vector.shape_cast %mul3A_589 : vector<16xf32> to vector<1x16xf32>
        tpu.vector_store %arg9[%swap3A_590, %swap3A_591], %swap3A_594 {strides = array<i32>} : memref<128x128xf32, #tpu.memory_space<vmem>>, vector<1x16xf32>,
        %get3A_595 = arith.index_cast %scan3A_558 : i32 to index
        %get3A_596 = arith.constant 48 : index
        %get3A_597 = tpu.vector_load %arg9[%get3A_595, %get3A_596] {strides = array<i32>} : memref<128x128xf32, #tpu.memory_space<vmem>>, vector<1x16xf32>,
        %get3A_598 = vector.shape_cast %get3A_597 : vector<1x16xf32> to vector<16xf32>
        %mul3A_599 = arith.constant 11.3137083 : f32
        %mul3A_600 = vector.broadcast %mul3A_599 : f32 to vector<16xf32>
        %mul3A_601 = arith.mulf %get3A_598, %mul3A_600 : vector<16xf32>
        %swap3A_602 = arith.index_cast %scan3A_558 : i32 to index
        %swap3A_603 = arith.constant 48 : index
        %swap3A_604 = tpu.vector_load %arg9[%swap3A_602, %swap3A_603] {strides = array<i32>} : memref<128x128xf32, #tpu.memory_space<vmem>>, vector<1x16xf32>,
        %swap3A_605 = vector.shape_cast %swap3A_604 : vector<1x16xf32> to vector<16xf32>
        %swap3A_606 = vector.shape_cast %mul3A_601 : vector<16xf32> to vector<1x16xf32>
        tpu.vector_store %arg9[%swap3A_602, %swap3A_603], %swap3A_606 {strides = array<i32>} : memref<128x128xf32, #tpu.memory_space<vmem>>, vector<1x16xf32>,
        %get3A_607 = arith.index_cast %scan3A_558 : i32 to index
        %get3A_608 = arith.constant 64 : index
        %get3A_609 = tpu.vector_load %arg9[%get3A_607, %get3A_608] {strides = array<i32>} : memref<128x128xf32, #tpu.memory_space<vmem>>, vector<1x16xf32>,
        %get3A_610 = vector.shape_cast %get3A_609 : vector<1x16xf32> to vector<16xf32>
        %mul3A_611 = arith.constant 11.3137083 : f32
        %mul3A_612 = vector.broadcast %mul3A_611 : f32 to vector<16xf32>
        %mul3A_613 = arith.mulf %get3A_610, %mul3A_612 : vector<16xf32>
        %swap3A_614 = arith.index_cast %scan3A_558 : i32 to index
        %swap3A_615 = arith.constant 64 : index
        %swap3A_616 = tpu.vector_load %arg9[%swap3A_614, %swap3A_615] {strides = array<i32>} : memref<128x128xf32, #tpu.memory_space<vmem>>, vector<1x16xf32>,
        %swap3A_617 = vector.shape_cast %swap3A_616 : vector<1x16xf32> to vector<16xf32>
        %swap3A_618 = vector.shape_cast %mul3A_613 : vector<16xf32> to vector<1x16xf32>
        tpu.vector_store %arg9[%swap3A_614, %swap3A_615], %swap3A_618 {strides = array<i32>} : memref<128x128xf32, #tpu.memory_space<vmem>>, vector<1x16xf32>,
        %get3A_619 = arith.index_cast %scan3A_558 : i32 to index
        %get3A_620 = arith.constant 80 : index
        %get3A_621 = tpu.vector_load %arg9[%get3A_619, %get3A_620] {strides = array<i32>} : memref<128x128xf32, #tpu.memory_space<vmem>>, vector<1x16xf32>,
        %get3A_622 = vector.shape_cast %get3A_621 : vector<1x16xf32> to vector<16xf32>
        %mul3A_623 = arith.constant 11.3137083 : f32
        %mul3A_624 = vector.broadcast %mul3A_623 : f32 to vector<16xf32>
        %mul3A_625 = arith.mulf %get3A_622, %mul3A_624 : vector<16xf32>
        %swap3A_626 = arith.index_cast %scan3A_558 : i32 to index
        %swap3A_627 = arith.constant 80 : index
        %swap3A_628 = tpu.vector_load %arg9[%swap3A_626, %swap3A_627] {strides = array<i32>} : memref<128x128xf32, #tpu.memory_space<vmem>>, vector<1x16xf32>,
        %swap3A_629 = vector.shape_cast %swap3A_628 : vector<1x16xf32> to vector<16xf32>
        %swap3A_630 = vector.shape_cast %mul3A_625 : vector<16xf32> to vector<1x16xf32>
        tpu.vector_store %arg9[%swap3A_626, %swap3A_627], %swap3A_630 {strides = array<i32>} : memref<128x128xf32, #tpu.memory_space<vmem>>, vector<1x16xf32>,
        %get3A_631 = arith.index_cast %scan3A_558 : i32 to index
        %get3A_632 = arith.constant 96 : index
        %get3A_633 = tpu.vector_load %arg9[%get3A_631, %get3A_632] {strides = array<i32>} : memref<128x128xf32, #tpu.memory_space<vmem>>, vector<1x16xf32>,
        %get3A_634 = vector.shape_cast %get3A_633 : vector<1x16xf32> to vector<16xf32>
        %mul3A_635 = arith.constant 11.3137083 : f32
        %mul3A_636 = vector.broadcast %mul3A_635 : f32 to vector<16xf32>
        %mul3A_637 = arith.mulf %get3A_634, %mul3A_636 : vector<16xf32>
        %swap3A_638 = arith.index_cast %scan3A_558 : i32 to index
        %swap3A_639 = arith.constant 96 : index
        %swap3A_640 = tpu.vector_load %arg9[%swap3A_638, %swap3A_639] {strides = array<i32>} : memref<128x128xf32, #tpu.memory_space<vmem>>, vector<1x16xf32>,
        %swap3A_641 = vector.shape_cast %swap3A_640 : vector<1x16xf32> to vector<16xf32>
        %swap3A_642 = vector.shape_cast %mul3A_637 : vector<16xf32> to vector<1x16xf32>
        tpu.vector_store %arg9[%swap3A_638, %swap3A_639], %swap3A_642 {strides = array<i32>} : memref<128x128xf32, #tpu.memory_space<vmem>>, vector<1x16xf32>,
        %get3A_643 = arith.index_cast %scan3A_558 : i32 to index
        %get3A_644 = arith.constant 112 : index
        %get3A_645 = tpu.vector_load %arg9[%get3A_643, %get3A_644] {strides = array<i32>} : memref<128x128xf32, #tpu.memory_space<vmem>>, vector<1x16xf32>,
        %get3A_646 = vector.shape_cast %get3A_645 : vector<1x16xf32> to vector<16xf32>
        %mul3A_647 = arith.constant 11.3137083 : f32
        %mul3A_648 = vector.broadcast %mul3A_647 : f32 to vector<16xf32>
        %mul3A_649 = arith.mulf %get3A_646, %mul3A_648 : vector<16xf32>
        %swap3A_650 = arith.index_cast %scan3A_558 : i32 to index
        %swap3A_651 = arith.constant 112 : index
        %swap3A_652 = tpu.vector_load %arg9[%swap3A_650, %swap3A_651] {strides = array<i32>} : memref<128x128xf32, #tpu.memory_space<vmem>>, vector<1x16xf32>,
        %swap3A_653 = vector.shape_cast %swap3A_652 : vector<1x16xf32> to vector<16xf32>
        %swap3A_654 = vector.shape_cast %mul3A_649 : vector<16xf32> to vector<1x16xf32>
        tpu.vector_store %arg9[%swap3A_650, %swap3A_651], %swap3A_654 {strides = array<i32>} : memref<128x128xf32, #tpu.memory_space<vmem>>, vector<1x16xf32>,
      }
      %scan3A_264 = arith.constant 128 : i32
      %mul3A_265 = arith.constant 128 : i32
      %mul3A_266 = arith.muli %add3A_236, %mul3A_265 : i32
      %add3A_267 = arith.addi %mul3A_2, %mul3A_266 : i32
      %dma_start3A_268 = arith.constant 0 : i32
      %dma_start3A_269 = tpu.memref_slice %arg4[%add3A_267, %dma_start3A_268] : memref<819200x128xf32, #tpu.memory_space<hbm>> -> memref<128x128xf32, #tpu.memory_space<hbm>>
      %dma_start3A_270 = arith.constant 0 : i32
      %dma_start3A_271 = tpu.memref_slice %arg4[%add3A_267, %dma_start3A_270] : memref<819200x128xf32, #tpu.memory_space<hbm>> -> memref<128x128xf32, #tpu.memory_space<hbm>>
      tpu.enqueue_dma source(%arg9 : memref<128x128xf32, #tpu.memory_space<vmem>>) target(%dma_start3A_271 : memref<128x128xf32, #tpu.memory_space<hbm>>) target_semaphore(%arg21 : memref<!tpu.dma_semaphore, #tpu.memory_space<semaphore_mem>>)
      %add3A_272 = arith.constant 1 : i32
      %add3A_273 = arith.addi %add3A_234, %add3A_272 : i32
      %sub3A_274 = arith.constant 3 : i32
      %sub3A_275 = arith.subi %add3A_273, %sub3A_274 : i32
      %mul3A_276 = arith.constant 128 : i32
      %mul3A_277 = arith.muli %sub3A_275, %mul3A_276 : i32
      %add3A_278 = arith.addi %mul3A_2, %mul3A_277 : i32
      %dma_wait3A_279 = arith.constant 0 : i32
      %dma_wait3A_280 = tpu.memref_slice %arg4[%add3A_278, %dma_wait3A_279] : memref<819200x128xf32, #tpu.memory_space<hbm>> -> memref<128x128xf32, #tpu.memory_space<hbm>>
      %dma_wait3A_281 = arith.constant 0 : i32
      %dma_wait3A_282 = tpu.memref_slice %arg4[%add3A_278, %dma_wait3A_281] : memref<819200x128xf32, #tpu.memory_space<hbm>> -> memref<128x128xf32, #tpu.memory_space<hbm>>
      tpu.wait_dma2 semaphore(%arg19 : memref<!tpu.dma_semaphore, #tpu.memory_space<semaphore_mem>>) src(%arg7 : memref<128x128xf32, #tpu.memory_space<vmem>>) dst(%dma_wait3A_282 : memref<128x128xf32, #tpu.memory_space<hbm>>)
      %add3A_283 = arith.constant 3 : i32
      %add3A_284 = arith.addi %add3A_273, %add3A_283 : i32
      %mul3A_285 = arith.constant 128 : i32
      %mul3A_286 = arith.muli %add3A_284, %mul3A_285 : i32
      %dma_start3A_287 = tpu.memref_slice %arg5[%mul3A_286] : memref<25600xi32, #tpu.memory_space<vmem>> -> memref<128xi32, #tpu.memory_space<vmem>>
      %dma_start3A_288 = arith.constant 0 : i32
      %dma_start3A_289 = arith.constant 0 : i32
      %dma_start3A_290 = tpu.memref_slice %arg2[%dma_start3A_288, %dma_start3A_289] : memref<100000x128xf32, #tpu.memory_space<hbm>> -> memref<100000x128xf32, #tpu.memory_space<hbm>>
      tpu.enqueue_indirect_dma source(%dma_start3A_290 : memref<100000x128xf32, #tpu.memory_space<hbm>>) target(%arg7 : memref<128x128xf32, #tpu.memory_space<vmem>>) offsets(%dma_start3A_287 : memref<128xi32, #tpu.memory_space<vmem>>) semaphore(%arg13 : memref<!tpu.dma_semaphore, #tpu.memory_space<semaphore_mem>>)
      %mul3A_291 = arith.constant 128 : i32
      %mul3A_292 = arith.muli %add3A_273, %mul3A_291 : i32
      %dma_wait3A_293 = tpu.memref_slice %arg5[%mul3A_292] : memref<25600xi32, #tpu.memory_space<vmem>> -> memref<128xi32, #tpu.memory_space<vmem>>
      %dma_wait3A_294 = arith.constant 0 : i32
      %dma_wait3A_295 = arith.constant 0 : i32
      %dma_wait3A_296 = tpu.memref_slice %arg2[%dma_wait3A_294, %dma_wait3A_295] : memref<100000x128xf32, #tpu.memory_space<hbm>> -> memref<100000x128xf32, #tpu.memory_space<hbm>>
      tpu.wait_indirect_dma semaphore(%arg16 : memref<!tpu.dma_semaphore, #tpu.memory_space<semaphore_mem>>) src(%dma_wait3A_296 : memref<100000x128xf32, #tpu.memory_space<hbm>>) dst(%arg10 : memref<128x128xf32, #tpu.memory_space<vmem>>)
      %scan3A_297 = arith.constant 0 : i32
      %scan3A_298 = arith.constant 0 : i32
      %scan3A_299 = arith.constant 128 : i32
      %scan3A_300 = arith.addi %scan3A_298, %scan3A_299 : i32
      %scan3A_301 = arith.constant 2 : i32
      scf.for %scan3A_462 = %scan3A_298 to %scan3A_300 step %scan3A_301  : i32 {
        %get3A = arith.index_cast %scan3A_462 : i32 to index
        %get3A_463 = arith.constant 0 : index
        %get3A_464 = tpu.vector_load %arg10[%get3A, %get3A_463] {strides = array<i32>} : memref<128x128xf32, #tpu.memory_space<vmem>>, vector<1x16xf32>,
        %get3A_465 = vector.shape_cast %get3A_464 : vector<1x16xf32> to vector<16xf32>
        %mul3A_466 = arith.constant 11.3137083 : f32
        %mul3A_467 = vector.broadcast %mul3A_466 : f32 to vector<16xf32>
        %mul3A_468 = arith.mulf %get3A_465, %mul3A_467 : vector<16xf32>
        %swap3A = arith.index_cast %scan3A_462 : i32 to index
        %swap3A_469 = arith.constant 0 : index
        %swap3A_470 = tpu.vector_load %arg10[%swap3A, %swap3A_469] {strides = array<i32>} : memref<128x128xf32, #tpu.memory_space<vmem>>, vector<1x16xf32>,
        %swap3A_471 = vector.shape_cast %swap3A_470 : vector<1x16xf32> to vector<16xf32>
        %swap3A_472 = vector.shape_cast %mul3A_468 : vector<16xf32> to vector<1x16xf32>
        tpu.vector_store %arg10[%swap3A, %swap3A_469], %swap3A_472 {strides = array<i32>} : memref<128x128xf32, #tpu.memory_space<vmem>>, vector<1x16xf32>,
        %get3A_473 = arith.index_cast %scan3A_462 : i32 to index
        %get3A_474 = arith.constant 16 : index
        %get3A_475 = tpu.vector_load %arg10[%get3A_473, %get3A_474] {strides = array<i32>} : memref<128x128xf32, #tpu.memory_space<vmem>>, vector<1x16xf32>,
        %get3A_476 = vector.shape_cast %get3A_475 : vector<1x16xf32> to vector<16xf32>
        %mul3A_477 = arith.constant 11.3137083 : f32
        %mul3A_478 = vector.broadcast %mul3A_477 : f32 to vector<16xf32>
        %mul3A_479 = arith.mulf %get3A_476, %mul3A_478 : vector<16xf32>
        %swap3A_480 = arith.index_cast %scan3A_462 : i32 to index
        %swap3A_481 = arith.constant 16 : index
        %swap3A_482 = tpu.vector_load %arg10[%swap3A_480, %swap3A_481] {strides = array<i32>} : memref<128x128xf32, #tpu.memory_space<vmem>>, vector<1x16xf32>,
        %swap3A_483 = vector.shape_cast %swap3A_482 : vector<1x16xf32> to vector<16xf32>
        %swap3A_484 = vector.shape_cast %mul3A_479 : vector<16xf32> to vector<1x16xf32>
        tpu.vector_store %arg10[%swap3A_480, %swap3A_481], %swap3A_484 {strides = array<i32>} : memref<128x128xf32, #tpu.memory_space<vmem>>, vector<1x16xf32>,
        %get3A_485 = arith.index_cast %scan3A_462 : i32 to index
        %get3A_486 = arith.constant 32 : index
        %get3A_487 = tpu.vector_load %arg10[%get3A_485, %get3A_486] {strides = array<i32>} : memref<128x128xf32, #tpu.memory_space<vmem>>, vector<1x16xf32>,
        %get3A_488 = vector.shape_cast %get3A_487 : vector<1x16xf32> to vector<16xf32>
        %mul3A_489 = arith.constant 11.3137083 : f32
        %mul3A_490 = vector.broadcast %mul3A_489 : f32 to vector<16xf32>
        %mul3A_491 = arith.mulf %get3A_488, %mul3A_490 : vector<16xf32>
        %swap3A_492 = arith.index_cast %scan3A_462 : i32 to index
        %swap3A_493 = arith.constant 32 : index
        %swap3A_494 = tpu.vector_load %arg10[%swap3A_492, %swap3A_493] {strides = array<i32>} : memref<128x128xf32, #tpu.memory_space<vmem>>, vector<1x16xf32>,
        %swap3A_495 = vector.shape_cast %swap3A_494 : vector<1x16xf32> to vector<16xf32>
        %swap3A_496 = vector.shape_cast %mul3A_491 : vector<16xf32> to vector<1x16xf32>
        tpu.vector_store %arg10[%swap3A_492, %swap3A_493], %swap3A_496 {strides = array<i32>} : memref<128x128xf32, #tpu.memory_space<vmem>>, vector<1x16xf32>,
        %get3A_497 = arith.index_cast %scan3A_462 : i32 to index
        %get3A_498 = arith.constant 48 : index
        %get3A_499 = tpu.vector_load %arg10[%get3A_497, %get3A_498] {strides = array<i32>} : memref<128x128xf32, #tpu.memory_space<vmem>>, vector<1x16xf32>,
        %get3A_500 = vector.shape_cast %get3A_499 : vector<1x16xf32> to vector<16xf32>
        %mul3A_501 = arith.constant 11.3137083 : f32
        %mul3A_502 = vector.broadcast %mul3A_501 : f32 to vector<16xf32>
        %mul3A_503 = arith.mulf %get3A_500, %mul3A_502 : vector<16xf32>
        %swap3A_504 = arith.index_cast %scan3A_462 : i32 to index
        %swap3A_505 = arith.constant 48 : index
        %swap3A_506 = tpu.vector_load %arg10[%swap3A_504, %swap3A_505] {strides = array<i32>} : memref<128x128xf32, #tpu.memory_space<vmem>>, vector<1x16xf32>,
        %swap3A_507 = vector.shape_cast %swap3A_506 : vector<1x16xf32> to vector<16xf32>
        %swap3A_508 = vector.shape_cast %mul3A_503 : vector<16xf32> to vector<1x16xf32>
        tpu.vector_store %arg10[%swap3A_504, %swap3A_505], %swap3A_508 {strides = array<i32>} : memref<128x128xf32, #tpu.memory_space<vmem>>, vector<1x16xf32>,
        %get3A_509 = arith.index_cast %scan3A_462 : i32 to index
        %get3A_510 = arith.constant 64 : index
        %get3A_511 = tpu.vector_load %arg10[%get3A_509, %get3A_510] {strides = array<i32>} : memref<128x128xf32, #tpu.memory_space<vmem>>, vector<1x16xf32>,
        %get3A_512 = vector.shape_cast %get3A_511 : vector<1x16xf32> to vector<16xf32>
        %mul3A_513 = arith.constant 11.3137083 : f32
        %mul3A_514 = vector.broadcast %mul3A_513 : f32 to vector<16xf32>
        %mul3A_515 = arith.mulf %get3A_512, %mul3A_514 : vector<16xf32>
        %swap3A_516 = arith.index_cast %scan3A_462 : i32 to index
        %swap3A_517 = arith.constant 64 : index
        %swap3A_518 = tpu.vector_load %arg10[%swap3A_516, %swap3A_517] {strides = array<i32>} : memref<128x128xf32, #tpu.memory_space<vmem>>, vector<1x16xf32>,
        %swap3A_519 = vector.shape_cast %swap3A_518 : vector<1x16xf32> to vector<16xf32>
        %swap3A_520 = vector.shape_cast %mul3A_515 : vector<16xf32> to vector<1x16xf32>
        tpu.vector_store %arg10[%swap3A_516, %swap3A_517], %swap3A_520 {strides = array<i32>} : memref<128x128xf32, #tpu.memory_space<vmem>>, vector<1x16xf32>,
        %get3A_521 = arith.index_cast %scan3A_462 : i32 to index
        %get3A_522 = arith.constant 80 : index
        %get3A_523 = tpu.vector_load %arg10[%get3A_521, %get3A_522] {strides = array<i32>} : memref<128x128xf32, #tpu.memory_space<vmem>>, vector<1x16xf32>,
        %get3A_524 = vector.shape_cast %get3A_523 : vector<1x16xf32> to vector<16xf32>
        %mul3A_525 = arith.constant 11.3137083 : f32
        %mul3A_526 = vector.broadcast %mul3A_525 : f32 to vector<16xf32>
        %mul3A_527 = arith.mulf %get3A_524, %mul3A_526 : vector<16xf32>
        %swap3A_528 = arith.index_cast %scan3A_462 : i32 to index
        %swap3A_529 = arith.constant 80 : index
        %swap3A_530 = tpu.vector_load %arg10[%swap3A_528, %swap3A_529] {strides = array<i32>} : memref<128x128xf32, #tpu.memory_space<vmem>>, vector<1x16xf32>,
        %swap3A_531 = vector.shape_cast %swap3A_530 : vector<1x16xf32> to vector<16xf32>
        %swap3A_532 = vector.shape_cast %mul3A_527 : vector<16xf32> to vector<1x16xf32>
        tpu.vector_store %arg10[%swap3A_528, %swap3A_529], %swap3A_532 {strides = array<i32>} : memref<128x128xf32, #tpu.memory_space<vmem>>, vector<1x16xf32>,
        %get3A_533 = arith.index_cast %scan3A_462 : i32 to index
        %get3A_534 = arith.constant 96 : index
        %get3A_535 = tpu.vector_load %arg10[%get3A_533, %get3A_534] {strides = array<i32>} : memref<128x128xf32, #tpu.memory_space<vmem>>, vector<1x16xf32>,
        %get3A_536 = vector.shape_cast %get3A_535 : vector<1x16xf32> to vector<16xf32>
        %mul3A_537 = arith.constant 11.3137083 : f32
        %mul3A_538 = vector.broadcast %mul3A_537 : f32 to vector<16xf32>
        %mul3A_539 = arith.mulf %get3A_536, %mul3A_538 : vector<16xf32>
        %swap3A_540 = arith.index_cast %scan3A_462 : i32 to index
        %swap3A_541 = arith.constant 96 : index
        %swap3A_542 = tpu.vector_load %arg10[%swap3A_540, %swap3A_541] {strides = array<i32>} : memref<128x128xf32, #tpu.memory_space<vmem>>, vector<1x16xf32>,
        %swap3A_543 = vector.shape_cast %swap3A_542 : vector<1x16xf32> to vector<16xf32>
        %swap3A_544 = vector.shape_cast %mul3A_539 : vector<16xf32> to vector<1x16xf32>
        tpu.vector_store %arg10[%swap3A_540, %swap3A_541], %swap3A_544 {strides = array<i32>} : memref<128x128xf32, #tpu.memory_space<vmem>>, vector<1x16xf32>,
        %get3A_545 = arith.index_cast %scan3A_462 : i32 to index
        %get3A_546 = arith.constant 112 : index
        %get3A_547 = tpu.vector_load %arg10[%get3A_545, %get3A_546] {strides = array<i32>} : memref<128x128xf32, #tpu.memory_space<vmem>>, vector<1x16xf32>,
        %get3A_548 = vector.shape_cast %get3A_547 : vector<1x16xf32> to vector<16xf32>
        %mul3A_549 = arith.constant 11.3137083 : f32
        %mul3A_550 = vector.broadcast %mul3A_549 : f32 to vector<16xf32>
        %mul3A_551 = arith.mulf %get3A_548, %mul3A_550 : vector<16xf32>
        %swap3A_552 = arith.index_cast %scan3A_462 : i32 to index
        %swap3A_553 = arith.constant 112 : index
        %swap3A_554 = tpu.vector_load %arg10[%swap3A_552, %swap3A_553] {strides = array<i32>} : memref<128x128xf32, #tpu.memory_space<vmem>>, vector<1x16xf32>,
        %swap3A_555 = vector.shape_cast %swap3A_554 : vector<1x16xf32> to vector<16xf32>
        %swap3A_556 = vector.shape_cast %mul3A_551 : vector<16xf32> to vector<1x16xf32>
        tpu.vector_store %arg10[%swap3A_552, %swap3A_553], %swap3A_556 {strides = array<i32>} : memref<128x128xf32, #tpu.memory_space<vmem>>, vector<1x16xf32>,
        %scan3A_557 = arith.constant 1 : i32
        %scan3A_558 = arith.addi %scan3A_462, %scan3A_557 : i32
        %get3A_559 = arith.index_cast %scan3A_558 : i32 to index
        %get3A_560 = arith.constant 0 : index
        %get3A_561 = tpu.vector_load %arg10[%get3A_559, %get3A_560] {strides = array<i32>} : memref<128x128xf32, #tpu.memory_space<vmem>>, vector<1x16xf32>,
        %get3A_562 = vector.shape_cast %get3A_561 : vector<1x16xf32> to vector<16xf32>
        %mul3A_563 = arith.constant 11.3137083 : f32
        %mul3A_564 = vector.broadcast %mul3A_563 : f32 to vector<16xf32>
        %mul3A_565 = arith.mulf %get3A_562, %mul3A_564 : vector<16xf32>
        %swap3A_566 = arith.index_cast %scan3A_558 : i32 to index
        %swap3A_567 = arith.constant 0 : index
        %swap3A_568 = tpu.vector_load %arg10[%swap3A_566, %swap3A_567] {strides = array<i32>} : memref<128x128xf32, #tpu.memory_space<vmem>>, vector<1x16xf32>,
        %swap3A_569 = vector.shape_cast %swap3A_568 : vector<1x16xf32> to vector<16xf32>
        %swap3A_570 = vector.shape_cast %mul3A_565 : vector<16xf32> to vector<1x16xf32>
        tpu.vector_store %arg10[%swap3A_566, %swap3A_567], %swap3A_570 {strides = array<i32>} : memref<128x128xf32, #tpu.memory_space<vmem>>, vector<1x16xf32>,
        %get3A_571 = arith.index_cast %scan3A_558 : i32 to index
        %get3A_572 = arith.constant 16 : index
        %get3A_573 = tpu.vector_load %arg10[%get3A_571, %get3A_572] {strides = array<i32>} : memref<128x128xf32, #tpu.memory_space<vmem>>, vector<1x16xf32>,
        %get3A_574 = vector.shape_cast %get3A_573 : vector<1x16xf32> to vector<16xf32>
        %mul3A_575 = arith.constant 11.3137083 : f32
        %mul3A_576 = vector.broadcast %mul3A_575 : f32 to vector<16xf32>
        %mul3A_577 = arith.mulf %get3A_574, %mul3A_576 : vector<16xf32>
        %swap3A_578 = arith.index_cast %scan3A_558 : i32 to index
        %swap3A_579 = arith.constant 16 : index
        %swap3A_580 = tpu.vector_load %arg10[%swap3A_578, %swap3A_579] {strides = array<i32>} : memref<128x128xf32, #tpu.memory_space<vmem>>, vector<1x16xf32>,
        %swap3A_581 = vector.shape_cast %swap3A_580 : vector<1x16xf32> to vector<16xf32>
        %swap3A_582 = vector.shape_cast %mul3A_577 : vector<16xf32> to vector<1x16xf32>
        tpu.vector_store %arg10[%swap3A_578, %swap3A_579], %swap3A_582 {strides = array<i32>} : memref<128x128xf32, #tpu.memory_space<vmem>>, vector<1x16xf32>,
        %get3A_583 = arith.index_cast %scan3A_558 : i32 to index
        %get3A_584 = arith.constant 32 : index
        %get3A_585 = tpu.vector_load %arg10[%get3A_583, %get3A_584] {strides = array<i32>} : memref<128x128xf32, #tpu.memory_space<vmem>>, vector<1x16xf32>,
        %get3A_586 = vector.shape_cast %get3A_585 : vector<1x16xf32> to vector<16xf32>
        %mul3A_587 = arith.constant 11.3137083 : f32
        %mul3A_588 = vector.broadcast %mul3A_587 : f32 to vector<16xf32>
        %mul3A_589 = arith.mulf %get3A_586, %mul3A_588 : vector<16xf32>
        %swap3A_590 = arith.index_cast %scan3A_558 : i32 to index
        %swap3A_591 = arith.constant 32 : index
        %swap3A_592 = tpu.vector_load %arg10[%swap3A_590, %swap3A_591] {strides = array<i32>} : memref<128x128xf32, #tpu.memory_space<vmem>>, vector<1x16xf32>,
        %swap3A_593 = vector.shape_cast %swap3A_592 : vector<1x16xf32> to vector<16xf32>
        %swap3A_594 = vector.shape_cast %mul3A_589 : vector<16xf32> to vector<1x16xf32>
        tpu.vector_store %arg10[%swap3A_590, %swap3A_591], %swap3A_594 {strides = array<i32>} : memref<128x128xf32, #tpu.memory_space<vmem>>, vector<1x16xf32>,
        %get3A_595 = arith.index_cast %scan3A_558 : i32 to index
        %get3A_596 = arith.constant 48 : index
        %get3A_597 = tpu.vector_load %arg10[%get3A_595, %get3A_596] {strides = array<i32>} : memref<128x128xf32, #tpu.memory_space<vmem>>, vector<1x16xf32>,
        %get3A_598 = vector.shape_cast %get3A_597 : vector<1x16xf32> to vector<16xf32>
        %mul3A_599 = arith.constant 11.3137083 : f32
        %mul3A_600 = vector.broadcast %mul3A_599 : f32 to vector<16xf32>
        %mul3A_601 = arith.mulf %get3A_598, %mul3A_600 : vector<16xf32>
        %swap3A_602 = arith.index_cast %scan3A_558 : i32 to index
        %swap3A_603 = arith.constant 48 : index
        %swap3A_604 = tpu.vector_load %arg10[%swap3A_602, %swap3A_603] {strides = array<i32>} : memref<128x128xf32, #tpu.memory_space<vmem>>, vector<1x16xf32>,
        %swap3A_605 = vector.shape_cast %swap3A_604 : vector<1x16xf32> to vector<16xf32>
        %swap3A_606 = vector.shape_cast %mul3A_601 : vector<16xf32> to vector<1x16xf32>
        tpu.vector_store %arg10[%swap3A_602, %swap3A_603], %swap3A_606 {strides = array<i32>} : memref<128x128xf32, #tpu.memory_space<vmem>>, vector<1x16xf32>,
        %get3A_607 = arith.index_cast %scan3A_558 : i32 to index
        %get3A_608 = arith.constant 64 : index
        %get3A_609 = tpu.vector_load %arg10[%get3A_607, %get3A_608] {strides = array<i32>} : memref<128x128xf32, #tpu.memory_space<vmem>>, vector<1x16xf32>,
        %get3A_610 = vector.shape_cast %get3A_609 : vector<1x16xf32> to vector<16xf32>
        %mul3A_611 = arith.constant 11.3137083 : f32
        %mul3A_612 = vector.broadcast %mul3A_611 : f32 to vector<16xf32>
        %mul3A_613 = arith.mulf %get3A_610, %mul3A_612 : vector<16xf32>
        %swap3A_614 = arith.index_cast %scan3A_558 : i32 to index
        %swap3A_615 = arith.constant 64 : index
        %swap3A_616 = tpu.vector_load %arg10[%swap3A_614, %swap3A_615] {strides = array<i32>} : memref<128x128xf32, #tpu.memory_space<vmem>>, vector<1x16xf32>,
        %swap3A_617 = vector.shape_cast %swap3A_616 : vector<1x16xf32> to vector<16xf32>
        %swap3A_618 = vector.shape_cast %mul3A_613 : vector<16xf32> to vector<1x16xf32>
        tpu.vector_store %arg10[%swap3A_614, %swap3A_615], %swap3A_618 {strides = array<i32>} : memref<128x128xf32, #tpu.memory_space<vmem>>, vector<1x16xf32>,
        %get3A_619 = arith.index_cast %scan3A_558 : i32 to index
        %get3A_620 = arith.constant 80 : index
        %get3A_621 = tpu.vector_load %arg10[%get3A_619, %get3A_620] {strides = array<i32>} : memref<128x128xf32, #tpu.memory_space<vmem>>, vector<1x16xf32>,
        %get3A_622 = vector.shape_cast %get3A_621 : vector<1x16xf32> to vector<16xf32>
        %mul3A_623 = arith.constant 11.3137083 : f32
        %mul3A_624 = vector.broadcast %mul3A_623 : f32 to vector<16xf32>
        %mul3A_625 = arith.mulf %get3A_622, %mul3A_624 : vector<16xf32>
        %swap3A_626 = arith.index_cast %scan3A_558 : i32 to index
        %swap3A_627 = arith.constant 80 : index
        %swap3A_628 = tpu.vector_load %arg10[%swap3A_626, %swap3A_627] {strides = array<i32>} : memref<128x128xf32, #tpu.memory_space<vmem>>, vector<1x16xf32>,
        %swap3A_629 = vector.shape_cast %swap3A_628 : vector<1x16xf32> to vector<16xf32>
        %swap3A_630 = vector.shape_cast %mul3A_625 : vector<16xf32> to vector<1x16xf32>
        tpu.vector_store %arg10[%swap3A_626, %swap3A_627], %swap3A_630 {strides = array<i32>} : memref<128x128xf32, #tpu.memory_space<vmem>>, vector<1x16xf32>,
        %get3A_631 = arith.index_cast %scan3A_558 : i32 to index
        %get3A_632 = arith.constant 96 : index
        %get3A_633 = tpu.vector_load %arg10[%get3A_631, %get3A_632] {strides = array<i32>} : memref<128x128xf32, #tpu.memory_space<vmem>>, vector<1x16xf32>,
        %get3A_634 = vector.shape_cast %get3A_633 : vector<1x16xf32> to vector<16xf32>
        %mul3A_635 = arith.constant 11.3137083 : f32
        %mul3A_636 = vector.broadcast %mul3A_635 : f32 to vector<16xf32>
        %mul3A_637 = arith.mulf %get3A_634, %mul3A_636 : vector<16xf32>
        %swap3A_638 = arith.index_cast %scan3A_558 : i32 to index
        %swap3A_639 = arith.constant 96 : index
        %swap3A_640 = tpu.vector_load %arg10[%swap3A_638, %swap3A_639] {strides = array<i32>} : memref<128x128xf32, #tpu.memory_space<vmem>>, vector<1x16xf32>,
        %swap3A_641 = vector.shape_cast %swap3A_640 : vector<1x16xf32> to vector<16xf32>
        %swap3A_642 = vector.shape_cast %mul3A_637 : vector<16xf32> to vector<1x16xf32>
        tpu.vector_store %arg10[%swap3A_638, %swap3A_639], %swap3A_642 {strides = array<i32>} : memref<128x128xf32, #tpu.memory_space<vmem>>, vector<1x16xf32>,
        %get3A_643 = arith.index_cast %scan3A_558 : i32 to index
        %get3A_644 = arith.constant 112 : index
        %get3A_645 = tpu.vector_load %arg10[%get3A_643, %get3A_644] {strides = array<i32>} : memref<128x128xf32, #tpu.memory_space<vmem>>, vector<1x16xf32>,
        %get3A_646 = vector.shape_cast %get3A_645 : vector<1x16xf32> to vector<16xf32>
        %mul3A_647 = arith.constant 11.3137083 : f32
        %mul3A_648 = vector.broadcast %mul3A_647 : f32 to vector<16xf32>
        %mul3A_649 = arith.mulf %get3A_646, %mul3A_648 : vector<16xf32>
        %swap3A_650 = arith.index_cast %scan3A_558 : i32 to index
        %swap3A_651 = arith.constant 112 : index
        %swap3A_652 = tpu.vector_load %arg10[%swap3A_650, %swap3A_651] {strides = array<i32>} : memref<128x128xf32, #tpu.memory_space<vmem>>, vector<1x16xf32>,
        %swap3A_653 = vector.shape_cast %swap3A_652 : vector<1x16xf32> to vector<16xf32>
        %swap3A_654 = vector.shape_cast %mul3A_649 : vector<16xf32> to vector<1x16xf32>
        tpu.vector_store %arg10[%swap3A_650, %swap3A_651], %swap3A_654 {strides = array<i32>} : memref<128x128xf32, #tpu.memory_space<vmem>>, vector<1x16xf32>,
      }
      %scan3A_302 = arith.constant 128 : i32
      %mul3A_303 = arith.constant 128 : i32
      %mul3A_304 = arith.muli %add3A_273, %mul3A_303 : i32
      %add3A_305 = arith.addi %mul3A_2, %mul3A_304 : i32
      %dma_start3A_306 = arith.constant 0 : i32
      %dma_start3A_307 = tpu.memref_slice %arg4[%add3A_305, %dma_start3A_306] : memref<819200x128xf32, #tpu.memory_space<hbm>> -> memref<128x128xf32, #tpu.memory_space<hbm>>
      %dma_start3A_308 = arith.constant 0 : i32
      %dma_start3A_309 = tpu.memref_slice %arg4[%add3A_305, %dma_start3A_308] : memref<819200x128xf32, #tpu.memory_space<hbm>> -> memref<128x128xf32, #tpu.memory_space<hbm>>
      tpu.enqueue_dma source(%arg10 : memref<128x128xf32, #tpu.memory_space<vmem>>) target(%dma_start3A_309 : memref<128x128xf32, #tpu.memory_space<hbm>>) target_semaphore(%arg22 : memref<!tpu.dma_semaphore, #tpu.memory_space<semaphore_mem>>)
      %add3A_310 = arith.constant 2 : i32
      %add3A_311 = arith.addi %add3A_234, %add3A_310 : i32
      %sub3A_312 = arith.constant 3 : i32
      %sub3A_313 = arith.subi %add3A_311, %sub3A_312 : i32
      %mul3A_314 = arith.constant 128 : i32
      %mul3A_315 = arith.muli %sub3A_313, %mul3A_314 : i32
      %add3A_316 = arith.addi %mul3A_2, %mul3A_315 : i32
      %dma_wait3A_317 = arith.constant 0 : i32
      %dma_wait3A_318 = tpu.memref_slice %arg4[%add3A_316, %dma_wait3A_317] : memref<819200x128xf32, #tpu.memory_space<hbm>> -> memref<128x128xf32, #tpu.memory_space<hbm>>
      %dma_wait3A_319 = arith.constant 0 : i32
      %dma_wait3A_320 = tpu.memref_slice %arg4[%add3A_316, %dma_wait3A_319] : memref<819200x128xf32, #tpu.memory_space<hbm>> -> memref<128x128xf32, #tpu.memory_space<hbm>>
      tpu.wait_dma2 semaphore(%arg20 : memref<!tpu.dma_semaphore, #tpu.memory_space<semaphore_mem>>) src(%arg8 : memref<128x128xf32, #tpu.memory_space<vmem>>) dst(%dma_wait3A_320 : memref<128x128xf32, #tpu.memory_space<hbm>>)
      %add3A_321 = arith.constant 3 : i32
      %add3A_322 = arith.addi %add3A_311, %add3A_321 : i32
      %mul3A_323 = arith.constant 128 : i32
      %mul3A_324 = arith.muli %add3A_322, %mul3A_323 : i32
      %dma_start3A_325 = tpu.memref_slice %arg5[%mul3A_324] : memref<25600xi32, #tpu.memory_space<vmem>> -> memref<128xi32, #tpu.memory_space<vmem>>
      %dma_start3A_326 = arith.constant 0 : i32
      %dma_start3A_327 = arith.constant 0 : i32
      %dma_start3A_328 = tpu.memref_slice %arg2[%dma_start3A_326, %dma_start3A_327] : memref<100000x128xf32, #tpu.memory_space<hbm>> -> memref<100000x128xf32, #tpu.memory_space<hbm>>
      tpu.enqueue_indirect_dma source(%dma_start3A_328 : memref<100000x128xf32, #tpu.memory_space<hbm>>) target(%arg8 : memref<128x128xf32, #tpu.memory_space<vmem>>) offsets(%dma_start3A_325 : memref<128xi32, #tpu.memory_space<vmem>>) semaphore(%arg14 : memref<!tpu.dma_semaphore, #tpu.memory_space<semaphore_mem>>)
      %mul3A_329 = arith.constant 128 : i32
      %mul3A_330 = arith.muli %add3A_311, %mul3A_329 : i32
      %dma_wait3A_331 = tpu.memref_slice %arg5[%mul3A_330] : memref<25600xi32, #tpu.memory_space<vmem>> -> memref<128xi32, #tpu.memory_space<vmem>>
      %dma_wait3A_332 = arith.constant 0 : i32
      %dma_wait3A_333 = arith.constant 0 : i32
      %dma_wait3A_334 = tpu.memref_slice %arg2[%dma_wait3A_332, %dma_wait3A_333] : memref<100000x128xf32, #tpu.memory_space<hbm>> -> memref<100000x128xf32, #tpu.memory_space<hbm>>
      tpu.wait_indirect_dma semaphore(%arg17 : memref<!tpu.dma_semaphore, #tpu.memory_space<semaphore_mem>>) src(%dma_wait3A_334 : memref<100000x128xf32, #tpu.memory_space<hbm>>) dst(%arg11 : memref<128x128xf32, #tpu.memory_space<vmem>>)
      %scan3A_335 = arith.constant 0 : i32
      %scan3A_336 = arith.constant 0 : i32
      %scan3A_337 = arith.constant 128 : i32
      %scan3A_338 = arith.addi %scan3A_336, %scan3A_337 : i32
      %scan3A_339 = arith.constant 2 : i32
      scf.for %scan3A_462 = %scan3A_336 to %scan3A_338 step %scan3A_339  : i32 {
        %get3A = arith.index_cast %scan3A_462 : i32 to index
        %get3A_463 = arith.constant 0 : index
        %get3A_464 = tpu.vector_load %arg11[%get3A, %get3A_463] {strides = array<i32>} : memref<128x128xf32, #tpu.memory_space<vmem>>, vector<1x16xf32>,
        %get3A_465 = vector.shape_cast %get3A_464 : vector<1x16xf32> to vector<16xf32>
        %mul3A_466 = arith.constant 11.3137083 : f32
        %mul3A_467 = vector.broadcast %mul3A_466 : f32 to vector<16xf32>
        %mul3A_468 = arith.mulf %get3A_465, %mul3A_467 : vector<16xf32>
        %swap3A = arith.index_cast %scan3A_462 : i32 to index
        %swap3A_469 = arith.constant 0 : index
        %swap3A_470 = tpu.vector_load %arg11[%swap3A, %swap3A_469] {strides = array<i32>} : memref<128x128xf32, #tpu.memory_space<vmem>>, vector<1x16xf32>,
        %swap3A_471 = vector.shape_cast %swap3A_470 : vector<1x16xf32> to vector<16xf32>
        %swap3A_472 = vector.shape_cast %mul3A_468 : vector<16xf32> to vector<1x16xf32>
        tpu.vector_store %arg11[%swap3A, %swap3A_469], %swap3A_472 {strides = array<i32>} : memref<128x128xf32, #tpu.memory_space<vmem>>, vector<1x16xf32>,
        %get3A_473 = arith.index_cast %scan3A_462 : i32 to index
        %get3A_474 = arith.constant 16 : index
        %get3A_475 = tpu.vector_load %arg11[%get3A_473, %get3A_474] {strides = array<i32>} : memref<128x128xf32, #tpu.memory_space<vmem>>, vector<1x16xf32>,
        %get3A_476 = vector.shape_cast %get3A_475 : vector<1x16xf32> to vector<16xf32>
        %mul3A_477 = arith.constant 11.3137083 : f32
        %mul3A_478 = vector.broadcast %mul3A_477 : f32 to vector<16xf32>
        %mul3A_479 = arith.mulf %get3A_476, %mul3A_478 : vector<16xf32>
        %swap3A_480 = arith.index_cast %scan3A_462 : i32 to index
        %swap3A_481 = arith.constant 16 : index
        %swap3A_482 = tpu.vector_load %arg11[%swap3A_480, %swap3A_481] {strides = array<i32>} : memref<128x128xf32, #tpu.memory_space<vmem>>, vector<1x16xf32>,
        %swap3A_483 = vector.shape_cast %swap3A_482 : vector<1x16xf32> to vector<16xf32>
        %swap3A_484 = vector.shape_cast %mul3A_479 : vector<16xf32> to vector<1x16xf32>
        tpu.vector_store %arg11[%swap3A_480, %swap3A_481], %swap3A_484 {strides = array<i32>} : memref<128x128xf32, #tpu.memory_space<vmem>>, vector<1x16xf32>,
        %get3A_485 = arith.index_cast %scan3A_462 : i32 to index
        %get3A_486 = arith.constant 32 : index
        %get3A_487 = tpu.vector_load %arg11[%get3A_485, %get3A_486] {strides = array<i32>} : memref<128x128xf32, #tpu.memory_space<vmem>>, vector<1x16xf32>,
        %get3A_488 = vector.shape_cast %get3A_487 : vector<1x16xf32> to vector<16xf32>
        %mul3A_489 = arith.constant 11.3137083 : f32
        %mul3A_490 = vector.broadcast %mul3A_489 : f32 to vector<16xf32>
        %mul3A_491 = arith.mulf %get3A_488, %mul3A_490 : vector<16xf32>
        %swap3A_492 = arith.index_cast %scan3A_462 : i32 to index
        %swap3A_493 = arith.constant 32 : index
        %swap3A_494 = tpu.vector_load %arg11[%swap3A_492, %swap3A_493] {strides = array<i32>} : memref<128x128xf32, #tpu.memory_space<vmem>>, vector<1x16xf32>,
        %swap3A_495 = vector.shape_cast %swap3A_494 : vector<1x16xf32> to vector<16xf32>
        %swap3A_496 = vector.shape_cast %mul3A_491 : vector<16xf32> to vector<1x16xf32>
        tpu.vector_store %arg11[%swap3A_492, %swap3A_493], %swap3A_496 {strides = array<i32>} : memref<128x128xf32, #tpu.memory_space<vmem>>, vector<1x16xf32>,
        %get3A_497 = arith.index_cast %scan3A_462 : i32 to index
        %get3A_498 = arith.constant 48 : index
        %get3A_499 = tpu.vector_load %arg11[%get3A_497, %get3A_498] {strides = array<i32>} : memref<128x128xf32, #tpu.memory_space<vmem>>, vector<1x16xf32>,
        %get3A_500 = vector.shape_cast %get3A_499 : vector<1x16xf32> to vector<16xf32>
        %mul3A_501 = arith.constant 11.3137083 : f32
        %mul3A_502 = vector.broadcast %mul3A_501 : f32 to vector<16xf32>
        %mul3A_503 = arith.mulf %get3A_500, %mul3A_502 : vector<16xf32>
        %swap3A_504 = arith.index_cast %scan3A_462 : i32 to index
        %swap3A_505 = arith.constant 48 : index
        %swap3A_506 = tpu.vector_load %arg11[%swap3A_504, %swap3A_505] {strides = array<i32>} : memref<128x128xf32, #tpu.memory_space<vmem>>, vector<1x16xf32>,
        %swap3A_507 = vector.shape_cast %swap3A_506 : vector<1x16xf32> to vector<16xf32>
        %swap3A_508 = vector.shape_cast %mul3A_503 : vector<16xf32> to vector<1x16xf32>
        tpu.vector_store %arg11[%swap3A_504, %swap3A_505], %swap3A_508 {strides = array<i32>} : memref<128x128xf32, #tpu.memory_space<vmem>>, vector<1x16xf32>,
        %get3A_509 = arith.index_cast %scan3A_462 : i32 to index
        %get3A_510 = arith.constant 64 : index
        %get3A_511 = tpu.vector_load %arg11[%get3A_509, %get3A_510] {strides = array<i32>} : memref<128x128xf32, #tpu.memory_space<vmem>>, vector<1x16xf32>,
        %get3A_512 = vector.shape_cast %get3A_511 : vector<1x16xf32> to vector<16xf32>
        %mul3A_513 = arith.constant 11.3137083 : f32
        %mul3A_514 = vector.broadcast %mul3A_513 : f32 to vector<16xf32>
        %mul3A_515 = arith.mulf %get3A_512, %mul3A_514 : vector<16xf32>
        %swap3A_516 = arith.index_cast %scan3A_462 : i32 to index
        %swap3A_517 = arith.constant 64 : index
        %swap3A_518 = tpu.vector_load %arg11[%swap3A_516, %swap3A_517] {strides = array<i32>} : memref<128x128xf32, #tpu.memory_space<vmem>>, vector<1x16xf32>,
        %swap3A_519 = vector.shape_cast %swap3A_518 : vector<1x16xf32> to vector<16xf32>
        %swap3A_520 = vector.shape_cast %mul3A_515 : vector<16xf32> to vector<1x16xf32>
        tpu.vector_store %arg11[%swap3A_516, %swap3A_517], %swap3A_520 {strides = array<i32>} : memref<128x128xf32, #tpu.memory_space<vmem>>, vector<1x16xf32>,
        %get3A_521 = arith.index_cast %scan3A_462 : i32 to index
        %get3A_522 = arith.constant 80 : index
        %get3A_523 = tpu.vector_load %arg11[%get3A_521, %get3A_522] {strides = array<i32>} : memref<128x128xf32, #tpu.memory_space<vmem>>, vector<1x16xf32>,
        %get3A_524 = vector.shape_cast %get3A_523 : vector<1x16xf32> to vector<16xf32>
        %mul3A_525 = arith.constant 11.3137083 : f32
        %mul3A_526 = vector.broadcast %mul3A_525 : f32 to vector<16xf32>
        %mul3A_527 = arith.mulf %get3A_524, %mul3A_526 : vector<16xf32>
        %swap3A_528 = arith.index_cast %scan3A_462 : i32 to index
        %swap3A_529 = arith.constant 80 : index
        %swap3A_530 = tpu.vector_load %arg11[%swap3A_528, %swap3A_529] {strides = array<i32>} : memref<128x128xf32, #tpu.memory_space<vmem>>, vector<1x16xf32>,
        %swap3A_531 = vector.shape_cast %swap3A_530 : vector<1x16xf32> to vector<16xf32>
        %swap3A_532 = vector.shape_cast %mul3A_527 : vector<16xf32> to vector<1x16xf32>
        tpu.vector_store %arg11[%swap3A_528, %swap3A_529], %swap3A_532 {strides = array<i32>} : memref<128x128xf32, #tpu.memory_space<vmem>>, vector<1x16xf32>,
        %get3A_533 = arith.index_cast %scan3A_462 : i32 to index
        %get3A_534 = arith.constant 96 : index
        %get3A_535 = tpu.vector_load %arg11[%get3A_533, %get3A_534] {strides = array<i32>} : memref<128x128xf32, #tpu.memory_space<vmem>>, vector<1x16xf32>,
        %get3A_536 = vector.shape_cast %get3A_535 : vector<1x16xf32> to vector<16xf32>
        %mul3A_537 = arith.constant 11.3137083 : f32
        %mul3A_538 = vector.broadcast %mul3A_537 : f32 to vector<16xf32>
        %mul3A_539 = arith.mulf %get3A_536, %mul3A_538 : vector<16xf32>
        %swap3A_540 = arith.index_cast %scan3A_462 : i32 to index
        %swap3A_541 = arith.constant 96 : index
        %swap3A_542 = tpu.vector_load %arg11[%swap3A_540, %swap3A_541] {strides = array<i32>} : memref<128x128xf32, #tpu.memory_space<vmem>>, vector<1x16xf32>,
        %swap3A_543 = vector.shape_cast %swap3A_542 : vector<1x16xf32> to vector<16xf32>
        %swap3A_544 = vector.shape_cast %mul3A_539 : vector<16xf32> to vector<1x16xf32>
        tpu.vector_store %arg11[%swap3A_540, %swap3A_541], %swap3A_544 {strides = array<i32>} : memref<128x128xf32, #tpu.memory_space<vmem>>, vector<1x16xf32>,
        %get3A_545 = arith.index_cast %scan3A_462 : i32 to index
        %get3A_546 = arith.constant 112 : index
        %get3A_547 = tpu.vector_load %arg11[%get3A_545, %get3A_546] {strides = array<i32>} : memref<128x128xf32, #tpu.memory_space<vmem>>, vector<1x16xf32>,
        %get3A_548 = vector.shape_cast %get3A_547 : vector<1x16xf32> to vector<16xf32>
        %mul3A_549 = arith.constant 11.3137083 : f32
        %mul3A_550 = vector.broadcast %mul3A_549 : f32 to vector<16xf32>
        %mul3A_551 = arith.mulf %get3A_548, %mul3A_550 : vector<16xf32>
        %swap3A_552 = arith.index_cast %scan3A_462 : i32 to index
        %swap3A_553 = arith.constant 112 : index
        %swap3A_554 = tpu.vector_load %arg11[%swap3A_552, %swap3A_553] {strides = array<i32>} : memref<128x128xf32, #tpu.memory_space<vmem>>, vector<1x16xf32>,
        %swap3A_555 = vector.shape_cast %swap3A_554 : vector<1x16xf32> to vector<16xf32>
        %swap3A_556 = vector.shape_cast %mul3A_551 : vector<16xf32> to vector<1x16xf32>
        tpu.vector_store %arg11[%swap3A_552, %swap3A_553], %swap3A_556 {strides = array<i32>} : memref<128x128xf32, #tpu.memory_space<vmem>>, vector<1x16xf32>,
        %scan3A_557 = arith.constant 1 : i32
        %scan3A_558 = arith.addi %scan3A_462, %scan3A_557 : i32
        %get3A_559 = arith.index_cast %scan3A_558 : i32 to index
        %get3A_560 = arith.constant 0 : index
        %get3A_561 = tpu.vector_load %arg11[%get3A_559, %get3A_560] {strides = array<i32>} : memref<128x128xf32, #tpu.memory_space<vmem>>, vector<1x16xf32>,
        %get3A_562 = vector.shape_cast %get3A_561 : vector<1x16xf32> to vector<16xf32>
        %mul3A_563 = arith.constant 11.3137083 : f32
        %mul3A_564 = vector.broadcast %mul3A_563 : f32 to vector<16xf32>
        %mul3A_565 = arith.mulf %get3A_562, %mul3A_564 : vector<16xf32>
        %swap3A_566 = arith.index_cast %scan3A_558 : i32 to index
        %swap3A_567 = arith.constant 0 : index
        %swap3A_568 = tpu.vector_load %arg11[%swap3A_566, %swap3A_567] {strides = array<i32>} : memref<128x128xf32, #tpu.memory_space<vmem>>, vector<1x16xf32>,
        %swap3A_569 = vector.shape_cast %swap3A_568 : vector<1x16xf32> to vector<16xf32>
        %swap3A_570 = vector.shape_cast %mul3A_565 : vector<16xf32> to vector<1x16xf32>
        tpu.vector_store %arg11[%swap3A_566, %swap3A_567], %swap3A_570 {strides = array<i32>} : memref<128x128xf32, #tpu.memory_space<vmem>>, vector<1x16xf32>,
        %get3A_571 = arith.index_cast %scan3A_558 : i32 to index
        %get3A_572 = arith.constant 16 : index
        %get3A_573 = tpu.vector_load %arg11[%get3A_571, %get3A_572] {strides = array<i32>} : memref<128x128xf32, #tpu.memory_space<vmem>>, vector<1x16xf32>,
        %get3A_574 = vector.shape_cast %get3A_573 : vector<1x16xf32> to vector<16xf32>
        %mul3A_575 = arith.constant 11.3137083 : f32
        %mul3A_576 = vector.broadcast %mul3A_575 : f32 to vector<16xf32>
        %mul3A_577 = arith.mulf %get3A_574, %mul3A_576 : vector<16xf32>
        %swap3A_578 = arith.index_cast %scan3A_558 : i32 to index
        %swap3A_579 = arith.constant 16 : index
        %swap3A_580 = tpu.vector_load %arg11[%swap3A_578, %swap3A_579] {strides = array<i32>} : memref<128x128xf32, #tpu.memory_space<vmem>>, vector<1x16xf32>,
        %swap3A_581 = vector.shape_cast %swap3A_580 : vector<1x16xf32> to vector<16xf32>
        %swap3A_582 = vector.shape_cast %mul3A_577 : vector<16xf32> to vector<1x16xf32>
        tpu.vector_store %arg11[%swap3A_578, %swap3A_579], %swap3A_582 {strides = array<i32>} : memref<128x128xf32, #tpu.memory_space<vmem>>, vector<1x16xf32>,
        %get3A_583 = arith.index_cast %scan3A_558 : i32 to index
        %get3A_584 = arith.constant 32 : index
        %get3A_585 = tpu.vector_load %arg11[%get3A_583, %get3A_584] {strides = array<i32>} : memref<128x128xf32, #tpu.memory_space<vmem>>, vector<1x16xf32>,
        %get3A_586 = vector.shape_cast %get3A_585 : vector<1x16xf32> to vector<16xf32>
        %mul3A_587 = arith.constant 11.3137083 : f32
        %mul3A_588 = vector.broadcast %mul3A_587 : f32 to vector<16xf32>
        %mul3A_589 = arith.mulf %get3A_586, %mul3A_588 : vector<16xf32>
        %swap3A_590 = arith.index_cast %scan3A_558 : i32 to index
        %swap3A_591 = arith.constant 32 : index
        %swap3A_592 = tpu.vector_load %arg11[%swap3A_590, %swap3A_591] {strides = array<i32>} : memref<128x128xf32, #tpu.memory_space<vmem>>, vector<1x16xf32>,
        %swap3A_593 = vector.shape_cast %swap3A_592 : vector<1x16xf32> to vector<16xf32>
        %swap3A_594 = vector.shape_cast %mul3A_589 : vector<16xf32> to vector<1x16xf32>
        tpu.vector_store %arg11[%swap3A_590, %swap3A_591], %swap3A_594 {strides = array<i32>} : memref<128x128xf32, #tpu.memory_space<vmem>>, vector<1x16xf32>,
        %get3A_595 = arith.index_cast %scan3A_558 : i32 to index
        %get3A_596 = arith.constant 48 : index
        %get3A_597 = tpu.vector_load %arg11[%get3A_595, %get3A_596] {strides = array<i32>} : memref<128x128xf32, #tpu.memory_space<vmem>>, vector<1x16xf32>,
        %get3A_598 = vector.shape_cast %get3A_597 : vector<1x16xf32> to vector<16xf32>
        %mul3A_599 = arith.constant 11.3137083 : f32
        %mul3A_600 = vector.broadcast %mul3A_599 : f32 to vector<16xf32>
        %mul3A_601 = arith.mulf %get3A_598, %mul3A_600 : vector<16xf32>
        %swap3A_602 = arith.index_cast %scan3A_558 : i32 to index
        %swap3A_603 = arith.constant 48 : index
        %swap3A_604 = tpu.vector_load %arg11[%swap3A_602, %swap3A_603] {strides = array<i32>} : memref<128x128xf32, #tpu.memory_space<vmem>>, vector<1x16xf32>,
        %swap3A_605 = vector.shape_cast %swap3A_604 : vector<1x16xf32> to vector<16xf32>
        %swap3A_606 = vector.shape_cast %mul3A_601 : vector<16xf32> to vector<1x16xf32>
        tpu.vector_store %arg11[%swap3A_602, %swap3A_603], %swap3A_606 {strides = array<i32>} : memref<128x128xf32, #tpu.memory_space<vmem>>, vector<1x16xf32>,
        %get3A_607 = arith.index_cast %scan3A_558 : i32 to index
        %get3A_608 = arith.constant 64 : index
        %get3A_609 = tpu.vector_load %arg11[%get3A_607, %get3A_608] {strides = array<i32>} : memref<128x128xf32, #tpu.memory_space<vmem>>, vector<1x16xf32>,
        %get3A_610 = vector.shape_cast %get3A_609 : vector<1x16xf32> to vector<16xf32>
        %mul3A_611 = arith.constant 11.3137083 : f32
        %mul3A_612 = vector.broadcast %mul3A_611 : f32 to vector<16xf32>
        %mul3A_613 = arith.mulf %get3A_610, %mul3A_612 : vector<16xf32>
        %swap3A_614 = arith.index_cast %scan3A_558 : i32 to index
        %swap3A_615 = arith.constant 64 : index
        %swap3A_616 = tpu.vector_load %arg11[%swap3A_614, %swap3A_615] {strides = array<i32>} : memref<128x128xf32, #tpu.memory_space<vmem>>, vector<1x16xf32>,
        %swap3A_617 = vector.shape_cast %swap3A_616 : vector<1x16xf32> to vector<16xf32>
        %swap3A_618 = vector.shape_cast %mul3A_613 : vector<16xf32> to vector<1x16xf32>
        tpu.vector_store %arg11[%swap3A_614, %swap3A_615], %swap3A_618 {strides = array<i32>} : memref<128x128xf32, #tpu.memory_space<vmem>>, vector<1x16xf32>,
        %get3A_619 = arith.index_cast %scan3A_558 : i32 to index
        %get3A_620 = arith.constant 80 : index
        %get3A_621 = tpu.vector_load %arg11[%get3A_619, %get3A_620] {strides = array<i32>} : memref<128x128xf32, #tpu.memory_space<vmem>>, vector<1x16xf32>,
        %get3A_622 = vector.shape_cast %get3A_621 : vector<1x16xf32> to vector<16xf32>
        %mul3A_623 = arith.constant 11.3137083 : f32
        %mul3A_624 = vector.broadcast %mul3A_623 : f32 to vector<16xf32>
        %mul3A_625 = arith.mulf %get3A_622, %mul3A_624 : vector<16xf32>
        %swap3A_626 = arith.index_cast %scan3A_558 : i32 to index
        %swap3A_627 = arith.constant 80 : index
        %swap3A_628 = tpu.vector_load %arg11[%swap3A_626, %swap3A_627] {strides = array<i32>} : memref<128x128xf32, #tpu.memory_space<vmem>>, vector<1x16xf32>,
        %swap3A_629 = vector.shape_cast %swap3A_628 : vector<1x16xf32> to vector<16xf32>
        %swap3A_630 = vector.shape_cast %mul3A_625 : vector<16xf32> to vector<1x16xf32>
        tpu.vector_store %arg11[%swap3A_626, %swap3A_627], %swap3A_630 {strides = array<i32>} : memref<128x128xf32, #tpu.memory_space<vmem>>, vector<1x16xf32>,
        %get3A_631 = arith.index_cast %scan3A_558 : i32 to index
        %get3A_632 = arith.constant 96 : index
        %get3A_633 = tpu.vector_load %arg11[%get3A_631, %get3A_632] {strides = array<i32>} : memref<128x128xf32, #tpu.memory_space<vmem>>, vector<1x16xf32>,
        %get3A_634 = vector.shape_cast %get3A_633 : vector<1x16xf32> to vector<16xf32>
        %mul3A_635 = arith.constant 11.3137083 : f32
        %mul3A_636 = vector.broadcast %mul3A_635 : f32 to vector<16xf32>
        %mul3A_637 = arith.mulf %get3A_634, %mul3A_636 : vector<16xf32>
        %swap3A_638 = arith.index_cast %scan3A_558 : i32 to index
        %swap3A_639 = arith.constant 96 : index
        %swap3A_640 = tpu.vector_load %arg11[%swap3A_638, %swap3A_639] {strides = array<i32>} : memref<128x128xf32, #tpu.memory_space<vmem>>, vector<1x16xf32>,
        %swap3A_641 = vector.shape_cast %swap3A_640 : vector<1x16xf32> to vector<16xf32>
        %swap3A_642 = vector.shape_cast %mul3A_637 : vector<16xf32> to vector<1x16xf32>
        tpu.vector_store %arg11[%swap3A_638, %swap3A_639], %swap3A_642 {strides = array<i32>} : memref<128x128xf32, #tpu.memory_space<vmem>>, vector<1x16xf32>,
        %get3A_643 = arith.index_cast %scan3A_558 : i32 to index
        %get3A_644 = arith.constant 112 : index
        %get3A_645 = tpu.vector_load %arg11[%get3A_643, %get3A_644] {strides = array<i32>} : memref<128x128xf32, #tpu.memory_space<vmem>>, vector<1x16xf32>,
        %get3A_646 = vector.shape_cast %get3A_645 : vector<1x16xf32> to vector<16xf32>
        %mul3A_647 = arith.constant 11.3137083 : f32
        %mul3A_648 = vector.broadcast %mul3A_647 : f32 to vector<16xf32>
        %mul3A_649 = arith.mulf %get3A_646, %mul3A_648 : vector<16xf32>
        %swap3A_650 = arith.index_cast %scan3A_558 : i32 to index
        %swap3A_651 = arith.constant 112 : index
        %swap3A_652 = tpu.vector_load %arg11[%swap3A_650, %swap3A_651] {strides = array<i32>} : memref<128x128xf32, #tpu.memory_space<vmem>>, vector<1x16xf32>,
        %swap3A_653 = vector.shape_cast %swap3A_652 : vector<1x16xf32> to vector<16xf32>
        %swap3A_654 = vector.shape_cast %mul3A_649 : vector<16xf32> to vector<1x16xf32>
        tpu.vector_store %arg11[%swap3A_650, %swap3A_651], %swap3A_654 {strides = array<i32>} : memref<128x128xf32, #tpu.memory_space<vmem>>, vector<1x16xf32>,
      }
      %scan3A_340 = arith.constant 128 : i32
      %mul3A_341 = arith.constant 128 : i32
      %mul3A_342 = arith.muli %add3A_311, %mul3A_341 : i32
      %add3A_343 = arith.addi %mul3A_2, %mul3A_342 : i32
      %dma_start3A_344 = arith.constant 0 : i32
      %dma_start3A_345 = tpu.memref_slice %arg4[%add3A_343, %dma_start3A_344] : memref<819200x128xf32, #tpu.memory_space<hbm>> -> memref<128x128xf32, #tpu.memory_space<hbm>>
      %dma_start3A_346 = arith.constant 0 : i32
      %dma_start3A_347 = tpu.memref_slice %arg4[%add3A_343, %dma_start3A_346] : memref<819200x128xf32, #tpu.memory_space<hbm>> -> memref<128x128xf32, #tpu.memory_space<hbm>>
      tpu.enqueue_dma source(%arg11 : memref<128x128xf32, #tpu.memory_space<vmem>>) target(%dma_start3A_347 : memref<128x128xf32, #tpu.memory_space<hbm>>) target_semaphore(%arg23 : memref<!tpu.dma_semaphore, #tpu.memory_space<semaphore_mem>>)
      %add3A_348 = arith.constant 3 : i32
      %add3A_349 = arith.addi %add3A_234, %add3A_348 : i32
      %sub3A_350 = arith.constant 3 : i32
      %sub3A_351 = arith.subi %add3A_349, %sub3A_350 : i32
      %mul3A_352 = arith.constant 128 : i32
      %mul3A_353 = arith.muli %sub3A_351, %mul3A_352 : i32
      %add3A_354 = arith.addi %mul3A_2, %mul3A_353 : i32
      %dma_wait3A_355 = arith.constant 0 : i32
      %dma_wait3A_356 = tpu.memref_slice %arg4[%add3A_354, %dma_wait3A_355] : memref<819200x128xf32, #tpu.memory_space<hbm>> -> memref<128x128xf32, #tpu.memory_space<hbm>>
      %dma_wait3A_357 = arith.constant 0 : i32
      %dma_wait3A_358 = tpu.memref_slice %arg4[%add3A_354, %dma_wait3A_357] : memref<819200x128xf32, #tpu.memory_space<hbm>> -> memref<128x128xf32, #tpu.memory_space<hbm>>
      tpu.wait_dma2 semaphore(%arg21 : memref<!tpu.dma_semaphore, #tpu.memory_space<semaphore_mem>>) src(%arg9 : memref<128x128xf32, #tpu.memory_space<vmem>>) dst(%dma_wait3A_358 : memref<128x128xf32, #tpu.memory_space<hbm>>)
      %add3A_359 = arith.constant 3 : i32
      %add3A_360 = arith.addi %add3A_349, %add3A_359 : i32
      %mul3A_361 = arith.constant 128 : i32
      %mul3A_362 = arith.muli %add3A_360, %mul3A_361 : i32
      %dma_start3A_363 = tpu.memref_slice %arg5[%mul3A_362] : memref<25600xi32, #tpu.memory_space<vmem>> -> memref<128xi32, #tpu.memory_space<vmem>>
      %dma_start3A_364 = arith.constant 0 : i32
      %dma_start3A_365 = arith.constant 0 : i32
      %dma_start3A_366 = tpu.memref_slice %arg2[%dma_start3A_364, %dma_start3A_365] : memref<100000x128xf32, #tpu.memory_space<hbm>> -> memref<100000x128xf32, #tpu.memory_space<hbm>>
      tpu.enqueue_indirect_dma source(%dma_start3A_366 : memref<100000x128xf32, #tpu.memory_space<hbm>>) target(%arg9 : memref<128x128xf32, #tpu.memory_space<vmem>>) offsets(%dma_start3A_363 : memref<128xi32, #tpu.memory_space<vmem>>) semaphore(%arg15 : memref<!tpu.dma_semaphore, #tpu.memory_space<semaphore_mem>>)
      %mul3A_367 = arith.constant 128 : i32
      %mul3A_368 = arith.muli %add3A_349, %mul3A_367 : i32
      %dma_wait3A_369 = tpu.memref_slice %arg5[%mul3A_368] : memref<25600xi32, #tpu.memory_space<vmem>> -> memref<128xi32, #tpu.memory_space<vmem>>
      %dma_wait3A_370 = arith.constant 0 : i32
      %dma_wait3A_371 = arith.constant 0 : i32
      %dma_wait3A_372 = tpu.memref_slice %arg2[%dma_wait3A_370, %dma_wait3A_371] : memref<100000x128xf32, #tpu.memory_space<hbm>> -> memref<100000x128xf32, #tpu.memory_space<hbm>>
      tpu.wait_indirect_dma semaphore(%arg12 : memref<!tpu.dma_semaphore, #tpu.memory_space<semaphore_mem>>) src(%dma_wait3A_372 : memref<100000x128xf32, #tpu.memory_space<hbm>>) dst(%arg6 : memref<128x128xf32, #tpu.memory_space<vmem>>)
      %scan3A_373 = arith.constant 0 : i32
      %scan3A_374 = arith.constant 0 : i32
      %scan3A_375 = arith.constant 128 : i32
      %scan3A_376 = arith.addi %scan3A_374, %scan3A_375 : i32
      %scan3A_377 = arith.constant 2 : i32
      scf.for %scan3A_462 = %scan3A_374 to %scan3A_376 step %scan3A_377  : i32 {
        %get3A = arith.index_cast %scan3A_462 : i32 to index
        %get3A_463 = arith.constant 0 : index
        %get3A_464 = tpu.vector_load %arg6[%get3A, %get3A_463] {strides = array<i32>} : memref<128x128xf32, #tpu.memory_space<vmem>>, vector<1x16xf32>,
        %get3A_465 = vector.shape_cast %get3A_464 : vector<1x16xf32> to vector<16xf32>
        %mul3A_466 = arith.constant 11.3137083 : f32
        %mul3A_467 = vector.broadcast %mul3A_466 : f32 to vector<16xf32>
        %mul3A_468 = arith.mulf %get3A_465, %mul3A_467 : vector<16xf32>
        %swap3A = arith.index_cast %scan3A_462 : i32 to index
        %swap3A_469 = arith.constant 0 : index
        %swap3A_470 = tpu.vector_load %arg6[%swap3A, %swap3A_469] {strides = array<i32>} : memref<128x128xf32, #tpu.memory_space<vmem>>, vector<1x16xf32>,
        %swap3A_471 = vector.shape_cast %swap3A_470 : vector<1x16xf32> to vector<16xf32>
        %swap3A_472 = vector.shape_cast %mul3A_468 : vector<16xf32> to vector<1x16xf32>
        tpu.vector_store %arg6[%swap3A, %swap3A_469], %swap3A_472 {strides = array<i32>} : memref<128x128xf32, #tpu.memory_space<vmem>>, vector<1x16xf32>,
        %get3A_473 = arith.index_cast %scan3A_462 : i32 to index
        %get3A_474 = arith.constant 16 : index
        %get3A_475 = tpu.vector_load %arg6[%get3A_473, %get3A_474] {strides = array<i32>} : memref<128x128xf32, #tpu.memory_space<vmem>>, vector<1x16xf32>,
        %get3A_476 = vector.shape_cast %get3A_475 : vector<1x16xf32> to vector<16xf32>
        %mul3A_477 = arith.constant 11.3137083 : f32
        %mul3A_478 = vector.broadcast %mul3A_477 : f32 to vector<16xf32>
        %mul3A_479 = arith.mulf %get3A_476, %mul3A_478 : vector<16xf32>
        %swap3A_480 = arith.index_cast %scan3A_462 : i32 to index
        %swap3A_481 = arith.constant 16 : index
        %swap3A_482 = tpu.vector_load %arg6[%swap3A_480, %swap3A_481] {strides = array<i32>} : memref<128x128xf32, #tpu.memory_space<vmem>>, vector<1x16xf32>,
        %swap3A_483 = vector.shape_cast %swap3A_482 : vector<1x16xf32> to vector<16xf32>
        %swap3A_484 = vector.shape_cast %mul3A_479 : vector<16xf32> to vector<1x16xf32>
        tpu.vector_store %arg6[%swap3A_480, %swap3A_481], %swap3A_484 {strides = array<i32>} : memref<128x128xf32, #tpu.memory_space<vmem>>, vector<1x16xf32>,
        %get3A_485 = arith.index_cast %scan3A_462 : i32 to index
        %get3A_486 = arith.constant 32 : index
        %get3A_487 = tpu.vector_load %arg6[%get3A_485, %get3A_486] {strides = array<i32>} : memref<128x128xf32, #tpu.memory_space<vmem>>, vector<1x16xf32>,
        %get3A_488 = vector.shape_cast %get3A_487 : vector<1x16xf32> to vector<16xf32>
        %mul3A_489 = arith.constant 11.3137083 : f32
        %mul3A_490 = vector.broadcast %mul3A_489 : f32 to vector<16xf32>
        %mul3A_491 = arith.mulf %get3A_488, %mul3A_490 : vector<16xf32>
        %swap3A_492 = arith.index_cast %scan3A_462 : i32 to index
        %swap3A_493 = arith.constant 32 : index
        %swap3A_494 = tpu.vector_load %arg6[%swap3A_492, %swap3A_493] {strides = array<i32>} : memref<128x128xf32, #tpu.memory_space<vmem>>, vector<1x16xf32>,
        %swap3A_495 = vector.shape_cast %swap3A_494 : vector<1x16xf32> to vector<16xf32>
        %swap3A_496 = vector.shape_cast %mul3A_491 : vector<16xf32> to vector<1x16xf32>
        tpu.vector_store %arg6[%swap3A_492, %swap3A_493], %swap3A_496 {strides = array<i32>} : memref<128x128xf32, #tpu.memory_space<vmem>>, vector<1x16xf32>,
        %get3A_497 = arith.index_cast %scan3A_462 : i32 to index
        %get3A_498 = arith.constant 48 : index
        %get3A_499 = tpu.vector_load %arg6[%get3A_497, %get3A_498] {strides = array<i32>} : memref<128x128xf32, #tpu.memory_space<vmem>>, vector<1x16xf32>,
        %get3A_500 = vector.shape_cast %get3A_499 : vector<1x16xf32> to vector<16xf32>
        %mul3A_501 = arith.constant 11.3137083 : f32
        %mul3A_502 = vector.broadcast %mul3A_501 : f32 to vector<16xf32>
        %mul3A_503 = arith.mulf %get3A_500, %mul3A_502 : vector<16xf32>
        %swap3A_504 = arith.index_cast %scan3A_462 : i32 to index
        %swap3A_505 = arith.constant 48 : index
        %swap3A_506 = tpu.vector_load %arg6[%swap3A_504, %swap3A_505] {strides = array<i32>} : memref<128x128xf32, #tpu.memory_space<vmem>>, vector<1x16xf32>,
        %swap3A_507 = vector.shape_cast %swap3A_506 : vector<1x16xf32> to vector<16xf32>
        %swap3A_508 = vector.shape_cast %mul3A_503 : vector<16xf32> to vector<1x16xf32>
        tpu.vector_store %arg6[%swap3A_504, %swap3A_505], %swap3A_508 {strides = array<i32>} : memref<128x128xf32, #tpu.memory_space<vmem>>, vector<1x16xf32>,
        %get3A_509 = arith.index_cast %scan3A_462 : i32 to index
        %get3A_510 = arith.constant 64 : index
        %get3A_511 = tpu.vector_load %arg6[%get3A_509, %get3A_510] {strides = array<i32>} : memref<128x128xf32, #tpu.memory_space<vmem>>, vector<1x16xf32>,
        %get3A_512 = vector.shape_cast %get3A_511 : vector<1x16xf32> to vector<16xf32>
        %mul3A_513 = arith.constant 11.3137083 : f32
        %mul3A_514 = vector.broadcast %mul3A_513 : f32 to vector<16xf32>
        %mul3A_515 = arith.mulf %get3A_512, %mul3A_514 : vector<16xf32>
        %swap3A_516 = arith.index_cast %scan3A_462 : i32 to index
        %swap3A_517 = arith.constant 64 : index
        %swap3A_518 = tpu.vector_load %arg6[%swap3A_516, %swap3A_517] {strides = array<i32>} : memref<128x128xf32, #tpu.memory_space<vmem>>, vector<1x16xf32>,
        %swap3A_519 = vector.shape_cast %swap3A_518 : vector<1x16xf32> to vector<16xf32>
        %swap3A_520 = vector.shape_cast %mul3A_515 : vector<16xf32> to vector<1x16xf32>
        tpu.vector_store %arg6[%swap3A_516, %swap3A_517], %swap3A_520 {strides = array<i32>} : memref<128x128xf32, #tpu.memory_space<vmem>>, vector<1x16xf32>,
        %get3A_521 = arith.index_cast %scan3A_462 : i32 to index
        %get3A_522 = arith.constant 80 : index
        %get3A_523 = tpu.vector_load %arg6[%get3A_521, %get3A_522] {strides = array<i32>} : memref<128x128xf32, #tpu.memory_space<vmem>>, vector<1x16xf32>,
        %get3A_524 = vector.shape_cast %get3A_523 : vector<1x16xf32> to vector<16xf32>
        %mul3A_525 = arith.constant 11.3137083 : f32
        %mul3A_526 = vector.broadcast %mul3A_525 : f32 to vector<16xf32>
        %mul3A_527 = arith.mulf %get3A_524, %mul3A_526 : vector<16xf32>
        %swap3A_528 = arith.index_cast %scan3A_462 : i32 to index
        %swap3A_529 = arith.constant 80 : index
        %swap3A_530 = tpu.vector_load %arg6[%swap3A_528, %swap3A_529] {strides = array<i32>} : memref<128x128xf32, #tpu.memory_space<vmem>>, vector<1x16xf32>,
        %swap3A_531 = vector.shape_cast %swap3A_530 : vector<1x16xf32> to vector<16xf32>
        %swap3A_532 = vector.shape_cast %mul3A_527 : vector<16xf32> to vector<1x16xf32>
        tpu.vector_store %arg6[%swap3A_528, %swap3A_529], %swap3A_532 {strides = array<i32>} : memref<128x128xf32, #tpu.memory_space<vmem>>, vector<1x16xf32>,
        %get3A_533 = arith.index_cast %scan3A_462 : i32 to index
        %get3A_534 = arith.constant 96 : index
        %get3A_535 = tpu.vector_load %arg6[%get3A_533, %get3A_534] {strides = array<i32>} : memref<128x128xf32, #tpu.memory_space<vmem>>, vector<1x16xf32>,
        %get3A_536 = vector.shape_cast %get3A_535 : vector<1x16xf32> to vector<16xf32>
        %mul3A_537 = arith.constant 11.3137083 : f32
        %mul3A_538 = vector.broadcast %mul3A_537 : f32 to vector<16xf32>
        %mul3A_539 = arith.mulf %get3A_536, %mul3A_538 : vector<16xf32>
        %swap3A_540 = arith.index_cast %scan3A_462 : i32 to index
        %swap3A_541 = arith.constant 96 : index
        %swap3A_542 = tpu.vector_load %arg6[%swap3A_540, %swap3A_541] {strides = array<i32>} : memref<128x128xf32, #tpu.memory_space<vmem>>, vector<1x16xf32>,
        %swap3A_543 = vector.shape_cast %swap3A_542 : vector<1x16xf32> to vector<16xf32>
        %swap3A_544 = vector.shape_cast %mul3A_539 : vector<16xf32> to vector<1x16xf32>
        tpu.vector_store %arg6[%swap3A_540, %swap3A_541], %swap3A_544 {strides = array<i32>} : memref<128x128xf32, #tpu.memory_space<vmem>>, vector<1x16xf32>,
        %get3A_545 = arith.index_cast %scan3A_462 : i32 to index
        %get3A_546 = arith.constant 112 : index
        %get3A_547 = tpu.vector_load %arg6[%get3A_545, %get3A_546] {strides = array<i32>} : memref<128x128xf32, #tpu.memory_space<vmem>>, vector<1x16xf32>,
        %get3A_548 = vector.shape_cast %get3A_547 : vector<1x16xf32> to vector<16xf32>
        %mul3A_549 = arith.constant 11.3137083 : f32
        %mul3A_550 = vector.broadcast %mul3A_549 : f32 to vector<16xf32>
        %mul3A_551 = arith.mulf %get3A_548, %mul3A_550 : vector<16xf32>
        %swap3A_552 = arith.index_cast %scan3A_462 : i32 to index
        %swap3A_553 = arith.constant 112 : index
        %swap3A_554 = tpu.vector_load %arg6[%swap3A_552, %swap3A_553] {strides = array<i32>} : memref<128x128xf32, #tpu.memory_space<vmem>>, vector<1x16xf32>,
        %swap3A_555 = vector.shape_cast %swap3A_554 : vector<1x16xf32> to vector<16xf32>
        %swap3A_556 = vector.shape_cast %mul3A_551 : vector<16xf32> to vector<1x16xf32>
        tpu.vector_store %arg6[%swap3A_552, %swap3A_553], %swap3A_556 {strides = array<i32>} : memref<128x128xf32, #tpu.memory_space<vmem>>, vector<1x16xf32>,
        %scan3A_557 = arith.constant 1 : i32
        %scan3A_558 = arith.addi %scan3A_462, %scan3A_557 : i32
        %get3A_559 = arith.index_cast %scan3A_558 : i32 to index
        %get3A_560 = arith.constant 0 : index
        %get3A_561 = tpu.vector_load %arg6[%get3A_559, %get3A_560] {strides = array<i32>} : memref<128x128xf32, #tpu.memory_space<vmem>>, vector<1x16xf32>,
        %get3A_562 = vector.shape_cast %get3A_561 : vector<1x16xf32> to vector<16xf32>
        %mul3A_563 = arith.constant 11.3137083 : f32
        %mul3A_564 = vector.broadcast %mul3A_563 : f32 to vector<16xf32>
        %mul3A_565 = arith.mulf %get3A_562, %mul3A_564 : vector<16xf32>
        %swap3A_566 = arith.index_cast %scan3A_558 : i32 to index
        %swap3A_567 = arith.constant 0 : index
        %swap3A_568 = tpu.vector_load %arg6[%swap3A_566, %swap3A_567] {strides = array<i32>} : memref<128x128xf32, #tpu.memory_space<vmem>>, vector<1x16xf32>,
        %swap3A_569 = vector.shape_cast %swap3A_568 : vector<1x16xf32> to vector<16xf32>
        %swap3A_570 = vector.shape_cast %mul3A_565 : vector<16xf32> to vector<1x16xf32>
        tpu.vector_store %arg6[%swap3A_566, %swap3A_567], %swap3A_570 {strides = array<i32>} : memref<128x128xf32, #tpu.memory_space<vmem>>, vector<1x16xf32>,
        %get3A_571 = arith.index_cast %scan3A_558 : i32 to index
        %get3A_572 = arith.constant 16 : index
        %get3A_573 = tpu.vector_load %arg6[%get3A_571, %get3A_572] {strides = array<i32>} : memref<128x128xf32, #tpu.memory_space<vmem>>, vector<1x16xf32>,
        %get3A_574 = vector.shape_cast %get3A_573 : vector<1x16xf32> to vector<16xf32>
        %mul3A_575 = arith.constant 11.3137083 : f32
        %mul3A_576 = vector.broadcast %mul3A_575 : f32 to vector<16xf32>
        %mul3A_577 = arith.mulf %get3A_574, %mul3A_576 : vector<16xf32>
        %swap3A_578 = arith.index_cast %scan3A_558 : i32 to index
        %swap3A_579 = arith.constant 16 : index
        %swap3A_580 = tpu.vector_load %arg6[%swap3A_578, %swap3A_579] {strides = array<i32>} : memref<128x128xf32, #tpu.memory_space<vmem>>, vector<1x16xf32>,
        %swap3A_581 = vector.shape_cast %swap3A_580 : vector<1x16xf32> to vector<16xf32>
        %swap3A_582 = vector.shape_cast %mul3A_577 : vector<16xf32> to vector<1x16xf32>
        tpu.vector_store %arg6[%swap3A_578, %swap3A_579], %swap3A_582 {strides = array<i32>} : memref<128x128xf32, #tpu.memory_space<vmem>>, vector<1x16xf32>,
        %get3A_583 = arith.index_cast %scan3A_558 : i32 to index
        %get3A_584 = arith.constant 32 : index
        %get3A_585 = tpu.vector_load %arg6[%get3A_583, %get3A_584] {strides = array<i32>} : memref<128x128xf32, #tpu.memory_space<vmem>>, vector<1x16xf32>,
        %get3A_586 = vector.shape_cast %get3A_585 : vector<1x16xf32> to vector<16xf32>
        %mul3A_587 = arith.constant 11.3137083 : f32
        %mul3A_588 = vector.broadcast %mul3A_587 : f32 to vector<16xf32>
        %mul3A_589 = arith.mulf %get3A_586, %mul3A_588 : vector<16xf32>
        %swap3A_590 = arith.index_cast %scan3A_558 : i32 to index
        %swap3A_591 = arith.constant 32 : index
        %swap3A_592 = tpu.vector_load %arg6[%swap3A_590, %swap3A_591] {strides = array<i32>} : memref<128x128xf32, #tpu.memory_space<vmem>>, vector<1x16xf32>,
        %swap3A_593 = vector.shape_cast %swap3A_592 : vector<1x16xf32> to vector<16xf32>
        %swap3A_594 = vector.shape_cast %mul3A_589 : vector<16xf32> to vector<1x16xf32>
        tpu.vector_store %arg6[%swap3A_590, %swap3A_591], %swap3A_594 {strides = array<i32>} : memref<128x128xf32, #tpu.memory_space<vmem>>, vector<1x16xf32>,
        %get3A_595 = arith.index_cast %scan3A_558 : i32 to index
        %get3A_596 = arith.constant 48 : index
        %get3A_597 = tpu.vector_load %arg6[%get3A_595, %get3A_596] {strides = array<i32>} : memref<128x128xf32, #tpu.memory_space<vmem>>, vector<1x16xf32>,
        %get3A_598 = vector.shape_cast %get3A_597 : vector<1x16xf32> to vector<16xf32>
        %mul3A_599 = arith.constant 11.3137083 : f32
        %mul3A_600 = vector.broadcast %mul3A_599 : f32 to vector<16xf32>
        %mul3A_601 = arith.mulf %get3A_598, %mul3A_600 : vector<16xf32>
        %swap3A_602 = arith.index_cast %scan3A_558 : i32 to index
        %swap3A_603 = arith.constant 48 : index
        %swap3A_604 = tpu.vector_load %arg6[%swap3A_602, %swap3A_603] {strides = array<i32>} : memref<128x128xf32, #tpu.memory_space<vmem>>, vector<1x16xf32>,
        %swap3A_605 = vector.shape_cast %swap3A_604 : vector<1x16xf32> to vector<16xf32>
        %swap3A_606 = vector.shape_cast %mul3A_601 : vector<16xf32> to vector<1x16xf32>
        tpu.vector_store %arg6[%swap3A_602, %swap3A_603], %swap3A_606 {strides = array<i32>} : memref<128x128xf32, #tpu.memory_space<vmem>>, vector<1x16xf32>,
        %get3A_607 = arith.index_cast %scan3A_558 : i32 to index
        %get3A_608 = arith.constant 64 : index
        %get3A_609 = tpu.vector_load %arg6[%get3A_607, %get3A_608] {strides = array<i32>} : memref<128x128xf32, #tpu.memory_space<vmem>>, vector<1x16xf32>,
        %get3A_610 = vector.shape_cast %get3A_609 : vector<1x16xf32> to vector<16xf32>
        %mul3A_611 = arith.constant 11.3137083 : f32
        %mul3A_612 = vector.broadcast %mul3A_611 : f32 to vector<16xf32>
        %mul3A_613 = arith.mulf %get3A_610, %mul3A_612 : vector<16xf32>
        %swap3A_614 = arith.index_cast %scan3A_558 : i32 to index
        %swap3A_615 = arith.constant 64 : index
        %swap3A_616 = tpu.vector_load %arg6[%swap3A_614, %swap3A_615] {strides = array<i32>} : memref<128x128xf32, #tpu.memory_space<vmem>>, vector<1x16xf32>,
        %swap3A_617 = vector.shape_cast %swap3A_616 : vector<1x16xf32> to vector<16xf32>
        %swap3A_618 = vector.shape_cast %mul3A_613 : vector<16xf32> to vector<1x16xf32>
        tpu.vector_store %arg6[%swap3A_614, %swap3A_615], %swap3A_618 {strides = array<i32>} : memref<128x128xf32, #tpu.memory_space<vmem>>, vector<1x16xf32>,
        %get3A_619 = arith.index_cast %scan3A_558 : i32 to index
        %get3A_620 = arith.constant 80 : index
        %get3A_621 = tpu.vector_load %arg6[%get3A_619, %get3A_620] {strides = array<i32>} : memref<128x128xf32, #tpu.memory_space<vmem>>, vector<1x16xf32>,
        %get3A_622 = vector.shape_cast %get3A_621 : vector<1x16xf32> to vector<16xf32>
        %mul3A_623 = arith.constant 11.3137083 : f32
        %mul3A_624 = vector.broadcast %mul3A_623 : f32 to vector<16xf32>
        %mul3A_625 = arith.mulf %get3A_622, %mul3A_624 : vector<16xf32>
        %swap3A_626 = arith.index_cast %scan3A_558 : i32 to index
        %swap3A_627 = arith.constant 80 : index
        %swap3A_628 = tpu.vector_load %arg6[%swap3A_626, %swap3A_627] {strides = array<i32>} : memref<128x128xf32, #tpu.memory_space<vmem>>, vector<1x16xf32>,
        %swap3A_629 = vector.shape_cast %swap3A_628 : vector<1x16xf32> to vector<16xf32>
        %swap3A_630 = vector.shape_cast %mul3A_625 : vector<16xf32> to vector<1x16xf32>
        tpu.vector_store %arg6[%swap3A_626, %swap3A_627], %swap3A_630 {strides = array<i32>} : memref<128x128xf32, #tpu.memory_space<vmem>>, vector<1x16xf32>,
        %get3A_631 = arith.index_cast %scan3A_558 : i32 to index
        %get3A_632 = arith.constant 96 : index
        %get3A_633 = tpu.vector_load %arg6[%get3A_631, %get3A_632] {strides = array<i32>} : memref<128x128xf32, #tpu.memory_space<vmem>>, vector<1x16xf32>,
        %get3A_634 = vector.shape_cast %get3A_633 : vector<1x16xf32> to vector<16xf32>
        %mul3A_635 = arith.constant 11.3137083 : f32
        %mul3A_636 = vector.broadcast %mul3A_635 : f32 to vector<16xf32>
        %mul3A_637 = arith.mulf %get3A_634, %mul3A_636 : vector<16xf32>
        %swap3A_638 = arith.index_cast %scan3A_558 : i32 to index
        %swap3A_639 = arith.constant 96 : index
        %swap3A_640 = tpu.vector_load %arg6[%swap3A_638, %swap3A_639] {strides = array<i32>} : memref<128x128xf32, #tpu.memory_space<vmem>>, vector<1x16xf32>,
        %swap3A_641 = vector.shape_cast %swap3A_640 : vector<1x16xf32> to vector<16xf32>
        %swap3A_642 = vector.shape_cast %mul3A_637 : vector<16xf32> to vector<1x16xf32>
        tpu.vector_store %arg6[%swap3A_638, %swap3A_639], %swap3A_642 {strides = array<i32>} : memref<128x128xf32, #tpu.memory_space<vmem>>, vector<1x16xf32>,
        %get3A_643 = arith.index_cast %scan3A_558 : i32 to index
        %get3A_644 = arith.constant 112 : index
        %get3A_645 = tpu.vector_load %arg6[%get3A_643, %get3A_644] {strides = array<i32>} : memref<128x128xf32, #tpu.memory_space<vmem>>, vector<1x16xf32>,
        %get3A_646 = vector.shape_cast %get3A_645 : vector<1x16xf32> to vector<16xf32>
        %mul3A_647 = arith.constant 11.3137083 : f32
        %mul3A_648 = vector.broadcast %mul3A_647 : f32 to vector<16xf32>
        %mul3A_649 = arith.mulf %get3A_646, %mul3A_648 : vector<16xf32>
        %swap3A_650 = arith.index_cast %scan3A_558 : i32 to index
        %swap3A_651 = arith.constant 112 : index
        %swap3A_652 = tpu.vector_load %arg6[%swap3A_650, %swap3A_651] {strides = array<i32>} : memref<128x128xf32, #tpu.memory_space<vmem>>, vector<1x16xf32>,
        %swap3A_653 = vector.shape_cast %swap3A_652 : vector<1x16xf32> to vector<16xf32>
        %swap3A_654 = vector.shape_cast %mul3A_649 : vector<16xf32> to vector<1x16xf32>
        tpu.vector_store %arg6[%swap3A_650, %swap3A_651], %swap3A_654 {strides = array<i32>} : memref<128x128xf32, #tpu.memory_space<vmem>>, vector<1x16xf32>,
      }
      %scan3A_378 = arith.constant 128 : i32
      %mul3A_379 = arith.constant 128 : i32
      %mul3A_380 = arith.muli %add3A_349, %mul3A_379 : i32
      %add3A_381 = arith.addi %mul3A_2, %mul3A_380 : i32
      %dma_start3A_382 = arith.constant 0 : i32
      %dma_start3A_383 = tpu.memref_slice %arg4[%add3A_381, %dma_start3A_382] : memref<819200x128xf32, #tpu.memory_space<hbm>> -> memref<128x128xf32, #tpu.memory_space<hbm>>
      %dma_start3A_384 = arith.constant 0 : i32
      %dma_start3A_385 = tpu.memref_slice %arg4[%add3A_381, %dma_start3A_384] : memref<819200x128xf32, #tpu.memory_space<hbm>> -> memref<128x128xf32, #tpu.memory_space<hbm>>
      tpu.enqueue_dma source(%arg6 : memref<128x128xf32, #tpu.memory_space<vmem>>) target(%dma_start3A_385 : memref<128x128xf32, #tpu.memory_space<hbm>>) target_semaphore(%arg18 : memref<!tpu.dma_semaphore, #tpu.memory_space<semaphore_mem>>)
      %add3A_386 = arith.constant 4 : i32
      %add3A_387 = arith.addi %add3A_234, %add3A_386 : i32
      %sub3A_388 = arith.constant 3 : i32
      %sub3A_389 = arith.subi %add3A_387, %sub3A_388 : i32
      %mul3A_390 = arith.constant 128 : i32
      %mul3A_391 = arith.muli %sub3A_389, %mul3A_390 : i32
      %add3A_392 = arith.addi %mul3A_2, %mul3A_391 : i32
      %dma_wait3A_393 = arith.constant 0 : i32
      %dma_wait3A_394 = tpu.memref_slice %arg4[%add3A_392, %dma_wait3A_393] : memref<819200x128xf32, #tpu.memory_space<hbm>> -> memref<128x128xf32, #tpu.memory_space<hbm>>
      %dma_wait3A_395 = arith.constant 0 : i32
      %dma_wait3A_396 = tpu.memref_slice %arg4[%add3A_392, %dma_wait3A_395] : memref<819200x128xf32, #tpu.memory_space<hbm>> -> memref<128x128xf32, #tpu.memory_space<hbm>>
      tpu.wait_dma2 semaphore(%arg22 : memref<!tpu.dma_semaphore, #tpu.memory_space<semaphore_mem>>) src(%arg10 : memref<128x128xf32, #tpu.memory_space<vmem>>) dst(%dma_wait3A_396 : memref<128x128xf32, #tpu.memory_space<hbm>>)
      %add3A_397 = arith.constant 3 : i32
      %add3A_398 = arith.addi %add3A_387, %add3A_397 : i32
      %mul3A_399 = arith.constant 128 : i32
      %mul3A_400 = arith.muli %add3A_398, %mul3A_399 : i32
      %dma_start3A_401 = tpu.memref_slice %arg5[%mul3A_400] : memref<25600xi32, #tpu.memory_space<vmem>> -> memref<128xi32, #tpu.memory_space<vmem>>
      %dma_start3A_402 = arith.constant 0 : i32
      %dma_start3A_403 = arith.constant 0 : i32
      %dma_start3A_404 = tpu.memref_slice %arg2[%dma_start3A_402, %dma_start3A_403] : memref<100000x128xf32, #tpu.memory_space<hbm>> -> memref<100000x128xf32, #tpu.memory_space<hbm>>
      tpu.enqueue_indirect_dma source(%dma_start3A_404 : memref<100000x128xf32, #tpu.memory_space<hbm>>) target(%arg10 : memref<128x128xf32, #tpu.memory_space<vmem>>) offsets(%dma_start3A_401 : memref<128xi32, #tpu.memory_space<vmem>>) semaphore(%arg16 : memref<!tpu.dma_semaphore, #tpu.memory_space<semaphore_mem>>)
      %mul3A_405 = arith.constant 128 : i32
      %mul3A_406 = arith.muli %add3A_387, %mul3A_405 : i32
      %dma_wait3A_407 = tpu.memref_slice %arg5[%mul3A_406] : memref<25600xi32, #tpu.memory_space<vmem>> -> memref<128xi32, #tpu.memory_space<vmem>>
      %dma_wait3A_408 = arith.constant 0 : i32
      %dma_wait3A_409 = arith.constant 0 : i32
      %dma_wait3A_410 = tpu.memref_slice %arg2[%dma_wait3A_408, %dma_wait3A_409] : memref<100000x128xf32, #tpu.memory_space<hbm>> -> memref<100000x128xf32, #tpu.memory_space<hbm>>
      tpu.wait_indirect_dma semaphore(%arg13 : memref<!tpu.dma_semaphore, #tpu.memory_space<semaphore_mem>>) src(%dma_wait3A_410 : memref<100000x128xf32, #tpu.memory_space<hbm>>) dst(%arg7 : memref<128x128xf32, #tpu.memory_space<vmem>>)
      %scan3A_411 = arith.constant 0 : i32
      %scan3A_412 = arith.constant 0 : i32
      %scan3A_413 = arith.constant 128 : i32
      %scan3A_414 = arith.addi %scan3A_412, %scan3A_413 : i32
      %scan3A_415 = arith.constant 2 : i32
      scf.for %scan3A_462 = %scan3A_412 to %scan3A_414 step %scan3A_415  : i32 {
        %get3A = arith.index_cast %scan3A_462 : i32 to index
        %get3A_463 = arith.constant 0 : index
        %get3A_464 = tpu.vector_load %arg7[%get3A, %get3A_463] {strides = array<i32>} : memref<128x128xf32, #tpu.memory_space<vmem>>, vector<1x16xf32>,
        %get3A_465 = vector.shape_cast %get3A_464 : vector<1x16xf32> to vector<16xf32>
        %mul3A_466 = arith.constant 11.3137083 : f32
        %mul3A_467 = vector.broadcast %mul3A_466 : f32 to vector<16xf32>
        %mul3A_468 = arith.mulf %get3A_465, %mul3A_467 : vector<16xf32>
        %swap3A = arith.index_cast %scan3A_462 : i32 to index
        %swap3A_469 = arith.constant 0 : index
        %swap3A_470 = tpu.vector_load %arg7[%swap3A, %swap3A_469] {strides = array<i32>} : memref<128x128xf32, #tpu.memory_space<vmem>>, vector<1x16xf32>,
        %swap3A_471 = vector.shape_cast %swap3A_470 : vector<1x16xf32> to vector<16xf32>
        %swap3A_472 = vector.shape_cast %mul3A_468 : vector<16xf32> to vector<1x16xf32>
        tpu.vector_store %arg7[%swap3A, %swap3A_469], %swap3A_472 {strides = array<i32>} : memref<128x128xf32, #tpu.memory_space<vmem>>, vector<1x16xf32>,
        %get3A_473 = arith.index_cast %scan3A_462 : i32 to index
        %get3A_474 = arith.constant 16 : index
        %get3A_475 = tpu.vector_load %arg7[%get3A_473, %get3A_474] {strides = array<i32>} : memref<128x128xf32, #tpu.memory_space<vmem>>, vector<1x16xf32>,
        %get3A_476 = vector.shape_cast %get3A_475 : vector<1x16xf32> to vector<16xf32>
        %mul3A_477 = arith.constant 11.3137083 : f32
        %mul3A_478 = vector.broadcast %mul3A_477 : f32 to vector<16xf32>
        %mul3A_479 = arith.mulf %get3A_476, %mul3A_478 : vector<16xf32>
        %swap3A_480 = arith.index_cast %scan3A_462 : i32 to index
        %swap3A_481 = arith.constant 16 : index
        %swap3A_482 = tpu.vector_load %arg7[%swap3A_480, %swap3A_481] {strides = array<i32>} : memref<128x128xf32, #tpu.memory_space<vmem>>, vector<1x16xf32>,
        %swap3A_483 = vector.shape_cast %swap3A_482 : vector<1x16xf32> to vector<16xf32>
        %swap3A_484 = vector.shape_cast %mul3A_479 : vector<16xf32> to vector<1x16xf32>
        tpu.vector_store %arg7[%swap3A_480, %swap3A_481], %swap3A_484 {strides = array<i32>} : memref<128x128xf32, #tpu.memory_space<vmem>>, vector<1x16xf32>,
        %get3A_485 = arith.index_cast %scan3A_462 : i32 to index
        %get3A_486 = arith.constant 32 : index
        %get3A_487 = tpu.vector_load %arg7[%get3A_485, %get3A_486] {strides = array<i32>} : memref<128x128xf32, #tpu.memory_space<vmem>>, vector<1x16xf32>,
        %get3A_488 = vector.shape_cast %get3A_487 : vector<1x16xf32> to vector<16xf32>
        %mul3A_489 = arith.constant 11.3137083 : f32
        %mul3A_490 = vector.broadcast %mul3A_489 : f32 to vector<16xf32>
        %mul3A_491 = arith.mulf %get3A_488, %mul3A_490 : vector<16xf32>
        %swap3A_492 = arith.index_cast %scan3A_462 : i32 to index
        %swap3A_493 = arith.constant 32 : index
        %swap3A_494 = tpu.vector_load %arg7[%swap3A_492, %swap3A_493] {strides = array<i32>} : memref<128x128xf32, #tpu.memory_space<vmem>>, vector<1x16xf32>,
        %swap3A_495 = vector.shape_cast %swap3A_494 : vector<1x16xf32> to vector<16xf32>
        %swap3A_496 = vector.shape_cast %mul3A_491 : vector<16xf32> to vector<1x16xf32>
        tpu.vector_store %arg7[%swap3A_492, %swap3A_493], %swap3A_496 {strides = array<i32>} : memref<128x128xf32, #tpu.memory_space<vmem>>, vector<1x16xf32>,
        %get3A_497 = arith.index_cast %scan3A_462 : i32 to index
        %get3A_498 = arith.constant 48 : index
        %get3A_499 = tpu.vector_load %arg7[%get3A_497, %get3A_498] {strides = array<i32>} : memref<128x128xf32, #tpu.memory_space<vmem>>, vector<1x16xf32>,
        %get3A_500 = vector.shape_cast %get3A_499 : vector<1x16xf32> to vector<16xf32>
        %mul3A_501 = arith.constant 11.3137083 : f32
        %mul3A_502 = vector.broadcast %mul3A_501 : f32 to vector<16xf32>
        %mul3A_503 = arith.mulf %get3A_500, %mul3A_502 : vector<16xf32>
        %swap3A_504 = arith.index_cast %scan3A_462 : i32 to index
        %swap3A_505 = arith.constant 48 : index
        %swap3A_506 = tpu.vector_load %arg7[%swap3A_504, %swap3A_505] {strides = array<i32>} : memref<128x128xf32, #tpu.memory_space<vmem>>, vector<1x16xf32>,
        %swap3A_507 = vector.shape_cast %swap3A_506 : vector<1x16xf32> to vector<16xf32>
        %swap3A_508 = vector.shape_cast %mul3A_503 : vector<16xf32> to vector<1x16xf32>
        tpu.vector_store %arg7[%swap3A_504, %swap3A_505], %swap3A_508 {strides = array<i32>} : memref<128x128xf32, #tpu.memory_space<vmem>>, vector<1x16xf32>,
        %get3A_509 = arith.index_cast %scan3A_462 : i32 to index
        %get3A_510 = arith.constant 64 : index
        %get3A_511 = tpu.vector_load %arg7[%get3A_509, %get3A_510] {strides = array<i32>} : memref<128x128xf32, #tpu.memory_space<vmem>>, vector<1x16xf32>,
        %get3A_512 = vector.shape_cast %get3A_511 : vector<1x16xf32> to vector<16xf32>
        %mul3A_513 = arith.constant 11.3137083 : f32
        %mul3A_514 = vector.broadcast %mul3A_513 : f32 to vector<16xf32>
        %mul3A_515 = arith.mulf %get3A_512, %mul3A_514 : vector<16xf32>
        %swap3A_516 = arith.index_cast %scan3A_462 : i32 to index
        %swap3A_517 = arith.constant 64 : index
        %swap3A_518 = tpu.vector_load %arg7[%swap3A_516, %swap3A_517] {strides = array<i32>} : memref<128x128xf32, #tpu.memory_space<vmem>>, vector<1x16xf32>,
        %swap3A_519 = vector.shape_cast %swap3A_518 : vector<1x16xf32> to vector<16xf32>
        %swap3A_520 = vector.shape_cast %mul3A_515 : vector<16xf32> to vector<1x16xf32>
        tpu.vector_store %arg7[%swap3A_516, %swap3A_517], %swap3A_520 {strides = array<i32>} : memref<128x128xf32, #tpu.memory_space<vmem>>, vector<1x16xf32>,
        %get3A_521 = arith.index_cast %scan3A_462 : i32 to index
        %get3A_522 = arith.constant 80 : index
        %get3A_523 = tpu.vector_load %arg7[%get3A_521, %get3A_522] {strides = array<i32>} : memref<128x128xf32, #tpu.memory_space<vmem>>, vector<1x16xf32>,
        %get3A_524 = vector.shape_cast %get3A_523 : vector<1x16xf32> to vector<16xf32>
        %mul3A_525 = arith.constant 11.3137083 : f32
        %mul3A_526 = vector.broadcast %mul3A_525 : f32 to vector<16xf32>
        %mul3A_527 = arith.mulf %get3A_524, %mul3A_526 : vector<16xf32>
        %swap3A_528 = arith.index_cast %scan3A_462 : i32 to index
        %swap3A_529 = arith.constant 80 : index
        %swap3A_530 = tpu.vector_load %arg7[%swap3A_528, %swap3A_529] {strides = array<i32>} : memref<128x128xf32, #tpu.memory_space<vmem>>, vector<1x16xf32>,
        %swap3A_531 = vector.shape_cast %swap3A_530 : vector<1x16xf32> to vector<16xf32>
        %swap3A_532 = vector.shape_cast %mul3A_527 : vector<16xf32> to vector<1x16xf32>
        tpu.vector_store %arg7[%swap3A_528, %swap3A_529], %swap3A_532 {strides = array<i32>} : memref<128x128xf32, #tpu.memory_space<vmem>>, vector<1x16xf32>,
        %get3A_533 = arith.index_cast %scan3A_462 : i32 to index
        %get3A_534 = arith.constant 96 : index
        %get3A_535 = tpu.vector_load %arg7[%get3A_533, %get3A_534] {strides = array<i32>} : memref<128x128xf32, #tpu.memory_space<vmem>>, vector<1x16xf32>,
        %get3A_536 = vector.shape_cast %get3A_535 : vector<1x16xf32> to vector<16xf32>
        %mul3A_537 = arith.constant 11.3137083 : f32
        %mul3A_538 = vector.broadcast %mul3A_537 : f32 to vector<16xf32>
        %mul3A_539 = arith.mulf %get3A_536, %mul3A_538 : vector<16xf32>
        %swap3A_540 = arith.index_cast %scan3A_462 : i32 to index
        %swap3A_541 = arith.constant 96 : index
        %swap3A_542 = tpu.vector_load %arg7[%swap3A_540, %swap3A_541] {strides = array<i32>} : memref<128x128xf32, #tpu.memory_space<vmem>>, vector<1x16xf32>,
        %swap3A_543 = vector.shape_cast %swap3A_542 : vector<1x16xf32> to vector<16xf32>
        %swap3A_544 = vector.shape_cast %mul3A_539 : vector<16xf32> to vector<1x16xf32>
        tpu.vector_store %arg7[%swap3A_540, %swap3A_541], %swap3A_544 {strides = array<i32>} : memref<128x128xf32, #tpu.memory_space<vmem>>, vector<1x16xf32>,
        %get3A_545 = arith.index_cast %scan3A_462 : i32 to index
        %get3A_546 = arith.constant 112 : index
        %get3A_547 = tpu.vector_load %arg7[%get3A_545, %get3A_546] {strides = array<i32>} : memref<128x128xf32, #tpu.memory_space<vmem>>, vector<1x16xf32>,
        %get3A_548 = vector.shape_cast %get3A_547 : vector<1x16xf32> to vector<16xf32>
        %mul3A_549 = arith.constant 11.3137083 : f32
        %mul3A_550 = vector.broadcast %mul3A_549 : f32 to vector<16xf32>
        %mul3A_551 = arith.mulf %get3A_548, %mul3A_550 : vector<16xf32>
        %swap3A_552 = arith.index_cast %scan3A_462 : i32 to index
        %swap3A_553 = arith.constant 112 : index
        %swap3A_554 = tpu.vector_load %arg7[%swap3A_552, %swap3A_553] {strides = array<i32>} : memref<128x128xf32, #tpu.memory_space<vmem>>, vector<1x16xf32>,
        %swap3A_555 = vector.shape_cast %swap3A_554 : vector<1x16xf32> to vector<16xf32>
        %swap3A_556 = vector.shape_cast %mul3A_551 : vector<16xf32> to vector<1x16xf32>
        tpu.vector_store %arg7[%swap3A_552, %swap3A_553], %swap3A_556 {strides = array<i32>} : memref<128x128xf32, #tpu.memory_space<vmem>>, vector<1x16xf32>,
        %scan3A_557 = arith.constant 1 : i32
        %scan3A_558 = arith.addi %scan3A_462, %scan3A_557 : i32
        %get3A_559 = arith.index_cast %scan3A_558 : i32 to index
        %get3A_560 = arith.constant 0 : index
        %get3A_561 = tpu.vector_load %arg7[%get3A_559, %get3A_560] {strides = array<i32>} : memref<128x128xf32, #tpu.memory_space<vmem>>, vector<1x16xf32>,
        %get3A_562 = vector.shape_cast %get3A_561 : vector<1x16xf32> to vector<16xf32>
        %mul3A_563 = arith.constant 11.3137083 : f32
        %mul3A_564 = vector.broadcast %mul3A_563 : f32 to vector<16xf32>
        %mul3A_565 = arith.mulf %get3A_562, %mul3A_564 : vector<16xf32>
        %swap3A_566 = arith.index_cast %scan3A_558 : i32 to index
        %swap3A_567 = arith.constant 0 : index
        %swap3A_568 = tpu.vector_load %arg7[%swap3A_566, %swap3A_567] {strides = array<i32>} : memref<128x128xf32, #tpu.memory_space<vmem>>, vector<1x16xf32>,
        %swap3A_569 = vector.shape_cast %swap3A_568 : vector<1x16xf32> to vector<16xf32>
        %swap3A_570 = vector.shape_cast %mul3A_565 : vector<16xf32> to vector<1x16xf32>
        tpu.vector_store %arg7[%swap3A_566, %swap3A_567], %swap3A_570 {strides = array<i32>} : memref<128x128xf32, #tpu.memory_space<vmem>>, vector<1x16xf32>,
        %get3A_571 = arith.index_cast %scan3A_558 : i32 to index
        %get3A_572 = arith.constant 16 : index
        %get3A_573 = tpu.vector_load %arg7[%get3A_571, %get3A_572] {strides = array<i32>} : memref<128x128xf32, #tpu.memory_space<vmem>>, vector<1x16xf32>,
        %get3A_574 = vector.shape_cast %get3A_573 : vector<1x16xf32> to vector<16xf32>
        %mul3A_575 = arith.constant 11.3137083 : f32
        %mul3A_576 = vector.broadcast %mul3A_575 : f32 to vector<16xf32>
        %mul3A_577 = arith.mulf %get3A_574, %mul3A_576 : vector<16xf32>
        %swap3A_578 = arith.index_cast %scan3A_558 : i32 to index
        %swap3A_579 = arith.constant 16 : index
        %swap3A_580 = tpu.vector_load %arg7[%swap3A_578, %swap3A_579] {strides = array<i32>} : memref<128x128xf32, #tpu.memory_space<vmem>>, vector<1x16xf32>,
        %swap3A_581 = vector.shape_cast %swap3A_580 : vector<1x16xf32> to vector<16xf32>
        %swap3A_582 = vector.shape_cast %mul3A_577 : vector<16xf32> to vector<1x16xf32>
        tpu.vector_store %arg7[%swap3A_578, %swap3A_579], %swap3A_582 {strides = array<i32>} : memref<128x128xf32, #tpu.memory_space<vmem>>, vector<1x16xf32>,
        %get3A_583 = arith.index_cast %scan3A_558 : i32 to index
        %get3A_584 = arith.constant 32 : index
        %get3A_585 = tpu.vector_load %arg7[%get3A_583, %get3A_584] {strides = array<i32>} : memref<128x128xf32, #tpu.memory_space<vmem>>, vector<1x16xf32>,
        %get3A_586 = vector.shape_cast %get3A_585 : vector<1x16xf32> to vector<16xf32>
        %mul3A_587 = arith.constant 11.3137083 : f32
        %mul3A_588 = vector.broadcast %mul3A_587 : f32 to vector<16xf32>
        %mul3A_589 = arith.mulf %get3A_586, %mul3A_588 : vector<16xf32>
        %swap3A_590 = arith.index_cast %scan3A_558 : i32 to index
        %swap3A_591 = arith.constant 32 : index
        %swap3A_592 = tpu.vector_load %arg7[%swap3A_590, %swap3A_591] {strides = array<i32>} : memref<128x128xf32, #tpu.memory_space<vmem>>, vector<1x16xf32>,
        %swap3A_593 = vector.shape_cast %swap3A_592 : vector<1x16xf32> to vector<16xf32>
        %swap3A_594 = vector.shape_cast %mul3A_589 : vector<16xf32> to vector<1x16xf32>
        tpu.vector_store %arg7[%swap3A_590, %swap3A_591], %swap3A_594 {strides = array<i32>} : memref<128x128xf32, #tpu.memory_space<vmem>>, vector<1x16xf32>,
        %get3A_595 = arith.index_cast %scan3A_558 : i32 to index
        %get3A_596 = arith.constant 48 : index
        %get3A_597 = tpu.vector_load %arg7[%get3A_595, %get3A_596] {strides = array<i32>} : memref<128x128xf32, #tpu.memory_space<vmem>>, vector<1x16xf32>,
        %get3A_598 = vector.shape_cast %get3A_597 : vector<1x16xf32> to vector<16xf32>
        %mul3A_599 = arith.constant 11.3137083 : f32
        %mul3A_600 = vector.broadcast %mul3A_599 : f32 to vector<16xf32>
        %mul3A_601 = arith.mulf %get3A_598, %mul3A_600 : vector<16xf32>
        %swap3A_602 = arith.index_cast %scan3A_558 : i32 to index
        %swap3A_603 = arith.constant 48 : index
        %swap3A_604 = tpu.vector_load %arg7[%swap3A_602, %swap3A_603] {strides = array<i32>} : memref<128x128xf32, #tpu.memory_space<vmem>>, vector<1x16xf32>,
        %swap3A_605 = vector.shape_cast %swap3A_604 : vector<1x16xf32> to vector<16xf32>
        %swap3A_606 = vector.shape_cast %mul3A_601 : vector<16xf32> to vector<1x16xf32>
        tpu.vector_store %arg7[%swap3A_602, %swap3A_603], %swap3A_606 {strides = array<i32>} : memref<128x128xf32, #tpu.memory_space<vmem>>, vector<1x16xf32>,
        %get3A_607 = arith.index_cast %scan3A_558 : i32 to index
        %get3A_608 = arith.constant 64 : index
        %get3A_609 = tpu.vector_load %arg7[%get3A_607, %get3A_608] {strides = array<i32>} : memref<128x128xf32, #tpu.memory_space<vmem>>, vector<1x16xf32>,
        %get3A_610 = vector.shape_cast %get3A_609 : vector<1x16xf32> to vector<16xf32>
        %mul3A_611 = arith.constant 11.3137083 : f32
        %mul3A_612 = vector.broadcast %mul3A_611 : f32 to vector<16xf32>
        %mul3A_613 = arith.mulf %get3A_610, %mul3A_612 : vector<16xf32>
        %swap3A_614 = arith.index_cast %scan3A_558 : i32 to index
        %swap3A_615 = arith.constant 64 : index
        %swap3A_616 = tpu.vector_load %arg7[%swap3A_614, %swap3A_615] {strides = array<i32>} : memref<128x128xf32, #tpu.memory_space<vmem>>, vector<1x16xf32>,
        %swap3A_617 = vector.shape_cast %swap3A_616 : vector<1x16xf32> to vector<16xf32>
        %swap3A_618 = vector.shape_cast %mul3A_613 : vector<16xf32> to vector<1x16xf32>
        tpu.vector_store %arg7[%swap3A_614, %swap3A_615], %swap3A_618 {strides = array<i32>} : memref<128x128xf32, #tpu.memory_space<vmem>>, vector<1x16xf32>,
        %get3A_619 = arith.index_cast %scan3A_558 : i32 to index
        %get3A_620 = arith.constant 80 : index
        %get3A_621 = tpu.vector_load %arg7[%get3A_619, %get3A_620] {strides = array<i32>} : memref<128x128xf32, #tpu.memory_space<vmem>>, vector<1x16xf32>,
        %get3A_622 = vector.shape_cast %get3A_621 : vector<1x16xf32> to vector<16xf32>
        %mul3A_623 = arith.constant 11.3137083 : f32
        %mul3A_624 = vector.broadcast %mul3A_623 : f32 to vector<16xf32>
        %mul3A_625 = arith.mulf %get3A_622, %mul3A_624 : vector<16xf32>
        %swap3A_626 = arith.index_cast %scan3A_558 : i32 to index
        %swap3A_627 = arith.constant 80 : index
        %swap3A_628 = tpu.vector_load %arg7[%swap3A_626, %swap3A_627] {strides = array<i32>} : memref<128x128xf32, #tpu.memory_space<vmem>>, vector<1x16xf32>,
        %swap3A_629 = vector.shape_cast %swap3A_628 : vector<1x16xf32> to vector<16xf32>
        %swap3A_630 = vector.shape_cast %mul3A_625 : vector<16xf32> to vector<1x16xf32>
        tpu.vector_store %arg7[%swap3A_626, %swap3A_627], %swap3A_630 {strides = array<i32>} : memref<128x128xf32, #tpu.memory_space<vmem>>, vector<1x16xf32>,
        %get3A_631 = arith.index_cast %scan3A_558 : i32 to index
        %get3A_632 = arith.constant 96 : index
        %get3A_633 = tpu.vector_load %arg7[%get3A_631, %get3A_632] {strides = array<i32>} : memref<128x128xf32, #tpu.memory_space<vmem>>, vector<1x16xf32>,
        %get3A_634 = vector.shape_cast %get3A_633 : vector<1x16xf32> to vector<16xf32>
        %mul3A_635 = arith.constant 11.3137083 : f32
        %mul3A_636 = vector.broadcast %mul3A_635 : f32 to vector<16xf32>
        %mul3A_637 = arith.mulf %get3A_634, %mul3A_636 : vector<16xf32>
        %swap3A_638 = arith.index_cast %scan3A_558 : i32 to index
        %swap3A_639 = arith.constant 96 : index
        %swap3A_640 = tpu.vector_load %arg7[%swap3A_638, %swap3A_639] {strides = array<i32>} : memref<128x128xf32, #tpu.memory_space<vmem>>, vector<1x16xf32>,
        %swap3A_641 = vector.shape_cast %swap3A_640 : vector<1x16xf32> to vector<16xf32>
        %swap3A_642 = vector.shape_cast %mul3A_637 : vector<16xf32> to vector<1x16xf32>
        tpu.vector_store %arg7[%swap3A_638, %swap3A_639], %swap3A_642 {strides = array<i32>} : memref<128x128xf32, #tpu.memory_space<vmem>>, vector<1x16xf32>,
        %get3A_643 = arith.index_cast %scan3A_558 : i32 to index
        %get3A_644 = arith.constant 112 : index
        %get3A_645 = tpu.vector_load %arg7[%get3A_643, %get3A_644] {strides = array<i32>} : memref<128x128xf32, #tpu.memory_space<vmem>>, vector<1x16xf32>,
        %get3A_646 = vector.shape_cast %get3A_645 : vector<1x16xf32> to vector<16xf32>
        %mul3A_647 = arith.constant 11.3137083 : f32
        %mul3A_648 = vector.broadcast %mul3A_647 : f32 to vector<16xf32>
        %mul3A_649 = arith.mulf %get3A_646, %mul3A_648 : vector<16xf32>
        %swap3A_650 = arith.index_cast %scan3A_558 : i32 to index
        %swap3A_651 = arith.constant 112 : index
        %swap3A_652 = tpu.vector_load %arg7[%swap3A_650, %swap3A_651] {strides = array<i32>} : memref<128x128xf32, #tpu.memory_space<vmem>>, vector<1x16xf32>,
        %swap3A_653 = vector.shape_cast %swap3A_652 : vector<1x16xf32> to vector<16xf32>
        %swap3A_654 = vector.shape_cast %mul3A_649 : vector<16xf32> to vector<1x16xf32>
        tpu.vector_store %arg7[%swap3A_650, %swap3A_651], %swap3A_654 {strides = array<i32>} : memref<128x128xf32, #tpu.memory_space<vmem>>, vector<1x16xf32>,
      }
      %scan3A_416 = arith.constant 128 : i32
      %mul3A_417 = arith.constant 128 : i32
      %mul3A_418 = arith.muli %add3A_387, %mul3A_417 : i32
      %add3A_419 = arith.addi %mul3A_2, %mul3A_418 : i32
      %dma_start3A_420 = arith.constant 0 : i32
      %dma_start3A_421 = tpu.memref_slice %arg4[%add3A_419, %dma_start3A_420] : memref<819200x128xf32, #tpu.memory_space<hbm>> -> memref<128x128xf32, #tpu.memory_space<hbm>>
      %dma_start3A_422 = arith.constant 0 : i32
      %dma_start3A_423 = tpu.memref_slice %arg4[%add3A_419, %dma_start3A_422] : memref<819200x128xf32, #tpu.memory_space<hbm>> -> memref<128x128xf32, #tpu.memory_space<hbm>>
      tpu.enqueue_dma source(%arg7 : memref<128x128xf32, #tpu.memory_space<vmem>>) target(%dma_start3A_423 : memref<128x128xf32, #tpu.memory_space<hbm>>) target_semaphore(%arg19 : memref<!tpu.dma_semaphore, #tpu.memory_space<semaphore_mem>>)
      %add3A_424 = arith.constant 5 : i32
      %add3A_425 = arith.addi %add3A_234, %add3A_424 : i32
      %sub3A_426 = arith.constant 3 : i32
      %sub3A_427 = arith.subi %add3A_425, %sub3A_426 : i32
      %mul3A_428 = arith.constant 128 : i32
      %mul3A_429 = arith.muli %sub3A_427, %mul3A_428 : i32
      %add3A_430 = arith.addi %mul3A_2, %mul3A_429 : i32
      %dma_wait3A_431 = arith.constant 0 : i32
      %dma_wait3A_432 = tpu.memref_slice %arg4[%add3A_430, %dma_wait3A_431] : memref<819200x128xf32, #tpu.memory_space<hbm>> -> memref<128x128xf32, #tpu.memory_space<hbm>>
      %dma_wait3A_433 = arith.constant 0 : i32
      %dma_wait3A_434 = tpu.memref_slice %arg4[%add3A_430, %dma_wait3A_433] : memref<819200x128xf32, #tpu.memory_space<hbm>> -> memref<128x128xf32, #tpu.memory_space<hbm>>
      tpu.wait_dma2 semaphore(%arg23 : memref<!tpu.dma_semaphore, #tpu.memory_space<semaphore_mem>>) src(%arg11 : memref<128x128xf32, #tpu.memory_space<vmem>>) dst(%dma_wait3A_434 : memref<128x128xf32, #tpu.memory_space<hbm>>)
      %add3A_435 = arith.constant 3 : i32
      %add3A_436 = arith.addi %add3A_425, %add3A_435 : i32
      %mul3A_437 = arith.constant 128 : i32
      %mul3A_438 = arith.muli %add3A_436, %mul3A_437 : i32
      %dma_start3A_439 = tpu.memref_slice %arg5[%mul3A_438] : memref<25600xi32, #tpu.memory_space<vmem>> -> memref<128xi32, #tpu.memory_space<vmem>>
      %dma_start3A_440 = arith.constant 0 : i32
      %dma_start3A_441 = arith.constant 0 : i32
      %dma_start3A_442 = tpu.memref_slice %arg2[%dma_start3A_440, %dma_start3A_441] : memref<100000x128xf32, #tpu.memory_space<hbm>> -> memref<100000x128xf32, #tpu.memory_space<hbm>>
      tpu.enqueue_indirect_dma source(%dma_start3A_442 : memref<100000x128xf32, #tpu.memory_space<hbm>>) target(%arg11 : memref<128x128xf32, #tpu.memory_space<vmem>>) offsets(%dma_start3A_439 : memref<128xi32, #tpu.memory_space<vmem>>) semaphore(%arg17 : memref<!tpu.dma_semaphore, #tpu.memory_space<semaphore_mem>>)
      %mul3A_443 = arith.constant 128 : i32
      %mul3A_444 = arith.muli %add3A_425, %mul3A_443 : i32
      %dma_wait3A_445 = tpu.memref_slice %arg5[%mul3A_444] : memref<25600xi32, #tpu.memory_space<vmem>> -> memref<128xi32, #tpu.memory_space<vmem>>
      %dma_wait3A_446 = arith.constant 0 : i32
      %dma_wait3A_447 = arith.constant 0 : i32
      %dma_wait3A_448 = tpu.memref_slice %arg2[%dma_wait3A_446, %dma_wait3A_447] : memref<100000x128xf32, #tpu.memory_space<hbm>> -> memref<100000x128xf32, #tpu.memory_space<hbm>>
      tpu.wait_indirect_dma semaphore(%arg14 : memref<!tpu.dma_semaphore, #tpu.memory_space<semaphore_mem>>) src(%dma_wait3A_448 : memref<100000x128xf32, #tpu.memory_space<hbm>>) dst(%arg8 : memref<128x128xf32, #tpu.memory_space<vmem>>)
      %scan3A_449 = arith.constant 0 : i32
      %scan3A_450 = arith.constant 0 : i32
      %scan3A_451 = arith.constant 128 : i32
      %scan3A_452 = arith.addi %scan3A_450, %scan3A_451 : i32
      %scan3A_453 = arith.constant 2 : i32
      scf.for %scan3A_462 = %scan3A_450 to %scan3A_452 step %scan3A_453  : i32 {
        %get3A = arith.index_cast %scan3A_462 : i32 to index
        %get3A_463 = arith.constant 0 : index
        %get3A_464 = tpu.vector_load %arg8[%get3A, %get3A_463] {strides = array<i32>} : memref<128x128xf32, #tpu.memory_space<vmem>>, vector<1x16xf32>,
        %get3A_465 = vector.shape_cast %get3A_464 : vector<1x16xf32> to vector<16xf32>
        %mul3A_466 = arith.constant 11.3137083 : f32
        %mul3A_467 = vector.broadcast %mul3A_466 : f32 to vector<16xf32>
        %mul3A_468 = arith.mulf %get3A_465, %mul3A_467 : vector<16xf32>
        %swap3A = arith.index_cast %scan3A_462 : i32 to index
        %swap3A_469 = arith.constant 0 : index
        %swap3A_470 = tpu.vector_load %arg8[%swap3A, %swap3A_469] {strides = array<i32>} : memref<128x128xf32, #tpu.memory_space<vmem>>, vector<1x16xf32>,
        %swap3A_471 = vector.shape_cast %swap3A_470 : vector<1x16xf32> to vector<16xf32>
        %swap3A_472 = vector.shape_cast %mul3A_468 : vector<16xf32> to vector<1x16xf32>
        tpu.vector_store %arg8[%swap3A, %swap3A_469], %swap3A_472 {strides = array<i32>} : memref<128x128xf32, #tpu.memory_space<vmem>>, vector<1x16xf32>,
        %get3A_473 = arith.index_cast %scan3A_462 : i32 to index
        %get3A_474 = arith.constant 16 : index
        %get3A_475 = tpu.vector_load %arg8[%get3A_473, %get3A_474] {strides = array<i32>} : memref<128x128xf32, #tpu.memory_space<vmem>>, vector<1x16xf32>,
        %get3A_476 = vector.shape_cast %get3A_475 : vector<1x16xf32> to vector<16xf32>
        %mul3A_477 = arith.constant 11.3137083 : f32
        %mul3A_478 = vector.broadcast %mul3A_477 : f32 to vector<16xf32>
        %mul3A_479 = arith.mulf %get3A_476, %mul3A_478 : vector<16xf32>
        %swap3A_480 = arith.index_cast %scan3A_462 : i32 to index
        %swap3A_481 = arith.constant 16 : index
        %swap3A_482 = tpu.vector_load %arg8[%swap3A_480, %swap3A_481] {strides = array<i32>} : memref<128x128xf32, #tpu.memory_space<vmem>>, vector<1x16xf32>,
        %swap3A_483 = vector.shape_cast %swap3A_482 : vector<1x16xf32> to vector<16xf32>
        %swap3A_484 = vector.shape_cast %mul3A_479 : vector<16xf32> to vector<1x16xf32>
        tpu.vector_store %arg8[%swap3A_480, %swap3A_481], %swap3A_484 {strides = array<i32>} : memref<128x128xf32, #tpu.memory_space<vmem>>, vector<1x16xf32>,
        %get3A_485 = arith.index_cast %scan3A_462 : i32 to index
        %get3A_486 = arith.constant 32 : index
        %get3A_487 = tpu.vector_load %arg8[%get3A_485, %get3A_486] {strides = array<i32>} : memref<128x128xf32, #tpu.memory_space<vmem>>, vector<1x16xf32>,
        %get3A_488 = vector.shape_cast %get3A_487 : vector<1x16xf32> to vector<16xf32>
        %mul3A_489 = arith.constant 11.3137083 : f32
        %mul3A_490 = vector.broadcast %mul3A_489 : f32 to vector<16xf32>
        %mul3A_491 = arith.mulf %get3A_488, %mul3A_490 : vector<16xf32>
        %swap3A_492 = arith.index_cast %scan3A_462 : i32 to index
        %swap3A_493 = arith.constant 32 : index
        %swap3A_494 = tpu.vector_load %arg8[%swap3A_492, %swap3A_493] {strides = array<i32>} : memref<128x128xf32, #tpu.memory_space<vmem>>, vector<1x16xf32>,
        %swap3A_495 = vector.shape_cast %swap3A_494 : vector<1x16xf32> to vector<16xf32>
        %swap3A_496 = vector.shape_cast %mul3A_491 : vector<16xf32> to vector<1x16xf32>
        tpu.vector_store %arg8[%swap3A_492, %swap3A_493], %swap3A_496 {strides = array<i32>} : memref<128x128xf32, #tpu.memory_space<vmem>>, vector<1x16xf32>,
        %get3A_497 = arith.index_cast %scan3A_462 : i32 to index
        %get3A_498 = arith.constant 48 : index
        %get3A_499 = tpu.vector_load %arg8[%get3A_497, %get3A_498] {strides = array<i32>} : memref<128x128xf32, #tpu.memory_space<vmem>>, vector<1x16xf32>,
        %get3A_500 = vector.shape_cast %get3A_499 : vector<1x16xf32> to vector<16xf32>
        %mul3A_501 = arith.constant 11.3137083 : f32
        %mul3A_502 = vector.broadcast %mul3A_501 : f32 to vector<16xf32>
        %mul3A_503 = arith.mulf %get3A_500, %mul3A_502 : vector<16xf32>
        %swap3A_504 = arith.index_cast %scan3A_462 : i32 to index
        %swap3A_505 = arith.constant 48 : index
        %swap3A_506 = tpu.vector_load %arg8[%swap3A_504, %swap3A_505] {strides = array<i32>} : memref<128x128xf32, #tpu.memory_space<vmem>>, vector<1x16xf32>,
        %swap3A_507 = vector.shape_cast %swap3A_506 : vector<1x16xf32> to vector<16xf32>
        %swap3A_508 = vector.shape_cast %mul3A_503 : vector<16xf32> to vector<1x16xf32>
        tpu.vector_store %arg8[%swap3A_504, %swap3A_505], %swap3A_508 {strides = array<i32>} : memref<128x128xf32, #tpu.memory_space<vmem>>, vector<1x16xf32>,
        %get3A_509 = arith.index_cast %scan3A_462 : i32 to index
        %get3A_510 = arith.constant 64 : index
        %get3A_511 = tpu.vector_load %arg8[%get3A_509, %get3A_510] {strides = array<i32>} : memref<128x128xf32, #tpu.memory_space<vmem>>, vector<1x16xf32>,
        %get3A_512 = vector.shape_cast %get3A_511 : vector<1x16xf32> to vector<16xf32>
        %mul3A_513 = arith.constant 11.3137083 : f32
        %mul3A_514 = vector.broadcast %mul3A_513 : f32 to vector<16xf32>
        %mul3A_515 = arith.mulf %get3A_512, %mul3A_514 : vector<16xf32>
        %swap3A_516 = arith.index_cast %scan3A_462 : i32 to index
        %swap3A_517 = arith.constant 64 : index
        %swap3A_518 = tpu.vector_load %arg8[%swap3A_516, %swap3A_517] {strides = array<i32>} : memref<128x128xf32, #tpu.memory_space<vmem>>, vector<1x16xf32>,
        %swap3A_519 = vector.shape_cast %swap3A_518 : vector<1x16xf32> to vector<16xf32>
        %swap3A_520 = vector.shape_cast %mul3A_515 : vector<16xf32> to vector<1x16xf32>
        tpu.vector_store %arg8[%swap3A_516, %swap3A_517], %swap3A_520 {strides = array<i32>} : memref<128x128xf32, #tpu.memory_space<vmem>>, vector<1x16xf32>,
        %get3A_521 = arith.index_cast %scan3A_462 : i32 to index
        %get3A_522 = arith.constant 80 : index
        %get3A_523 = tpu.vector_load %arg8[%get3A_521, %get3A_522] {strides = array<i32>} : memref<128x128xf32, #tpu.memory_space<vmem>>, vector<1x16xf32>,
        %get3A_524 = vector.shape_cast %get3A_523 : vector<1x16xf32> to vector<16xf32>
        %mul3A_525 = arith.constant 11.3137083 : f32
        %mul3A_526 = vector.broadcast %mul3A_525 : f32 to vector<16xf32>
        %mul3A_527 = arith.mulf %get3A_524, %mul3A_526 : vector<16xf32>
        %swap3A_528 = arith.index_cast %scan3A_462 : i32 to index
        %swap3A_529 = arith.constant 80 : index
        %swap3A_530 = tpu.vector_load %arg8[%swap3A_528, %swap3A_529] {strides = array<i32>} : memref<128x128xf32, #tpu.memory_space<vmem>>, vector<1x16xf32>,
        %swap3A_531 = vector.shape_cast %swap3A_530 : vector<1x16xf32> to vector<16xf32>
        %swap3A_532 = vector.shape_cast %mul3A_527 : vector<16xf32> to vector<1x16xf32>
        tpu.vector_store %arg8[%swap3A_528, %swap3A_529], %swap3A_532 {strides = array<i32>} : memref<128x128xf32, #tpu.memory_space<vmem>>, vector<1x16xf32>,
        %get3A_533 = arith.index_cast %scan3A_462 : i32 to index
        %get3A_534 = arith.constant 96 : index
        %get3A_535 = tpu.vector_load %arg8[%get3A_533, %get3A_534] {strides = array<i32>} : memref<128x128xf32, #tpu.memory_space<vmem>>, vector<1x16xf32>,
        %get3A_536 = vector.shape_cast %get3A_535 : vector<1x16xf32> to vector<16xf32>
        %mul3A_537 = arith.constant 11.3137083 : f32
        %mul3A_538 = vector.broadcast %mul3A_537 : f32 to vector<16xf32>
        %mul3A_539 = arith.mulf %get3A_536, %mul3A_538 : vector<16xf32>
        %swap3A_540 = arith.index_cast %scan3A_462 : i32 to index
        %swap3A_541 = arith.constant 96 : index
        %swap3A_542 = tpu.vector_load %arg8[%swap3A_540, %swap3A_541] {strides = array<i32>} : memref<128x128xf32, #tpu.memory_space<vmem>>, vector<1x16xf32>,
        %swap3A_543 = vector.shape_cast %swap3A_542 : vector<1x16xf32> to vector<16xf32>
        %swap3A_544 = vector.shape_cast %mul3A_539 : vector<16xf32> to vector<1x16xf32>
        tpu.vector_store %arg8[%swap3A_540, %swap3A_541], %swap3A_544 {strides = array<i32>} : memref<128x128xf32, #tpu.memory_space<vmem>>, vector<1x16xf32>,
        %get3A_545 = arith.index_cast %scan3A_462 : i32 to index
        %get3A_546 = arith.constant 112 : index
        %get3A_547 = tpu.vector_load %arg8[%get3A_545, %get3A_546] {strides = array<i32>} : memref<128x128xf32, #tpu.memory_space<vmem>>, vector<1x16xf32>,
        %get3A_548 = vector.shape_cast %get3A_547 : vector<1x16xf32> to vector<16xf32>
        %mul3A_549 = arith.constant 11.3137083 : f32
        %mul3A_550 = vector.broadcast %mul3A_549 : f32 to vector<16xf32>
        %mul3A_551 = arith.mulf %get3A_548, %mul3A_550 : vector<16xf32>
        %swap3A_552 = arith.index_cast %scan3A_462 : i32 to index
        %swap3A_553 = arith.constant 112 : index
        %swap3A_554 = tpu.vector_load %arg8[%swap3A_552, %swap3A_553] {strides = array<i32>} : memref<128x128xf32, #tpu.memory_space<vmem>>, vector<1x16xf32>,
        %swap3A_555 = vector.shape_cast %swap3A_554 : vector<1x16xf32> to vector<16xf32>
        %swap3A_556 = vector.shape_cast %mul3A_551 : vector<16xf32> to vector<1x16xf32>
        tpu.vector_store %arg8[%swap3A_552, %swap3A_553], %swap3A_556 {strides = array<i32>} : memref<128x128xf32, #tpu.memory_space<vmem>>, vector<1x16xf32>,
        %scan3A_557 = arith.constant 1 : i32
        %scan3A_558 = arith.addi %scan3A_462, %scan3A_557 : i32
        %get3A_559 = arith.index_cast %scan3A_558 : i32 to index
        %get3A_560 = arith.constant 0 : index
        %get3A_561 = tpu.vector_load %arg8[%get3A_559, %get3A_560] {strides = array<i32>} : memref<128x128xf32, #tpu.memory_space<vmem>>, vector<1x16xf32>,
        %get3A_562 = vector.shape_cast %get3A_561 : vector<1x16xf32> to vector<16xf32>
        %mul3A_563 = arith.constant 11.3137083 : f32
        %mul3A_564 = vector.broadcast %mul3A_563 : f32 to vector<16xf32>
        %mul3A_565 = arith.mulf %get3A_562, %mul3A_564 : vector<16xf32>
        %swap3A_566 = arith.index_cast %scan3A_558 : i32 to index
        %swap3A_567 = arith.constant 0 : index
        %swap3A_568 = tpu.vector_load %arg8[%swap3A_566, %swap3A_567] {strides = array<i32>} : memref<128x128xf32, #tpu.memory_space<vmem>>, vector<1x16xf32>,
        %swap3A_569 = vector.shape_cast %swap3A_568 : vector<1x16xf32> to vector<16xf32>
        %swap3A_570 = vector.shape_cast %mul3A_565 : vector<16xf32> to vector<1x16xf32>
        tpu.vector_store %arg8[%swap3A_566, %swap3A_567], %swap3A_570 {strides = array<i32>} : memref<128x128xf32, #tpu.memory_space<vmem>>, vector<1x16xf32>,
        %get3A_571 = arith.index_cast %scan3A_558 : i32 to index
        %get3A_572 = arith.constant 16 : index
        %get3A_573 = tpu.vector_load %arg8[%get3A_571, %get3A_572] {strides = array<i32>} : memref<128x128xf32, #tpu.memory_space<vmem>>, vector<1x16xf32>,
        %get3A_574 = vector.shape_cast %get3A_573 : vector<1x16xf32> to vector<16xf32>
        %mul3A_575 = arith.constant 11.3137083 : f32
        %mul3A_576 = vector.broadcast %mul3A_575 : f32 to vector<16xf32>
        %mul3A_577 = arith.mulf %get3A_574, %mul3A_576 : vector<16xf32>
        %swap3A_578 = arith.index_cast %scan3A_558 : i32 to index
        %swap3A_579 = arith.constant 16 : index
        %swap3A_580 = tpu.vector_load %arg8[%swap3A_578, %swap3A_579] {strides = array<i32>} : memref<128x128xf32, #tpu.memory_space<vmem>>, vector<1x16xf32>,
        %swap3A_581 = vector.shape_cast %swap3A_580 : vector<1x16xf32> to vector<16xf32>
        %swap3A_582 = vector.shape_cast %mul3A_577 : vector<16xf32> to vector<1x16xf32>
        tpu.vector_store %arg8[%swap3A_578, %swap3A_579], %swap3A_582 {strides = array<i32>} : memref<128x128xf32, #tpu.memory_space<vmem>>, vector<1x16xf32>,
        %get3A_583 = arith.index_cast %scan3A_558 : i32 to index
        %get3A_584 = arith.constant 32 : index
        %get3A_585 = tpu.vector_load %arg8[%get3A_583, %get3A_584] {strides = array<i32>} : memref<128x128xf32, #tpu.memory_space<vmem>>, vector<1x16xf32>,
        %get3A_586 = vector.shape_cast %get3A_585 : vector<1x16xf32> to vector<16xf32>
        %mul3A_587 = arith.constant 11.3137083 : f32
        %mul3A_588 = vector.broadcast %mul3A_587 : f32 to vector<16xf32>
        %mul3A_589 = arith.mulf %get3A_586, %mul3A_588 : vector<16xf32>
        %swap3A_590 = arith.index_cast %scan3A_558 : i32 to index
        %swap3A_591 = arith.constant 32 : index
        %swap3A_592 = tpu.vector_load %arg8[%swap3A_590, %swap3A_591] {strides = array<i32>} : memref<128x128xf32, #tpu.memory_space<vmem>>, vector<1x16xf32>,
        %swap3A_593 = vector.shape_cast %swap3A_592 : vector<1x16xf32> to vector<16xf32>
        %swap3A_594 = vector.shape_cast %mul3A_589 : vector<16xf32> to vector<1x16xf32>
        tpu.vector_store %arg8[%swap3A_590, %swap3A_591], %swap3A_594 {strides = array<i32>} : memref<128x128xf32, #tpu.memory_space<vmem>>, vector<1x16xf32>,
        %get3A_595 = arith.index_cast %scan3A_558 : i32 to index
        %get3A_596 = arith.constant 48 : index
        %get3A_597 = tpu.vector_load %arg8[%get3A_595, %get3A_596] {strides = array<i32>} : memref<128x128xf32, #tpu.memory_space<vmem>>, vector<1x16xf32>,
        %get3A_598 = vector.shape_cast %get3A_597 : vector<1x16xf32> to vector<16xf32>
        %mul3A_599 = arith.constant 11.3137083 : f32
        %mul3A_600 = vector.broadcast %mul3A_599 : f32 to vector<16xf32>
        %mul3A_601 = arith.mulf %get3A_598, %mul3A_600 : vector<16xf32>
        %swap3A_602 = arith.index_cast %scan3A_558 : i32 to index
        %swap3A_603 = arith.constant 48 : index
        %swap3A_604 = tpu.vector_load %arg8[%swap3A_602, %swap3A_603] {strides = array<i32>} : memref<128x128xf32, #tpu.memory_space<vmem>>, vector<1x16xf32>,
        %swap3A_605 = vector.shape_cast %swap3A_604 : vector<1x16xf32> to vector<16xf32>
        %swap3A_606 = vector.shape_cast %mul3A_601 : vector<16xf32> to vector<1x16xf32>
        tpu.vector_store %arg8[%swap3A_602, %swap3A_603], %swap3A_606 {strides = array<i32>} : memref<128x128xf32, #tpu.memory_space<vmem>>, vector<1x16xf32>,
        %get3A_607 = arith.index_cast %scan3A_558 : i32 to index
        %get3A_608 = arith.constant 64 : index
        %get3A_609 = tpu.vector_load %arg8[%get3A_607, %get3A_608] {strides = array<i32>} : memref<128x128xf32, #tpu.memory_space<vmem>>, vector<1x16xf32>,
        %get3A_610 = vector.shape_cast %get3A_609 : vector<1x16xf32> to vector<16xf32>
        %mul3A_611 = arith.constant 11.3137083 : f32
        %mul3A_612 = vector.broadcast %mul3A_611 : f32 to vector<16xf32>
        %mul3A_613 = arith.mulf %get3A_610, %mul3A_612 : vector<16xf32>
        %swap3A_614 = arith.index_cast %scan3A_558 : i32 to index
        %swap3A_615 = arith.constant 64 : index
        %swap3A_616 = tpu.vector_load %arg8[%swap3A_614, %swap3A_615] {strides = array<i32>} : memref<128x128xf32, #tpu.memory_space<vmem>>, vector<1x16xf32>,
        %swap3A_617 = vector.shape_cast %swap3A_616 : vector<1x16xf32> to vector<16xf32>
        %swap3A_618 = vector.shape_cast %mul3A_613 : vector<16xf32> to vector<1x16xf32>
        tpu.vector_store %arg8[%swap3A_614, %swap3A_615], %swap3A_618 {strides = array<i32>} : memref<128x128xf32, #tpu.memory_space<vmem>>, vector<1x16xf32>,
        %get3A_619 = arith.index_cast %scan3A_558 : i32 to index
        %get3A_620 = arith.constant 80 : index
        %get3A_621 = tpu.vector_load %arg8[%get3A_619, %get3A_620] {strides = array<i32>} : memref<128x128xf32, #tpu.memory_space<vmem>>, vector<1x16xf32>,
        %get3A_622 = vector.shape_cast %get3A_621 : vector<1x16xf32> to vector<16xf32>
        %mul3A_623 = arith.constant 11.3137083 : f32
        %mul3A_624 = vector.broadcast %mul3A_623 : f32 to vector<16xf32>
        %mul3A_625 = arith.mulf %get3A_622, %mul3A_624 : vector<16xf32>
        %swap3A_626 = arith.index_cast %scan3A_558 : i32 to index
        %swap3A_627 = arith.constant 80 : index
        %swap3A_628 = tpu.vector_load %arg8[%swap3A_626, %swap3A_627] {strides = array<i32>} : memref<128x128xf32, #tpu.memory_space<vmem>>, vector<1x16xf32>,
        %swap3A_629 = vector.shape_cast %swap3A_628 : vector<1x16xf32> to vector<16xf32>
        %swap3A_630 = vector.shape_cast %mul3A_625 : vector<16xf32> to vector<1x16xf32>
        tpu.vector_store %arg8[%swap3A_626, %swap3A_627], %swap3A_630 {strides = array<i32>} : memref<128x128xf32, #tpu.memory_space<vmem>>, vector<1x16xf32>,
        %get3A_631 = arith.index_cast %scan3A_558 : i32 to index
        %get3A_632 = arith.constant 96 : index
        %get3A_633 = tpu.vector_load %arg8[%get3A_631, %get3A_632] {strides = array<i32>} : memref<128x128xf32, #tpu.memory_space<vmem>>, vector<1x16xf32>,
        %get3A_634 = vector.shape_cast %get3A_633 : vector<1x16xf32> to vector<16xf32>
        %mul3A_635 = arith.constant 11.3137083 : f32
        %mul3A_636 = vector.broadcast %mul3A_635 : f32 to vector<16xf32>
        %mul3A_637 = arith.mulf %get3A_634, %mul3A_636 : vector<16xf32>
        %swap3A_638 = arith.index_cast %scan3A_558 : i32 to index
        %swap3A_639 = arith.constant 96 : index
        %swap3A_640 = tpu.vector_load %arg8[%swap3A_638, %swap3A_639] {strides = array<i32>} : memref<128x128xf32, #tpu.memory_space<vmem>>, vector<1x16xf32>,
        %swap3A_641 = vector.shape_cast %swap3A_640 : vector<1x16xf32> to vector<16xf32>
        %swap3A_642 = vector.shape_cast %mul3A_637 : vector<16xf32> to vector<1x16xf32>
        tpu.vector_store %arg8[%swap3A_638, %swap3A_639], %swap3A_642 {strides = array<i32>} : memref<128x128xf32, #tpu.memory_space<vmem>>, vector<1x16xf32>,
        %get3A_643 = arith.index_cast %scan3A_558 : i32 to index
        %get3A_644 = arith.constant 112 : index
        %get3A_645 = tpu.vector_load %arg8[%get3A_643, %get3A_644] {strides = array<i32>} : memref<128x128xf32, #tpu.memory_space<vmem>>, vector<1x16xf32>,
        %get3A_646 = vector.shape_cast %get3A_645 : vector<1x16xf32> to vector<16xf32>
        %mul3A_647 = arith.constant 11.3137083 : f32
        %mul3A_648 = vector.broadcast %mul3A_647 : f32 to vector<16xf32>
        %mul3A_649 = arith.mulf %get3A_646, %mul3A_648 : vector<16xf32>
        %swap3A_650 = arith.index_cast %scan3A_558 : i32 to index
        %swap3A_651 = arith.constant 112 : index
        %swap3A_652 = tpu.vector_load %arg8[%swap3A_650, %swap3A_651] {strides = array<i32>} : memref<128x128xf32, #tpu.memory_space<vmem>>, vector<1x16xf32>,
        %swap3A_653 = vector.shape_cast %swap3A_652 : vector<1x16xf32> to vector<16xf32>
        %swap3A_654 = vector.shape_cast %mul3A_649 : vector<16xf32> to vector<1x16xf32>
        tpu.vector_store %arg8[%swap3A_650, %swap3A_651], %swap3A_654 {strides = array<i32>} : memref<128x128xf32, #tpu.memory_space<vmem>>, vector<1x16xf32>,
      }
      %scan3A_454 = arith.constant 128 : i32
      %mul3A_455 = arith.constant 128 : i32
      %mul3A_456 = arith.muli %add3A_425, %mul3A_455 : i32
      %add3A_457 = arith.addi %mul3A_2, %mul3A_456 : i32
      %dma_start3A_458 = arith.constant 0 : i32
      %dma_start3A_459 = tpu.memref_slice %arg4[%add3A_457, %dma_start3A_458] : memref<819200x128xf32, #tpu.memory_space<hbm>> -> memref<128x128xf32, #tpu.memory_space<hbm>>
      %dma_start3A_460 = arith.constant 0 : i32
      %dma_start3A_461 = tpu.memref_slice %arg4[%add3A_457, %dma_start3A_460] : memref<819200x128xf32, #tpu.memory_space<hbm>> -> memref<128x128xf32, #tpu.memory_space<hbm>>
      tpu.enqueue_dma source(%arg8 : memref<128x128xf32, #tpu.memory_space<vmem>>) target(%dma_start3A_461 : memref<128x128xf32, #tpu.memory_space<hbm>>) target_semaphore(%arg20 : memref<!tpu.dma_semaphore, #tpu.memory_space<semaphore_mem>>)
    }
    %scan3A_86 = arith.constant 32 : i32
    %add3A_87 = arith.constant 24576 : i32
    %add3A_88 = arith.addi %mul3A_2, %add3A_87 : i32
    %dma_wait3A_89 = arith.constant 0 : i32
    %dma_wait3A_90 = tpu.memref_slice %arg4[%add3A_88, %dma_wait3A_89] : memref<819200x128xf32, #tpu.memory_space<hbm>> -> memref<128x128xf32, #tpu.memory_space<hbm>>
    %dma_wait3A_91 = arith.constant 0 : i32
    %dma_wait3A_92 = tpu.memref_slice %arg4[%add3A_88, %dma_wait3A_91] : memref<819200x128xf32, #tpu.memory_space<hbm>> -> memref<128x128xf32, #tpu.memory_space<hbm>>
    tpu.wait_dma2 semaphore(%arg18 : memref<!tpu.dma_semaphore, #tpu.memory_space<semaphore_mem>>) src(%arg6 : memref<128x128xf32, #tpu.memory_space<vmem>>) dst(%dma_wait3A_92 : memref<128x128xf32, #tpu.memory_space<hbm>>)
    %dma_start3A_93 = arith.constant 25344 : i32
    %dma_start3A_94 = tpu.memref_slice %arg5[%dma_start3A_93] : memref<25600xi32, #tpu.memory_space<vmem>> -> memref<128xi32, #tpu.memory_space<vmem>>
    %dma_start3A_95 = arith.constant 0 : i32
    %dma_start3A_96 = arith.constant 0 : i32
    %dma_start3A_97 = tpu.memref_slice %arg2[%dma_start3A_95, %dma_start3A_96] : memref<100000x128xf32, #tpu.memory_space<hbm>> -> memref<100000x128xf32, #tpu.memory_space<hbm>>
    tpu.enqueue_indirect_dma source(%dma_start3A_97 : memref<100000x128xf32, #tpu.memory_space<hbm>>) target(%arg6 : memref<128x128xf32, #tpu.memory_space<vmem>>) offsets(%dma_start3A_94 : memref<128xi32, #tpu.memory_space<vmem>>) semaphore(%arg12 : memref<!tpu.dma_semaphore, #tpu.memory_space<semaphore_mem>>)
    %dma_wait3A_98 = arith.constant 24960 : i32
    %dma_wait3A_99 = tpu.memref_slice %arg5[%dma_wait3A_98] : memref<25600xi32, #tpu.memory_space<vmem>> -> memref<128xi32, #tpu.memory_space<vmem>>
    %dma_wait3A_100 = arith.constant 0 : i32
    %dma_wait3A_101 = arith.constant 0 : i32
    %dma_wait3A_102 = tpu.memref_slice %arg2[%dma_wait3A_100, %dma_wait3A_101] : memref<100000x128xf32, #tpu.memory_space<hbm>> -> memref<100000x128xf32, #tpu.memory_space<hbm>>
    tpu.wait_indirect_dma semaphore(%arg15 : memref<!tpu.dma_semaphore, #tpu.memory_space<semaphore_mem>>) src(%dma_wait3A_102 : memref<100000x128xf32, #tpu.memory_space<hbm>>) dst(%arg9 : memref<128x128xf32, #tpu.memory_space<vmem>>)
    %scan3A_103 = arith.constant 0 : i32
    %scan3A_104 = arith.constant 0 : i32
    %scan3A_105 = arith.constant 128 : i32
    %scan3A_106 = arith.addi %scan3A_104, %scan3A_105 : i32
    %scan3A_107 = arith.constant 2 : i32
    scf.for %scan3A_230 = %scan3A_104 to %scan3A_106 step %scan3A_107  : i32 {
      %get3A = arith.index_cast %scan3A_230 : i32 to index
      %get3A_231 = arith.constant 0 : index
      %get3A_232 = tpu.vector_load %arg9[%get3A, %get3A_231] {strides = array<i32>} : memref<128x128xf32, #tpu.memory_space<vmem>>, vector<1x16xf32>,
      %get3A_233 = vector.shape_cast %get3A_232 : vector<1x16xf32> to vector<16xf32>
      %mul3A_234 = arith.constant 11.3137083 : f32
      %mul3A_235 = vector.broadcast %mul3A_234 : f32 to vector<16xf32>
      %mul3A_236 = arith.mulf %get3A_233, %mul3A_235 : vector<16xf32>
      %swap3A = arith.index_cast %scan3A_230 : i32 to index
      %swap3A_237 = arith.constant 0 : index
      %swap3A_238 = tpu.vector_load %arg9[%swap3A, %swap3A_237] {strides = array<i32>} : memref<128x128xf32, #tpu.memory_space<vmem>>, vector<1x16xf32>,
      %swap3A_239 = vector.shape_cast %swap3A_238 : vector<1x16xf32> to vector<16xf32>
      %swap3A_240 = vector.shape_cast %mul3A_236 : vector<16xf32> to vector<1x16xf32>
      tpu.vector_store %arg9[%swap3A, %swap3A_237], %swap3A_240 {strides = array<i32>} : memref<128x128xf32, #tpu.memory_space<vmem>>, vector<1x16xf32>,
      %get3A_241 = arith.index_cast %scan3A_230 : i32 to index
      %get3A_242 = arith.constant 16 : index
      %get3A_243 = tpu.vector_load %arg9[%get3A_241, %get3A_242] {strides = array<i32>} : memref<128x128xf32, #tpu.memory_space<vmem>>, vector<1x16xf32>,
      %get3A_244 = vector.shape_cast %get3A_243 : vector<1x16xf32> to vector<16xf32>
      %mul3A_245 = arith.constant 11.3137083 : f32
      %mul3A_246 = vector.broadcast %mul3A_245 : f32 to vector<16xf32>
      %mul3A_247 = arith.mulf %get3A_244, %mul3A_246 : vector<16xf32>
      %swap3A_248 = arith.index_cast %scan3A_230 : i32 to index
      %swap3A_249 = arith.constant 16 : index
      %swap3A_250 = tpu.vector_load %arg9[%swap3A_248, %swap3A_249] {strides = array<i32>} : memref<128x128xf32, #tpu.memory_space<vmem>>, vector<1x16xf32>,
      %swap3A_251 = vector.shape_cast %swap3A_250 : vector<1x16xf32> to vector<16xf32>
      %swap3A_252 = vector.shape_cast %mul3A_247 : vector<16xf32> to vector<1x16xf32>
      tpu.vector_store %arg9[%swap3A_248, %swap3A_249], %swap3A_252 {strides = array<i32>} : memref<128x128xf32, #tpu.memory_space<vmem>>, vector<1x16xf32>,
      %get3A_253 = arith.index_cast %scan3A_230 : i32 to index
      %get3A_254 = arith.constant 32 : index
      %get3A_255 = tpu.vector_load %arg9[%get3A_253, %get3A_254] {strides = array<i32>} : memref<128x128xf32, #tpu.memory_space<vmem>>, vector<1x16xf32>,
      %get3A_256 = vector.shape_cast %get3A_255 : vector<1x16xf32> to vector<16xf32>
      %mul3A_257 = arith.constant 11.3137083 : f32
      %mul3A_258 = vector.broadcast %mul3A_257 : f32 to vector<16xf32>
      %mul3A_259 = arith.mulf %get3A_256, %mul3A_258 : vector<16xf32>
      %swap3A_260 = arith.index_cast %scan3A_230 : i32 to index
      %swap3A_261 = arith.constant 32 : index
      %swap3A_262 = tpu.vector_load %arg9[%swap3A_260, %swap3A_261] {strides = array<i32>} : memref<128x128xf32, #tpu.memory_space<vmem>>, vector<1x16xf32>,
      %swap3A_263 = vector.shape_cast %swap3A_262 : vector<1x16xf32> to vector<16xf32>
      %swap3A_264 = vector.shape_cast %mul3A_259 : vector<16xf32> to vector<1x16xf32>
      tpu.vector_store %arg9[%swap3A_260, %swap3A_261], %swap3A_264 {strides = array<i32>} : memref<128x128xf32, #tpu.memory_space<vmem>>, vector<1x16xf32>,
      %get3A_265 = arith.index_cast %scan3A_230 : i32 to index
      %get3A_266 = arith.constant 48 : index
      %get3A_267 = tpu.vector_load %arg9[%get3A_265, %get3A_266] {strides = array<i32>} : memref<128x128xf32, #tpu.memory_space<vmem>>, vector<1x16xf32>,
      %get3A_268 = vector.shape_cast %get3A_267 : vector<1x16xf32> to vector<16xf32>
      %mul3A_269 = arith.constant 11.3137083 : f32
      %mul3A_270 = vector.broadcast %mul3A_269 : f32 to vector<16xf32>
      %mul3A_271 = arith.mulf %get3A_268, %mul3A_270 : vector<16xf32>
      %swap3A_272 = arith.index_cast %scan3A_230 : i32 to index
      %swap3A_273 = arith.constant 48 : index
      %swap3A_274 = tpu.vector_load %arg9[%swap3A_272, %swap3A_273] {strides = array<i32>} : memref<128x128xf32, #tpu.memory_space<vmem>>, vector<1x16xf32>,
      %swap3A_275 = vector.shape_cast %swap3A_274 : vector<1x16xf32> to vector<16xf32>
      %swap3A_276 = vector.shape_cast %mul3A_271 : vector<16xf32> to vector<1x16xf32>
      tpu.vector_store %arg9[%swap3A_272, %swap3A_273], %swap3A_276 {strides = array<i32>} : memref<128x128xf32, #tpu.memory_space<vmem>>, vector<1x16xf32>,
      %get3A_277 = arith.index_cast %scan3A_230 : i32 to index
      %get3A_278 = arith.constant 64 : index
      %get3A_279 = tpu.vector_load %arg9[%get3A_277, %get3A_278] {strides = array<i32>} : memref<128x128xf32, #tpu.memory_space<vmem>>, vector<1x16xf32>,
      %get3A_280 = vector.shape_cast %get3A_279 : vector<1x16xf32> to vector<16xf32>
      %mul3A_281 = arith.constant 11.3137083 : f32
      %mul3A_282 = vector.broadcast %mul3A_281 : f32 to vector<16xf32>
      %mul3A_283 = arith.mulf %get3A_280, %mul3A_282 : vector<16xf32>
      %swap3A_284 = arith.index_cast %scan3A_230 : i32 to index
      %swap3A_285 = arith.constant 64 : index
      %swap3A_286 = tpu.vector_load %arg9[%swap3A_284, %swap3A_285] {strides = array<i32>} : memref<128x128xf32, #tpu.memory_space<vmem>>, vector<1x16xf32>,
      %swap3A_287 = vector.shape_cast %swap3A_286 : vector<1x16xf32> to vector<16xf32>
      %swap3A_288 = vector.shape_cast %mul3A_283 : vector<16xf32> to vector<1x16xf32>
      tpu.vector_store %arg9[%swap3A_284, %swap3A_285], %swap3A_288 {strides = array<i32>} : memref<128x128xf32, #tpu.memory_space<vmem>>, vector<1x16xf32>,
      %get3A_289 = arith.index_cast %scan3A_230 : i32 to index
      %get3A_290 = arith.constant 80 : index
      %get3A_291 = tpu.vector_load %arg9[%get3A_289, %get3A_290] {strides = array<i32>} : memref<128x128xf32, #tpu.memory_space<vmem>>, vector<1x16xf32>,
      %get3A_292 = vector.shape_cast %get3A_291 : vector<1x16xf32> to vector<16xf32>
      %mul3A_293 = arith.constant 11.3137083 : f32
      %mul3A_294 = vector.broadcast %mul3A_293 : f32 to vector<16xf32>
      %mul3A_295 = arith.mulf %get3A_292, %mul3A_294 : vector<16xf32>
      %swap3A_296 = arith.index_cast %scan3A_230 : i32 to index
      %swap3A_297 = arith.constant 80 : index
      %swap3A_298 = tpu.vector_load %arg9[%swap3A_296, %swap3A_297] {strides = array<i32>} : memref<128x128xf32, #tpu.memory_space<vmem>>, vector<1x16xf32>,
      %swap3A_299 = vector.shape_cast %swap3A_298 : vector<1x16xf32> to vector<16xf32>
      %swap3A_300 = vector.shape_cast %mul3A_295 : vector<16xf32> to vector<1x16xf32>
      tpu.vector_store %arg9[%swap3A_296, %swap3A_297], %swap3A_300 {strides = array<i32>} : memref<128x128xf32, #tpu.memory_space<vmem>>, vector<1x16xf32>,
      %get3A_301 = arith.index_cast %scan3A_230 : i32 to index
      %get3A_302 = arith.constant 96 : index
      %get3A_303 = tpu.vector_load %arg9[%get3A_301, %get3A_302] {strides = array<i32>} : memref<128x128xf32, #tpu.memory_space<vmem>>, vector<1x16xf32>,
      %get3A_304 = vector.shape_cast %get3A_303 : vector<1x16xf32> to vector<16xf32>
      %mul3A_305 = arith.constant 11.3137083 : f32
      %mul3A_306 = vector.broadcast %mul3A_305 : f32 to vector<16xf32>
      %mul3A_307 = arith.mulf %get3A_304, %mul3A_306 : vector<16xf32>
      %swap3A_308 = arith.index_cast %scan3A_230 : i32 to index
      %swap3A_309 = arith.constant 96 : index
      %swap3A_310 = tpu.vector_load %arg9[%swap3A_308, %swap3A_309] {strides = array<i32>} : memref<128x128xf32, #tpu.memory_space<vmem>>, vector<1x16xf32>,
      %swap3A_311 = vector.shape_cast %swap3A_310 : vector<1x16xf32> to vector<16xf32>
      %swap3A_312 = vector.shape_cast %mul3A_307 : vector<16xf32> to vector<1x16xf32>
      tpu.vector_store %arg9[%swap3A_308, %swap3A_309], %swap3A_312 {strides = array<i32>} : memref<128x128xf32, #tpu.memory_space<vmem>>, vector<1x16xf32>,
      %get3A_313 = arith.index_cast %scan3A_230 : i32 to index
      %get3A_314 = arith.constant 112 : index
      %get3A_315 = tpu.vector_load %arg9[%get3A_313, %get3A_314] {strides = array<i32>} : memref<128x128xf32, #tpu.memory_space<vmem>>, vector<1x16xf32>,
      %get3A_316 = vector.shape_cast %get3A_315 : vector<1x16xf32> to vector<16xf32>
      %mul3A_317 = arith.constant 11.3137083 : f32
      %mul3A_318 = vector.broadcast %mul3A_317 : f32 to vector<16xf32>
      %mul3A_319 = arith.mulf %get3A_316, %mul3A_318 : vector<16xf32>
      %swap3A_320 = arith.index_cast %scan3A_230 : i32 to index
      %swap3A_321 = arith.constant 112 : index
      %swap3A_322 = tpu.vector_load %arg9[%swap3A_320, %swap3A_321] {strides = array<i32>} : memref<128x128xf32, #tpu.memory_space<vmem>>, vector<1x16xf32>,
      %swap3A_323 = vector.shape_cast %swap3A_322 : vector<1x16xf32> to vector<16xf32>
      %swap3A_324 = vector.shape_cast %mul3A_319 : vector<16xf32> to vector<1x16xf32>
      tpu.vector_store %arg9[%swap3A_320, %swap3A_321], %swap3A_324 {strides = array<i32>} : memref<128x128xf32, #tpu.memory_space<vmem>>, vector<1x16xf32>,
      %scan3A_325 = arith.constant 1 : i32
      %scan3A_326 = arith.addi %scan3A_230, %scan3A_325 : i32
      %get3A_327 = arith.index_cast %scan3A_326 : i32 to index
      %get3A_328 = arith.constant 0 : index
      %get3A_329 = tpu.vector_load %arg9[%get3A_327, %get3A_328] {strides = array<i32>} : memref<128x128xf32, #tpu.memory_space<vmem>>, vector<1x16xf32>,
      %get3A_330 = vector.shape_cast %get3A_329 : vector<1x16xf32> to vector<16xf32>
      %mul3A_331 = arith.constant 11.3137083 : f32
      %mul3A_332 = vector.broadcast %mul3A_331 : f32 to vector<16xf32>
      %mul3A_333 = arith.mulf %get3A_330, %mul3A_332 : vector<16xf32>
      %swap3A_334 = arith.index_cast %scan3A_326 : i32 to index
      %swap3A_335 = arith.constant 0 : index
      %swap3A_336 = tpu.vector_load %arg9[%swap3A_334, %swap3A_335] {strides = array<i32>} : memref<128x128xf32, #tpu.memory_space<vmem>>, vector<1x16xf32>,
      %swap3A_337 = vector.shape_cast %swap3A_336 : vector<1x16xf32> to vector<16xf32>
      %swap3A_338 = vector.shape_cast %mul3A_333 : vector<16xf32> to vector<1x16xf32>
      tpu.vector_store %arg9[%swap3A_334, %swap3A_335], %swap3A_338 {strides = array<i32>} : memref<128x128xf32, #tpu.memory_space<vmem>>, vector<1x16xf32>,
      %get3A_339 = arith.index_cast %scan3A_326 : i32 to index
      %get3A_340 = arith.constant 16 : index
      %get3A_341 = tpu.vector_load %arg9[%get3A_339, %get3A_340] {strides = array<i32>} : memref<128x128xf32, #tpu.memory_space<vmem>>, vector<1x16xf32>,
      %get3A_342 = vector.shape_cast %get3A_341 : vector<1x16xf32> to vector<16xf32>
      %mul3A_343 = arith.constant 11.3137083 : f32
      %mul3A_344 = vector.broadcast %mul3A_343 : f32 to vector<16xf32>
      %mul3A_345 = arith.mulf %get3A_342, %mul3A_344 : vector<16xf32>
      %swap3A_346 = arith.index_cast %scan3A_326 : i32 to index
      %swap3A_347 = arith.constant 16 : index
      %swap3A_348 = tpu.vector_load %arg9[%swap3A_346, %swap3A_347] {strides = array<i32>} : memref<128x128xf32, #tpu.memory_space<vmem>>, vector<1x16xf32>,
      %swap3A_349 = vector.shape_cast %swap3A_348 : vector<1x16xf32> to vector<16xf32>
      %swap3A_350 = vector.shape_cast %mul3A_345 : vector<16xf32> to vector<1x16xf32>
      tpu.vector_store %arg9[%swap3A_346, %swap3A_347], %swap3A_350 {strides = array<i32>} : memref<128x128xf32, #tpu.memory_space<vmem>>, vector<1x16xf32>,
      %get3A_351 = arith.index_cast %scan3A_326 : i32 to index
      %get3A_352 = arith.constant 32 : index
      %get3A_353 = tpu.vector_load %arg9[%get3A_351, %get3A_352] {strides = array<i32>} : memref<128x128xf32, #tpu.memory_space<vmem>>, vector<1x16xf32>,
      %get3A_354 = vector.shape_cast %get3A_353 : vector<1x16xf32> to vector<16xf32>
      %mul3A_355 = arith.constant 11.3137083 : f32
      %mul3A_356 = vector.broadcast %mul3A_355 : f32 to vector<16xf32>
      %mul3A_357 = arith.mulf %get3A_354, %mul3A_356 : vector<16xf32>
      %swap3A_358 = arith.index_cast %scan3A_326 : i32 to index
      %swap3A_359 = arith.constant 32 : index
      %swap3A_360 = tpu.vector_load %arg9[%swap3A_358, %swap3A_359] {strides = array<i32>} : memref<128x128xf32, #tpu.memory_space<vmem>>, vector<1x16xf32>,
      %swap3A_361 = vector.shape_cast %swap3A_360 : vector<1x16xf32> to vector<16xf32>
      %swap3A_362 = vector.shape_cast %mul3A_357 : vector<16xf32> to vector<1x16xf32>
      tpu.vector_store %arg9[%swap3A_358, %swap3A_359], %swap3A_362 {strides = array<i32>} : memref<128x128xf32, #tpu.memory_space<vmem>>, vector<1x16xf32>,
      %get3A_363 = arith.index_cast %scan3A_326 : i32 to index
      %get3A_364 = arith.constant 48 : index
      %get3A_365 = tpu.vector_load %arg9[%get3A_363, %get3A_364] {strides = array<i32>} : memref<128x128xf32, #tpu.memory_space<vmem>>, vector<1x16xf32>,
      %get3A_366 = vector.shape_cast %get3A_365 : vector<1x16xf32> to vector<16xf32>
      %mul3A_367 = arith.constant 11.3137083 : f32
      %mul3A_368 = vector.broadcast %mul3A_367 : f32 to vector<16xf32>
      %mul3A_369 = arith.mulf %get3A_366, %mul3A_368 : vector<16xf32>
      %swap3A_370 = arith.index_cast %scan3A_326 : i32 to index
      %swap3A_371 = arith.constant 48 : index
      %swap3A_372 = tpu.vector_load %arg9[%swap3A_370, %swap3A_371] {strides = array<i32>} : memref<128x128xf32, #tpu.memory_space<vmem>>, vector<1x16xf32>,
      %swap3A_373 = vector.shape_cast %swap3A_372 : vector<1x16xf32> to vector<16xf32>
      %swap3A_374 = vector.shape_cast %mul3A_369 : vector<16xf32> to vector<1x16xf32>
      tpu.vector_store %arg9[%swap3A_370, %swap3A_371], %swap3A_374 {strides = array<i32>} : memref<128x128xf32, #tpu.memory_space<vmem>>, vector<1x16xf32>,
      %get3A_375 = arith.index_cast %scan3A_326 : i32 to index
      %get3A_376 = arith.constant 64 : index
      %get3A_377 = tpu.vector_load %arg9[%get3A_375, %get3A_376] {strides = array<i32>} : memref<128x128xf32, #tpu.memory_space<vmem>>, vector<1x16xf32>,
      %get3A_378 = vector.shape_cast %get3A_377 : vector<1x16xf32> to vector<16xf32>
      %mul3A_379 = arith.constant 11.3137083 : f32
      %mul3A_380 = vector.broadcast %mul3A_379 : f32 to vector<16xf32>
      %mul3A_381 = arith.mulf %get3A_378, %mul3A_380 : vector<16xf32>
      %swap3A_382 = arith.index_cast %scan3A_326 : i32 to index
      %swap3A_383 = arith.constant 64 : index
      %swap3A_384 = tpu.vector_load %arg9[%swap3A_382, %swap3A_383] {strides = array<i32>} : memref<128x128xf32, #tpu.memory_space<vmem>>, vector<1x16xf32>,
      %swap3A_385 = vector.shape_cast %swap3A_384 : vector<1x16xf32> to vector<16xf32>
      %swap3A_386 = vector.shape_cast %mul3A_381 : vector<16xf32> to vector<1x16xf32>
      tpu.vector_store %arg9[%swap3A_382, %swap3A_383], %swap3A_386 {strides = array<i32>} : memref<128x128xf32, #tpu.memory_space<vmem>>, vector<1x16xf32>,
      %get3A_387 = arith.index_cast %scan3A_326 : i32 to index
      %get3A_388 = arith.constant 80 : index
      %get3A_389 = tpu.vector_load %arg9[%get3A_387, %get3A_388] {strides = array<i32>} : memref<128x128xf32, #tpu.memory_space<vmem>>, vector<1x16xf32>,
      %get3A_390 = vector.shape_cast %get3A_389 : vector<1x16xf32> to vector<16xf32>
      %mul3A_391 = arith.constant 11.3137083 : f32
      %mul3A_392 = vector.broadcast %mul3A_391 : f32 to vector<16xf32>
      %mul3A_393 = arith.mulf %get3A_390, %mul3A_392 : vector<16xf32>
      %swap3A_394 = arith.index_cast %scan3A_326 : i32 to index
      %swap3A_395 = arith.constant 80 : index
      %swap3A_396 = tpu.vector_load %arg9[%swap3A_394, %swap3A_395] {strides = array<i32>} : memref<128x128xf32, #tpu.memory_space<vmem>>, vector<1x16xf32>,
      %swap3A_397 = vector.shape_cast %swap3A_396 : vector<1x16xf32> to vector<16xf32>
      %swap3A_398 = vector.shape_cast %mul3A_393 : vector<16xf32> to vector<1x16xf32>
      tpu.vector_store %arg9[%swap3A_394, %swap3A_395], %swap3A_398 {strides = array<i32>} : memref<128x128xf32, #tpu.memory_space<vmem>>, vector<1x16xf32>,
      %get3A_399 = arith.index_cast %scan3A_326 : i32 to index
      %get3A_400 = arith.constant 96 : index
      %get3A_401 = tpu.vector_load %arg9[%get3A_399, %get3A_400] {strides = array<i32>} : memref<128x128xf32, #tpu.memory_space<vmem>>, vector<1x16xf32>,
      %get3A_402 = vector.shape_cast %get3A_401 : vector<1x16xf32> to vector<16xf32>
      %mul3A_403 = arith.constant 11.3137083 : f32
      %mul3A_404 = vector.broadcast %mul3A_403 : f32 to vector<16xf32>
      %mul3A_405 = arith.mulf %get3A_402, %mul3A_404 : vector<16xf32>
      %swap3A_406 = arith.index_cast %scan3A_326 : i32 to index
      %swap3A_407 = arith.constant 96 : index
      %swap3A_408 = tpu.vector_load %arg9[%swap3A_406, %swap3A_407] {strides = array<i32>} : memref<128x128xf32, #tpu.memory_space<vmem>>, vector<1x16xf32>,
      %swap3A_409 = vector.shape_cast %swap3A_408 : vector<1x16xf32> to vector<16xf32>
      %swap3A_410 = vector.shape_cast %mul3A_405 : vector<16xf32> to vector<1x16xf32>
      tpu.vector_store %arg9[%swap3A_406, %swap3A_407], %swap3A_410 {strides = array<i32>} : memref<128x128xf32, #tpu.memory_space<vmem>>, vector<1x16xf32>,
      %get3A_411 = arith.index_cast %scan3A_326 : i32 to index
      %get3A_412 = arith.constant 112 : index
      %get3A_413 = tpu.vector_load %arg9[%get3A_411, %get3A_412] {strides = array<i32>} : memref<128x128xf32, #tpu.memory_space<vmem>>, vector<1x16xf32>,
      %get3A_414 = vector.shape_cast %get3A_413 : vector<1x16xf32> to vector<16xf32>
      %mul3A_415 = arith.constant 11.3137083 : f32
      %mul3A_416 = vector.broadcast %mul3A_415 : f32 to vector<16xf32>
      %mul3A_417 = arith.mulf %get3A_414, %mul3A_416 : vector<16xf32>
      %swap3A_418 = arith.index_cast %scan3A_326 : i32 to index
      %swap3A_419 = arith.constant 112 : index
      %swap3A_420 = tpu.vector_load %arg9[%swap3A_418, %swap3A_419] {strides = array<i32>} : memref<128x128xf32, #tpu.memory_space<vmem>>, vector<1x16xf32>,
      %swap3A_421 = vector.shape_cast %swap3A_420 : vector<1x16xf32> to vector<16xf32>
      %swap3A_422 = vector.shape_cast %mul3A_417 : vector<16xf32> to vector<1x16xf32>
      tpu.vector_store %arg9[%swap3A_418, %swap3A_419], %swap3A_422 {strides = array<i32>} : memref<128x128xf32, #tpu.memory_space<vmem>>, vector<1x16xf32>,
    }
    %scan3A_108 = arith.constant 128 : i32
    %add3A_109 = arith.constant 24960 : i32
    %add3A_110 = arith.addi %mul3A_2, %add3A_109 : i32
    %dma_start3A_111 = arith.constant 0 : i32
    %dma_start3A_112 = tpu.memref_slice %arg4[%add3A_110, %dma_start3A_111] : memref<819200x128xf32, #tpu.memory_space<hbm>> -> memref<128x128xf32, #tpu.memory_space<hbm>>
    %dma_start3A_113 = arith.constant 0 : i32
    %dma_start3A_114 = tpu.memref_slice %arg4[%add3A_110, %dma_start3A_113] : memref<819200x128xf32, #tpu.memory_space<hbm>> -> memref<128x128xf32, #tpu.memory_space<hbm>>
    tpu.enqueue_dma source(%arg9 : memref<128x128xf32, #tpu.memory_space<vmem>>) target(%dma_start3A_114 : memref<128x128xf32, #tpu.memory_space<hbm>>) target_semaphore(%arg21 : memref<!tpu.dma_semaphore, #tpu.memory_space<semaphore_mem>>)
    %add3A_115 = arith.constant 24704 : i32
    %add3A_116 = arith.addi %mul3A_2, %add3A_115 : i32
    %dma_wait3A_117 = arith.constant 0 : i32
    %dma_wait3A_118 = tpu.memref_slice %arg4[%add3A_116, %dma_wait3A_117] : memref<819200x128xf32, #tpu.memory_space<hbm>> -> memref<128x128xf32, #tpu.memory_space<hbm>>
    %dma_wait3A_119 = arith.constant 0 : i32
    %dma_wait3A_120 = tpu.memref_slice %arg4[%add3A_116, %dma_wait3A_119] : memref<819200x128xf32, #tpu.memory_space<hbm>> -> memref<128x128xf32, #tpu.memory_space<hbm>>
    tpu.wait_dma2 semaphore(%arg19 : memref<!tpu.dma_semaphore, #tpu.memory_space<semaphore_mem>>) src(%arg7 : memref<128x128xf32, #tpu.memory_space<vmem>>) dst(%dma_wait3A_120 : memref<128x128xf32, #tpu.memory_space<hbm>>)
    %dma_start3A_121 = arith.constant 25472 : i32
    %dma_start3A_122 = tpu.memref_slice %arg5[%dma_start3A_121] : memref<25600xi32, #tpu.memory_space<vmem>> -> memref<128xi32, #tpu.memory_space<vmem>>
    %dma_start3A_123 = arith.constant 0 : i32
    %dma_start3A_124 = arith.constant 0 : i32
    %dma_start3A_125 = tpu.memref_slice %arg2[%dma_start3A_123, %dma_start3A_124] : memref<100000x128xf32, #tpu.memory_space<hbm>> -> memref<100000x128xf32, #tpu.memory_space<hbm>>
    tpu.enqueue_indirect_dma source(%dma_start3A_125 : memref<100000x128xf32, #tpu.memory_space<hbm>>) target(%arg7 : memref<128x128xf32, #tpu.memory_space<vmem>>) offsets(%dma_start3A_122 : memref<128xi32, #tpu.memory_space<vmem>>) semaphore(%arg13 : memref<!tpu.dma_semaphore, #tpu.memory_space<semaphore_mem>>)
    %dma_wait3A_126 = arith.constant 25088 : i32
    %dma_wait3A_127 = tpu.memref_slice %arg5[%dma_wait3A_126] : memref<25600xi32, #tpu.memory_space<vmem>> -> memref<128xi32, #tpu.memory_space<vmem>>
    %dma_wait3A_128 = arith.constant 0 : i32
    %dma_wait3A_129 = arith.constant 0 : i32
    %dma_wait3A_130 = tpu.memref_slice %arg2[%dma_wait3A_128, %dma_wait3A_129] : memref<100000x128xf32, #tpu.memory_space<hbm>> -> memref<100000x128xf32, #tpu.memory_space<hbm>>
    tpu.wait_indirect_dma semaphore(%arg16 : memref<!tpu.dma_semaphore, #tpu.memory_space<semaphore_mem>>) src(%dma_wait3A_130 : memref<100000x128xf32, #tpu.memory_space<hbm>>) dst(%arg10 : memref<128x128xf32, #tpu.memory_space<vmem>>)
    %scan3A_131 = arith.constant 0 : i32
    %scan3A_132 = arith.constant 0 : i32
    %scan3A_133 = arith.constant 128 : i32
    %scan3A_134 = arith.addi %scan3A_132, %scan3A_133 : i32
    %scan3A_135 = arith.constant 2 : i32
    scf.for %scan3A_230 = %scan3A_132 to %scan3A_134 step %scan3A_135  : i32 {
      %get3A = arith.index_cast %scan3A_230 : i32 to index
      %get3A_231 = arith.constant 0 : index
      %get3A_232 = tpu.vector_load %arg10[%get3A, %get3A_231] {strides = array<i32>} : memref<128x128xf32, #tpu.memory_space<vmem>>, vector<1x16xf32>,
      %get3A_233 = vector.shape_cast %get3A_232 : vector<1x16xf32> to vector<16xf32>
      %mul3A_234 = arith.constant 11.3137083 : f32
      %mul3A_235 = vector.broadcast %mul3A_234 : f32 to vector<16xf32>
      %mul3A_236 = arith.mulf %get3A_233, %mul3A_235 : vector<16xf32>
      %swap3A = arith.index_cast %scan3A_230 : i32 to index
      %swap3A_237 = arith.constant 0 : index
      %swap3A_238 = tpu.vector_load %arg10[%swap3A, %swap3A_237] {strides = array<i32>} : memref<128x128xf32, #tpu.memory_space<vmem>>, vector<1x16xf32>,
      %swap3A_239 = vector.shape_cast %swap3A_238 : vector<1x16xf32> to vector<16xf32>
      %swap3A_240 = vector.shape_cast %mul3A_236 : vector<16xf32> to vector<1x16xf32>
      tpu.vector_store %arg10[%swap3A, %swap3A_237], %swap3A_240 {strides = array<i32>} : memref<128x128xf32, #tpu.memory_space<vmem>>, vector<1x16xf32>,
      %get3A_241 = arith.index_cast %scan3A_230 : i32 to index
      %get3A_242 = arith.constant 16 : index
      %get3A_243 = tpu.vector_load %arg10[%get3A_241, %get3A_242] {strides = array<i32>} : memref<128x128xf32, #tpu.memory_space<vmem>>, vector<1x16xf32>,
      %get3A_244 = vector.shape_cast %get3A_243 : vector<1x16xf32> to vector<16xf32>
      %mul3A_245 = arith.constant 11.3137083 : f32
      %mul3A_246 = vector.broadcast %mul3A_245 : f32 to vector<16xf32>
      %mul3A_247 = arith.mulf %get3A_244, %mul3A_246 : vector<16xf32>
      %swap3A_248 = arith.index_cast %scan3A_230 : i32 to index
      %swap3A_249 = arith.constant 16 : index
      %swap3A_250 = tpu.vector_load %arg10[%swap3A_248, %swap3A_249] {strides = array<i32>} : memref<128x128xf32, #tpu.memory_space<vmem>>, vector<1x16xf32>,
      %swap3A_251 = vector.shape_cast %swap3A_250 : vector<1x16xf32> to vector<16xf32>
      %swap3A_252 = vector.shape_cast %mul3A_247 : vector<16xf32> to vector<1x16xf32>
      tpu.vector_store %arg10[%swap3A_248, %swap3A_249], %swap3A_252 {strides = array<i32>} : memref<128x128xf32, #tpu.memory_space<vmem>>, vector<1x16xf32>,
      %get3A_253 = arith.index_cast %scan3A_230 : i32 to index
      %get3A_254 = arith.constant 32 : index
      %get3A_255 = tpu.vector_load %arg10[%get3A_253, %get3A_254] {strides = array<i32>} : memref<128x128xf32, #tpu.memory_space<vmem>>, vector<1x16xf32>,
      %get3A_256 = vector.shape_cast %get3A_255 : vector<1x16xf32> to vector<16xf32>
      %mul3A_257 = arith.constant 11.3137083 : f32
      %mul3A_258 = vector.broadcast %mul3A_257 : f32 to vector<16xf32>
      %mul3A_259 = arith.mulf %get3A_256, %mul3A_258 : vector<16xf32>
      %swap3A_260 = arith.index_cast %scan3A_230 : i32 to index
      %swap3A_261 = arith.constant 32 : index
      %swap3A_262 = tpu.vector_load %arg10[%swap3A_260, %swap3A_261] {strides = array<i32>} : memref<128x128xf32, #tpu.memory_space<vmem>>, vector<1x16xf32>,
      %swap3A_263 = vector.shape_cast %swap3A_262 : vector<1x16xf32> to vector<16xf32>
      %swap3A_264 = vector.shape_cast %mul3A_259 : vector<16xf32> to vector<1x16xf32>
      tpu.vector_store %arg10[%swap3A_260, %swap3A_261], %swap3A_264 {strides = array<i32>} : memref<128x128xf32, #tpu.memory_space<vmem>>, vector<1x16xf32>,
      %get3A_265 = arith.index_cast %scan3A_230 : i32 to index
      %get3A_266 = arith.constant 48 : index
      %get3A_267 = tpu.vector_load %arg10[%get3A_265, %get3A_266] {strides = array<i32>} : memref<128x128xf32, #tpu.memory_space<vmem>>, vector<1x16xf32>,
      %get3A_268 = vector.shape_cast %get3A_267 : vector<1x16xf32> to vector<16xf32>
      %mul3A_269 = arith.constant 11.3137083 : f32
      %mul3A_270 = vector.broadcast %mul3A_269 : f32 to vector<16xf32>
      %mul3A_271 = arith.mulf %get3A_268, %mul3A_270 : vector<16xf32>
      %swap3A_272 = arith.index_cast %scan3A_230 : i32 to index
      %swap3A_273 = arith.constant 48 : index
      %swap3A_274 = tpu.vector_load %arg10[%swap3A_272, %swap3A_273] {strides = array<i32>} : memref<128x128xf32, #tpu.memory_space<vmem>>, vector<1x16xf32>,
      %swap3A_275 = vector.shape_cast %swap3A_274 : vector<1x16xf32> to vector<16xf32>
      %swap3A_276 = vector.shape_cast %mul3A_271 : vector<16xf32> to vector<1x16xf32>
      tpu.vector_store %arg10[%swap3A_272, %swap3A_273], %swap3A_276 {strides = array<i32>} : memref<128x128xf32, #tpu.memory_space<vmem>>, vector<1x16xf32>,
      %get3A_277 = arith.index_cast %scan3A_230 : i32 to index
      %get3A_278 = arith.constant 64 : index
      %get3A_279 = tpu.vector_load %arg10[%get3A_277, %get3A_278] {strides = array<i32>} : memref<128x128xf32, #tpu.memory_space<vmem>>, vector<1x16xf32>,
      %get3A_280 = vector.shape_cast %get3A_279 : vector<1x16xf32> to vector<16xf32>
      %mul3A_281 = arith.constant 11.3137083 : f32
      %mul3A_282 = vector.broadcast %mul3A_281 : f32 to vector<16xf32>
      %mul3A_283 = arith.mulf %get3A_280, %mul3A_282 : vector<16xf32>
      %swap3A_284 = arith.index_cast %scan3A_230 : i32 to index
      %swap3A_285 = arith.constant 64 : index
      %swap3A_286 = tpu.vector_load %arg10[%swap3A_284, %swap3A_285] {strides = array<i32>} : memref<128x128xf32, #tpu.memory_space<vmem>>, vector<1x16xf32>,
      %swap3A_287 = vector.shape_cast %swap3A_286 : vector<1x16xf32> to vector<16xf32>
      %swap3A_288 = vector.shape_cast %mul3A_283 : vector<16xf32> to vector<1x16xf32>
      tpu.vector_store %arg10[%swap3A_284, %swap3A_285], %swap3A_288 {strides = array<i32>} : memref<128x128xf32, #tpu.memory_space<vmem>>, vector<1x16xf32>,
      %get3A_289 = arith.index_cast %scan3A_230 : i32 to index
      %get3A_290 = arith.constant 80 : index
      %get3A_291 = tpu.vector_load %arg10[%get3A_289, %get3A_290] {strides = array<i32>} : memref<128x128xf32, #tpu.memory_space<vmem>>, vector<1x16xf32>,
      %get3A_292 = vector.shape_cast %get3A_291 : vector<1x16xf32> to vector<16xf32>
      %mul3A_293 = arith.constant 11.3137083 : f32
      %mul3A_294 = vector.broadcast %mul3A_293 : f32 to vector<16xf32>
      %mul3A_295 = arith.mulf %get3A_292, %mul3A_294 : vector<16xf32>
      %swap3A_296 = arith.index_cast %scan3A_230 : i32 to index
      %swap3A_297 = arith.constant 80 : index
      %swap3A_298 = tpu.vector_load %arg10[%swap3A_296, %swap3A_297] {strides = array<i32>} : memref<128x128xf32, #tpu.memory_space<vmem>>, vector<1x16xf32>,
      %swap3A_299 = vector.shape_cast %swap3A_298 : vector<1x16xf32> to vector<16xf32>
      %swap3A_300 = vector.shape_cast %mul3A_295 : vector<16xf32> to vector<1x16xf32>
      tpu.vector_store %arg10[%swap3A_296, %swap3A_297], %swap3A_300 {strides = array<i32>} : memref<128x128xf32, #tpu.memory_space<vmem>>, vector<1x16xf32>,
      %get3A_301 = arith.index_cast %scan3A_230 : i32 to index
      %get3A_302 = arith.constant 96 : index
      %get3A_303 = tpu.vector_load %arg10[%get3A_301, %get3A_302] {strides = array<i32>} : memref<128x128xf32, #tpu.memory_space<vmem>>, vector<1x16xf32>,
      %get3A_304 = vector.shape_cast %get3A_303 : vector<1x16xf32> to vector<16xf32>
      %mul3A_305 = arith.constant 11.3137083 : f32
      %mul3A_306 = vector.broadcast %mul3A_305 : f32 to vector<16xf32>
      %mul3A_307 = arith.mulf %get3A_304, %mul3A_306 : vector<16xf32>
      %swap3A_308 = arith.index_cast %scan3A_230 : i32 to index
      %swap3A_309 = arith.constant 96 : index
      %swap3A_310 = tpu.vector_load %arg10[%swap3A_308, %swap3A_309] {strides = array<i32>} : memref<128x128xf32, #tpu.memory_space<vmem>>, vector<1x16xf32>,
      %swap3A_311 = vector.shape_cast %swap3A_310 : vector<1x16xf32> to vector<16xf32>
      %swap3A_312 = vector.shape_cast %mul3A_307 : vector<16xf32> to vector<1x16xf32>
      tpu.vector_store %arg10[%swap3A_308, %swap3A_309], %swap3A_312 {strides = array<i32>} : memref<128x128xf32, #tpu.memory_space<vmem>>, vector<1x16xf32>,
      %get3A_313 = arith.index_cast %scan3A_230 : i32 to index
      %get3A_314 = arith.constant 112 : index
      %get3A_315 = tpu.vector_load %arg10[%get3A_313, %get3A_314] {strides = array<i32>} : memref<128x128xf32, #tpu.memory_space<vmem>>, vector<1x16xf32>,
      %get3A_316 = vector.shape_cast %get3A_315 : vector<1x16xf32> to vector<16xf32>
      %mul3A_317 = arith.constant 11.3137083 : f32
      %mul3A_318 = vector.broadcast %mul3A_317 : f32 to vector<16xf32>
      %mul3A_319 = arith.mulf %get3A_316, %mul3A_318 : vector<16xf32>
      %swap3A_320 = arith.index_cast %scan3A_230 : i32 to index
      %swap3A_321 = arith.constant 112 : index
      %swap3A_322 = tpu.vector_load %arg10[%swap3A_320, %swap3A_321] {strides = array<i32>} : memref<128x128xf32, #tpu.memory_space<vmem>>, vector<1x16xf32>,
      %swap3A_323 = vector.shape_cast %swap3A_322 : vector<1x16xf32> to vector<16xf32>
      %swap3A_324 = vector.shape_cast %mul3A_319 : vector<16xf32> to vector<1x16xf32>
      tpu.vector_store %arg10[%swap3A_320, %swap3A_321], %swap3A_324 {strides = array<i32>} : memref<128x128xf32, #tpu.memory_space<vmem>>, vector<1x16xf32>,
      %scan3A_325 = arith.constant 1 : i32
      %scan3A_326 = arith.addi %scan3A_230, %scan3A_325 : i32
      %get3A_327 = arith.index_cast %scan3A_326 : i32 to index
      %get3A_328 = arith.constant 0 : index
      %get3A_329 = tpu.vector_load %arg10[%get3A_327, %get3A_328] {strides = array<i32>} : memref<128x128xf32, #tpu.memory_space<vmem>>, vector<1x16xf32>,
      %get3A_330 = vector.shape_cast %get3A_329 : vector<1x16xf32> to vector<16xf32>
      %mul3A_331 = arith.constant 11.3137083 : f32
      %mul3A_332 = vector.broadcast %mul3A_331 : f32 to vector<16xf32>
      %mul3A_333 = arith.mulf %get3A_330, %mul3A_332 : vector<16xf32>
      %swap3A_334 = arith.index_cast %scan3A_326 : i32 to index
      %swap3A_335 = arith.constant 0 : index
      %swap3A_336 = tpu.vector_load %arg10[%swap3A_334, %swap3A_335] {strides = array<i32>} : memref<128x128xf32, #tpu.memory_space<vmem>>, vector<1x16xf32>,
      %swap3A_337 = vector.shape_cast %swap3A_336 : vector<1x16xf32> to vector<16xf32>
      %swap3A_338 = vector.shape_cast %mul3A_333 : vector<16xf32> to vector<1x16xf32>
      tpu.vector_store %arg10[%swap3A_334, %swap3A_335], %swap3A_338 {strides = array<i32>} : memref<128x128xf32, #tpu.memory_space<vmem>>, vector<1x16xf32>,
      %get3A_339 = arith.index_cast %scan3A_326 : i32 to index
      %get3A_340 = arith.constant 16 : index
      %get3A_341 = tpu.vector_load %arg10[%get3A_339, %get3A_340] {strides = array<i32>} : memref<128x128xf32, #tpu.memory_space<vmem>>, vector<1x16xf32>,
      %get3A_342 = vector.shape_cast %get3A_341 : vector<1x16xf32> to vector<16xf32>
      %mul3A_343 = arith.constant 11.3137083 : f32
      %mul3A_344 = vector.broadcast %mul3A_343 : f32 to vector<16xf32>
      %mul3A_345 = arith.mulf %get3A_342, %mul3A_344 : vector<16xf32>
      %swap3A_346 = arith.index_cast %scan3A_326 : i32 to index
      %swap3A_347 = arith.constant 16 : index
      %swap3A_348 = tpu.vector_load %arg10[%swap3A_346, %swap3A_347] {strides = array<i32>} : memref<128x128xf32, #tpu.memory_space<vmem>>, vector<1x16xf32>,
      %swap3A_349 = vector.shape_cast %swap3A_348 : vector<1x16xf32> to vector<16xf32>
      %swap3A_350 = vector.shape_cast %mul3A_345 : vector<16xf32> to vector<1x16xf32>
      tpu.vector_store %arg10[%swap3A_346, %swap3A_347], %swap3A_350 {strides = array<i32>} : memref<128x128xf32, #tpu.memory_space<vmem>>, vector<1x16xf32>,
      %get3A_351 = arith.index_cast %scan3A_326 : i32 to index
      %get3A_352 = arith.constant 32 : index
      %get3A_353 = tpu.vector_load %arg10[%get3A_351, %get3A_352] {strides = array<i32>} : memref<128x128xf32, #tpu.memory_space<vmem>>, vector<1x16xf32>,
      %get3A_354 = vector.shape_cast %get3A_353 : vector<1x16xf32> to vector<16xf32>
      %mul3A_355 = arith.constant 11.3137083 : f32
      %mul3A_356 = vector.broadcast %mul3A_355 : f32 to vector<16xf32>
      %mul3A_357 = arith.mulf %get3A_354, %mul3A_356 : vector<16xf32>
      %swap3A_358 = arith.index_cast %scan3A_326 : i32 to index
      %swap3A_359 = arith.constant 32 : index
      %swap3A_360 = tpu.vector_load %arg10[%swap3A_358, %swap3A_359] {strides = array<i32>} : memref<128x128xf32, #tpu.memory_space<vmem>>, vector<1x16xf32>,
      %swap3A_361 = vector.shape_cast %swap3A_360 : vector<1x16xf32> to vector<16xf32>
      %swap3A_362 = vector.shape_cast %mul3A_357 : vector<16xf32> to vector<1x16xf32>
      tpu.vector_store %arg10[%swap3A_358, %swap3A_359], %swap3A_362 {strides = array<i32>} : memref<128x128xf32, #tpu.memory_space<vmem>>, vector<1x16xf32>,
      %get3A_363 = arith.index_cast %scan3A_326 : i32 to index
      %get3A_364 = arith.constant 48 : index
      %get3A_365 = tpu.vector_load %arg10[%get3A_363, %get3A_364] {strides = array<i32>} : memref<128x128xf32, #tpu.memory_space<vmem>>, vector<1x16xf32>,
      %get3A_366 = vector.shape_cast %get3A_365 : vector<1x16xf32> to vector<16xf32>
      %mul3A_367 = arith.constant 11.3137083 : f32
      %mul3A_368 = vector.broadcast %mul3A_367 : f32 to vector<16xf32>
      %mul3A_369 = arith.mulf %get3A_366, %mul3A_368 : vector<16xf32>
      %swap3A_370 = arith.index_cast %scan3A_326 : i32 to index
      %swap3A_371 = arith.constant 48 : index
      %swap3A_372 = tpu.vector_load %arg10[%swap3A_370, %swap3A_371] {strides = array<i32>} : memref<128x128xf32, #tpu.memory_space<vmem>>, vector<1x16xf32>,
      %swap3A_373 = vector.shape_cast %swap3A_372 : vector<1x16xf32> to vector<16xf32>
      %swap3A_374 = vector.shape_cast %mul3A_369 : vector<16xf32> to vector<1x16xf32>
      tpu.vector_store %arg10[%swap3A_370, %swap3A_371], %swap3A_374 {strides = array<i32>} : memref<128x128xf32, #tpu.memory_space<vmem>>, vector<1x16xf32>,
      %get3A_375 = arith.index_cast %scan3A_326 : i32 to index
      %get3A_376 = arith.constant 64 : index
      %get3A_377 = tpu.vector_load %arg10[%get3A_375, %get3A_376] {strides = array<i32>} : memref<128x128xf32, #tpu.memory_space<vmem>>, vector<1x16xf32>,
      %get3A_378 = vector.shape_cast %get3A_377 : vector<1x16xf32> to vector<16xf32>
      %mul3A_379 = arith.constant 11.3137083 : f32
      %mul3A_380 = vector.broadcast %mul3A_379 : f32 to vector<16xf32>
      %mul3A_381 = arith.mulf %get3A_378, %mul3A_380 : vector<16xf32>
      %swap3A_382 = arith.index_cast %scan3A_326 : i32 to index
      %swap3A_383 = arith.constant 64 : index
      %swap3A_384 = tpu.vector_load %arg10[%swap3A_382, %swap3A_383] {strides = array<i32>} : memref<128x128xf32, #tpu.memory_space<vmem>>, vector<1x16xf32>,
      %swap3A_385 = vector.shape_cast %swap3A_384 : vector<1x16xf32> to vector<16xf32>
      %swap3A_386 = vector.shape_cast %mul3A_381 : vector<16xf32> to vector<1x16xf32>
      tpu.vector_store %arg10[%swap3A_382, %swap3A_383], %swap3A_386 {strides = array<i32>} : memref<128x128xf32, #tpu.memory_space<vmem>>, vector<1x16xf32>,
      %get3A_387 = arith.index_cast %scan3A_326 : i32 to index
      %get3A_388 = arith.constant 80 : index
      %get3A_389 = tpu.vector_load %arg10[%get3A_387, %get3A_388] {strides = array<i32>} : memref<128x128xf32, #tpu.memory_space<vmem>>, vector<1x16xf32>,
      %get3A_390 = vector.shape_cast %get3A_389 : vector<1x16xf32> to vector<16xf32>
      %mul3A_391 = arith.constant 11.3137083 : f32
      %mul3A_392 = vector.broadcast %mul3A_391 : f32 to vector<16xf32>
      %mul3A_393 = arith.mulf %get3A_390, %mul3A_392 : vector<16xf32>
      %swap3A_394 = arith.index_cast %scan3A_326 : i32 to index
      %swap3A_395 = arith.constant 80 : index
      %swap3A_396 = tpu.vector_load %arg10[%swap3A_394, %swap3A_395] {strides = array<i32>} : memref<128x128xf32, #tpu.memory_space<vmem>>, vector<1x16xf32>,
      %swap3A_397 = vector.shape_cast %swap3A_396 : vector<1x16xf32> to vector<16xf32>
      %swap3A_398 = vector.shape_cast %mul3A_393 : vector<16xf32> to vector<1x16xf32>
      tpu.vector_store %arg10[%swap3A_394, %swap3A_395], %swap3A_398 {strides = array<i32>} : memref<128x128xf32, #tpu.memory_space<vmem>>, vector<1x16xf32>,
      %get3A_399 = arith.index_cast %scan3A_326 : i32 to index
      %get3A_400 = arith.constant 96 : index
      %get3A_401 = tpu.vector_load %arg10[%get3A_399, %get3A_400] {strides = array<i32>} : memref<128x128xf32, #tpu.memory_space<vmem>>, vector<1x16xf32>,
      %get3A_402 = vector.shape_cast %get3A_401 : vector<1x16xf32> to vector<16xf32>
      %mul3A_403 = arith.constant 11.3137083 : f32
      %mul3A_404 = vector.broadcast %mul3A_403 : f32 to vector<16xf32>
      %mul3A_405 = arith.mulf %get3A_402, %mul3A_404 : vector<16xf32>
      %swap3A_406 = arith.index_cast %scan3A_326 : i32 to index
      %swap3A_407 = arith.constant 96 : index
      %swap3A_408 = tpu.vector_load %arg10[%swap3A_406, %swap3A_407] {strides = array<i32>} : memref<128x128xf32, #tpu.memory_space<vmem>>, vector<1x16xf32>,
      %swap3A_409 = vector.shape_cast %swap3A_408 : vector<1x16xf32> to vector<16xf32>
      %swap3A_410 = vector.shape_cast %mul3A_405 : vector<16xf32> to vector<1x16xf32>
      tpu.vector_store %arg10[%swap3A_406, %swap3A_407], %swap3A_410 {strides = array<i32>} : memref<128x128xf32, #tpu.memory_space<vmem>>, vector<1x16xf32>,
      %get3A_411 = arith.index_cast %scan3A_326 : i32 to index
      %get3A_412 = arith.constant 112 : index
      %get3A_413 = tpu.vector_load %arg10[%get3A_411, %get3A_412] {strides = array<i32>} : memref<128x128xf32, #tpu.memory_space<vmem>>, vector<1x16xf32>,
      %get3A_414 = vector.shape_cast %get3A_413 : vector<1x16xf32> to vector<16xf32>
      %mul3A_415 = arith.constant 11.3137083 : f32
      %mul3A_416 = vector.broadcast %mul3A_415 : f32 to vector<16xf32>
      %mul3A_417 = arith.mulf %get3A_414, %mul3A_416 : vector<16xf32>
      %swap3A_418 = arith.index_cast %scan3A_326 : i32 to index
      %swap3A_419 = arith.constant 112 : index
      %swap3A_420 = tpu.vector_load %arg10[%swap3A_418, %swap3A_419] {strides = array<i32>} : memref<128x128xf32, #tpu.memory_space<vmem>>, vector<1x16xf32>,
      %swap3A_421 = vector.shape_cast %swap3A_420 : vector<1x16xf32> to vector<16xf32>
      %swap3A_422 = vector.shape_cast %mul3A_417 : vector<16xf32> to vector<1x16xf32>
      tpu.vector_store %arg10[%swap3A_418, %swap3A_419], %swap3A_422 {strides = array<i32>} : memref<128x128xf32, #tpu.memory_space<vmem>>, vector<1x16xf32>,
    }
    %scan3A_136 = arith.constant 128 : i32
    %add3A_137 = arith.constant 25088 : i32
    %add3A_138 = arith.addi %mul3A_2, %add3A_137 : i32
    %dma_start3A_139 = arith.constant 0 : i32
    %dma_start3A_140 = tpu.memref_slice %arg4[%add3A_138, %dma_start3A_139] : memref<819200x128xf32, #tpu.memory_space<hbm>> -> memref<128x128xf32, #tpu.memory_space<hbm>>
    %dma_start3A_141 = arith.constant 0 : i32
    %dma_start3A_142 = tpu.memref_slice %arg4[%add3A_138, %dma_start3A_141] : memref<819200x128xf32, #tpu.memory_space<hbm>> -> memref<128x128xf32, #tpu.memory_space<hbm>>
    tpu.enqueue_dma source(%arg10 : memref<128x128xf32, #tpu.memory_space<vmem>>) target(%dma_start3A_142 : memref<128x128xf32, #tpu.memory_space<hbm>>) target_semaphore(%arg22 : memref<!tpu.dma_semaphore, #tpu.memory_space<semaphore_mem>>)
    %dma_wait3A_143 = arith.constant 25216 : i32
    %dma_wait3A_144 = tpu.memref_slice %arg5[%dma_wait3A_143] : memref<25600xi32, #tpu.memory_space<vmem>> -> memref<128xi32, #tpu.memory_space<vmem>>
    %dma_wait3A_145 = arith.constant 0 : i32
    %dma_wait3A_146 = arith.constant 0 : i32
    %dma_wait3A_147 = tpu.memref_slice %arg2[%dma_wait3A_145, %dma_wait3A_146] : memref<100000x128xf32, #tpu.memory_space<hbm>> -> memref<100000x128xf32, #tpu.memory_space<hbm>>
    tpu.wait_indirect_dma semaphore(%arg17 : memref<!tpu.dma_semaphore, #tpu.memory_space<semaphore_mem>>) src(%dma_wait3A_147 : memref<100000x128xf32, #tpu.memory_space<hbm>>) dst(%arg11 : memref<128x128xf32, #tpu.memory_space<vmem>>)
    %scan3A_148 = arith.constant 0 : i32
    %scan3A_149 = arith.constant 0 : i32
    %scan3A_150 = arith.constant 128 : i32
    %scan3A_151 = arith.addi %scan3A_149, %scan3A_150 : i32
    %scan3A_152 = arith.constant 2 : i32
    scf.for %scan3A_230 = %scan3A_149 to %scan3A_151 step %scan3A_152  : i32 {
      %get3A = arith.index_cast %scan3A_230 : i32 to index
      %get3A_231 = arith.constant 0 : index
      %get3A_232 = tpu.vector_load %arg11[%get3A, %get3A_231] {strides = array<i32>} : memref<128x128xf32, #tpu.memory_space<vmem>>, vector<1x16xf32>,
      %get3A_233 = vector.shape_cast %get3A_232 : vector<1x16xf32> to vector<16xf32>
      %mul3A_234 = arith.constant 11.3137083 : f32
      %mul3A_235 = vector.broadcast %mul3A_234 : f32 to vector<16xf32>
      %mul3A_236 = arith.mulf %get3A_233, %mul3A_235 : vector<16xf32>
      %swap3A = arith.index_cast %scan3A_230 : i32 to index
      %swap3A_237 = arith.constant 0 : index
      %swap3A_238 = tpu.vector_load %arg11[%swap3A, %swap3A_237] {strides = array<i32>} : memref<128x128xf32, #tpu.memory_space<vmem>>, vector<1x16xf32>,
      %swap3A_239 = vector.shape_cast %swap3A_238 : vector<1x16xf32> to vector<16xf32>
      %swap3A_240 = vector.shape_cast %mul3A_236 : vector<16xf32> to vector<1x16xf32>
      tpu.vector_store %arg11[%swap3A, %swap3A_237], %swap3A_240 {strides = array<i32>} : memref<128x128xf32, #tpu.memory_space<vmem>>, vector<1x16xf32>,
      %get3A_241 = arith.index_cast %scan3A_230 : i32 to index
      %get3A_242 = arith.constant 16 : index
      %get3A_243 = tpu.vector_load %arg11[%get3A_241, %get3A_242] {strides = array<i32>} : memref<128x128xf32, #tpu.memory_space<vmem>>, vector<1x16xf32>,
      %get3A_244 = vector.shape_cast %get3A_243 : vector<1x16xf32> to vector<16xf32>
      %mul3A_245 = arith.constant 11.3137083 : f32
      %mul3A_246 = vector.broadcast %mul3A_245 : f32 to vector<16xf32>
      %mul3A_247 = arith.mulf %get3A_244, %mul3A_246 : vector<16xf32>
      %swap3A_248 = arith.index_cast %scan3A_230 : i32 to index
      %swap3A_249 = arith.constant 16 : index
      %swap3A_250 = tpu.vector_load %arg11[%swap3A_248, %swap3A_249] {strides = array<i32>} : memref<128x128xf32, #tpu.memory_space<vmem>>, vector<1x16xf32>,
      %swap3A_251 = vector.shape_cast %swap3A_250 : vector<1x16xf32> to vector<16xf32>
      %swap3A_252 = vector.shape_cast %mul3A_247 : vector<16xf32> to vector<1x16xf32>
      tpu.vector_store %arg11[%swap3A_248, %swap3A_249], %swap3A_252 {strides = array<i32>} : memref<128x128xf32, #tpu.memory_space<vmem>>, vector<1x16xf32>,
      %get3A_253 = arith.index_cast %scan3A_230 : i32 to index
      %get3A_254 = arith.constant 32 : index
      %get3A_255 = tpu.vector_load %arg11[%get3A_253, %get3A_254] {strides = array<i32>} : memref<128x128xf32, #tpu.memory_space<vmem>>, vector<1x16xf32>,
      %get3A_256 = vector.shape_cast %get3A_255 : vector<1x16xf32> to vector<16xf32>
      %mul3A_257 = arith.constant 11.3137083 : f32
      %mul3A_258 = vector.broadcast %mul3A_257 : f32 to vector<16xf32>
      %mul3A_259 = arith.mulf %get3A_256, %mul3A_258 : vector<16xf32>
      %swap3A_260 = arith.index_cast %scan3A_230 : i32 to index
      %swap3A_261 = arith.constant 32 : index
      %swap3A_262 = tpu.vector_load %arg11[%swap3A_260, %swap3A_261] {strides = array<i32>} : memref<128x128xf32, #tpu.memory_space<vmem>>, vector<1x16xf32>,
      %swap3A_263 = vector.shape_cast %swap3A_262 : vector<1x16xf32> to vector<16xf32>
      %swap3A_264 = vector.shape_cast %mul3A_259 : vector<16xf32> to vector<1x16xf32>
      tpu.vector_store %arg11[%swap3A_260, %swap3A_261], %swap3A_264 {strides = array<i32>} : memref<128x128xf32, #tpu.memory_space<vmem>>, vector<1x16xf32>,
      %get3A_265 = arith.index_cast %scan3A_230 : i32 to index
      %get3A_266 = arith.constant 48 : index
      %get3A_267 = tpu.vector_load %arg11[%get3A_265, %get3A_266] {strides = array<i32>} : memref<128x128xf32, #tpu.memory_space<vmem>>, vector<1x16xf32>,
      %get3A_268 = vector.shape_cast %get3A_267 : vector<1x16xf32> to vector<16xf32>
      %mul3A_269 = arith.constant 11.3137083 : f32
      %mul3A_270 = vector.broadcast %mul3A_269 : f32 to vector<16xf32>
      %mul3A_271 = arith.mulf %get3A_268, %mul3A_270 : vector<16xf32>
      %swap3A_272 = arith.index_cast %scan3A_230 : i32 to index
      %swap3A_273 = arith.constant 48 : index
      %swap3A_274 = tpu.vector_load %arg11[%swap3A_272, %swap3A_273] {strides = array<i32>} : memref<128x128xf32, #tpu.memory_space<vmem>>, vector<1x16xf32>,
      %swap3A_275 = vector.shape_cast %swap3A_274 : vector<1x16xf32> to vector<16xf32>
      %swap3A_276 = vector.shape_cast %mul3A_271 : vector<16xf32> to vector<1x16xf32>
      tpu.vector_store %arg11[%swap3A_272, %swap3A_273], %swap3A_276 {strides = array<i32>} : memref<128x128xf32, #tpu.memory_space<vmem>>, vector<1x16xf32>,
      %get3A_277 = arith.index_cast %scan3A_230 : i32 to index
      %get3A_278 = arith.constant 64 : index
      %get3A_279 = tpu.vector_load %arg11[%get3A_277, %get3A_278] {strides = array<i32>} : memref<128x128xf32, #tpu.memory_space<vmem>>, vector<1x16xf32>,
      %get3A_280 = vector.shape_cast %get3A_279 : vector<1x16xf32> to vector<16xf32>
      %mul3A_281 = arith.constant 11.3137083 : f32
      %mul3A_282 = vector.broadcast %mul3A_281 : f32 to vector<16xf32>
      %mul3A_283 = arith.mulf %get3A_280, %mul3A_282 : vector<16xf32>
      %swap3A_284 = arith.index_cast %scan3A_230 : i32 to index
      %swap3A_285 = arith.constant 64 : index
      %swap3A_286 = tpu.vector_load %arg11[%swap3A_284, %swap3A_285] {strides = array<i32>} : memref<128x128xf32, #tpu.memory_space<vmem>>, vector<1x16xf32>,
      %swap3A_287 = vector.shape_cast %swap3A_286 : vector<1x16xf32> to vector<16xf32>
      %swap3A_288 = vector.shape_cast %mul3A_283 : vector<16xf32> to vector<1x16xf32>
      tpu.vector_store %arg11[%swap3A_284, %swap3A_285], %swap3A_288 {strides = array<i32>} : memref<128x128xf32, #tpu.memory_space<vmem>>, vector<1x16xf32>,
      %get3A_289 = arith.index_cast %scan3A_230 : i32 to index
      %get3A_290 = arith.constant 80 : index
      %get3A_291 = tpu.vector_load %arg11[%get3A_289, %get3A_290] {strides = array<i32>} : memref<128x128xf32, #tpu.memory_space<vmem>>, vector<1x16xf32>,
      %get3A_292 = vector.shape_cast %get3A_291 : vector<1x16xf32> to vector<16xf32>
      %mul3A_293 = arith.constant 11.3137083 : f32
      %mul3A_294 = vector.broadcast %mul3A_293 : f32 to vector<16xf32>
      %mul3A_295 = arith.mulf %get3A_292, %mul3A_294 : vector<16xf32>
      %swap3A_296 = arith.index_cast %scan3A_230 : i32 to index
      %swap3A_297 = arith.constant 80 : index
      %swap3A_298 = tpu.vector_load %arg11[%swap3A_296, %swap3A_297] {strides = array<i32>} : memref<128x128xf32, #tpu.memory_space<vmem>>, vector<1x16xf32>,
      %swap3A_299 = vector.shape_cast %swap3A_298 : vector<1x16xf32> to vector<16xf32>
      %swap3A_300 = vector.shape_cast %mul3A_295 : vector<16xf32> to vector<1x16xf32>
      tpu.vector_store %arg11[%swap3A_296, %swap3A_297], %swap3A_300 {strides = array<i32>} : memref<128x128xf32, #tpu.memory_space<vmem>>, vector<1x16xf32>,
      %get3A_301 = arith.index_cast %scan3A_230 : i32 to index
      %get3A_302 = arith.constant 96 : index
      %get3A_303 = tpu.vector_load %arg11[%get3A_301, %get3A_302] {strides = array<i32>} : memref<128x128xf32, #tpu.memory_space<vmem>>, vector<1x16xf32>,
      %get3A_304 = vector.shape_cast %get3A_303 : vector<1x16xf32> to vector<16xf32>
      %mul3A_305 = arith.constant 11.3137083 : f32
      %mul3A_306 = vector.broadcast %mul3A_305 : f32 to vector<16xf32>
      %mul3A_307 = arith.mulf %get3A_304, %mul3A_306 : vector<16xf32>
      %swap3A_308 = arith.index_cast %scan3A_230 : i32 to index
      %swap3A_309 = arith.constant 96 : index
      %swap3A_310 = tpu.vector_load %arg11[%swap3A_308, %swap3A_309] {strides = array<i32>} : memref<128x128xf32, #tpu.memory_space<vmem>>, vector<1x16xf32>,
      %swap3A_311 = vector.shape_cast %swap3A_310 : vector<1x16xf32> to vector<16xf32>
      %swap3A_312 = vector.shape_cast %mul3A_307 : vector<16xf32> to vector<1x16xf32>
      tpu.vector_store %arg11[%swap3A_308, %swap3A_309], %swap3A_312 {strides = array<i32>} : memref<128x128xf32, #tpu.memory_space<vmem>>, vector<1x16xf32>,
      %get3A_313 = arith.index_cast %scan3A_230 : i32 to index
      %get3A_314 = arith.constant 112 : index
      %get3A_315 = tpu.vector_load %arg11[%get3A_313, %get3A_314] {strides = array<i32>} : memref<128x128xf32, #tpu.memory_space<vmem>>, vector<1x16xf32>,
      %get3A_316 = vector.shape_cast %get3A_315 : vector<1x16xf32> to vector<16xf32>
      %mul3A_317 = arith.constant 11.3137083 : f32
      %mul3A_318 = vector.broadcast %mul3A_317 : f32 to vector<16xf32>
      %mul3A_319 = arith.mulf %get3A_316, %mul3A_318 : vector<16xf32>
      %swap3A_320 = arith.index_cast %scan3A_230 : i32 to index
      %swap3A_321 = arith.constant 112 : index
      %swap3A_322 = tpu.vector_load %arg11[%swap3A_320, %swap3A_321] {strides = array<i32>} : memref<128x128xf32, #tpu.memory_space<vmem>>, vector<1x16xf32>,
      %swap3A_323 = vector.shape_cast %swap3A_322 : vector<1x16xf32> to vector<16xf32>
      %swap3A_324 = vector.shape_cast %mul3A_319 : vector<16xf32> to vector<1x16xf32>
      tpu.vector_store %arg11[%swap3A_320, %swap3A_321], %swap3A_324 {strides = array<i32>} : memref<128x128xf32, #tpu.memory_space<vmem>>, vector<1x16xf32>,
      %scan3A_325 = arith.constant 1 : i32
      %scan3A_326 = arith.addi %scan3A_230, %scan3A_325 : i32
      %get3A_327 = arith.index_cast %scan3A_326 : i32 to index
      %get3A_328 = arith.constant 0 : index
      %get3A_329 = tpu.vector_load %arg11[%get3A_327, %get3A_328] {strides = array<i32>} : memref<128x128xf32, #tpu.memory_space<vmem>>, vector<1x16xf32>,
      %get3A_330 = vector.shape_cast %get3A_329 : vector<1x16xf32> to vector<16xf32>
      %mul3A_331 = arith.constant 11.3137083 : f32
      %mul3A_332 = vector.broadcast %mul3A_331 : f32 to vector<16xf32>
      %mul3A_333 = arith.mulf %get3A_330, %mul3A_332 : vector<16xf32>
      %swap3A_334 = arith.index_cast %scan3A_326 : i32 to index
      %swap3A_335 = arith.constant 0 : index
      %swap3A_336 = tpu.vector_load %arg11[%swap3A_334, %swap3A_335] {strides = array<i32>} : memref<128x128xf32, #tpu.memory_space<vmem>>, vector<1x16xf32>,
      %swap3A_337 = vector.shape_cast %swap3A_336 : vector<1x16xf32> to vector<16xf32>
      %swap3A_338 = vector.shape_cast %mul3A_333 : vector<16xf32> to vector<1x16xf32>
      tpu.vector_store %arg11[%swap3A_334, %swap3A_335], %swap3A_338 {strides = array<i32>} : memref<128x128xf32, #tpu.memory_space<vmem>>, vector<1x16xf32>,
      %get3A_339 = arith.index_cast %scan3A_326 : i32 to index
      %get3A_340 = arith.constant 16 : index
      %get3A_341 = tpu.vector_load %arg11[%get3A_339, %get3A_340] {strides = array<i32>} : memref<128x128xf32, #tpu.memory_space<vmem>>, vector<1x16xf32>,
      %get3A_342 = vector.shape_cast %get3A_341 : vector<1x16xf32> to vector<16xf32>
      %mul3A_343 = arith.constant 11.3137083 : f32
      %mul3A_344 = vector.broadcast %mul3A_343 : f32 to vector<16xf32>
      %mul3A_345 = arith.mulf %get3A_342, %mul3A_344 : vector<16xf32>
      %swap3A_346 = arith.index_cast %scan3A_326 : i32 to index
      %swap3A_347 = arith.constant 16 : index
      %swap3A_348 = tpu.vector_load %arg11[%swap3A_346, %swap3A_347] {strides = array<i32>} : memref<128x128xf32, #tpu.memory_space<vmem>>, vector<1x16xf32>,
      %swap3A_349 = vector.shape_cast %swap3A_348 : vector<1x16xf32> to vector<16xf32>
      %swap3A_350 = vector.shape_cast %mul3A_345 : vector<16xf32> to vector<1x16xf32>
      tpu.vector_store %arg11[%swap3A_346, %swap3A_347], %swap3A_350 {strides = array<i32>} : memref<128x128xf32, #tpu.memory_space<vmem>>, vector<1x16xf32>,
      %get3A_351 = arith.index_cast %scan3A_326 : i32 to index
      %get3A_352 = arith.constant 32 : index
      %get3A_353 = tpu.vector_load %arg11[%get3A_351, %get3A_352] {strides = array<i32>} : memref<128x128xf32, #tpu.memory_space<vmem>>, vector<1x16xf32>,
      %get3A_354 = vector.shape_cast %get3A_353 : vector<1x16xf32> to vector<16xf32>
      %mul3A_355 = arith.constant 11.3137083 : f32
      %mul3A_356 = vector.broadcast %mul3A_355 : f32 to vector<16xf32>
      %mul3A_357 = arith.mulf %get3A_354, %mul3A_356 : vector<16xf32>
      %swap3A_358 = arith.index_cast %scan3A_326 : i32 to index
      %swap3A_359 = arith.constant 32 : index
      %swap3A_360 = tpu.vector_load %arg11[%swap3A_358, %swap3A_359] {strides = array<i32>} : memref<128x128xf32, #tpu.memory_space<vmem>>, vector<1x16xf32>,
      %swap3A_361 = vector.shape_cast %swap3A_360 : vector<1x16xf32> to vector<16xf32>
      %swap3A_362 = vector.shape_cast %mul3A_357 : vector<16xf32> to vector<1x16xf32>
      tpu.vector_store %arg11[%swap3A_358, %swap3A_359], %swap3A_362 {strides = array<i32>} : memref<128x128xf32, #tpu.memory_space<vmem>>, vector<1x16xf32>,
      %get3A_363 = arith.index_cast %scan3A_326 : i32 to index
      %get3A_364 = arith.constant 48 : index
      %get3A_365 = tpu.vector_load %arg11[%get3A_363, %get3A_364] {strides = array<i32>} : memref<128x128xf32, #tpu.memory_space<vmem>>, vector<1x16xf32>,
      %get3A_366 = vector.shape_cast %get3A_365 : vector<1x16xf32> to vector<16xf32>
      %mul3A_367 = arith.constant 11.3137083 : f32
      %mul3A_368 = vector.broadcast %mul3A_367 : f32 to vector<16xf32>
      %mul3A_369 = arith.mulf %get3A_366, %mul3A_368 : vector<16xf32>
      %swap3A_370 = arith.index_cast %scan3A_326 : i32 to index
      %swap3A_371 = arith.constant 48 : index
      %swap3A_372 = tpu.vector_load %arg11[%swap3A_370, %swap3A_371] {strides = array<i32>} : memref<128x128xf32, #tpu.memory_space<vmem>>, vector<1x16xf32>,
      %swap3A_373 = vector.shape_cast %swap3A_372 : vector<1x16xf32> to vector<16xf32>
      %swap3A_374 = vector.shape_cast %mul3A_369 : vector<16xf32> to vector<1x16xf32>
      tpu.vector_store %arg11[%swap3A_370, %swap3A_371], %swap3A_374 {strides = array<i32>} : memref<128x128xf32, #tpu.memory_space<vmem>>, vector<1x16xf32>,
      %get3A_375 = arith.index_cast %scan3A_326 : i32 to index
      %get3A_376 = arith.constant 64 : index
      %get3A_377 = tpu.vector_load %arg11[%get3A_375, %get3A_376] {strides = array<i32>} : memref<128x128xf32, #tpu.memory_space<vmem>>, vector<1x16xf32>,
      %get3A_378 = vector.shape_cast %get3A_377 : vector<1x16xf32> to vector<16xf32>
      %mul3A_379 = arith.constant 11.3137083 : f32
      %mul3A_380 = vector.broadcast %mul3A_379 : f32 to vector<16xf32>
      %mul3A_381 = arith.mulf %get3A_378, %mul3A_380 : vector<16xf32>
      %swap3A_382 = arith.index_cast %scan3A_326 : i32 to index
      %swap3A_383 = arith.constant 64 : index
      %swap3A_384 = tpu.vector_load %arg11[%swap3A_382, %swap3A_383] {strides = array<i32>} : memref<128x128xf32, #tpu.memory_space<vmem>>, vector<1x16xf32>,
      %swap3A_385 = vector.shape_cast %swap3A_384 : vector<1x16xf32> to vector<16xf32>
      %swap3A_386 = vector.shape_cast %mul3A_381 : vector<16xf32> to vector<1x16xf32>
      tpu.vector_store %arg11[%swap3A_382, %swap3A_383], %swap3A_386 {strides = array<i32>} : memref<128x128xf32, #tpu.memory_space<vmem>>, vector<1x16xf32>,
      %get3A_387 = arith.index_cast %scan3A_326 : i32 to index
      %get3A_388 = arith.constant 80 : index
      %get3A_389 = tpu.vector_load %arg11[%get3A_387, %get3A_388] {strides = array<i32>} : memref<128x128xf32, #tpu.memory_space<vmem>>, vector<1x16xf32>,
      %get3A_390 = vector.shape_cast %get3A_389 : vector<1x16xf32> to vector<16xf32>
      %mul3A_391 = arith.constant 11.3137083 : f32
      %mul3A_392 = vector.broadcast %mul3A_391 : f32 to vector<16xf32>
      %mul3A_393 = arith.mulf %get3A_390, %mul3A_392 : vector<16xf32>
      %swap3A_394 = arith.index_cast %scan3A_326 : i32 to index
      %swap3A_395 = arith.constant 80 : index
      %swap3A_396 = tpu.vector_load %arg11[%swap3A_394, %swap3A_395] {strides = array<i32>} : memref<128x128xf32, #tpu.memory_space<vmem>>, vector<1x16xf32>,
      %swap3A_397 = vector.shape_cast %swap3A_396 : vector<1x16xf32> to vector<16xf32>
      %swap3A_398 = vector.shape_cast %mul3A_393 : vector<16xf32> to vector<1x16xf32>
      tpu.vector_store %arg11[%swap3A_394, %swap3A_395], %swap3A_398 {strides = array<i32>} : memref<128x128xf32, #tpu.memory_space<vmem>>, vector<1x16xf32>,
      %get3A_399 = arith.index_cast %scan3A_326 : i32 to index
      %get3A_400 = arith.constant 96 : index
      %get3A_401 = tpu.vector_load %arg11[%get3A_399, %get3A_400] {strides = array<i32>} : memref<128x128xf32, #tpu.memory_space<vmem>>, vector<1x16xf32>,
      %get3A_402 = vector.shape_cast %get3A_401 : vector<1x16xf32> to vector<16xf32>
      %mul3A_403 = arith.constant 11.3137083 : f32
      %mul3A_404 = vector.broadcast %mul3A_403 : f32 to vector<16xf32>
      %mul3A_405 = arith.mulf %get3A_402, %mul3A_404 : vector<16xf32>
      %swap3A_406 = arith.index_cast %scan3A_326 : i32 to index
      %swap3A_407 = arith.constant 96 : index
      %swap3A_408 = tpu.vector_load %arg11[%swap3A_406, %swap3A_407] {strides = array<i32>} : memref<128x128xf32, #tpu.memory_space<vmem>>, vector<1x16xf32>,
      %swap3A_409 = vector.shape_cast %swap3A_408 : vector<1x16xf32> to vector<16xf32>
      %swap3A_410 = vector.shape_cast %mul3A_405 : vector<16xf32> to vector<1x16xf32>
      tpu.vector_store %arg11[%swap3A_406, %swap3A_407], %swap3A_410 {strides = array<i32>} : memref<128x128xf32, #tpu.memory_space<vmem>>, vector<1x16xf32>,
      %get3A_411 = arith.index_cast %scan3A_326 : i32 to index
      %get3A_412 = arith.constant 112 : index
      %get3A_413 = tpu.vector_load %arg11[%get3A_411, %get3A_412] {strides = array<i32>} : memref<128x128xf32, #tpu.memory_space<vmem>>, vector<1x16xf32>,
      %get3A_414 = vector.shape_cast %get3A_413 : vector<1x16xf32> to vector<16xf32>
      %mul3A_415 = arith.constant 11.3137083 : f32
      %mul3A_416 = vector.broadcast %mul3A_415 : f32 to vector<16xf32>
      %mul3A_417 = arith.mulf %get3A_414, %mul3A_416 : vector<16xf32>
      %swap3A_418 = arith.index_cast %scan3A_326 : i32 to index
      %swap3A_419 = arith.constant 112 : index
      %swap3A_420 = tpu.vector_load %arg11[%swap3A_418, %swap3A_419] {strides = array<i32>} : memref<128x128xf32, #tpu.memory_space<vmem>>, vector<1x16xf32>,
      %swap3A_421 = vector.shape_cast %swap3A_420 : vector<1x16xf32> to vector<16xf32>
      %swap3A_422 = vector.shape_cast %mul3A_417 : vector<16xf32> to vector<1x16xf32>
      tpu.vector_store %arg11[%swap3A_418, %swap3A_419], %swap3A_422 {strides = array<i32>} : memref<128x128xf32, #tpu.memory_space<vmem>>, vector<1x16xf32>,
    }
    %scan3A_153 = arith.constant 128 : i32
    %add3A_154 = arith.constant 25216 : i32
    %add3A_155 = arith.addi %mul3A_2, %add3A_154 : i32
    %dma_start3A_156 = arith.constant 0 : i32
    %dma_start3A_157 = tpu.memref_slice %arg4[%add3A_155, %dma_start3A_156] : memref<819200x128xf32, #tpu.memory_space<hbm>> -> memref<128x128xf32, #tpu.memory_space<hbm>>
    %dma_start3A_158 = arith.constant 0 : i32
    %dma_start3A_159 = tpu.memref_slice %arg4[%add3A_155, %dma_start3A_158] : memref<819200x128xf32, #tpu.memory_space<hbm>> -> memref<128x128xf32, #tpu.memory_space<hbm>>
    tpu.enqueue_dma source(%arg11 : memref<128x128xf32, #tpu.memory_space<vmem>>) target(%dma_start3A_159 : memref<128x128xf32, #tpu.memory_space<hbm>>) target_semaphore(%arg23 : memref<!tpu.dma_semaphore, #tpu.memory_space<semaphore_mem>>)
    %dma_wait3A_160 = arith.constant 25344 : i32
    %dma_wait3A_161 = tpu.memref_slice %arg5[%dma_wait3A_160] : memref<25600xi32, #tpu.memory_space<vmem>> -> memref<128xi32, #tpu.memory_space<vmem>>
    %dma_wait3A_162 = arith.constant 0 : i32
    %dma_wait3A_163 = arith.constant 0 : i32
    %dma_wait3A_164 = tpu.memref_slice %arg2[%dma_wait3A_162, %dma_wait3A_163] : memref<100000x128xf32, #tpu.memory_space<hbm>> -> memref<100000x128xf32, #tpu.memory_space<hbm>>
    tpu.wait_indirect_dma semaphore(%arg12 : memref<!tpu.dma_semaphore, #tpu.memory_space<semaphore_mem>>) src(%dma_wait3A_164 : memref<100000x128xf32, #tpu.memory_space<hbm>>) dst(%arg6 : memref<128x128xf32, #tpu.memory_space<vmem>>)
    %scan3A_165 = arith.constant 0 : i32
    %scan3A_166 = arith.constant 0 : i32
    %scan3A_167 = arith.constant 128 : i32
    %scan3A_168 = arith.addi %scan3A_166, %scan3A_167 : i32
    %scan3A_169 = arith.constant 2 : i32
    scf.for %scan3A_230 = %scan3A_166 to %scan3A_168 step %scan3A_169  : i32 {
      %get3A = arith.index_cast %scan3A_230 : i32 to index
      %get3A_231 = arith.constant 0 : index
      %get3A_232 = tpu.vector_load %arg6[%get3A, %get3A_231] {strides = array<i32>} : memref<128x128xf32, #tpu.memory_space<vmem>>, vector<1x16xf32>,
      %get3A_233 = vector.shape_cast %get3A_232 : vector<1x16xf32> to vector<16xf32>
      %mul3A_234 = arith.constant 11.3137083 : f32
      %mul3A_235 = vector.broadcast %mul3A_234 : f32 to vector<16xf32>
      %mul3A_236 = arith.mulf %get3A_233, %mul3A_235 : vector<16xf32>
      %swap3A = arith.index_cast %scan3A_230 : i32 to index
      %swap3A_237 = arith.constant 0 : index
      %swap3A_238 = tpu.vector_load %arg6[%swap3A, %swap3A_237] {strides = array<i32>} : memref<128x128xf32, #tpu.memory_space<vmem>>, vector<1x16xf32>,
      %swap3A_239 = vector.shape_cast %swap3A_238 : vector<1x16xf32> to vector<16xf32>
      %swap3A_240 = vector.shape_cast %mul3A_236 : vector<16xf32> to vector<1x16xf32>
      tpu.vector_store %arg6[%swap3A, %swap3A_237], %swap3A_240 {strides = array<i32>} : memref<128x128xf32, #tpu.memory_space<vmem>>, vector<1x16xf32>,
      %get3A_241 = arith.index_cast %scan3A_230 : i32 to index
      %get3A_242 = arith.constant 16 : index
      %get3A_243 = tpu.vector_load %arg6[%get3A_241, %get3A_242] {strides = array<i32>} : memref<128x128xf32, #tpu.memory_space<vmem>>, vector<1x16xf32>,
      %get3A_244 = vector.shape_cast %get3A_243 : vector<1x16xf32> to vector<16xf32>
      %mul3A_245 = arith.constant 11.3137083 : f32
      %mul3A_246 = vector.broadcast %mul3A_245 : f32 to vector<16xf32>
      %mul3A_247 = arith.mulf %get3A_244, %mul3A_246 : vector<16xf32>
      %swap3A_248 = arith.index_cast %scan3A_230 : i32 to index
      %swap3A_249 = arith.constant 16 : index
      %swap3A_250 = tpu.vector_load %arg6[%swap3A_248, %swap3A_249] {strides = array<i32>} : memref<128x128xf32, #tpu.memory_space<vmem>>, vector<1x16xf32>,
      %swap3A_251 = vector.shape_cast %swap3A_250 : vector<1x16xf32> to vector<16xf32>
      %swap3A_252 = vector.shape_cast %mul3A_247 : vector<16xf32> to vector<1x16xf32>
      tpu.vector_store %arg6[%swap3A_248, %swap3A_249], %swap3A_252 {strides = array<i32>} : memref<128x128xf32, #tpu.memory_space<vmem>>, vector<1x16xf32>,
      %get3A_253 = arith.index_cast %scan3A_230 : i32 to index
      %get3A_254 = arith.constant 32 : index
      %get3A_255 = tpu.vector_load %arg6[%get3A_253, %get3A_254] {strides = array<i32>} : memref<128x128xf32, #tpu.memory_space<vmem>>, vector<1x16xf32>,
      %get3A_256 = vector.shape_cast %get3A_255 : vector<1x16xf32> to vector<16xf32>
      %mul3A_257 = arith.constant 11.3137083 : f32
      %mul3A_258 = vector.broadcast %mul3A_257 : f32 to vector<16xf32>
      %mul3A_259 = arith.mulf %get3A_256, %mul3A_258 : vector<16xf32>
      %swap3A_260 = arith.index_cast %scan3A_230 : i32 to index
      %swap3A_261 = arith.constant 32 : index
      %swap3A_262 = tpu.vector_load %arg6[%swap3A_260, %swap3A_261] {strides = array<i32>} : memref<128x128xf32, #tpu.memory_space<vmem>>, vector<1x16xf32>,
      %swap3A_263 = vector.shape_cast %swap3A_262 : vector<1x16xf32> to vector<16xf32>
      %swap3A_264 = vector.shape_cast %mul3A_259 : vector<16xf32> to vector<1x16xf32>
      tpu.vector_store %arg6[%swap3A_260, %swap3A_261], %swap3A_264 {strides = array<i32>} : memref<128x128xf32, #tpu.memory_space<vmem>>, vector<1x16xf32>,
      %get3A_265 = arith.index_cast %scan3A_230 : i32 to index
      %get3A_266 = arith.constant 48 : index
      %get3A_267 = tpu.vector_load %arg6[%get3A_265, %get3A_266] {strides = array<i32>} : memref<128x128xf32, #tpu.memory_space<vmem>>, vector<1x16xf32>,
      %get3A_268 = vector.shape_cast %get3A_267 : vector<1x16xf32> to vector<16xf32>
      %mul3A_269 = arith.constant 11.3137083 : f32
      %mul3A_270 = vector.broadcast %mul3A_269 : f32 to vector<16xf32>
      %mul3A_271 = arith.mulf %get3A_268, %mul3A_270 : vector<16xf32>
      %swap3A_272 = arith.index_cast %scan3A_230 : i32 to index
      %swap3A_273 = arith.constant 48 : index
      %swap3A_274 = tpu.vector_load %arg6[%swap3A_272, %swap3A_273] {strides = array<i32>} : memref<128x128xf32, #tpu.memory_space<vmem>>, vector<1x16xf32>,
      %swap3A_275 = vector.shape_cast %swap3A_274 : vector<1x16xf32> to vector<16xf32>
      %swap3A_276 = vector.shape_cast %mul3A_271 : vector<16xf32> to vector<1x16xf32>
      tpu.vector_store %arg6[%swap3A_272, %swap3A_273], %swap3A_276 {strides = array<i32>} : memref<128x128xf32, #tpu.memory_space<vmem>>, vector<1x16xf32>,
      %get3A_277 = arith.index_cast %scan3A_230 : i32 to index
      %get3A_278 = arith.constant 64 : index
      %get3A_279 = tpu.vector_load %arg6[%get3A_277, %get3A_278] {strides = array<i32>} : memref<128x128xf32, #tpu.memory_space<vmem>>, vector<1x16xf32>,
      %get3A_280 = vector.shape_cast %get3A_279 : vector<1x16xf32> to vector<16xf32>
      %mul3A_281 = arith.constant 11.3137083 : f32
      %mul3A_282 = vector.broadcast %mul3A_281 : f32 to vector<16xf32>
      %mul3A_283 = arith.mulf %get3A_280, %mul3A_282 : vector<16xf32>
      %swap3A_284 = arith.index_cast %scan3A_230 : i32 to index
      %swap3A_285 = arith.constant 64 : index
      %swap3A_286 = tpu.vector_load %arg6[%swap3A_284, %swap3A_285] {strides = array<i32>} : memref<128x128xf32, #tpu.memory_space<vmem>>, vector<1x16xf32>,
      %swap3A_287 = vector.shape_cast %swap3A_286 : vector<1x16xf32> to vector<16xf32>
      %swap3A_288 = vector.shape_cast %mul3A_283 : vector<16xf32> to vector<1x16xf32>
      tpu.vector_store %arg6[%swap3A_284, %swap3A_285], %swap3A_288 {strides = array<i32>} : memref<128x128xf32, #tpu.memory_space<vmem>>, vector<1x16xf32>,
      %get3A_289 = arith.index_cast %scan3A_230 : i32 to index
      %get3A_290 = arith.constant 80 : index
      %get3A_291 = tpu.vector_load %arg6[%get3A_289, %get3A_290] {strides = array<i32>} : memref<128x128xf32, #tpu.memory_space<vmem>>, vector<1x16xf32>,
      %get3A_292 = vector.shape_cast %get3A_291 : vector<1x16xf32> to vector<16xf32>
      %mul3A_293 = arith.constant 11.3137083 : f32
      %mul3A_294 = vector.broadcast %mul3A_293 : f32 to vector<16xf32>
      %mul3A_295 = arith.mulf %get3A_292, %mul3A_294 : vector<16xf32>
      %swap3A_296 = arith.index_cast %scan3A_230 : i32 to index
      %swap3A_297 = arith.constant 80 : index
      %swap3A_298 = tpu.vector_load %arg6[%swap3A_296, %swap3A_297] {strides = array<i32>} : memref<128x128xf32, #tpu.memory_space<vmem>>, vector<1x16xf32>,
      %swap3A_299 = vector.shape_cast %swap3A_298 : vector<1x16xf32> to vector<16xf32>
      %swap3A_300 = vector.shape_cast %mul3A_295 : vector<16xf32> to vector<1x16xf32>
      tpu.vector_store %arg6[%swap3A_296, %swap3A_297], %swap3A_300 {strides = array<i32>} : memref<128x128xf32, #tpu.memory_space<vmem>>, vector<1x16xf32>,
      %get3A_301 = arith.index_cast %scan3A_230 : i32 to index
      %get3A_302 = arith.constant 96 : index
      %get3A_303 = tpu.vector_load %arg6[%get3A_301, %get3A_302] {strides = array<i32>} : memref<128x128xf32, #tpu.memory_space<vmem>>, vector<1x16xf32>,
      %get3A_304 = vector.shape_cast %get3A_303 : vector<1x16xf32> to vector<16xf32>
      %mul3A_305 = arith.constant 11.3137083 : f32
      %mul3A_306 = vector.broadcast %mul3A_305 : f32 to vector<16xf32>
      %mul3A_307 = arith.mulf %get3A_304, %mul3A_306 : vector<16xf32>
      %swap3A_308 = arith.index_cast %scan3A_230 : i32 to index
      %swap3A_309 = arith.constant 96 : index
      %swap3A_310 = tpu.vector_load %arg6[%swap3A_308, %swap3A_309] {strides = array<i32>} : memref<128x128xf32, #tpu.memory_space<vmem>>, vector<1x16xf32>,
      %swap3A_311 = vector.shape_cast %swap3A_310 : vector<1x16xf32> to vector<16xf32>
      %swap3A_312 = vector.shape_cast %mul3A_307 : vector<16xf32> to vector<1x16xf32>
      tpu.vector_store %arg6[%swap3A_308, %swap3A_309], %swap3A_312 {strides = array<i32>} : memref<128x128xf32, #tpu.memory_space<vmem>>, vector<1x16xf32>,
      %get3A_313 = arith.index_cast %scan3A_230 : i32 to index
      %get3A_314 = arith.constant 112 : index
      %get3A_315 = tpu.vector_load %arg6[%get3A_313, %get3A_314] {strides = array<i32>} : memref<128x128xf32, #tpu.memory_space<vmem>>, vector<1x16xf32>,
      %get3A_316 = vector.shape_cast %get3A_315 : vector<1x16xf32> to vector<16xf32>
      %mul3A_317 = arith.constant 11.3137083 : f32
      %mul3A_318 = vector.broadcast %mul3A_317 : f32 to vector<16xf32>
      %mul3A_319 = arith.mulf %get3A_316, %mul3A_318 : vector<16xf32>
      %swap3A_320 = arith.index_cast %scan3A_230 : i32 to index
      %swap3A_321 = arith.constant 112 : index
      %swap3A_322 = tpu.vector_load %arg6[%swap3A_320, %swap3A_321] {strides = array<i32>} : memref<128x128xf32, #tpu.memory_space<vmem>>, vector<1x16xf32>,
      %swap3A_323 = vector.shape_cast %swap3A_322 : vector<1x16xf32> to vector<16xf32>
      %swap3A_324 = vector.shape_cast %mul3A_319 : vector<16xf32> to vector<1x16xf32>
      tpu.vector_store %arg6[%swap3A_320, %swap3A_321], %swap3A_324 {strides = array<i32>} : memref<128x128xf32, #tpu.memory_space<vmem>>, vector<1x16xf32>,
      %scan3A_325 = arith.constant 1 : i32
      %scan3A_326 = arith.addi %scan3A_230, %scan3A_325 : i32
      %get3A_327 = arith.index_cast %scan3A_326 : i32 to index
      %get3A_328 = arith.constant 0 : index
      %get3A_329 = tpu.vector_load %arg6[%get3A_327, %get3A_328] {strides = array<i32>} : memref<128x128xf32, #tpu.memory_space<vmem>>, vector<1x16xf32>,
      %get3A_330 = vector.shape_cast %get3A_329 : vector<1x16xf32> to vector<16xf32>
      %mul3A_331 = arith.constant 11.3137083 : f32
      %mul3A_332 = vector.broadcast %mul3A_331 : f32 to vector<16xf32>
      %mul3A_333 = arith.mulf %get3A_330, %mul3A_332 : vector<16xf32>
      %swap3A_334 = arith.index_cast %scan3A_326 : i32 to index
      %swap3A_335 = arith.constant 0 : index
      %swap3A_336 = tpu.vector_load %arg6[%swap3A_334, %swap3A_335] {strides = array<i32>} : memref<128x128xf32, #tpu.memory_space<vmem>>, vector<1x16xf32>,
      %swap3A_337 = vector.shape_cast %swap3A_336 : vector<1x16xf32> to vector<16xf32>
      %swap3A_338 = vector.shape_cast %mul3A_333 : vector<16xf32> to vector<1x16xf32>
      tpu.vector_store %arg6[%swap3A_334, %swap3A_335], %swap3A_338 {strides = array<i32>} : memref<128x128xf32, #tpu.memory_space<vmem>>, vector<1x16xf32>,
      %get3A_339 = arith.index_cast %scan3A_326 : i32 to index
      %get3A_340 = arith.constant 16 : index
      %get3A_341 = tpu.vector_load %arg6[%get3A_339, %get3A_340] {strides = array<i32>} : memref<128x128xf32, #tpu.memory_space<vmem>>, vector<1x16xf32>,
      %get3A_342 = vector.shape_cast %get3A_341 : vector<1x16xf32> to vector<16xf32>
      %mul3A_343 = arith.constant 11.3137083 : f32
      %mul3A_344 = vector.broadcast %mul3A_343 : f32 to vector<16xf32>
      %mul3A_345 = arith.mulf %get3A_342, %mul3A_344 : vector<16xf32>
      %swap3A_346 = arith.index_cast %scan3A_326 : i32 to index
      %swap3A_347 = arith.constant 16 : index
      %swap3A_348 = tpu.vector_load %arg6[%swap3A_346, %swap3A_347] {strides = array<i32>} : memref<128x128xf32, #tpu.memory_space<vmem>>, vector<1x16xf32>,
      %swap3A_349 = vector.shape_cast %swap3A_348 : vector<1x16xf32> to vector<16xf32>
      %swap3A_350 = vector.shape_cast %mul3A_345 : vector<16xf32> to vector<1x16xf32>
      tpu.vector_store %arg6[%swap3A_346, %swap3A_347], %swap3A_350 {strides = array<i32>} : memref<128x128xf32, #tpu.memory_space<vmem>>, vector<1x16xf32>,
      %get3A_351 = arith.index_cast %scan3A_326 : i32 to index
      %get3A_352 = arith.constant 32 : index
      %get3A_353 = tpu.vector_load %arg6[%get3A_351, %get3A_352] {strides = array<i32>} : memref<128x128xf32, #tpu.memory_space<vmem>>, vector<1x16xf32>,
      %get3A_354 = vector.shape_cast %get3A_353 : vector<1x16xf32> to vector<16xf32>
      %mul3A_355 = arith.constant 11.3137083 : f32
      %mul3A_356 = vector.broadcast %mul3A_355 : f32 to vector<16xf32>
      %mul3A_357 = arith.mulf %get3A_354, %mul3A_356 : vector<16xf32>
      %swap3A_358 = arith.index_cast %scan3A_326 : i32 to index
      %swap3A_359 = arith.constant 32 : index
      %swap3A_360 = tpu.vector_load %arg6[%swap3A_358, %swap3A_359] {strides = array<i32>} : memref<128x128xf32, #tpu.memory_space<vmem>>, vector<1x16xf32>,
      %swap3A_361 = vector.shape_cast %swap3A_360 : vector<1x16xf32> to vector<16xf32>
      %swap3A_362 = vector.shape_cast %mul3A_357 : vector<16xf32> to vector<1x16xf32>
      tpu.vector_store %arg6[%swap3A_358, %swap3A_359], %swap3A_362 {strides = array<i32>} : memref<128x128xf32, #tpu.memory_space<vmem>>, vector<1x16xf32>,
      %get3A_363 = arith.index_cast %scan3A_326 : i32 to index
      %get3A_364 = arith.constant 48 : index
      %get3A_365 = tpu.vector_load %arg6[%get3A_363, %get3A_364] {strides = array<i32>} : memref<128x128xf32, #tpu.memory_space<vmem>>, vector<1x16xf32>,
      %get3A_366 = vector.shape_cast %get3A_365 : vector<1x16xf32> to vector<16xf32>
      %mul3A_367 = arith.constant 11.3137083 : f32
      %mul3A_368 = vector.broadcast %mul3A_367 : f32 to vector<16xf32>
      %mul3A_369 = arith.mulf %get3A_366, %mul3A_368 : vector<16xf32>
      %swap3A_370 = arith.index_cast %scan3A_326 : i32 to index
      %swap3A_371 = arith.constant 48 : index
      %swap3A_372 = tpu.vector_load %arg6[%swap3A_370, %swap3A_371] {strides = array<i32>} : memref<128x128xf32, #tpu.memory_space<vmem>>, vector<1x16xf32>,
      %swap3A_373 = vector.shape_cast %swap3A_372 : vector<1x16xf32> to vector<16xf32>
      %swap3A_374 = vector.shape_cast %mul3A_369 : vector<16xf32> to vector<1x16xf32>
      tpu.vector_store %arg6[%swap3A_370, %swap3A_371], %swap3A_374 {strides = array<i32>} : memref<128x128xf32, #tpu.memory_space<vmem>>, vector<1x16xf32>,
      %get3A_375 = arith.index_cast %scan3A_326 : i32 to index
      %get3A_376 = arith.constant 64 : index
      %get3A_377 = tpu.vector_load %arg6[%get3A_375, %get3A_376] {strides = array<i32>} : memref<128x128xf32, #tpu.memory_space<vmem>>, vector<1x16xf32>,
      %get3A_378 = vector.shape_cast %get3A_377 : vector<1x16xf32> to vector<16xf32>
      %mul3A_379 = arith.constant 11.3137083 : f32
      %mul3A_380 = vector.broadcast %mul3A_379 : f32 to vector<16xf32>
      %mul3A_381 = arith.mulf %get3A_378, %mul3A_380 : vector<16xf32>
      %swap3A_382 = arith.index_cast %scan3A_326 : i32 to index
      %swap3A_383 = arith.constant 64 : index
      %swap3A_384 = tpu.vector_load %arg6[%swap3A_382, %swap3A_383] {strides = array<i32>} : memref<128x128xf32, #tpu.memory_space<vmem>>, vector<1x16xf32>,
      %swap3A_385 = vector.shape_cast %swap3A_384 : vector<1x16xf32> to vector<16xf32>
      %swap3A_386 = vector.shape_cast %mul3A_381 : vector<16xf32> to vector<1x16xf32>
      tpu.vector_store %arg6[%swap3A_382, %swap3A_383], %swap3A_386 {strides = array<i32>} : memref<128x128xf32, #tpu.memory_space<vmem>>, vector<1x16xf32>,
      %get3A_387 = arith.index_cast %scan3A_326 : i32 to index
      %get3A_388 = arith.constant 80 : index
      %get3A_389 = tpu.vector_load %arg6[%get3A_387, %get3A_388] {strides = array<i32>} : memref<128x128xf32, #tpu.memory_space<vmem>>, vector<1x16xf32>,
      %get3A_390 = vector.shape_cast %get3A_389 : vector<1x16xf32> to vector<16xf32>
      %mul3A_391 = arith.constant 11.3137083 : f32
      %mul3A_392 = vector.broadcast %mul3A_391 : f32 to vector<16xf32>
      %mul3A_393 = arith.mulf %get3A_390, %mul3A_392 : vector<16xf32>
      %swap3A_394 = arith.index_cast %scan3A_326 : i32 to index
      %swap3A_395 = arith.constant 80 : index
      %swap3A_396 = tpu.vector_load %arg6[%swap3A_394, %swap3A_395] {strides = array<i32>} : memref<128x128xf32, #tpu.memory_space<vmem>>, vector<1x16xf32>,
      %swap3A_397 = vector.shape_cast %swap3A_396 : vector<1x16xf32> to vector<16xf32>
      %swap3A_398 = vector.shape_cast %mul3A_393 : vector<16xf32> to vector<1x16xf32>
      tpu.vector_store %arg6[%swap3A_394, %swap3A_395], %swap3A_398 {strides = array<i32>} : memref<128x128xf32, #tpu.memory_space<vmem>>, vector<1x16xf32>,
      %get3A_399 = arith.index_cast %scan3A_326 : i32 to index
      %get3A_400 = arith.constant 96 : index
      %get3A_401 = tpu.vector_load %arg6[%get3A_399, %get3A_400] {strides = array<i32>} : memref<128x128xf32, #tpu.memory_space<vmem>>, vector<1x16xf32>,
      %get3A_402 = vector.shape_cast %get3A_401 : vector<1x16xf32> to vector<16xf32>
      %mul3A_403 = arith.constant 11.3137083 : f32
      %mul3A_404 = vector.broadcast %mul3A_403 : f32 to vector<16xf32>
      %mul3A_405 = arith.mulf %get3A_402, %mul3A_404 : vector<16xf32>
      %swap3A_406 = arith.index_cast %scan3A_326 : i32 to index
      %swap3A_407 = arith.constant 96 : index
      %swap3A_408 = tpu.vector_load %arg6[%swap3A_406, %swap3A_407] {strides = array<i32>} : memref<128x128xf32, #tpu.memory_space<vmem>>, vector<1x16xf32>,
      %swap3A_409 = vector.shape_cast %swap3A_408 : vector<1x16xf32> to vector<16xf32>
      %swap3A_410 = vector.shape_cast %mul3A_405 : vector<16xf32> to vector<1x16xf32>
      tpu.vector_store %arg6[%swap3A_406, %swap3A_407], %swap3A_410 {strides = array<i32>} : memref<128x128xf32, #tpu.memory_space<vmem>>, vector<1x16xf32>,
      %get3A_411 = arith.index_cast %scan3A_326 : i32 to index
      %get3A_412 = arith.constant 112 : index
      %get3A_413 = tpu.vector_load %arg6[%get3A_411, %get3A_412] {strides = array<i32>} : memref<128x128xf32, #tpu.memory_space<vmem>>, vector<1x16xf32>,
      %get3A_414 = vector.shape_cast %get3A_413 : vector<1x16xf32> to vector<16xf32>
      %mul3A_415 = arith.constant 11.3137083 : f32
      %mul3A_416 = vector.broadcast %mul3A_415 : f32 to vector<16xf32>
      %mul3A_417 = arith.mulf %get3A_414, %mul3A_416 : vector<16xf32>
      %swap3A_418 = arith.index_cast %scan3A_326 : i32 to index
      %swap3A_419 = arith.constant 112 : index
      %swap3A_420 = tpu.vector_load %arg6[%swap3A_418, %swap3A_419] {strides = array<i32>} : memref<128x128xf32, #tpu.memory_space<vmem>>, vector<1x16xf32>,
      %swap3A_421 = vector.shape_cast %swap3A_420 : vector<1x16xf32> to vector<16xf32>
      %swap3A_422 = vector.shape_cast %mul3A_417 : vector<16xf32> to vector<1x16xf32>
      tpu.vector_store %arg6[%swap3A_418, %swap3A_419], %swap3A_422 {strides = array<i32>} : memref<128x128xf32, #tpu.memory_space<vmem>>, vector<1x16xf32>,
    }
    %scan3A_170 = arith.constant 128 : i32
    %add3A_171 = arith.constant 25344 : i32
    %add3A_172 = arith.addi %mul3A_2, %add3A_171 : i32
    %dma_start3A_173 = arith.constant 0 : i32
    %dma_start3A_174 = tpu.memref_slice %arg4[%add3A_172, %dma_start3A_173] : memref<819200x128xf32, #tpu.memory_space<hbm>> -> memref<128x128xf32, #tpu.memory_space<hbm>>
    %dma_start3A_175 = arith.constant 0 : i32
    %dma_start3A_176 = tpu.memref_slice %arg4[%add3A_172, %dma_start3A_175] : memref<819200x128xf32, #tpu.memory_space<hbm>> -> memref<128x128xf32, #tpu.memory_space<hbm>>
    tpu.enqueue_dma source(%arg6 : memref<128x128xf32, #tpu.memory_space<vmem>>) target(%dma_start3A_176 : memref<128x128xf32, #tpu.memory_space<hbm>>) target_semaphore(%arg18 : memref<!tpu.dma_semaphore, #tpu.memory_space<semaphore_mem>>)
    %dma_wait3A_177 = arith.constant 25472 : i32
    %dma_wait3A_178 = tpu.memref_slice %arg5[%dma_wait3A_177] : memref<25600xi32, #tpu.memory_space<vmem>> -> memref<128xi32, #tpu.memory_space<vmem>>
    %dma_wait3A_179 = arith.constant 0 : i32
    %dma_wait3A_180 = arith.constant 0 : i32
    %dma_wait3A_181 = tpu.memref_slice %arg2[%dma_wait3A_179, %dma_wait3A_180] : memref<100000x128xf32, #tpu.memory_space<hbm>> -> memref<100000x128xf32, #tpu.memory_space<hbm>>
    tpu.wait_indirect_dma semaphore(%arg13 : memref<!tpu.dma_semaphore, #tpu.memory_space<semaphore_mem>>) src(%dma_wait3A_181 : memref<100000x128xf32, #tpu.memory_space<hbm>>) dst(%arg7 : memref<128x128xf32, #tpu.memory_space<vmem>>)
    %scan3A_182 = arith.constant 0 : i32
    %scan3A_183 = arith.constant 0 : i32
    %scan3A_184 = arith.constant 128 : i32
    %scan3A_185 = arith.addi %scan3A_183, %scan3A_184 : i32
    %scan3A_186 = arith.constant 2 : i32
    scf.for %scan3A_230 = %scan3A_183 to %scan3A_185 step %scan3A_186  : i32 {
      %get3A = arith.index_cast %scan3A_230 : i32 to index
      %get3A_231 = arith.constant 0 : index
      %get3A_232 = tpu.vector_load %arg7[%get3A, %get3A_231] {strides = array<i32>} : memref<128x128xf32, #tpu.memory_space<vmem>>, vector<1x16xf32>,
      %get3A_233 = vector.shape_cast %get3A_232 : vector<1x16xf32> to vector<16xf32>
      %mul3A_234 = arith.constant 11.3137083 : f32
      %mul3A_235 = vector.broadcast %mul3A_234 : f32 to vector<16xf32>
      %mul3A_236 = arith.mulf %get3A_233, %mul3A_235 : vector<16xf32>
      %swap3A = arith.index_cast %scan3A_230 : i32 to index
      %swap3A_237 = arith.constant 0 : index
      %swap3A_238 = tpu.vector_load %arg7[%swap3A, %swap3A_237] {strides = array<i32>} : memref<128x128xf32, #tpu.memory_space<vmem>>, vector<1x16xf32>,
      %swap3A_239 = vector.shape_cast %swap3A_238 : vector<1x16xf32> to vector<16xf32>
      %swap3A_240 = vector.shape_cast %mul3A_236 : vector<16xf32> to vector<1x16xf32>
      tpu.vector_store %arg7[%swap3A, %swap3A_237], %swap3A_240 {strides = array<i32>} : memref<128x128xf32, #tpu.memory_space<vmem>>, vector<1x16xf32>,
      %get3A_241 = arith.index_cast %scan3A_230 : i32 to index
      %get3A_242 = arith.constant 16 : index
      %get3A_243 = tpu.vector_load %arg7[%get3A_241, %get3A_242] {strides = array<i32>} : memref<128x128xf32, #tpu.memory_space<vmem>>, vector<1x16xf32>,
      %get3A_244 = vector.shape_cast %get3A_243 : vector<1x16xf32> to vector<16xf32>
      %mul3A_245 = arith.constant 11.3137083 : f32
      %mul3A_246 = vector.broadcast %mul3A_245 : f32 to vector<16xf32>
      %mul3A_247 = arith.mulf %get3A_244, %mul3A_246 : vector<16xf32>
      %swap3A_248 = arith.index_cast %scan3A_230 : i32 to index
      %swap3A_249 = arith.constant 16 : index
      %swap3A_250 = tpu.vector_load %arg7[%swap3A_248, %swap3A_249] {strides = array<i32>} : memref<128x128xf32, #tpu.memory_space<vmem>>, vector<1x16xf32>,
      %swap3A_251 = vector.shape_cast %swap3A_250 : vector<1x16xf32> to vector<16xf32>
      %swap3A_252 = vector.shape_cast %mul3A_247 : vector<16xf32> to vector<1x16xf32>
      tpu.vector_store %arg7[%swap3A_248, %swap3A_249], %swap3A_252 {strides = array<i32>} : memref<128x128xf32, #tpu.memory_space<vmem>>, vector<1x16xf32>,
      %get3A_253 = arith.index_cast %scan3A_230 : i32 to index
      %get3A_254 = arith.constant 32 : index
      %get3A_255 = tpu.vector_load %arg7[%get3A_253, %get3A_254] {strides = array<i32>} : memref<128x128xf32, #tpu.memory_space<vmem>>, vector<1x16xf32>,
      %get3A_256 = vector.shape_cast %get3A_255 : vector<1x16xf32> to vector<16xf32>
      %mul3A_257 = arith.constant 11.3137083 : f32
      %mul3A_258 = vector.broadcast %mul3A_257 : f32 to vector<16xf32>
      %mul3A_259 = arith.mulf %get3A_256, %mul3A_258 : vector<16xf32>
      %swap3A_260 = arith.index_cast %scan3A_230 : i32 to index
      %swap3A_261 = arith.constant 32 : index
      %swap3A_262 = tpu.vector_load %arg7[%swap3A_260, %swap3A_261] {strides = array<i32>} : memref<128x128xf32, #tpu.memory_space<vmem>>, vector<1x16xf32>,
      %swap3A_263 = vector.shape_cast %swap3A_262 : vector<1x16xf32> to vector<16xf32>
      %swap3A_264 = vector.shape_cast %mul3A_259 : vector<16xf32> to vector<1x16xf32>
      tpu.vector_store %arg7[%swap3A_260, %swap3A_261], %swap3A_264 {strides = array<i32>} : memref<128x128xf32, #tpu.memory_space<vmem>>, vector<1x16xf32>,
      %get3A_265 = arith.index_cast %scan3A_230 : i32 to index
      %get3A_266 = arith.constant 48 : index
      %get3A_267 = tpu.vector_load %arg7[%get3A_265, %get3A_266] {strides = array<i32>} : memref<128x128xf32, #tpu.memory_space<vmem>>, vector<1x16xf32>,
      %get3A_268 = vector.shape_cast %get3A_267 : vector<1x16xf32> to vector<16xf32>
      %mul3A_269 = arith.constant 11.3137083 : f32
      %mul3A_270 = vector.broadcast %mul3A_269 : f32 to vector<16xf32>
      %mul3A_271 = arith.mulf %get3A_268, %mul3A_270 : vector<16xf32>
      %swap3A_272 = arith.index_cast %scan3A_230 : i32 to index
      %swap3A_273 = arith.constant 48 : index
      %swap3A_274 = tpu.vector_load %arg7[%swap3A_272, %swap3A_273] {strides = array<i32>} : memref<128x128xf32, #tpu.memory_space<vmem>>, vector<1x16xf32>,
      %swap3A_275 = vector.shape_cast %swap3A_274 : vector<1x16xf32> to vector<16xf32>
      %swap3A_276 = vector.shape_cast %mul3A_271 : vector<16xf32> to vector<1x16xf32>
      tpu.vector_store %arg7[%swap3A_272, %swap3A_273], %swap3A_276 {strides = array<i32>} : memref<128x128xf32, #tpu.memory_space<vmem>>, vector<1x16xf32>,
      %get3A_277 = arith.index_cast %scan3A_230 : i32 to index
      %get3A_278 = arith.constant 64 : index
      %get3A_279 = tpu.vector_load %arg7[%get3A_277, %get3A_278] {strides = array<i32>} : memref<128x128xf32, #tpu.memory_space<vmem>>, vector<1x16xf32>,
      %get3A_280 = vector.shape_cast %get3A_279 : vector<1x16xf32> to vector<16xf32>
      %mul3A_281 = arith.constant 11.3137083 : f32
      %mul3A_282 = vector.broadcast %mul3A_281 : f32 to vector<16xf32>
      %mul3A_283 = arith.mulf %get3A_280, %mul3A_282 : vector<16xf32>
      %swap3A_284 = arith.index_cast %scan3A_230 : i32 to index
      %swap3A_285 = arith.constant 64 : index
      %swap3A_286 = tpu.vector_load %arg7[%swap3A_284, %swap3A_285] {strides = array<i32>} : memref<128x128xf32, #tpu.memory_space<vmem>>, vector<1x16xf32>,
      %swap3A_287 = vector.shape_cast %swap3A_286 : vector<1x16xf32> to vector<16xf32>
      %swap3A_288 = vector.shape_cast %mul3A_283 : vector<16xf32> to vector<1x16xf32>
      tpu.vector_store %arg7[%swap3A_284, %swap3A_285], %swap3A_288 {strides = array<i32>} : memref<128x128xf32, #tpu.memory_space<vmem>>, vector<1x16xf32>,
      %get3A_289 = arith.index_cast %scan3A_230 : i32 to index
      %get3A_290 = arith.constant 80 : index
      %get3A_291 = tpu.vector_load %arg7[%get3A_289, %get3A_290] {strides = array<i32>} : memref<128x128xf32, #tpu.memory_space<vmem>>, vector<1x16xf32>,
      %get3A_292 = vector.shape_cast %get3A_291 : vector<1x16xf32> to vector<16xf32>
      %mul3A_293 = arith.constant 11.3137083 : f32
      %mul3A_294 = vector.broadcast %mul3A_293 : f32 to vector<16xf32>
      %mul3A_295 = arith.mulf %get3A_292, %mul3A_294 : vector<16xf32>
      %swap3A_296 = arith.index_cast %scan3A_230 : i32 to index
      %swap3A_297 = arith.constant 80 : index
      %swap3A_298 = tpu.vector_load %arg7[%swap3A_296, %swap3A_297] {strides = array<i32>} : memref<128x128xf32, #tpu.memory_space<vmem>>, vector<1x16xf32>,
      %swap3A_299 = vector.shape_cast %swap3A_298 : vector<1x16xf32> to vector<16xf32>
      %swap3A_300 = vector.shape_cast %mul3A_295 : vector<16xf32> to vector<1x16xf32>
      tpu.vector_store %arg7[%swap3A_296, %swap3A_297], %swap3A_300 {strides = array<i32>} : memref<128x128xf32, #tpu.memory_space<vmem>>, vector<1x16xf32>,
      %get3A_301 = arith.index_cast %scan3A_230 : i32 to index
      %get3A_302 = arith.constant 96 : index
      %get3A_303 = tpu.vector_load %arg7[%get3A_301, %get3A_302] {strides = array<i32>} : memref<128x128xf32, #tpu.memory_space<vmem>>, vector<1x16xf32>,
      %get3A_304 = vector.shape_cast %get3A_303 : vector<1x16xf32> to vector<16xf32>
      %mul3A_305 = arith.constant 11.3137083 : f32
      %mul3A_306 = vector.broadcast %mul3A_305 : f32 to vector<16xf32>
      %mul3A_307 = arith.mulf %get3A_304, %mul3A_306 : vector<16xf32>
      %swap3A_308 = arith.index_cast %scan3A_230 : i32 to index
      %swap3A_309 = arith.constant 96 : index
      %swap3A_310 = tpu.vector_load %arg7[%swap3A_308, %swap3A_309] {strides = array<i32>} : memref<128x128xf32, #tpu.memory_space<vmem>>, vector<1x16xf32>,
      %swap3A_311 = vector.shape_cast %swap3A_310 : vector<1x16xf32> to vector<16xf32>
      %swap3A_312 = vector.shape_cast %mul3A_307 : vector<16xf32> to vector<1x16xf32>
      tpu.vector_store %arg7[%swap3A_308, %swap3A_309], %swap3A_312 {strides = array<i32>} : memref<128x128xf32, #tpu.memory_space<vmem>>, vector<1x16xf32>,
      %get3A_313 = arith.index_cast %scan3A_230 : i32 to index
      %get3A_314 = arith.constant 112 : index
      %get3A_315 = tpu.vector_load %arg7[%get3A_313, %get3A_314] {strides = array<i32>} : memref<128x128xf32, #tpu.memory_space<vmem>>, vector<1x16xf32>,
      %get3A_316 = vector.shape_cast %get3A_315 : vector<1x16xf32> to vector<16xf32>
      %mul3A_317 = arith.constant 11.3137083 : f32
      %mul3A_318 = vector.broadcast %mul3A_317 : f32 to vector<16xf32>
      %mul3A_319 = arith.mulf %get3A_316, %mul3A_318 : vector<16xf32>
      %swap3A_320 = arith.index_cast %scan3A_230 : i32 to index
      %swap3A_321 = arith.constant 112 : index
      %swap3A_322 = tpu.vector_load %arg7[%swap3A_320, %swap3A_321] {strides = array<i32>} : memref<128x128xf32, #tpu.memory_space<vmem>>, vector<1x16xf32>,
      %swap3A_323 = vector.shape_cast %swap3A_322 : vector<1x16xf32> to vector<16xf32>
      %swap3A_324 = vector.shape_cast %mul3A_319 : vector<16xf32> to vector<1x16xf32>
      tpu.vector_store %arg7[%swap3A_320, %swap3A_321], %swap3A_324 {strides = array<i32>} : memref<128x128xf32, #tpu.memory_space<vmem>>, vector<1x16xf32>,
      %scan3A_325 = arith.constant 1 : i32
      %scan3A_326 = arith.addi %scan3A_230, %scan3A_325 : i32
      %get3A_327 = arith.index_cast %scan3A_326 : i32 to index
      %get3A_328 = arith.constant 0 : index
      %get3A_329 = tpu.vector_load %arg7[%get3A_327, %get3A_328] {strides = array<i32>} : memref<128x128xf32, #tpu.memory_space<vmem>>, vector<1x16xf32>,
      %get3A_330 = vector.shape_cast %get3A_329 : vector<1x16xf32> to vector<16xf32>
      %mul3A_331 = arith.constant 11.3137083 : f32
      %mul3A_332 = vector.broadcast %mul3A_331 : f32 to vector<16xf32>
      %mul3A_333 = arith.mulf %get3A_330, %mul3A_332 : vector<16xf32>
      %swap3A_334 = arith.index_cast %scan3A_326 : i32 to index
      %swap3A_335 = arith.constant 0 : index
      %swap3A_336 = tpu.vector_load %arg7[%swap3A_334, %swap3A_335] {strides = array<i32>} : memref<128x128xf32, #tpu.memory_space<vmem>>, vector<1x16xf32>,
      %swap3A_337 = vector.shape_cast %swap3A_336 : vector<1x16xf32> to vector<16xf32>
      %swap3A_338 = vector.shape_cast %mul3A_333 : vector<16xf32> to vector<1x16xf32>
      tpu.vector_store %arg7[%swap3A_334, %swap3A_335], %swap3A_338 {strides = array<i32>} : memref<128x128xf32, #tpu.memory_space<vmem>>, vector<1x16xf32>,
      %get3A_339 = arith.index_cast %scan3A_326 : i32 to index
      %get3A_340 = arith.constant 16 : index
      %get3A_341 = tpu.vector_load %arg7[%get3A_339, %get3A_340] {strides = array<i32>} : memref<128x128xf32, #tpu.memory_space<vmem>>, vector<1x16xf32>,
      %get3A_342 = vector.shape_cast %get3A_341 : vector<1x16xf32> to vector<16xf32>
      %mul3A_343 = arith.constant 11.3137083 : f32
      %mul3A_344 = vector.broadcast %mul3A_343 : f32 to vector<16xf32>
      %mul3A_345 = arith.mulf %get3A_342, %mul3A_344 : vector<16xf32>
      %swap3A_346 = arith.index_cast %scan3A_326 : i32 to index
      %swap3A_347 = arith.constant 16 : index
      %swap3A_348 = tpu.vector_load %arg7[%swap3A_346, %swap3A_347] {strides = array<i32>} : memref<128x128xf32, #tpu.memory_space<vmem>>, vector<1x16xf32>,
      %swap3A_349 = vector.shape_cast %swap3A_348 : vector<1x16xf32> to vector<16xf32>
      %swap3A_350 = vector.shape_cast %mul3A_345 : vector<16xf32> to vector<1x16xf32>
      tpu.vector_store %arg7[%swap3A_346, %swap3A_347], %swap3A_350 {strides = array<i32>} : memref<128x128xf32, #tpu.memory_space<vmem>>, vector<1x16xf32>,
      %get3A_351 = arith.index_cast %scan3A_326 : i32 to index
      %get3A_352 = arith.constant 32 : index
      %get3A_353 = tpu.vector_load %arg7[%get3A_351, %get3A_352] {strides = array<i32>} : memref<128x128xf32, #tpu.memory_space<vmem>>, vector<1x16xf32>,
      %get3A_354 = vector.shape_cast %get3A_353 : vector<1x16xf32> to vector<16xf32>
      %mul3A_355 = arith.constant 11.3137083 : f32
      %mul3A_356 = vector.broadcast %mul3A_355 : f32 to vector<16xf32>
      %mul3A_357 = arith.mulf %get3A_354, %mul3A_356 : vector<16xf32>
      %swap3A_358 = arith.index_cast %scan3A_326 : i32 to index
      %swap3A_359 = arith.constant 32 : index
      %swap3A_360 = tpu.vector_load %arg7[%swap3A_358, %swap3A_359] {strides = array<i32>} : memref<128x128xf32, #tpu.memory_space<vmem>>, vector<1x16xf32>,
      %swap3A_361 = vector.shape_cast %swap3A_360 : vector<1x16xf32> to vector<16xf32>
      %swap3A_362 = vector.shape_cast %mul3A_357 : vector<16xf32> to vector<1x16xf32>
      tpu.vector_store %arg7[%swap3A_358, %swap3A_359], %swap3A_362 {strides = array<i32>} : memref<128x128xf32, #tpu.memory_space<vmem>>, vector<1x16xf32>,
      %get3A_363 = arith.index_cast %scan3A_326 : i32 to index
      %get3A_364 = arith.constant 48 : index
      %get3A_365 = tpu.vector_load %arg7[%get3A_363, %get3A_364] {strides = array<i32>} : memref<128x128xf32, #tpu.memory_space<vmem>>, vector<1x16xf32>,
      %get3A_366 = vector.shape_cast %get3A_365 : vector<1x16xf32> to vector<16xf32>
      %mul3A_367 = arith.constant 11.3137083 : f32
      %mul3A_368 = vector.broadcast %mul3A_367 : f32 to vector<16xf32>
      %mul3A_369 = arith.mulf %get3A_366, %mul3A_368 : vector<16xf32>
      %swap3A_370 = arith.index_cast %scan3A_326 : i32 to index
      %swap3A_371 = arith.constant 48 : index
      %swap3A_372 = tpu.vector_load %arg7[%swap3A_370, %swap3A_371] {strides = array<i32>} : memref<128x128xf32, #tpu.memory_space<vmem>>, vector<1x16xf32>,
      %swap3A_373 = vector.shape_cast %swap3A_372 : vector<1x16xf32> to vector<16xf32>
      %swap3A_374 = vector.shape_cast %mul3A_369 : vector<16xf32> to vector<1x16xf32>
      tpu.vector_store %arg7[%swap3A_370, %swap3A_371], %swap3A_374 {strides = array<i32>} : memref<128x128xf32, #tpu.memory_space<vmem>>, vector<1x16xf32>,
      %get3A_375 = arith.index_cast %scan3A_326 : i32 to index
      %get3A_376 = arith.constant 64 : index
      %get3A_377 = tpu.vector_load %arg7[%get3A_375, %get3A_376] {strides = array<i32>} : memref<128x128xf32, #tpu.memory_space<vmem>>, vector<1x16xf32>,
      %get3A_378 = vector.shape_cast %get3A_377 : vector<1x16xf32> to vector<16xf32>
      %mul3A_379 = arith.constant 11.3137083 : f32
      %mul3A_380 = vector.broadcast %mul3A_379 : f32 to vector<16xf32>
      %mul3A_381 = arith.mulf %get3A_378, %mul3A_380 : vector<16xf32>
      %swap3A_382 = arith.index_cast %scan3A_326 : i32 to index
      %swap3A_383 = arith.constant 64 : index
      %swap3A_384 = tpu.vector_load %arg7[%swap3A_382, %swap3A_383] {strides = array<i32>} : memref<128x128xf32, #tpu.memory_space<vmem>>, vector<1x16xf32>,
      %swap3A_385 = vector.shape_cast %swap3A_384 : vector<1x16xf32> to vector<16xf32>
      %swap3A_386 = vector.shape_cast %mul3A_381 : vector<16xf32> to vector<1x16xf32>
      tpu.vector_store %arg7[%swap3A_382, %swap3A_383], %swap3A_386 {strides = array<i32>} : memref<128x128xf32, #tpu.memory_space<vmem>>, vector<1x16xf32>,
      %get3A_387 = arith.index_cast %scan3A_326 : i32 to index
      %get3A_388 = arith.constant 80 : index
      %get3A_389 = tpu.vector_load %arg7[%get3A_387, %get3A_388] {strides = array<i32>} : memref<128x128xf32, #tpu.memory_space<vmem>>, vector<1x16xf32>,
      %get3A_390 = vector.shape_cast %get3A_389 : vector<1x16xf32> to vector<16xf32>
      %mul3A_391 = arith.constant 11.3137083 : f32
      %mul3A_392 = vector.broadcast %mul3A_391 : f32 to vector<16xf32>
      %mul3A_393 = arith.mulf %get3A_390, %mul3A_392 : vector<16xf32>
      %swap3A_394 = arith.index_cast %scan3A_326 : i32 to index
      %swap3A_395 = arith.constant 80 : index
      %swap3A_396 = tpu.vector_load %arg7[%swap3A_394, %swap3A_395] {strides = array<i32>} : memref<128x128xf32, #tpu.memory_space<vmem>>, vector<1x16xf32>,
      %swap3A_397 = vector.shape_cast %swap3A_396 : vector<1x16xf32> to vector<16xf32>
      %swap3A_398 = vector.shape_cast %mul3A_393 : vector<16xf32> to vector<1x16xf32>
      tpu.vector_store %arg7[%swap3A_394, %swap3A_395], %swap3A_398 {strides = array<i32>} : memref<128x128xf32, #tpu.memory_space<vmem>>, vector<1x16xf32>,
      %get3A_399 = arith.index_cast %scan3A_326 : i32 to index
      %get3A_400 = arith.constant 96 : index
      %get3A_401 = tpu.vector_load %arg7[%get3A_399, %get3A_400] {strides = array<i32>} : memref<128x128xf32, #tpu.memory_space<vmem>>, vector<1x16xf32>,
      %get3A_402 = vector.shape_cast %get3A_401 : vector<1x16xf32> to vector<16xf32>
      %mul3A_403 = arith.constant 11.3137083 : f32
      %mul3A_404 = vector.broadcast %mul3A_403 : f32 to vector<16xf32>
      %mul3A_405 = arith.mulf %get3A_402, %mul3A_404 : vector<16xf32>
      %swap3A_406 = arith.index_cast %scan3A_326 : i32 to index
      %swap3A_407 = arith.constant 96 : index
      %swap3A_408 = tpu.vector_load %arg7[%swap3A_406, %swap3A_407] {strides = array<i32>} : memref<128x128xf32, #tpu.memory_space<vmem>>, vector<1x16xf32>,
      %swap3A_409 = vector.shape_cast %swap3A_408 : vector<1x16xf32> to vector<16xf32>
      %swap3A_410 = vector.shape_cast %mul3A_405 : vector<16xf32> to vector<1x16xf32>
      tpu.vector_store %arg7[%swap3A_406, %swap3A_407], %swap3A_410 {strides = array<i32>} : memref<128x128xf32, #tpu.memory_space<vmem>>, vector<1x16xf32>,
      %get3A_411 = arith.index_cast %scan3A_326 : i32 to index
      %get3A_412 = arith.constant 112 : index
      %get3A_413 = tpu.vector_load %arg7[%get3A_411, %get3A_412] {strides = array<i32>} : memref<128x128xf32, #tpu.memory_space<vmem>>, vector<1x16xf32>,
      %get3A_414 = vector.shape_cast %get3A_413 : vector<1x16xf32> to vector<16xf32>
      %mul3A_415 = arith.constant 11.3137083 : f32
      %mul3A_416 = vector.broadcast %mul3A_415 : f32 to vector<16xf32>
      %mul3A_417 = arith.mulf %get3A_414, %mul3A_416 : vector<16xf32>
      %swap3A_418 = arith.index_cast %scan3A_326 : i32 to index
      %swap3A_419 = arith.constant 112 : index
      %swap3A_420 = tpu.vector_load %arg7[%swap3A_418, %swap3A_419] {strides = array<i32>} : memref<128x128xf32, #tpu.memory_space<vmem>>, vector<1x16xf32>,
      %swap3A_421 = vector.shape_cast %swap3A_420 : vector<1x16xf32> to vector<16xf32>
      %swap3A_422 = vector.shape_cast %mul3A_417 : vector<16xf32> to vector<1x16xf32>
      tpu.vector_store %arg7[%swap3A_418, %swap3A_419], %swap3A_422 {strides = array<i32>} : memref<128x128xf32, #tpu.memory_space<vmem>>, vector<1x16xf32>,
    }
    %scan3A_187 = arith.constant 128 : i32
    %add3A_188 = arith.constant 25472 : i32
    %add3A_189 = arith.addi %mul3A_2, %add3A_188 : i32
    %dma_start3A_190 = arith.constant 0 : i32
    %dma_start3A_191 = tpu.memref_slice %arg4[%add3A_189, %dma_start3A_190] : memref<819200x128xf32, #tpu.memory_space<hbm>> -> memref<128x128xf32, #tpu.memory_space<hbm>>
    %dma_start3A_192 = arith.constant 0 : i32
    %dma_start3A_193 = tpu.memref_slice %arg4[%add3A_189, %dma_start3A_192] : memref<819200x128xf32, #tpu.memory_space<hbm>> -> memref<128x128xf32, #tpu.memory_space<hbm>>
    tpu.enqueue_dma source(%arg7 : memref<128x128xf32, #tpu.memory_space<vmem>>) target(%dma_start3A_193 : memref<128x128xf32, #tpu.memory_space<hbm>>) target_semaphore(%arg19 : memref<!tpu.dma_semaphore, #tpu.memory_space<semaphore_mem>>)
    %add3A_194 = arith.constant 24832 : i32
    %add3A_195 = arith.addi %mul3A_2, %add3A_194 : i32
    %dma_wait3A_196 = arith.constant 0 : i32
    %dma_wait3A_197 = tpu.memref_slice %arg4[%add3A_195, %dma_wait3A_196] : memref<819200x128xf32, #tpu.memory_space<hbm>> -> memref<128x128xf32, #tpu.memory_space<hbm>>
    %dma_wait3A_198 = arith.constant 0 : i32
    %dma_wait3A_199 = tpu.memref_slice %arg4[%add3A_195, %dma_wait3A_198] : memref<819200x128xf32, #tpu.memory_space<hbm>> -> memref<128x128xf32, #tpu.memory_space<hbm>>
    tpu.wait_dma2 semaphore(%arg20 : memref<!tpu.dma_semaphore, #tpu.memory_space<semaphore_mem>>) src(%arg8 : memref<128x128xf32, #tpu.memory_space<vmem>>) dst(%dma_wait3A_199 : memref<128x128xf32, #tpu.memory_space<hbm>>)
    %add3A_200 = arith.constant 24960 : i32
    %add3A_201 = arith.addi %mul3A_2, %add3A_200 : i32
    %dma_wait3A_202 = arith.constant 0 : i32
    %dma_wait3A_203 = tpu.memref_slice %arg4[%add3A_201, %dma_wait3A_202] : memref<819200x128xf32, #tpu.memory_space<hbm>> -> memref<128x128xf32, #tpu.memory_space<hbm>>
    %dma_wait3A_204 = arith.constant 0 : i32
    %dma_wait3A_205 = tpu.memref_slice %arg4[%add3A_201, %dma_wait3A_204] : memref<819200x128xf32, #tpu.memory_space<hbm>> -> memref<128x128xf32, #tpu.memory_space<hbm>>
    tpu.wait_dma2 semaphore(%arg21 : memref<!tpu.dma_semaphore, #tpu.memory_space<semaphore_mem>>) src(%arg9 : memref<128x128xf32, #tpu.memory_space<vmem>>) dst(%dma_wait3A_205 : memref<128x128xf32, #tpu.memory_space<hbm>>)
    %add3A_206 = arith.constant 25088 : i32
    %add3A_207 = arith.addi %mul3A_2, %add3A_206 : i32
    %dma_wait3A_208 = arith.constant 0 : i32
    %dma_wait3A_209 = tpu.memref_slice %arg4[%add3A_207, %dma_wait3A_208] : memref<819200x128xf32, #tpu.memory_space<hbm>> -> memref<128x128xf32, #tpu.memory_space<hbm>>
    %dma_wait3A_210 = arith.constant 0 : i32
    %dma_wait3A_211 = tpu.memref_slice %arg4[%add3A_207, %dma_wait3A_210] : memref<819200x128xf32, #tpu.memory_space<hbm>> -> memref<128x128xf32, #tpu.memory_space<hbm>>
    tpu.wait_dma2 semaphore(%arg22 : memref<!tpu.dma_semaphore, #tpu.memory_space<semaphore_mem>>) src(%arg10 : memref<128x128xf32, #tpu.memory_space<vmem>>) dst(%dma_wait3A_211 : memref<128x128xf32, #tpu.memory_space<hbm>>)
    %add3A_212 = arith.constant 25216 : i32
    %add3A_213 = arith.addi %mul3A_2, %add3A_212 : i32
    %dma_wait3A_214 = arith.constant 0 : i32
    %dma_wait3A_215 = tpu.memref_slice %arg4[%add3A_213, %dma_wait3A_214] : memref<819200x128xf32, #tpu.memory_space<hbm>> -> memref<128x128xf32, #tpu.memory_space<hbm>>
    %dma_wait3A_216 = arith.constant 0 : i32
    %dma_wait3A_217 = tpu.memref_slice %arg4[%add3A_213, %dma_wait3A_216] : memref<819200x128xf32, #tpu.memory_space<hbm>> -> memref<128x128xf32, #tpu.memory_space<hbm>>
    tpu.wait_dma2 semaphore(%arg23 : memref<!tpu.dma_semaphore, #tpu.memory_space<semaphore_mem>>) src(%arg11 : memref<128x128xf32, #tpu.memory_space<vmem>>) dst(%dma_wait3A_217 : memref<128x128xf32, #tpu.memory_space<hbm>>)
    %add3A_218 = arith.constant 25344 : i32
    %add3A_219 = arith.addi %mul3A_2, %add3A_218 : i32
    %dma_wait3A_220 = arith.constant 0 : i32
    %dma_wait3A_221 = tpu.memref_slice %arg4[%add3A_219, %dma_wait3A_220] : memref<819200x128xf32, #tpu.memory_space<hbm>> -> memref<128x128xf32, #tpu.memory_space<hbm>>
    %dma_wait3A_222 = arith.constant 0 : i32
    %dma_wait3A_223 = tpu.memref_slice %arg4[%add3A_219, %dma_wait3A_222] : memref<819200x128xf32, #tpu.memory_space<hbm>> -> memref<128x128xf32, #tpu.memory_space<hbm>>
    tpu.wait_dma2 semaphore(%arg18 : memref<!tpu.dma_semaphore, #tpu.memory_space<semaphore_mem>>) src(%arg6 : memref<128x128xf32, #tpu.memory_space<vmem>>) dst(%dma_wait3A_223 : memref<128x128xf32, #tpu.memory_space<hbm>>)
    %add3A_224 = arith.constant 25472 : i32
    %add3A_225 = arith.addi %mul3A_2, %add3A_224 : i32
    %dma_wait3A_226 = arith.constant 0 : i32
    %dma_wait3A_227 = tpu.memref_slice %arg4[%add3A_225, %dma_wait3A_226] : memref<819200x128xf32, #tpu.memory_space<hbm>> -> memref<128x128xf32, #tpu.memory_space<hbm>>
    %dma_wait3A_228 = arith.constant 0 : i32
    %dma_wait3A_229 = tpu.memref_slice %arg4[%add3A_225, %dma_wait3A_228] : memref<819200x128xf32, #tpu.memory_space<hbm>> -> memref<128x128xf32, #tpu.memory_space<hbm>>
    tpu.wait_dma2 semaphore(%arg19 : memref<!tpu.dma_semaphore, #tpu.memory_space<semaphore_mem>>) src(%arg7 : memref<128x128xf32, #tpu.memory_space<vmem>>) dst(%dma_wait3A_229 : memref<128x128xf32, #tpu.memory_space<hbm>>)
    return
  }
}

</mosaic_0001>

<sc_bundles>
// kernel: kernel.3.cloned.1.call-start
scs
__scs_entry_jumppad:
0x0: {  	(pc) =	sbr.rel $0x88, $3  }
0x1: {  	(tag) =	ssettag $0x0;
	lr =	simm.s32 $0x1  }
0x2: {  	[smem:$0x3F9F] =	sst lr;
	_ =	strace $0xD0000000  }
0x3: {  	_ = 	snop  }
0x4: {  	_ = 	snop  }
0x5: {  	_ = 	snop  }
0x6: {  	_ = 	snop  }
0x7: {  	_ = 	snop  }
__scs_overlays_trampoline_lowered:
0x8: {  	[smem:$0x3FAE] =	sst s0  }
0x9: {  	[smem:$0x3FAF] =	sst s1  }
0xa: {  	[smem:$0x3FB0] =	sst s2  }
0xb: {  	[smem:$0x3FB1] =	sst s3  }
0xc: {  	[smem:$0x3FB2] =	sst s4  }
0xd: {  	[smem:$0x3FB3] =	sst s5  }
0xe: {  	[smem:$0x3FB4] =	sst s6  }
0xf: {  	[smem:$0x3FB5] =	sst s7  }
0x10: {  	[smem:$0x3FB6] =	sst s8  }
0x11: {  	[smem:$0x3FB7] =	sst s9;
	s0 =	simm.s32 @!p0 $0x0  }
0x12: {  	s1 =	sld [smem:$0x3F9D];
	s0 =	simm.s32 @p0 $0x1  }
0x13: {  	[smem:$0x3FB8] =	sst s0;
	s0 =	simm.s32 @!p1 $0x0  }
0x14: {  	s2 =	sld [smem:$0x3F9C];
	s0 =	simm.s32 @p1 $0x1  }
0x15: {  	[smem:$0x3FB9] =	sst s0;
	s0 =	simm.s32 @!p2 $0x0  }
0x16: {  	s3 =	sld [smem:$0x3FDB];
	s0 =	simm.s32 @p2 $0x1  }
0x17: {  	s4 =	simm.s32 $0x1BF5;
	[smem:$0x3FBB] =	sst s0  }
0x18: {  	s0 =	sld [smem:$0x3F9E];
	_ =	swait.ge [sflag:s4], $0x0  }
0x19: {  	s7 =	sld [smem:$0x3F9F]  }
0x1a: {  	s8 =	sadd.s32 $0xFFFFE003, lr  }
0x1b: {  	s9 =	sadd.s32 $0xFFFFFEF7, lr;
	s5 =	simm.s32 $0xFFFFFFFF;
	p2 =	slt.u32 s8, $0xFFFFF086  }
0x1c: {  	p1 =	slt.u32 s9, $0xF7A;
	s5 =	simm.s32 @!p2 $0x0  }
0x1d: {  	s5 =	simm.s32 @p1 $0x1;
	p0 =	seq.s32 s7, s2  }
0x1e: {  	s7 =	smul.u32 @!p0 $0xF7A, s2;
	p2 =	seq.s32 @!p0 s5, $0x0  }
0x1f: {  	s9 =	smul.u32 $0xF7A, s1;
	s8 =	simm.s32 @!p0 $0x1BF5;
	p2 =	por !p2, p0  }
0x20: {  	[sflag:s8] =	ssyncset.s32 @!p0 $0xFFFFF086;
	s6 =	sadd.s32 @!p0 s3, s7;
	s7 =	simm.s32 @!p0 $0x108  }
0x21: {  	s3 =	sadd.s32 s3, s9;
	s6 =	sadd.s32 @!p0 $0x88, s6;
	s7 =	simm.s32 @p2 $0x1082  }
0x22: {  	[simem:s7], [sflag:s8] =	dma.local @!p0 [hbm:s6], $0xF7A  }
0x23: {  	s9 =	sor.u32 $0xD0000000, s2;
	s6 =	simm.s32 $0x108;
	_ =	swait.ge @!p0 [sflag:s8], $0x0  }
0x24: {  	s3 =	sadd.s32 $0x88, s3;
	s6 =	simm.s32 @!p1 $0x1082;
	[sflag:s4] =	ssyncset.s32 $0xFFFFF086  }
0x25: {  	[simem:s6], [sflag:s4] =	dma.local [hbm:s3], $0xF7A  }
0x26: {  	[smem:$0x3F9F] =	sst s1;
	(tag) =	ssettag s2;
	_ =	strace s9  }
0x27: {  	s1 =	sld [smem:$0x3FAF]  }
0x28: {  	s2 =	sld [smem:$0x3FB0]  }
0x29: {  	s4 =	sld [smem:$0x3FB2]  }
0x2a: {  	p0 =	seq.s32 s5, $0x0;
	s5 =	sld [smem:$0x3FB3]  }
0x2b: {  	s6 =	sld [smem:$0x3FB4]  }
0x2c: {  	s7 =	sld [smem:$0x3FB5]  }
0x2d: {  	s3 =	simm.s32 $0x108;
	s8 =	sld [smem:$0x3FB6]  }
0x2e: {  	s3 =	simm.s32 @!p0 $0x1082;
	s9 =	sld [smem:$0x3FB7]  }
0x2f: {  	lr =	sadd.s32 s0, s3;
	s0 =	sld [smem:$0x3FAE]  }
0x30: {  	s3 =	sld [smem:$0x3FB1]  }
0x31: {  	[smem:$0x3FBA] =	sst s10  }
0x32: {  	s10 =	sld [smem:$0x3FB8];
	_ =	sdelay $0x3  }
0x33: {  	p0 =	seq.s32 s10, $0x1;
	s10 =	sld [smem:$0x3FBA];
	_ =	sdelay $0x3  }
0x34: {  	[smem:$0x3FBA] =	sst s10  }
0x35: {  	s10 =	sld [smem:$0x3FB9];
	_ =	sdelay $0x3  }
0x36: {  	p1 =	seq.s32 s10, $0x1;
	s10 =	sld [smem:$0x3FBA];
	_ =	sdelay $0x3  }
0x37: {  	[smem:$0x3FBA] =	sst s10  }
0x38: {  	s10 =	sld [smem:$0x3FBB]  }
0x39: {  	_ = 	snop;
	(pc) =	sbr.ind lr, $3  }
0x3a: {  	_ = 	snop  }
0x3b: {  	_ = 	snop  }
0x3c: {  	p2 =	seq.s32 s10, $0x1;
	s10 =	sld [smem:$0x3FBA]  }
0x3d: {  	_ =	shalt  }
0x3e: {  	_ =	shalt  }
0x3f: {  	_ =	shalt  }
0x40: {  	_ =	shalt  }
0x41: {  	_ =	shalt  }
0x42: {  	_ =	shalt  }
0x43: {  	_ =	shalt  }
0x44: {  	_ =	shalt  }
0x45: {  	_ =	shalt  }
0x46: {  	_ =	shalt  }
0x47: {  	_ =	shalt  }
0x48: {  	_ =	shalt  }
0x49: {  	_ =	shalt  }
0x4a: {  	_ =	shalt  }
0x4b: {  	_ =	shalt  }
0x4c: {  	_ =	shalt  }
0x4d: {  	_ =	shalt  }
0x4e: {  	_ =	shalt  }
0x4f: {  	_ =	shalt  }
0x50: {  	_ =	shalt  }
0x51: {  	_ =	shalt  }
0x52: {  	_ =	shalt  }
0x53: {  	_ =	shalt  }
0x54: {  	_ =	shalt  }
0x55: {  	_ =	shalt  }
0x56: {  	_ =	shalt  }
0x57: {  	_ =	shalt  }
0x58: {  	_ =	shalt  }
0x59: {  	_ =	shalt  }
0x5a: {  	_ =	shalt  }
0x5b: {  	_ =	shalt  }
0x5c: {  	_ =	shalt  }
0x5d: {  	_ =	shalt  }
0x5e: {  	_ =	shalt  }
0x5f: {  	_ =	shalt  }
0x60: {  	_ =	shalt  }
0x61: {  	_ =	shalt  }
0x62: {  	_ =	shalt  }
0x63: {  	_ =	shalt  }
0x64: {  	_ =	shalt  }
0x65: {  	_ =	shalt  }
0x66: {  	_ =	shalt  }
0x67: {  	_ =	shalt  }
0x68: {  	_ =	shalt  }
0x69: {  	_ =	shalt  }
0x6a: {  	_ =	shalt  }
0x6b: {  	_ =	shalt  }
0x6c: {  	_ =	shalt  }
0x6d: {  	_ =	shalt  }
0x6e: {  	_ =	shalt  }
0x6f: {  	_ =	shalt  }
0x70: {  	_ =	shalt  }
0x71: {  	_ =	shalt  }
0x72: {  	_ =	shalt  }
0x73: {  	_ =	shalt  }
0x74: {  	_ =	shalt  }
0x75: {  	_ =	shalt  }
0x76: {  	_ =	shalt  }
0x77: {  	_ =	shalt  }
0x78: {  	_ =	shalt  }
0x79: {  	_ =	shalt  }
0x7a: {  	_ =	shalt  }
0x7b: {  	_ =	shalt  }
0x7c: {  	_ =	shalt  }
0x7d: {  	_ =	shalt  }
0x7e: {  	_ =	shalt  }
0x7f: {  	_ =	shalt  }
0x80: {  	_ =	shalt  }
0x81: {  	_ =	shalt  }
0x82: {  	_ =	shalt  }
0x83: {  	_ =	shalt  }
0x84: {  	_ =	shalt  }
0x85: {  	_ =	shalt  }
0x86: {  	_ =	shalt  }
0x87: {  	_ =	shalt  }
.Lfunc_end0:
.L_simem_size_0:
called_computation_lowered:
.L_overlay_start_0:
0x88: {  	s2 =	sld [smem:$0x3FD9]  }
0x89: {  	s3 =	sld [smem:$0x3FFE];
	_ =	sdelay $0x1  }
0x8a: {  	s1 =	srdreg.scid  }
0x8b: {  	s0 =	sand.u32 $0x1, s1  }
0x8c: {  	s17 =	sshll.u32 s0, $0xA;
	s2 =	sadd.s32 s3, s2  }
0x8d: {  	s2 =	sadd.s32 s2, s17  }
0x8e: {  	[smem:$0x3FC6] =	sst s2  }
0x8f: {  	_ = 	snop  }
0x90: {  	s2 =	sld [smem:$0x3FC8]  }
0x91: {  	s18 =	sld [smem:$0x3FD0];
	(tm) =	ssettm $0x1  }
0x92: {  	s4 =	sld [smem:$0x3FFB];
	_ =	sdelay $0x3  }
0x93: {  	_ =	strace s4  }
0x94: {  	s4 =	sld [smem:$0x3FFC];
	_ =	sdelay $0x3  }
0x95: {  	_ =	strace s4  }
0x96: {  	s4 =	sld [smem:$0x3FFD];
	_ =	sdelay $0x3  }
0x97: {  	_ =	strace s4  }
0x98: {  	_ =	strace $0x8FFFFFFF  }
0x99: {  	s19 =	sld [smem:$0x3FDB];
	_ =	sdelay $0x1  }
0x9a: {  	s5 =	simm.s32 $_scs_section_size  }
0x9b: {  	s6 =	simm.s32 $_size__tile_overlayer_lowered;
	s7 =	simm.s32 $_tile_overlayer_lowered  }
0x9c: {  	s22 =	simm.s32 $0x1BFF;
	s21 =	sshll.u32 s7, $0x1;
	s4 =	sadd.s32 s5, s19  }
0x9d: {  	s8 =	simm.s32 $0x0;
	s20 =	sshll.u32 s6, $0x1;
	s6 =	sadd.s32 s21, s4  }
0x9e: {  	[timem:s8], [sflag:s22] =	dma.local [hbm:s6], s20  }
0x9f: {  	_ =	swait.ge [sflag:s22], s20  }
0xa0: {  	s5 =	ssub.s32 $0x0, s20;
	[sflag:s22] =	ssyncset.done $0x0  }
0xa1: {  	[sflag:s22] =	ssyncadd.s32 s5;
	_ =	sdelay $0x1  }
0xa2: {  	s23 =	simm.s32 $0x1B8B  }
0xa3: {  	_ =	swait.ge [sflag:s23], $0x1  }
0xa4: {  	[sflag:s23] =	ssyncset.done $0x0  }
0xa5: {  	s25 =	simm.s32 $0x1B8E;
	s24 =	sld [smem:$0x3FFE];
	[sflag:s23] =	ssyncadd.s32 $0xFFFFFFFF  }
0xa6: {  	s26 =	simm.s32 $execute0_lowered;
	[smem:$0x3FD2] =	sst s25  }
0xa7: {  	s6 =	sshll.u32 s26, $0x1;
	_ =	strace $0x80000046;
	[dreg:$0x1] =	wrdreg $0xFFFFFFFF  }
0xa8: {  	s28 =	simm.s32 $_size_execute0_lowered;
	s4 =	sadd.s32 s4, s6;
	[dreg:$0x0] =	wrdreg $0x0  }
0xa9: {  	s6 =	sshll.u32 s28, $0x1;
	[dreg:$0x2] =	wrdreg s4  }
0xaa: {  	[dreg:$0x3] =	wrdreg s6  }
0xab: {  	[dreg:$0x4] =	wrdreg $0xC0  }
0xac: {  	_ =	task [dreg:s8], $0x5FFFF  }
0xad: {  	[dreg:$0x1] =	wrdreg $0xFFFFFFFF  }
0xae: {  	[dreg:$0x0] =	wrdreg $0x60  }
0xaf: {  	[dreg:$0x2] =	wrdreg s2  }
0xb0: {  	[dreg:$0x3] =	wrdreg s24  }
0xb1: {  	[dreg:$0x4] =	wrdreg s18  }
0xb2: {  	[dreg:$0x5] =	wrdreg $0x9  }
0xb3: {  	_ =	task.clear_ibuf [dreg:s8], $0x6FFFF;
	_ =	strace $0x90000046  }
0xb4: {  	s29 =	simm.s32 $0x9;
	_ =	strace $0x80000048  }
0xb5: {  	_ =	swait.ge [sflag:s29], $0x1  }
0xb6: {  	[sflag:s29] =	ssyncadd.s32 $0xFFFFFFFF  }
0xb7: {  	_ =	strace $0x90000048  }
0xb8: {  	_ =	sfence  }
0xb9: {  	s30 =	sld [smem:$0x0];
	_ =	sdelay $0x2  }
0xba: {  	s31 =	sshll.u32 s1, $0xD;
	s1 =	sshrl.u32 s1, $0x2  }
0xbb: {  	s3 =	sand.u32 $0x4000, s31;
	s1 =	sadd.s32 s1, s30  }
0xbc: {  	s0 =	sor.u32 s3, s0;
	s1 =	sshll.u32 s1, $0x11  }
0xbd: {  	s0 =	sor.u32 s1, s0  }
0xbe: {  	s0 =	sadd.s32 $0x8F2B, s0  }
0xbf: {  	[sflag:s0] =	ssyncadd.remote.s32 $0x1  }
0xc0: {  	_ =	sfence.sel $0xFFFF  }
0xc1: {  	[dreg:$0x0] =	wrdreg $0xFFFFFFFF;
	(pc) =	sbr.abs _section_cstart, $3  }
0xc2: {  	[dreg:$0x1] =	wrdreg $0xFFFFFFFF  }
0xc3: {  	_ =	task.clear_ibuf [dreg:s8], $0x2FFFF;
	_ =	strace $0x9FFFFFFF  }
0xc4: {  	(tm) =	ssettm $0x7FFFFFFF  }
0xc5: {  	_ =	shalt  }
tec
execute0_lowered:
.L_overlay_start_1:
0x0: {  	(tag) =	ssettag $0x1  }
0x1: {  	s0 =	srdreg.scid;
	s1 =	rddreg [dreg:$0x0]  }
0x2: {  	s2 =	stileid.u32;
	s6 =	rddreg [dreg:$0x1]  }
0x3: {  	s3 =	rddreg [dreg:$0x2];
	s5 =	simm.s32 $0x0;
	s29 =	simm.s32 $0x16400  }
0x4: {  	s31 =	simm.s32 $0x1A400;
	s28 =	simm.s32 $0x4;
	s30 =	simm.s32 $0x8  }
0x5: {  	s9 =	simm.s32 $0x6;
	s0 =	sand.u32 $0x1, s0;
	s2 =	sshll.u32 s2, $0x1  }
0x6: {  	s13 =	simm.s32 $0xA;
	s14 =	simm.s32 $0xB;
	s2 =	sor.u32 s0, s2  }
0x7: {  	s15 =	simm.s32 $0xC;
	s10 =	simm.s32 $0x0;
	s8 =	smul.u32 $0x64000, s2  }
0x8: {  	[smem:$0x7FF] =	sst s5;
	s0 =	ssub.s32 $0x2, s0;
	s4 =	smul.u32 $0x6400, s2  }
0x9: {  	_ =	strace $0x80000047;
	s17 =	sshrl.u32 s0, $0x1;
	s8 =	sadd.s32 s3, s8  }
0xa: {  	s2 =	smul.u32 $0x320000, s2;
	s20 =	sor.u32 $0x180, s4;
	[dreg:$0x4] =	wrdreg s8  }
0xb: {  	s0 =	ssub.s32 s0, s17;
	s21 =	sor.u32 $0x200, s4;
	[dreg:$0x8] =	wrdreg s20  }
0xc: {  	s7 =	sshrl.u32 s4, $0x3;
	s22 =	sor.u32 $0x280, s4;
	[dreg:$0x9] =	wrdreg s21  }
0xd: {  	s2 =	sshrl.u32 s2, $0x3;
	s0 =	smax.u32 s0, $0x1;
	[dreg:$0xa] =	wrdreg s22  }
0xe: {  	s6 =	sadd.s32 s7, s6;
	s18 =	sadd.s32 $0x800, s8;
	[dreg:$0x10] =	wrdreg s0  }
0xf: {  	s19 =	sadd.s32 $0x1000, s8;
	s2 =	sadd.s32 s3, s2;
	[dreg:$0x6] =	wrdreg s18  }
0x10: {  	s20 =	simm.s32 $0x80;
	s6 =	sadd.s32 $0x400, s6;
	[dreg:$0x7] =	wrdreg s19  }
0x11: {  	s21 =	simm.s32 $0x6400;
	s23 =	sadd.s32 $0x61800, s2;
	[dreg:$0x5] =	wrdreg s6  }
0x12: {  	s22 =	simm.s32 $0xA400;
	s24 =	sadd.s32 $0x62000, s2;
	[dreg:$0xb] =	wrdreg s23  }
0x13: {  	s0 =	simm.s32 $0x2;
	s25 =	sadd.s32 $0x62800, s2;
	[dreg:$0xc] =	wrdreg s24  }
0x14: {  	s7 =	simm.s32 $0x5;
	s26 =	sadd.s32 $0x63000, s2;
	[dreg:$0xd] =	wrdreg s25  }
0x15: {  	s8 =	simm.s32 $0x9;
	s2 =	sadd.s32 $0x63800, s2;
	[dreg:$0xe] =	wrdreg s26  }
0x16: {  	[dreg:$0xf] =	wrdreg s2;
	s24 =	simm.s32 $0xE400;
	s26 =	simm.s32 $0x12400  }
0x17: {  	s2 =	simm.s32 $0x1;
	s23 =	simm.s32 $0x3;
	s25 =	simm.s32 $0x7  }
.LBB2_1:
0x18: {  	[dreg:$0x11] =	wrdreg s10  }
0x19: {  	s6 =	rddreg [dreg:$0x5];
	s12 =	simm.s32 $0xD  }
0x1a: {  	[tilespmem:s5], [sflag:$0xD] =	stream.linear.gather [hbm4b:s6+s5], $0x6400, $0x38;
	[tilespmem:$0x1E400] =	vst v63  }
0x1b: {  	_ =	swait.ge [sflag:s12], $0x6400  }
0x1c: {  	[sflag:s12] =	ssyncset.done $0x0  }
0x1d: {  	[sflag:s12] =	ssyncadd.s32 $0xFFFF9C00  }
0x1e: {  	[tilespmem:s21], [sflag:$0x1] =	stream.indirect.gather [hbm4b:s1+s20], $0x80, s5, s20, $0xb8;
	[tilespmem:$0x1E400] =	vst v63  }
0x1f: {  	_ = 	snop  }
0x20: {  	[tilespmem:s22], [sflag:$0x2] =	stream.indirect.gather [hbm4b:s1+s20], $0x80, s20, s20, $0xb8;
	[tilespmem:$0x1E400] =	vst v63  }
0x21: {  	s16 =	simm.s32 $0x100  }
0x22: {  	[tilespmem:s24], [sflag:$0x3] =	stream.indirect.gather [hbm4b:s1+s20], $0x80, s16, s20, $0xb8;
	[tilespmem:$0x1E400] =	vst v63  }
0x23: {  	s17 =	simm.s32 $0x180  }
0x24: {  	[tilespmem:s26], [sflag:$0x4] =	stream.indirect.gather [hbm4b:s1+s20], $0x80, s17, s20, $0xb8;
	[tilespmem:$0x1E400] =	vst v63  }
0x25: {  	s18 =	simm.s32 $0x200  }
0x26: {  	[tilespmem:s29], [sflag:$0x5] =	stream.indirect.gather [hbm4b:s1+s20], $0x80, s18, s20, $0xb8;
	[tilespmem:$0x1E400] =	vst v63  }
0x27: {  	s19 =	simm.s32 $0x280  }
0x28: {  	[tilespmem:s31], [sflag:$0x6] =	stream.indirect.gather [hbm4b:s1+s20], $0x80, s19, s20, $0xb8;
	[tilespmem:$0x1E400] =	vst v63  }
0x29: {  	_ =	swait.ge [sflag:s2], $0x4000  }
0x2a: {  	[sflag:s2] =	ssyncset.done $0x0  }
0x2b: {  	s6 =	simm.s32 $0x6480;
	[sflag:s2] =	ssyncadd.s32 $0xFFFFC000  }
0x2c: {  	v0 =	vld [tilespmem:s6+$0xFFFFFF80]  }
0x2d: {  	v1 =	vld [tilespmem:s6+$0xFFFFFF90]  }
0x2e: {  	v2 =	vld [tilespmem:s6+$0xFFFFFFA0]  }
0x2f: {  	v3 =	vld [tilespmem:s6+$0xFFFFFFB0]  }
0x30: {  	v4 =	vld [tilespmem:s6+$0xFFFFFFC0]  }
0x31: {  	v5 =	vld [tilespmem:s6+$0xFFFFFFD0];
	v0 =	vmul.f32 $1.131370830e+01, v0  }
0x32: {  	v6 =	vld [tilespmem:s6+$0xFFFFFFE0];
	v1 =	vmul.f32 $1.131370830e+01, v1  }
0x33: {  	[tilespmem:s6+$0xFFFFFF80] =	vst v0;
	v0 =	vmul.f32 $1.131370830e+01, v2;
	v2 =	vld [tilespmem:s6+$0x0]  }
0x34: {  	[tilespmem:s6+$0xFFFFFF90] =	vst v1;
	v1 =	vmul.f32 $1.131370830e+01, v3;
	v3 =	vld [tilespmem:s6+$0x10]  }
0x35: {  	[tilespmem:s6+$0xFFFFFFA0] =	vst v0;
	v0 =	vmul.f32 $1.131370830e+01, v4;
	v4 =	vld [tilespmem:s6+$0x20]  }
0x36: {  	v7 =	vld [tilespmem:s6+$0x30];
	[tilespmem:s6+$0xFFFFFFB0] =	vst v1;
	v1 =	vmul.f32 $1.131370830e+01, v5  }
0x37: {  	v5 =	vmul.f32 $1.131370830e+01, v6;
	[tilespmem:s6+$0xFFFFFFC0] =	vst v0;
	v0 =	vld [tilespmem:s6+$0x40]  }
0x38: {  	[tilespmem:s6+$0xFFFFFFD0] =	vst v1;
	v1 =	vld [tilespmem:s6+$0x50];
	v2 =	vmul.f32 $1.131370830e+01, v2  }
0x39: {  	[tilespmem:s6+$0xFFFFFFE0] =	vst v5;
	v6 =	vmul.f32 $1.131370830e+01, v3;
	v3 =	vld [tilespmem:s6+$0x60]  }
0x3a: {  	[tilespmem:s6+$0x0] =	vst v2;
	v5 =	vmul.f32 $1.131370830e+01, v4;
	v4 =	vld [tilespmem:s6+$0x70]  }
0x3b: {  	s10 =	simm.s32 $0x0;
	s11 =	simm.s32 $0x6580;
	v2 =	vld [tilespmem:s6+$0xFFFFFFF0];
	[tilespmem:s6+$0x10] =	vst v6;
	v6 =	vmul.f32 $1.131370830e+01, v7  }
.LBB2_2:
0x3c: {  	v7 =	vld [tilespmem:s11+$0xFFFFFF80];
	[tilespmem:s6+$0x20] =	vst v5;
	v0 =	vmul.f32 $1.131370830e+01, v0  }
0x3d: {  	v5 =	vld [tilespmem:s11+$0xFFFFFF90];
	[tilespmem:s6+$0x30] =	vst v6;
	v1 =	vmul.f32 $1.131370830e+01, v1  }
0x3e: {  	v6 =	vld [tilespmem:s11+$0xFFFFFFA0];
	[tilespmem:s6+$0x40] =	vst v0;
	v0 =	vmul.f32 $1.131370830e+01, v3  }
0x3f: {  	v3 =	vld [tilespmem:s11+$0xFFFFFFB0];
	[tilespmem:s6+$0x50] =	vst v1;
	v1 =	vmul.f32 $1.131370830e+01, v4  }
0x40: {  	v4 =	vld [tilespmem:s11+$0xFFFFFFC0];
	v2 =	vmul.f32 $1.131370830e+01, v2;
	[tilespmem:s6+$0x60] =	vst v0  }
0x41: {  	v0 =	vmul.f32 $1.131370830e+01, v7;
	v7 =	vld [tilespmem:s11+$0xFFFFFFD0];
	[tilespmem:s6+$0x70] =	vst v1  }
0x42: {  	v1 =	vmul.f32 $1.131370830e+01, v5;
	v5 =	vld [tilespmem:s11+$0xFFFFFFE0];
	[tilespmem:s6+$0xFFFFFFF0] =	vst v2;
	s6 =	smov.u32 s11  }
0x43: {  	[tilespmem:s11+$0xFFFFFF80] =	vst v0;
	v0 =	vmul.f32 $1.131370830e+01, v6;
	v2 =	vld [tilespmem:s11+$0x0]  }
0x44: {  	[tilespmem:s11+$0xFFFFFF90] =	vst v1;
	v1 =	vmul.f32 $1.131370830e+01, v3;
	v3 =	vld [tilespmem:s11+$0x10]  }
0x45: {  	s10 =	sadd.s32 $0x2, s10;
	[tilespmem:s11+$0xFFFFFFA0] =	vst v0;
	v0 =	vmul.f32 $1.131370830e+01, v4;
	v4 =	vld [tilespmem:s11+$0x20]  }
0x46: {  	p0 =	slt.u32 s10, $0x7E;
	[tilespmem:s11+$0xFFFFFFB0] =	vst v1;
	v1 =	vmul.f32 $1.131370830e+01, v7;
	v6 =	vld [tilespmem:s11+$0x30]  }
.Ltmp0:
0x47: {  	[tilespmem:s11+$0xFFFFFFC0] =	vst v0;
	v5 =	vmul.f32 $1.131370830e+01, v5;
	v0 =	vld [tilespmem:s11+$0x40];
	(pc) =	sbr.rel @p0 .LBB2_2-.Ltmp0, $4  }
0x48: {  	[tilespmem:s11+$0xFFFFFFD0] =	vst v1;
	v2 =	vmul.f32 $1.131370830e+01, v2;
	v1 =	vld [tilespmem:s11+$0x50]  }
0x49: {  	[tilespmem:s11+$0xFFFFFFE0] =	vst v5;
	v7 =	vmul.f32 $1.131370830e+01, v3;
	v3 =	vld [tilespmem:s11+$0x60]  }
0x4a: {  	[tilespmem:s11+$0x0] =	vst v2;
	v5 =	vmul.f32 $1.131370830e+01, v4;
	v4 =	vld [tilespmem:s11+$0x70]  }
0x4b: {  	s11 =	sadd.s32 $0x100, s11;
	v2 =	vld [tilespmem:s6+$0xFFFFFFF0];
	[tilespmem:s6+$0x10] =	vst v7;
	v6 =	vmul.f32 $1.131370830e+01, v6  }
0x4c: {  	[tilespmem:s6+$0x20] =	vst v5;
	v0 =	vmul.f32 $1.131370830e+01, v0  }
0x4d: {  	[tilespmem:s6+$0x30] =	vst v6;
	v1 =	vmul.f32 $1.131370830e+01, v1  }
0x4e: {  	[tilespmem:s6+$0x40] =	vst v0;
	v0 =	vmul.f32 $1.131370830e+01, v3  }
0x4f: {  	[tilespmem:s6+$0x50] =	vst v1;
	v1 =	vmul.f32 $1.131370830e+01, v4  }
0x50: {  	v2 =	vmul.f32 $1.131370830e+01, v2;
	[tilespmem:s6+$0x60] =	vst v0  }
0x51: {  	[tilespmem:s6+$0x70] =	vst v1  }
0x52: {  	s19 =	rddreg [dreg:$0x4];
	[tilespmem:s6+$0xFFFFFFF0] =	vst v2  }
0x53: {  	[hbm4b:s19+s5] =	stream.linear.scatter [tilespmem:s21], [sflag:$0x7], $0x4000, $0x38;
	[tilespmem:$0x1E400] =	vst v63  }
0x54: {  	_ =	swait.ge [sflag:s0], $0x4000  }
0x55: {  	[sflag:s0] =	ssyncset.done $0x0  }
0x56: {  	s6 =	simm.s32 $0xA480;
	[sflag:s0] =	ssyncadd.s32 $0xFFFFC000  }
0x57: {  	v0 =	vld [tilespmem:s6+$0xFFFFFF80]  }
0x58: {  	v1 =	vld [tilespmem:s6+$0xFFFFFF90]  }
0x59: {  	v2 =	vld [tilespmem:s6+$0xFFFFFFA0]  }
0x5a: {  	v3 =	vld [tilespmem:s6+$0xFFFFFFB0]  }
0x5b: {  	v4 =	vld [tilespmem:s6+$0xFFFFFFC0]  }
0x5c: {  	v5 =	vld [tilespmem:s6+$0xFFFFFFD0];
	v0 =	vmul.f32 $1.131370830e+01, v0  }
0x5d: {  	v6 =	vld [tilespmem:s6+$0xFFFFFFE0];
	v1 =	vmul.f32 $1.131370830e+01, v1  }
0x5e: {  	[tilespmem:s6+$0xFFFFFF80] =	vst v0;
	v0 =	vmul.f32 $1.131370830e+01, v2;
	v2 =	vld [tilespmem:s6+$0x0]  }
0x5f: {  	[tilespmem:s6+$0xFFFFFF90] =	vst v1;
	v1 =	vmul.f32 $1.131370830e+01, v3;
	v3 =	vld [tilespmem:s6+$0x10]  }
0x60: {  	[tilespmem:s6+$0xFFFFFFA0] =	vst v0;
	v0 =	vmul.f32 $1.131370830e+01, v4;
	v4 =	vld [tilespmem:s6+$0x20]  }
0x61: {  	v7 =	vld [tilespmem:s6+$0x30];
	[tilespmem:s6+$0xFFFFFFB0] =	vst v1;
	v1 =	vmul.f32 $1.131370830e+01, v5  }
0x62: {  	v5 =	vmul.f32 $1.131370830e+01, v6;
	[tilespmem:s6+$0xFFFFFFC0] =	vst v0;
	v0 =	vld [tilespmem:s6+$0x40]  }
0x63: {  	[tilespmem:s6+$0xFFFFFFD0] =	vst v1;
	v1 =	vld [tilespmem:s6+$0x50];
	v2 =	vmul.f32 $1.131370830e+01, v2  }
0x64: {  	[tilespmem:s6+$0xFFFFFFE0] =	vst v5;
	v6 =	vmul.f32 $1.131370830e+01, v3;
	v3 =	vld [tilespmem:s6+$0x60]  }
0x65: {  	[tilespmem:s6+$0x0] =	vst v2;
	v5 =	vmul.f32 $1.131370830e+01, v4;
	v4 =	vld [tilespmem:s6+$0x70]  }
0x66: {  	s10 =	simm.s32 $0x0;
	s11 =	simm.s32 $0xA580;
	v2 =	vld [tilespmem:s6+$0xFFFFFFF0];
	[tilespmem:s6+$0x10] =	vst v6;
	v6 =	vmul.f32 $1.131370830e+01, v7  }
.LBB2_4:
0x67: {  	v7 =	vld [tilespmem:s11+$0xFFFFFF80];
	[tilespmem:s6+$0x20] =	vst v5;
	v0 =	vmul.f32 $1.131370830e+01, v0  }
0x68: {  	v5 =	vld [tilespmem:s11+$0xFFFFFF90];
	[tilespmem:s6+$0x30] =	vst v6;
	v1 =	vmul.f32 $1.131370830e+01, v1  }
0x69: {  	v6 =	vld [tilespmem:s11+$0xFFFFFFA0];
	[tilespmem:s6+$0x40] =	vst v0;
	v0 =	vmul.f32 $1.131370830e+01, v3  }
0x6a: {  	v3 =	vld [tilespmem:s11+$0xFFFFFFB0];
	[tilespmem:s6+$0x50] =	vst v1;
	v1 =	vmul.f32 $1.131370830e+01, v4  }
0x6b: {  	v4 =	vld [tilespmem:s11+$0xFFFFFFC0];
	v2 =	vmul.f32 $1.131370830e+01, v2;
	[tilespmem:s6+$0x60] =	vst v0  }
0x6c: {  	v0 =	vmul.f32 $1.131370830e+01, v7;
	v7 =	vld [tilespmem:s11+$0xFFFFFFD0];
	[tilespmem:s6+$0x70] =	vst v1  }
0x6d: {  	v1 =	vmul.f32 $1.131370830e+01, v5;
	v5 =	vld [tilespmem:s11+$0xFFFFFFE0];
	[tilespmem:s6+$0xFFFFFFF0] =	vst v2;
	s6 =	smov.u32 s11  }
0x6e: {  	[tilespmem:s11+$0xFFFFFF80] =	vst v0;
	v0 =	vmul.f32 $1.131370830e+01, v6;
	v2 =	vld [tilespmem:s11+$0x0]  }
0x6f: {  	[tilespmem:s11+$0xFFFFFF90] =	vst v1;
	v1 =	vmul.f32 $1.131370830e+01, v3;
	v3 =	vld [tilespmem:s11+$0x10]  }
0x70: {  	s10 =	sadd.s32 $0x2, s10;
	[tilespmem:s11+$0xFFFFFFA0] =	vst v0;
	v0 =	vmul.f32 $1.131370830e+01, v4;
	v4 =	vld [tilespmem:s11+$0x20]  }
0x71: {  	p0 =	slt.u32 s10, $0x7E;
	[tilespmem:s11+$0xFFFFFFB0] =	vst v1;
	v1 =	vmul.f32 $1.131370830e+01, v7;
	v6 =	vld [tilespmem:s11+$0x30]  }
.Ltmp1:
0x72: {  	[tilespmem:s11+$0xFFFFFFC0] =	vst v0;
	v5 =	vmul.f32 $1.131370830e+01, v5;
	v0 =	vld [tilespmem:s11+$0x40];
	(pc) =	sbr.rel @p0 .LBB2_4-.Ltmp1, $4  }
0x73: {  	[tilespmem:s11+$0xFFFFFFD0] =	vst v1;
	v2 =	vmul.f32 $1.131370830e+01, v2;
	v1 =	vld [tilespmem:s11+$0x50]  }
0x74: {  	[tilespmem:s11+$0xFFFFFFE0] =	vst v5;
	v7 =	vmul.f32 $1.131370830e+01, v3;
	v3 =	vld [tilespmem:s11+$0x60]  }
0x75: {  	[tilespmem:s11+$0x0] =	vst v2;
	v5 =	vmul.f32 $1.131370830e+01, v4;
	v4 =	vld [tilespmem:s11+$0x70]  }
0x76: {  	s11 =	sadd.s32 $0x100, s11;
	v2 =	vld [tilespmem:s6+$0xFFFFFFF0];
	[tilespmem:s6+$0x10] =	vst v7;
	v6 =	vmul.f32 $1.131370830e+01, v6  }
0x77: {  	[tilespmem:s6+$0x20] =	vst v5;
	v0 =	vmul.f32 $1.131370830e+01, v0  }
0x78: {  	[tilespmem:s6+$0x30] =	vst v6;
	v1 =	vmul.f32 $1.131370830e+01, v1  }
0x79: {  	[tilespmem:s6+$0x40] =	vst v0;
	v0 =	vmul.f32 $1.131370830e+01, v3  }
0x7a: {  	[tilespmem:s6+$0x50] =	vst v1;
	v1 =	vmul.f32 $1.131370830e+01, v4  }
0x7b: {  	v2 =	vmul.f32 $1.131370830e+01, v2;
	[tilespmem:s6+$0x60] =	vst v0  }
0x7c: {  	[tilespmem:s6+$0x70] =	vst v1  }
0x7d: {  	s19 =	rddreg [dreg:$0x6];
	[tilespmem:s6+$0xFFFFFFF0] =	vst v2  }
0x7e: {  	[hbm4b:s19+s5] =	stream.linear.scatter [tilespmem:s22], [sflag:$0x8], $0x4000, $0x38;
	[tilespmem:$0x1E400] =	vst v63  }
0x7f: {  	_ =	swait.ge [sflag:s23], $0x4000  }
0x80: {  	[sflag:s23] =	ssyncset.done $0x0  }
0x81: {  	s6 =	simm.s32 $0xE480;
	[sflag:s23] =	ssyncadd.s32 $0xFFFFC000  }
0x82: {  	v0 =	vld [tilespmem:s6+$0xFFFFFF80]  }
0x83: {  	v1 =	vld [tilespmem:s6+$0xFFFFFF90]  }
0x84: {  	v2 =	vld [tilespmem:s6+$0xFFFFFFA0]  }
0x85: {  	v3 =	vld [tilespmem:s6+$0xFFFFFFB0]  }
0x86: {  	v4 =	vld [tilespmem:s6+$0xFFFFFFC0]  }
0x87: {  	v5 =	vld [tilespmem:s6+$0xFFFFFFD0];
	v0 =	vmul.f32 $1.131370830e+01, v0  }
0x88: {  	v6 =	vld [tilespmem:s6+$0xFFFFFFE0];
	v1 =	vmul.f32 $1.131370830e+01, v1  }
0x89: {  	[tilespmem:s6+$0xFFFFFF80] =	vst v0;
	v0 =	vmul.f32 $1.131370830e+01, v2;
	v2 =	vld [tilespmem:s6+$0x0]  }
0x8a: {  	[tilespmem:s6+$0xFFFFFF90] =	vst v1;
	v1 =	vmul.f32 $1.131370830e+01, v3;
	v3 =	vld [tilespmem:s6+$0x10]  }
0x8b: {  	[tilespmem:s6+$0xFFFFFFA0] =	vst v0;
	v0 =	vmul.f32 $1.131370830e+01, v4;
	v4 =	vld [tilespmem:s6+$0x20]  }
0x8c: {  	v7 =	vld [tilespmem:s6+$0x30];
	[tilespmem:s6+$0xFFFFFFB0] =	vst v1;
	v1 =	vmul.f32 $1.131370830e+01, v5  }
0x8d: {  	v5 =	vmul.f32 $1.131370830e+01, v6;
	[tilespmem:s6+$0xFFFFFFC0] =	vst v0;
	v0 =	vld [tilespmem:s6+$0x40]  }
0x8e: {  	[tilespmem:s6+$0xFFFFFFD0] =	vst v1;
	v1 =	vld [tilespmem:s6+$0x50];
	v2 =	vmul.f32 $1.131370830e+01, v2  }
0x8f: {  	[tilespmem:s6+$0xFFFFFFE0] =	vst v5;
	v6 =	vmul.f32 $1.131370830e+01, v3;
	v3 =	vld [tilespmem:s6+$0x60]  }
0x90: {  	[tilespmem:s6+$0x0] =	vst v2;
	v5 =	vmul.f32 $1.131370830e+01, v4;
	v4 =	vld [tilespmem:s6+$0x70]  }
0x91: {  	s10 =	simm.s32 $0x0;
	s11 =	simm.s32 $0xE580;
	v2 =	vld [tilespmem:s6+$0xFFFFFFF0];
	[tilespmem:s6+$0x10] =	vst v6;
	v6 =	vmul.f32 $1.131370830e+01, v7  }
.LBB2_6:
0x92: {  	v7 =	vld [tilespmem:s11+$0xFFFFFF80];
	[tilespmem:s6+$0x20] =	vst v5;
	v0 =	vmul.f32 $1.131370830e+01, v0  }
0x93: {  	v5 =	vld [tilespmem:s11+$0xFFFFFF90];
	[tilespmem:s6+$0x30] =	vst v6;
	v1 =	vmul.f32 $1.131370830e+01, v1  }
0x94: {  	v6 =	vld [tilespmem:s11+$0xFFFFFFA0];
	[tilespmem:s6+$0x40] =	vst v0;
	v0 =	vmul.f32 $1.131370830e+01, v3  }
0x95: {  	v3 =	vld [tilespmem:s11+$0xFFFFFFB0];
	[tilespmem:s6+$0x50] =	vst v1;
	v1 =	vmul.f32 $1.131370830e+01, v4  }
0x96: {  	v4 =	vld [tilespmem:s11+$0xFFFFFFC0];
	v2 =	vmul.f32 $1.131370830e+01, v2;
	[tilespmem:s6+$0x60] =	vst v0  }
0x97: {  	v0 =	vmul.f32 $1.131370830e+01, v7;
	v7 =	vld [tilespmem:s11+$0xFFFFFFD0];
	[tilespmem:s6+$0x70] =	vst v1  }
0x98: {  	v1 =	vmul.f32 $1.131370830e+01, v5;
	v5 =	vld [tilespmem:s11+$0xFFFFFFE0];
	[tilespmem:s6+$0xFFFFFFF0] =	vst v2;
	s6 =	smov.u32 s11  }
0x99: {  	[tilespmem:s11+$0xFFFFFF80] =	vst v0;
	v0 =	vmul.f32 $1.131370830e+01, v6;
	v2 =	vld [tilespmem:s11+$0x0]  }
0x9a: {  	[tilespmem:s11+$0xFFFFFF90] =	vst v1;
	v1 =	vmul.f32 $1.131370830e+01, v3;
	v3 =	vld [tilespmem:s11+$0x10]  }
0x9b: {  	s10 =	sadd.s32 $0x2, s10;
	[tilespmem:s11+$0xFFFFFFA0] =	vst v0;
	v0 =	vmul.f32 $1.131370830e+01, v4;
	v4 =	vld [tilespmem:s11+$0x20]  }
0x9c: {  	p0 =	slt.u32 s10, $0x7E;
	[tilespmem:s11+$0xFFFFFFB0] =	vst v1;
	v1 =	vmul.f32 $1.131370830e+01, v7;
	v6 =	vld [tilespmem:s11+$0x30]  }
.Ltmp2:
0x9d: {  	[tilespmem:s11+$0xFFFFFFC0] =	vst v0;
	v5 =	vmul.f32 $1.131370830e+01, v5;
	v0 =	vld [tilespmem:s11+$0x40];
	(pc) =	sbr.rel @p0 .LBB2_6-.Ltmp2, $4  }
0x9e: {  	[tilespmem:s11+$0xFFFFFFD0] =	vst v1;
	v2 =	vmul.f32 $1.131370830e+01, v2;
	v1 =	vld [tilespmem:s11+$0x50]  }
0x9f: {  	[tilespmem:s11+$0xFFFFFFE0] =	vst v5;
	v7 =	vmul.f32 $1.131370830e+01, v3;
	v3 =	vld [tilespmem:s11+$0x60]  }
0xa0: {  	[tilespmem:s11+$0x0] =	vst v2;
	v5 =	vmul.f32 $1.131370830e+01, v4;
	v4 =	vld [tilespmem:s11+$0x70]  }
0xa1: {  	s11 =	sadd.s32 $0x100, s11;
	v2 =	vld [tilespmem:s6+$0xFFFFFFF0];
	[tilespmem:s6+$0x10] =	vst v7;
	v6 =	vmul.f32 $1.131370830e+01, v6  }
0xa2: {  	[tilespmem:s6+$0x20] =	vst v5;
	v0 =	vmul.f32 $1.131370830e+01, v0  }
0xa3: {  	[tilespmem:s6+$0x30] =	vst v6;
	v1 =	vmul.f32 $1.131370830e+01, v1  }
0xa4: {  	[tilespmem:s6+$0x40] =	vst v0;
	v62 =	vmul.f32 $1.131370830e+01, v3  }
0xa5: {  	[tilespmem:s6+$0x50] =	vst v1;
	v63 =	vmul.f32 $1.131370830e+01, v4  }
0xa6: {  	v2 =	vmul.f32 $1.131370830e+01, v2;
	[tilespmem:s6+$0x60] =	vst v62  }
0xa7: {  	[tilespmem:s6+$0x70] =	vst v63  }
0xa8: {  	s17 =	simm.s32 $0x0;
	s19 =	rddreg [dreg:$0x7];
	[tilespmem:s6+$0xFFFFFFF0] =	vst v2  }
0xa9: {  	[hbm4b:s19+s17] =	stream.linear.scatter [tilespmem:s24], [sflag:$0x9], $0x4000, $0x38;
	[tilespmem:$0x1E400] =	vst v63  }
.LBB2_8:
0xaa: {  	_ =	swait.ge [sflag:s25], $0x4000;
	s16 =	smul.u32 $0x300, s17  }
0xab: {  	[sflag:s25] =	ssyncset.done $0x0  }
0xac: {  	[sflag:s25] =	ssyncadd.s32 $0xFFFFC000;
	s18 =	sadd.s32 $0x300, s16  }
0xad: {  	[tilespmem:s21], [sflag:$0x1] =	stream.indirect.gather [hbm4b:s1+s20], $0x80, s18, s20, $0xb8;
	[tilespmem:$0x1E400] =	vst v63  }
0xae: {  	_ =	swait.ge [sflag:s28], $0x4000  }
0xaf: {  	[sflag:s28] =	ssyncset.done $0x0  }
0xb0: {  	s6 =	simm.s32 $0x12480;
	[sflag:s28] =	ssyncadd.s32 $0xFFFFC000  }
0xb1: {  	v0 =	vld [tilespmem:s6+$0xFFFFFF80]  }
0xb2: {  	v1 =	vld [tilespmem:s6+$0xFFFFFF90]  }
0xb3: {  	v2 =	vld [tilespmem:s6+$0xFFFFFFA0]  }
0xb4: {  	v3 =	vld [tilespmem:s6+$0xFFFFFFB0]  }
0xb5: {  	v4 =	vld [tilespmem:s6+$0xFFFFFFC0]  }
0xb6: {  	v5 =	vld [tilespmem:s6+$0xFFFFFFD0];
	v0 =	vmul.f32 $1.131370830e+01, v0  }
0xb7: {  	v6 =	vld [tilespmem:s6+$0xFFFFFFE0];
	v1 =	vmul.f32 $1.131370830e+01, v1  }
0xb8: {  	[tilespmem:s6+$0xFFFFFF80] =	vst v0;
	v0 =	vmul.f32 $1.131370830e+01, v2;
	v2 =	vld [tilespmem:s6+$0x0]  }
0xb9: {  	[tilespmem:s6+$0xFFFFFF90] =	vst v1;
	v1 =	vmul.f32 $1.131370830e+01, v3;
	v3 =	vld [tilespmem:s6+$0x10]  }
0xba: {  	[tilespmem:s6+$0xFFFFFFA0] =	vst v0;
	v0 =	vmul.f32 $1.131370830e+01, v4;
	v4 =	vld [tilespmem:s6+$0x20]  }
0xbb: {  	v7 =	vld [tilespmem:s6+$0x30];
	[tilespmem:s6+$0xFFFFFFB0] =	vst v1;
	v1 =	vmul.f32 $1.131370830e+01, v5  }
0xbc: {  	v5 =	vmul.f32 $1.131370830e+01, v6;
	[tilespmem:s6+$0xFFFFFFC0] =	vst v0;
	v0 =	vld [tilespmem:s6+$0x40]  }
0xbd: {  	[tilespmem:s6+$0xFFFFFFD0] =	vst v1;
	v1 =	vld [tilespmem:s6+$0x50];
	v2 =	vmul.f32 $1.131370830e+01, v2  }
0xbe: {  	[tilespmem:s6+$0xFFFFFFE0] =	vst v5;
	v6 =	vmul.f32 $1.131370830e+01, v3;
	v3 =	vld [tilespmem:s6+$0x60]  }
0xbf: {  	[tilespmem:s6+$0x0] =	vst v2;
	v5 =	vmul.f32 $1.131370830e+01, v4;
	v4 =	vld [tilespmem:s6+$0x70]  }
0xc0: {  	s10 =	simm.s32 $0x0;
	s11 =	simm.s32 $0x12580;
	v2 =	vld [tilespmem:s6+$0xFFFFFFF0];
	[tilespmem:s6+$0x10] =	vst v6;
	v6 =	vmul.f32 $1.131370830e+01, v7  }
.LBB2_9:
0xc1: {  	v7 =	vld [tilespmem:s11+$0xFFFFFF80];
	[tilespmem:s6+$0x20] =	vst v5;
	v0 =	vmul.f32 $1.131370830e+01, v0  }
0xc2: {  	v5 =	vld [tilespmem:s11+$0xFFFFFF90];
	[tilespmem:s6+$0x30] =	vst v6;
	v1 =	vmul.f32 $1.131370830e+01, v1  }
0xc3: {  	v6 =	vld [tilespmem:s11+$0xFFFFFFA0];
	[tilespmem:s6+$0x40] =	vst v0;
	v0 =	vmul.f32 $1.131370830e+01, v3  }
0xc4: {  	v3 =	vld [tilespmem:s11+$0xFFFFFFB0];
	[tilespmem:s6+$0x50] =	vst v1;
	v1 =	vmul.f32 $1.131370830e+01, v4  }
0xc5: {  	v4 =	vld [tilespmem:s11+$0xFFFFFFC0];
	v2 =	vmul.f32 $1.131370830e+01, v2;
	[tilespmem:s6+$0x60] =	vst v0  }
0xc6: {  	v0 =	vmul.f32 $1.131370830e+01, v7;
	v7 =	vld [tilespmem:s11+$0xFFFFFFD0];
	[tilespmem:s6+$0x70] =	vst v1  }
0xc7: {  	v1 =	vmul.f32 $1.131370830e+01, v5;
	v5 =	vld [tilespmem:s11+$0xFFFFFFE0];
	[tilespmem:s6+$0xFFFFFFF0] =	vst v2;
	s6 =	smov.u32 s11  }
0xc8: {  	[tilespmem:s11+$0xFFFFFF80] =	vst v0;
	v0 =	vmul.f32 $1.131370830e+01, v6;
	v2 =	vld [tilespmem:s11+$0x0]  }
0xc9: {  	[tilespmem:s11+$0xFFFFFF90] =	vst v1;
	v1 =	vmul.f32 $1.131370830e+01, v3;
	v3 =	vld [tilespmem:s11+$0x10]  }
0xca: {  	s10 =	sadd.s32 $0x2, s10;
	[tilespmem:s11+$0xFFFFFFA0] =	vst v0;
	v0 =	vmul.f32 $1.131370830e+01, v4;
	v4 =	vld [tilespmem:s11+$0x20]  }
0xcb: {  	p0 =	slt.u32 s10, $0x7E;
	[tilespmem:s11+$0xFFFFFFB0] =	vst v1;
	v1 =	vmul.f32 $1.131370830e+01, v7;
	v6 =	vld [tilespmem:s11+$0x30]  }
.Ltmp3:
0xcc: {  	[tilespmem:s11+$0xFFFFFFC0] =	vst v0;
	v5 =	vmul.f32 $1.131370830e+01, v5;
	v0 =	vld [tilespmem:s11+$0x40];
	(pc) =	sbr.rel @p0 .LBB2_9-.Ltmp3, $4  }
0xcd: {  	[tilespmem:s11+$0xFFFFFFD0] =	vst v1;
	v2 =	vmul.f32 $1.131370830e+01, v2;
	v1 =	vld [tilespmem:s11+$0x50]  }
0xce: {  	[tilespmem:s11+$0xFFFFFFE0] =	vst v5;
	v7 =	vmul.f32 $1.131370830e+01, v3;
	v3 =	vld [tilespmem:s11+$0x60]  }
0xcf: {  	[tilespmem:s11+$0x0] =	vst v2;
	v5 =	vmul.f32 $1.131370830e+01, v4;
	v4 =	vld [tilespmem:s11+$0x70]  }
0xd0: {  	s11 =	sadd.s32 $0x100, s11;
	v2 =	vld [tilespmem:s6+$0xFFFFFFF0];
	[tilespmem:s6+$0x10] =	vst v7;
	v6 =	vmul.f32 $1.131370830e+01, v6  }
0xd1: {  	[tilespmem:s6+$0x20] =	vst v5;
	v0 =	vmul.f32 $1.131370830e+01, v0  }
0xd2: {  	[tilespmem:s6+$0x30] =	vst v6;
	v1 =	vmul.f32 $1.131370830e+01, v1  }
0xd3: {  	[tilespmem:s6+$0x40] =	vst v0;
	v0 =	vmul.f32 $1.131370830e+01, v3  }
0xd4: {  	s10 =	rddreg [dreg:$0x8];
	[tilespmem:s6+$0x50] =	vst v1;
	v1 =	vmul.f32 $1.131370830e+01, v4  }
0xd5: {  	s10 =	sadd.s32 s16, s10;
	v2 =	vmul.f32 $1.131370830e+01, v2;
	[tilespmem:s6+$0x60] =	vst v0  }
0xd6: {  	s10 =	sshll.u32 s10, $0x4;
	[tilespmem:s6+$0x70] =	vst v1  }
0xd7: {  	s19 =	sadd.s32 s3, s10;
	[tilespmem:s6+$0xFFFFFFF0] =	vst v2  }
0xd8: {  	[hbm4b:s19+s5] =	stream.linear.scatter [tilespmem:s26], [sflag:$0xA], $0x4000, $0x38;
	[tilespmem:$0x1E400] =	vst v63  }
0xd9: {  	_ =	swait.ge [sflag:s30], $0x4000  }
0xda: {  	[sflag:s30] =	ssyncset.done $0x0  }
0xdb: {  	s6 =	sadd.s32 $0x380, s16;
	[sflag:s30] =	ssyncadd.s32 $0xFFFFC000  }
0xdc: {  	[tilespmem:s22], [sflag:$0x2] =	stream.indirect.gather [hbm4b:s1+s20], $0x80, s6, s20, $0xb8;
	[tilespmem:$0x1E400] =	vst v63  }
0xdd: {  	_ =	swait.ge [sflag:s7], $0x4000  }
0xde: {  	[sflag:s7] =	ssyncset.done $0x0  }
0xdf: {  	s19 =	simm.s32 $0x16480;
	[sflag:s7] =	ssyncadd.s32 $0xFFFFC000  }
0xe0: {  	v0 =	vld [tilespmem:s19+$0xFFFFFF80]  }
0xe1: {  	v1 =	vld [tilespmem:s19+$0xFFFFFF90]  }
0xe2: {  	v2 =	vld [tilespmem:s19+$0xFFFFFFA0]  }
0xe3: {  	v3 =	vld [tilespmem:s19+$0xFFFFFFB0]  }
0xe4: {  	v4 =	vld [tilespmem:s19+$0xFFFFFFC0]  }
0xe5: {  	v5 =	vld [tilespmem:s19+$0xFFFFFFD0];
	v0 =	vmul.f32 $1.131370830e+01, v0  }
0xe6: {  	v6 =	vld [tilespmem:s19+$0xFFFFFFE0];
	v1 =	vmul.f32 $1.131370830e+01, v1  }
0xe7: {  	[tilespmem:s19+$0xFFFFFF80] =	vst v0;
	v0 =	vmul.f32 $1.131370830e+01, v2;
	v2 =	vld [tilespmem:s19+$0x0]  }
0xe8: {  	[tilespmem:s19+$0xFFFFFF90] =	vst v1;
	v1 =	vmul.f32 $1.131370830e+01, v3;
	v3 =	vld [tilespmem:s19+$0x10]  }
0xe9: {  	[tilespmem:s19+$0xFFFFFFA0] =	vst v0;
	v0 =	vmul.f32 $1.131370830e+01, v4;
	v4 =	vld [tilespmem:s19+$0x20]  }
0xea: {  	v7 =	vld [tilespmem:s19+$0x30];
	[tilespmem:s19+$0xFFFFFFB0] =	vst v1;
	v1 =	vmul.f32 $1.131370830e+01, v5  }
0xeb: {  	v5 =	vmul.f32 $1.131370830e+01, v6;
	[tilespmem:s19+$0xFFFFFFC0] =	vst v0;
	v0 =	vld [tilespmem:s19+$0x40]  }
0xec: {  	[tilespmem:s19+$0xFFFFFFD0] =	vst v1;
	v1 =	vld [tilespmem:s19+$0x50];
	v2 =	vmul.f32 $1.131370830e+01, v2  }
0xed: {  	[tilespmem:s19+$0xFFFFFFE0] =	vst v5;
	v6 =	vmul.f32 $1.131370830e+01, v3;
	v3 =	vld [tilespmem:s19+$0x60]  }
0xee: {  	[tilespmem:s19+$0x0] =	vst v2;
	v5 =	vmul.f32 $1.131370830e+01, v4;
	v4 =	vld [tilespmem:s19+$0x70]  }
0xef: {  	s11 =	simm.s32 $0x16580;
	s10 =	simm.s32 $0x0;
	v2 =	vld [tilespmem:s19+$0xFFFFFFF0];
	[tilespmem:s19+$0x10] =	vst v6;
	v6 =	vmul.f32 $1.131370830e+01, v7  }
.LBB2_11:
0xf0: {  	v7 =	vld [tilespmem:s11+$0xFFFFFF80];
	[tilespmem:s19+$0x20] =	vst v5;
	v0 =	vmul.f32 $1.131370830e+01, v0  }
0xf1: {  	v5 =	vld [tilespmem:s11+$0xFFFFFF90];
	[tilespmem:s19+$0x30] =	vst v6;
	v1 =	vmul.f32 $1.131370830e+01, v1  }
0xf2: {  	v6 =	vld [tilespmem:s11+$0xFFFFFFA0];
	[tilespmem:s19+$0x40] =	vst v0;
	v0 =	vmul.f32 $1.131370830e+01, v3  }
0xf3: {  	v3 =	vld [tilespmem:s11+$0xFFFFFFB0];
	[tilespmem:s19+$0x50] =	vst v1;
	v1 =	vmul.f32 $1.131370830e+01, v4  }
0xf4: {  	v4 =	vld [tilespmem:s11+$0xFFFFFFC0];
	v2 =	vmul.f32 $1.131370830e+01, v2;
	[tilespmem:s19+$0x60] =	vst v0  }
0xf5: {  	v0 =	vmul.f32 $1.131370830e+01, v7;
	v7 =	vld [tilespmem:s11+$0xFFFFFFD0];
	[tilespmem:s19+$0x70] =	vst v1  }
0xf6: {  	v1 =	vmul.f32 $1.131370830e+01, v5;
	v5 =	vld [tilespmem:s11+$0xFFFFFFE0];
	[tilespmem:s19+$0xFFFFFFF0] =	vst v2;
	s19 =	smov.u32 s11  }
0xf7: {  	[tilespmem:s11+$0xFFFFFF80] =	vst v0;
	v0 =	vmul.f32 $1.131370830e+01, v6;
	v2 =	vld [tilespmem:s11+$0x0]  }
0xf8: {  	[tilespmem:s11+$0xFFFFFF90] =	vst v1;
	v1 =	vmul.f32 $1.131370830e+01, v3;
	v3 =	vld [tilespmem:s11+$0x10]  }
0xf9: {  	s10 =	sadd.s32 $0x2, s10;
	[tilespmem:s11+$0xFFFFFFA0] =	vst v0;
	v0 =	vmul.f32 $1.131370830e+01, v4;
	v4 =	vld [tilespmem:s11+$0x20]  }
0xfa: {  	p0 =	slt.u32 s10, $0x7E;
	[tilespmem:s11+$0xFFFFFFB0] =	vst v1;
	v1 =	vmul.f32 $1.131370830e+01, v7;
	v6 =	vld [tilespmem:s11+$0x30]  }
.Ltmp4:
0xfb: {  	[tilespmem:s11+$0xFFFFFFC0] =	vst v0;
	v5 =	vmul.f32 $1.131370830e+01, v5;
	v0 =	vld [tilespmem:s11+$0x40];
	(pc) =	sbr.rel @p0 .LBB2_11-.Ltmp4, $4  }
0xfc: {  	[tilespmem:s11+$0xFFFFFFD0] =	vst v1;
	v2 =	vmul.f32 $1.131370830e+01, v2;
	v1 =	vld [tilespmem:s11+$0x50]  }
0xfd: {  	[tilespmem:s11+$0xFFFFFFE0] =	vst v5;
	v7 =	vmul.f32 $1.131370830e+01, v3;
	v3 =	vld [tilespmem:s11+$0x60]  }
0xfe: {  	[tilespmem:s11+$0x0] =	vst v2;
	v5 =	vmul.f32 $1.131370830e+01, v4;
	v4 =	vld [tilespmem:s11+$0x70]  }
0xff: {  	s11 =	sadd.s32 $0x100, s11;
	v2 =	vld [tilespmem:s19+$0xFFFFFFF0];
	[tilespmem:s19+$0x10] =	vst v7;
	v6 =	vmul.f32 $1.131370830e+01, v6  }
0x100: {  	[tilespmem:s19+$0x20] =	vst v5;
	v0 =	vmul.f32 $1.131370830e+01, v0  }
0x101: {  	[tilespmem:s19+$0x30] =	vst v6;
	v1 =	vmul.f32 $1.131370830e+01, v1  }
0x102: {  	[tilespmem:s19+$0x40] =	vst v0;
	v0 =	vmul.f32 $1.131370830e+01, v3  }
0x103: {  	s10 =	rddreg [dreg:$0x9];
	[tilespmem:s19+$0x50] =	vst v1;
	v1 =	vmul.f32 $1.131370830e+01, v4  }
0x104: {  	s10 =	sadd.s32 s16, s10;
	v2 =	vmul.f32 $1.131370830e+01, v2;
	[tilespmem:s19+$0x60] =	vst v0  }
0x105: {  	s10 =	sshll.u32 s10, $0x4;
	[tilespmem:s19+$0x70] =	vst v1  }
0x106: {  	s10 =	sadd.s32 s3, s10;
	[tilespmem:s19+$0xFFFFFFF0] =	vst v2  }
0x107: {  	[hbm4b:s10+s5] =	stream.linear.scatter [tilespmem:s29], [sflag:$0xB], $0x4000, $0x38;
	[tilespmem:$0x1E400] =	vst v63  }
0x108: {  	_ =	swait.ge [sflag:s8], $0x4000  }
0x109: {  	[sflag:s8] =	ssyncset.done $0x0  }
0x10a: {  	s19 =	sadd.s32 $0x400, s16;
	[sflag:s8] =	ssyncadd.s32 $0xFFFFC000  }
0x10b: {  	[tilespmem:s24], [sflag:$0x3] =	stream.indirect.gather [hbm4b:s1+s20], $0x80, s19, s20, $0xb8;
	[tilespmem:$0x1E400] =	vst v63  }
0x10c: {  	_ =	swait.ge [sflag:s9], $0x4000  }
0x10d: {  	[sflag:s9] =	ssyncset.done $0x0  }
0x10e: {  	s10 =	simm.s32 $0x1A480;
	[sflag:s9] =	ssyncadd.s32 $0xFFFFC000  }
0x10f: {  	v0 =	vld [tilespmem:s10+$0xFFFFFF80]  }
0x110: {  	v1 =	vld [tilespmem:s10+$0xFFFFFF90]  }
0x111: {  	v2 =	vld [tilespmem:s10+$0xFFFFFFA0]  }
0x112: {  	v3 =	vld [tilespmem:s10+$0xFFFFFFB0]  }
0x113: {  	v4 =	vld [tilespmem:s10+$0xFFFFFFC0]  }
0x114: {  	v5 =	vld [tilespmem:s10+$0xFFFFFFD0];
	v0 =	vmul.f32 $1.131370830e+01, v0  }
0x115: {  	v6 =	vld [tilespmem:s10+$0xFFFFFFE0];
	v1 =	vmul.f32 $1.131370830e+01, v1  }
0x116: {  	[tilespmem:s10+$0xFFFFFF80] =	vst v0;
	v0 =	vmul.f32 $1.131370830e+01, v2;
	v2 =	vld [tilespmem:s10+$0x0]  }
0x117: {  	[tilespmem:s10+$0xFFFFFF90] =	vst v1;
	v1 =	vmul.f32 $1.131370830e+01, v3;
	v3 =	vld [tilespmem:s10+$0x10]  }
0x118: {  	[tilespmem:s10+$0xFFFFFFA0] =	vst v0;
	v0 =	vmul.f32 $1.131370830e+01, v4;
	v4 =	vld [tilespmem:s10+$0x20]  }
0x119: {  	v7 =	vld [tilespmem:s10+$0x30];
	[tilespmem:s10+$0xFFFFFFB0] =	vst v1;
	v1 =	vmul.f32 $1.131370830e+01, v5  }
0x11a: {  	v5 =	vmul.f32 $1.131370830e+01, v6;
	[tilespmem:s10+$0xFFFFFFC0] =	vst v0;
	v0 =	vld [tilespmem:s10+$0x40]  }
0x11b: {  	[tilespmem:s10+$0xFFFFFFD0] =	vst v1;
	v1 =	vld [tilespmem:s10+$0x50];
	v2 =	vmul.f32 $1.131370830e+01, v2  }
0x11c: {  	[tilespmem:s10+$0xFFFFFFE0] =	vst v5;
	v6 =	vmul.f32 $1.131370830e+01, v3;
	v3 =	vld [tilespmem:s10+$0x60]  }
0x11d: {  	[tilespmem:s10+$0x0] =	vst v2;
	v5 =	vmul.f32 $1.131370830e+01, v4;
	v4 =	vld [tilespmem:s10+$0x70]  }
0x11e: {  	s11 =	simm.s32 $0x0;
	s12 =	simm.s32 $0x1A580;
	v2 =	vld [tilespmem:s10+$0xFFFFFFF0];
	[tilespmem:s10+$0x10] =	vst v6;
	v6 =	vmul.f32 $1.131370830e+01, v7  }
.LBB2_13:
0x11f: {  	v7 =	vld [tilespmem:s12+$0xFFFFFF80];
	[tilespmem:s10+$0x20] =	vst v5;
	v0 =	vmul.f32 $1.131370830e+01, v0  }
0x120: {  	v5 =	vld [tilespmem:s12+$0xFFFFFF90];
	[tilespmem:s10+$0x30] =	vst v6;
	v1 =	vmul.f32 $1.131370830e+01, v1  }
0x121: {  	v6 =	vld [tilespmem:s12+$0xFFFFFFA0];
	[tilespmem:s10+$0x40] =	vst v0;
	v0 =	vmul.f32 $1.131370830e+01, v3  }
0x122: {  	v3 =	vld [tilespmem:s12+$0xFFFFFFB0];
	[tilespmem:s10+$0x50] =	vst v1;
	v1 =	vmul.f32 $1.131370830e+01, v4  }
0x123: {  	v4 =	vld [tilespmem:s12+$0xFFFFFFC0];
	v2 =	vmul.f32 $1.131370830e+01, v2;
	[tilespmem:s10+$0x60] =	vst v0  }
0x124: {  	v0 =	vmul.f32 $1.131370830e+01, v7;
	v7 =	vld [tilespmem:s12+$0xFFFFFFD0];
	[tilespmem:s10+$0x70] =	vst v1  }
0x125: {  	v1 =	vmul.f32 $1.131370830e+01, v5;
	v5 =	vld [tilespmem:s12+$0xFFFFFFE0];
	[tilespmem:s10+$0xFFFFFFF0] =	vst v2;
	s10 =	smov.u32 s12  }
0x126: {  	[tilespmem:s12+$0xFFFFFF80] =	vst v0;
	v0 =	vmul.f32 $1.131370830e+01, v6;
	v2 =	vld [tilespmem:s12+$0x0]  }
0x127: {  	[tilespmem:s12+$0xFFFFFF90] =	vst v1;
	v1 =	vmul.f32 $1.131370830e+01, v3;
	v3 =	vld [tilespmem:s12+$0x10]  }
0x128: {  	s11 =	sadd.s32 $0x2, s11;
	[tilespmem:s12+$0xFFFFFFA0] =	vst v0;
	v0 =	vmul.f32 $1.131370830e+01, v4;
	v4 =	vld [tilespmem:s12+$0x20]  }
0x129: {  	p0 =	slt.u32 s11, $0x7E;
	[tilespmem:s12+$0xFFFFFFB0] =	vst v1;
	v1 =	vmul.f32 $1.131370830e+01, v7;
	v6 =	vld [tilespmem:s12+$0x30]  }
.Ltmp5:
0x12a: {  	[tilespmem:s12+$0xFFFFFFC0] =	vst v0;
	v5 =	vmul.f32 $1.131370830e+01, v5;
	v0 =	vld [tilespmem:s12+$0x40];
	(pc) =	sbr.rel @p0 .LBB2_13-.Ltmp5, $4  }
0x12b: {  	[tilespmem:s12+$0xFFFFFFD0] =	vst v1;
	v2 =	vmul.f32 $1.131370830e+01, v2;
	v1 =	vld [tilespmem:s12+$0x50]  }
0x12c: {  	[tilespmem:s12+$0xFFFFFFE0] =	vst v5;
	v7 =	vmul.f32 $1.131370830e+01, v3;
	v3 =	vld [tilespmem:s12+$0x60]  }
0x12d: {  	[tilespmem:s12+$0x0] =	vst v2;
	v5 =	vmul.f32 $1.131370830e+01, v4;
	v4 =	vld [tilespmem:s12+$0x70]  }
0x12e: {  	s12 =	sadd.s32 $0x100, s12;
	v2 =	vld [tilespmem:s10+$0xFFFFFFF0];
	[tilespmem:s10+$0x10] =	vst v7;
	v6 =	vmul.f32 $1.131370830e+01, v6  }
0x12f: {  	[tilespmem:s10+$0x20] =	vst v5;
	v0 =	vmul.f32 $1.131370830e+01, v0  }
0x130: {  	[tilespmem:s10+$0x30] =	vst v6;
	v1 =	vmul.f32 $1.131370830e+01, v1  }
0x131: {  	[tilespmem:s10+$0x40] =	vst v0;
	v0 =	vmul.f32 $1.131370830e+01, v3  }
0x132: {  	s11 =	rddreg [dreg:$0xa];
	[tilespmem:s10+$0x50] =	vst v1;
	v1 =	vmul.f32 $1.131370830e+01, v4  }
0x133: {  	s11 =	sadd.s32 s16, s11;
	v2 =	vmul.f32 $1.131370830e+01, v2;
	[tilespmem:s10+$0x60] =	vst v0  }
0x134: {  	s11 =	sshll.u32 s11, $0x4;
	[tilespmem:s10+$0x70] =	vst v1  }
0x135: {  	s16 =	smul.u32 $0xC00, s17;
	s12 =	sadd.s32 s3, s11;
	[tilespmem:s10+$0xFFFFFFF0] =	vst v2  }
0x136: {  	[hbm4b:s12+s5] =	stream.linear.scatter [tilespmem:s31], [sflag:$0xC], $0x4000, $0x38;
	[tilespmem:$0x1E400] =	vst v63  }
0x137: {  	_ =	swait.ge [sflag:s13], $0x4000  }
0x138: {  	s16 =	sshra.s32 s16, $0x2;
	[sflag:s13] =	ssyncset.done $0x0  }
0x139: {  	s10 =	sadd.s32 $0x480, s16;
	[sflag:s13] =	ssyncadd.s32 $0xFFFFC000  }
0x13a: {  	[tilespmem:s26], [sflag:$0x4] =	stream.indirect.gather [hbm4b:s1+s20], $0x80, s10, s20, $0xb8;
	[tilespmem:$0x1E400] =	vst v63  }
0x13b: {  	_ =	swait.ge [sflag:s2], $0x4000  }
0x13c: {  	[sflag:s2] =	ssyncset.done $0x0  }
0x13d: {  	s10 =	simm.s32 $0x6480;
	[sflag:s2] =	ssyncadd.s32 $0xFFFFC000  }
0x13e: {  	v0 =	vld [tilespmem:s10+$0xFFFFFF80]  }
0x13f: {  	v1 =	vld [tilespmem:s10+$0xFFFFFF90]  }
0x140: {  	v2 =	vld [tilespmem:s10+$0xFFFFFFA0]  }
0x141: {  	v3 =	vld [tilespmem:s10+$0xFFFFFFB0]  }
0x142: {  	v4 =	vld [tilespmem:s10+$0xFFFFFFC0]  }
0x143: {  	v5 =	vld [tilespmem:s10+$0xFFFFFFD0];
	v0 =	vmul.f32 $1.131370830e+01, v0  }
0x144: {  	v6 =	vld [tilespmem:s10+$0xFFFFFFE0];
	v1 =	vmul.f32 $1.131370830e+01, v1  }
0x145: {  	[tilespmem:s10+$0xFFFFFF80] =	vst v0;
	v0 =	vmul.f32 $1.131370830e+01, v2;
	v2 =	vld [tilespmem:s10+$0x0]  }
0x146: {  	[tilespmem:s10+$0xFFFFFF90] =	vst v1;
	v1 =	vmul.f32 $1.131370830e+01, v3;
	v3 =	vld [tilespmem:s10+$0x10]  }
0x147: {  	[tilespmem:s10+$0xFFFFFFA0] =	vst v0;
	v0 =	vmul.f32 $1.131370830e+01, v4;
	v4 =	vld [tilespmem:s10+$0x20]  }
0x148: {  	v7 =	vld [tilespmem:s10+$0x30];
	[tilespmem:s10+$0xFFFFFFB0] =	vst v1;
	v1 =	vmul.f32 $1.131370830e+01, v5  }
0x149: {  	v5 =	vmul.f32 $1.131370830e+01, v6;
	[tilespmem:s10+$0xFFFFFFC0] =	vst v0;
	v0 =	vld [tilespmem:s10+$0x40]  }
0x14a: {  	[tilespmem:s10+$0xFFFFFFD0] =	vst v1;
	v1 =	vld [tilespmem:s10+$0x50];
	v2 =	vmul.f32 $1.131370830e+01, v2  }
0x14b: {  	[tilespmem:s10+$0xFFFFFFE0] =	vst v5;
	v6 =	vmul.f32 $1.131370830e+01, v3;
	v3 =	vld [tilespmem:s10+$0x60]  }
0x14c: {  	[tilespmem:s10+$0x0] =	vst v2;
	v5 =	vmul.f32 $1.131370830e+01, v4;
	v4 =	vld [tilespmem:s10+$0x70]  }
0x14d: {  	s11 =	simm.s32 $0x0;
	s12 =	simm.s32 $0x6580;
	v2 =	vld [tilespmem:s10+$0xFFFFFFF0];
	[tilespmem:s10+$0x10] =	vst v6;
	v6 =	vmul.f32 $1.131370830e+01, v7  }
.LBB2_15:
0x14e: {  	v7 =	vld [tilespmem:s12+$0xFFFFFF80];
	[tilespmem:s10+$0x20] =	vst v5;
	v0 =	vmul.f32 $1.131370830e+01, v0  }
0x14f: {  	v5 =	vld [tilespmem:s12+$0xFFFFFF90];
	[tilespmem:s10+$0x30] =	vst v6;
	v1 =	vmul.f32 $1.131370830e+01, v1  }
0x150: {  	v6 =	vld [tilespmem:s12+$0xFFFFFFA0];
	[tilespmem:s10+$0x40] =	vst v0;
	v0 =	vmul.f32 $1.131370830e+01, v3  }
0x151: {  	v3 =	vld [tilespmem:s12+$0xFFFFFFB0];
	[tilespmem:s10+$0x50] =	vst v1;
	v1 =	vmul.f32 $1.131370830e+01, v4  }
0x152: {  	v4 =	vld [tilespmem:s12+$0xFFFFFFC0];
	v2 =	vmul.f32 $1.131370830e+01, v2;
	[tilespmem:s10+$0x60] =	vst v0  }
0x153: {  	v0 =	vmul.f32 $1.131370830e+01, v7;
	v7 =	vld [tilespmem:s12+$0xFFFFFFD0];
	[tilespmem:s10+$0x70] =	vst v1  }
0x154: {  	v1 =	vmul.f32 $1.131370830e+01, v5;
	v5 =	vld [tilespmem:s12+$0xFFFFFFE0];
	[tilespmem:s10+$0xFFFFFFF0] =	vst v2;
	s10 =	smov.u32 s12  }
0x155: {  	[tilespmem:s12+$0xFFFFFF80] =	vst v0;
	v0 =	vmul.f32 $1.131370830e+01, v6;
	v2 =	vld [tilespmem:s12+$0x0]  }
0x156: {  	[tilespmem:s12+$0xFFFFFF90] =	vst v1;
	v1 =	vmul.f32 $1.131370830e+01, v3;
	v3 =	vld [tilespmem:s12+$0x10]  }
0x157: {  	s11 =	sadd.s32 $0x2, s11;
	[tilespmem:s12+$0xFFFFFFA0] =	vst v0;
	v0 =	vmul.f32 $1.131370830e+01, v4;
	v4 =	vld [tilespmem:s12+$0x20]  }
0x158: {  	p0 =	slt.u32 s11, $0x7E;
	[tilespmem:s12+$0xFFFFFFB0] =	vst v1;
	v1 =	vmul.f32 $1.131370830e+01, v7;
	v6 =	vld [tilespmem:s12+$0x30]  }
.Ltmp6:
0x159: {  	[tilespmem:s12+$0xFFFFFFC0] =	vst v0;
	v5 =	vmul.f32 $1.131370830e+01, v5;
	v0 =	vld [tilespmem:s12+$0x40];
	(pc) =	sbr.rel @p0 .LBB2_15-.Ltmp6, $4  }
0x15a: {  	[tilespmem:s12+$0xFFFFFFD0] =	vst v1;
	v2 =	vmul.f32 $1.131370830e+01, v2;
	v1 =	vld [tilespmem:s12+$0x50]  }
0x15b: {  	[tilespmem:s12+$0xFFFFFFE0] =	vst v5;
	v7 =	vmul.f32 $1.131370830e+01, v3;
	v3 =	vld [tilespmem:s12+$0x60]  }
0x15c: {  	[tilespmem:s12+$0x0] =	vst v2;
	v5 =	vmul.f32 $1.131370830e+01, v4;
	v4 =	vld [tilespmem:s12+$0x70]  }
0x15d: {  	s12 =	sadd.s32 $0x100, s12;
	v2 =	vld [tilespmem:s10+$0xFFFFFFF0];
	[tilespmem:s10+$0x10] =	vst v7;
	v6 =	vmul.f32 $1.131370830e+01, v6  }
0x15e: {  	[tilespmem:s10+$0x20] =	vst v5;
	v0 =	vmul.f32 $1.131370830e+01, v0  }
0x15f: {  	[tilespmem:s10+$0x30] =	vst v6;
	v1 =	vmul.f32 $1.131370830e+01, v1  }
0x160: {  	[tilespmem:s10+$0x40] =	vst v0;
	v0 =	vmul.f32 $1.131370830e+01, v3  }
0x161: {  	[tilespmem:s10+$0x50] =	vst v1;
	v1 =	vmul.f32 $1.131370830e+01, v4  }
0x162: {  	s11 =	sadd.s32 s4, s18;
	v2 =	vmul.f32 $1.131370830e+01, v2;
	[tilespmem:s10+$0x60] =	vst v0  }
0x163: {  	s11 =	sshll.u32 s11, $0x4;
	[tilespmem:s10+$0x70] =	vst v1  }
0x164: {  	s12 =	sadd.s32 s3, s11;
	[tilespmem:s10+$0xFFFFFFF0] =	vst v2  }
0x165: {  	[hbm4b:s12+s5] =	stream.linear.scatter [tilespmem:s21], [sflag:$0x7], $0x4000, $0x38;
	[tilespmem:$0x1E400] =	vst v63  }
0x166: {  	_ =	swait.ge [sflag:s14], $0x4000  }
0x167: {  	[sflag:s14] =	ssyncset.done $0x0  }
0x168: {  	s18 =	sadd.s32 $0x500, s16;
	[sflag:s14] =	ssyncadd.s32 $0xFFFFC000  }
0x169: {  	[tilespmem:s29], [sflag:$0x5] =	stream.indirect.gather [hbm4b:s1+s20], $0x80, s18, s20, $0xb8;
	[tilespmem:$0x1E400] =	vst v63  }
0x16a: {  	_ =	swait.ge [sflag:s0], $0x4000  }
0x16b: {  	[sflag:s0] =	ssyncset.done $0x0  }
0x16c: {  	s10 =	simm.s32 $0xA480;
	[sflag:s0] =	ssyncadd.s32 $0xFFFFC000  }
0x16d: {  	v0 =	vld [tilespmem:s10+$0xFFFFFF80]  }
0x16e: {  	v1 =	vld [tilespmem:s10+$0xFFFFFF90]  }
0x16f: {  	v2 =	vld [tilespmem:s10+$0xFFFFFFA0]  }
0x170: {  	v3 =	vld [tilespmem:s10+$0xFFFFFFB0]  }
0x171: {  	v4 =	vld [tilespmem:s10+$0xFFFFFFC0]  }
0x172: {  	v5 =	vld [tilespmem:s10+$0xFFFFFFD0];
	v0 =	vmul.f32 $1.131370830e+01, v0  }
0x173: {  	v6 =	vld [tilespmem:s10+$0xFFFFFFE0];
	v1 =	vmul.f32 $1.131370830e+01, v1  }
0x174: {  	[tilespmem:s10+$0xFFFFFF80] =	vst v0;
	v0 =	vmul.f32 $1.131370830e+01, v2;
	v2 =	vld [tilespmem:s10+$0x0]  }
0x175: {  	[tilespmem:s10+$0xFFFFFF90] =	vst v1;
	v1 =	vmul.f32 $1.131370830e+01, v3;
	v3 =	vld [tilespmem:s10+$0x10]  }
0x176: {  	[tilespmem:s10+$0xFFFFFFA0] =	vst v0;
	v0 =	vmul.f32 $1.131370830e+01, v4;
	v4 =	vld [tilespmem:s10+$0x20]  }
0x177: {  	v7 =	vld [tilespmem:s10+$0x30];
	[tilespmem:s10+$0xFFFFFFB0] =	vst v1;
	v1 =	vmul.f32 $1.131370830e+01, v5  }
0x178: {  	v5 =	vmul.f32 $1.131370830e+01, v6;
	[tilespmem:s10+$0xFFFFFFC0] =	vst v0;
	v0 =	vld [tilespmem:s10+$0x40]  }
0x179: {  	[tilespmem:s10+$0xFFFFFFD0] =	vst v1;
	v1 =	vld [tilespmem:s10+$0x50];
	v2 =	vmul.f32 $1.131370830e+01, v2  }
0x17a: {  	[tilespmem:s10+$0xFFFFFFE0] =	vst v5;
	v6 =	vmul.f32 $1.131370830e+01, v3;
	v3 =	vld [tilespmem:s10+$0x60]  }
0x17b: {  	[tilespmem:s10+$0x0] =	vst v2;
	v5 =	vmul.f32 $1.131370830e+01, v4;
	v4 =	vld [tilespmem:s10+$0x70]  }
0x17c: {  	s11 =	simm.s32 $0x0;
	s12 =	simm.s32 $0xA580;
	v2 =	vld [tilespmem:s10+$0xFFFFFFF0];
	[tilespmem:s10+$0x10] =	vst v6;
	v6 =	vmul.f32 $1.131370830e+01, v7  }
.LBB2_17:
0x17d: {  	v7 =	vld [tilespmem:s12+$0xFFFFFF80];
	[tilespmem:s10+$0x20] =	vst v5;
	v0 =	vmul.f32 $1.131370830e+01, v0  }
0x17e: {  	v5 =	vld [tilespmem:s12+$0xFFFFFF90];
	[tilespmem:s10+$0x30] =	vst v6;
	v1 =	vmul.f32 $1.131370830e+01, v1  }
0x17f: {  	v6 =	vld [tilespmem:s12+$0xFFFFFFA0];
	[tilespmem:s10+$0x40] =	vst v0;
	v0 =	vmul.f32 $1.131370830e+01, v3  }
0x180: {  	v3 =	vld [tilespmem:s12+$0xFFFFFFB0];
	[tilespmem:s10+$0x50] =	vst v1;
	v1 =	vmul.f32 $1.131370830e+01, v4  }
0x181: {  	v4 =	vld [tilespmem:s12+$0xFFFFFFC0];
	v2 =	vmul.f32 $1.131370830e+01, v2;
	[tilespmem:s10+$0x60] =	vst v0  }
0x182: {  	v0 =	vmul.f32 $1.131370830e+01, v7;
	v7 =	vld [tilespmem:s12+$0xFFFFFFD0];
	[tilespmem:s10+$0x70] =	vst v1  }
0x183: {  	v1 =	vmul.f32 $1.131370830e+01, v5;
	v5 =	vld [tilespmem:s12+$0xFFFFFFE0];
	[tilespmem:s10+$0xFFFFFFF0] =	vst v2;
	s10 =	smov.u32 s12  }
0x184: {  	[tilespmem:s12+$0xFFFFFF80] =	vst v0;
	v0 =	vmul.f32 $1.131370830e+01, v6;
	v2 =	vld [tilespmem:s12+$0x0]  }
0x185: {  	[tilespmem:s12+$0xFFFFFF90] =	vst v1;
	v1 =	vmul.f32 $1.131370830e+01, v3;
	v3 =	vld [tilespmem:s12+$0x10]  }
0x186: {  	s11 =	sadd.s32 $0x2, s11;
	[tilespmem:s12+$0xFFFFFFA0] =	vst v0;
	v0 =	vmul.f32 $1.131370830e+01, v4;
	v4 =	vld [tilespmem:s12+$0x20]  }
0x187: {  	p0 =	slt.u32 s11, $0x7E;
	[tilespmem:s12+$0xFFFFFFB0] =	vst v1;
	v1 =	vmul.f32 $1.131370830e+01, v7;
	v6 =	vld [tilespmem:s12+$0x30]  }
.Ltmp7:
0x188: {  	[tilespmem:s12+$0xFFFFFFC0] =	vst v0;
	v5 =	vmul.f32 $1.131370830e+01, v5;
	v0 =	vld [tilespmem:s12+$0x40];
	(pc) =	sbr.rel @p0 .LBB2_17-.Ltmp7, $4  }
0x189: {  	[tilespmem:s12+$0xFFFFFFD0] =	vst v1;
	v2 =	vmul.f32 $1.131370830e+01, v2;
	v1 =	vld [tilespmem:s12+$0x50]  }
0x18a: {  	[tilespmem:s12+$0xFFFFFFE0] =	vst v5;
	v7 =	vmul.f32 $1.131370830e+01, v3;
	v3 =	vld [tilespmem:s12+$0x60]  }
0x18b: {  	[tilespmem:s12+$0x0] =	vst v2;
	v5 =	vmul.f32 $1.131370830e+01, v4;
	v4 =	vld [tilespmem:s12+$0x70]  }
0x18c: {  	s12 =	sadd.s32 $0x100, s12;
	v2 =	vld [tilespmem:s10+$0xFFFFFFF0];
	[tilespmem:s10+$0x10] =	vst v7;
	v6 =	vmul.f32 $1.131370830e+01, v6  }
0x18d: {  	[tilespmem:s10+$0x20] =	vst v5;
	v0 =	vmul.f32 $1.131370830e+01, v0  }
0x18e: {  	[tilespmem:s10+$0x30] =	vst v6;
	v1 =	vmul.f32 $1.131370830e+01, v1  }
0x18f: {  	[tilespmem:s10+$0x40] =	vst v0;
	v0 =	vmul.f32 $1.131370830e+01, v3  }
0x190: {  	[tilespmem:s10+$0x50] =	vst v1;
	v1 =	vmul.f32 $1.131370830e+01, v4  }
0x191: {  	s6 =	sadd.s32 s4, s6;
	v2 =	vmul.f32 $1.131370830e+01, v2;
	[tilespmem:s10+$0x60] =	vst v0  }
0x192: {  	s6 =	sshll.u32 s6, $0x4;
	[tilespmem:s10+$0x70] =	vst v1  }
0x193: {  	s6 =	sadd.s32 s3, s6;
	[tilespmem:s10+$0xFFFFFFF0] =	vst v2  }
0x194: {  	[hbm4b:s6+s5] =	stream.linear.scatter [tilespmem:s22], [sflag:$0x8], $0x4000, $0x38;
	[tilespmem:$0x1E400] =	vst v63  }
0x195: {  	_ =	swait.ge [sflag:s15], $0x4000  }
0x196: {  	[sflag:s15] =	ssyncset.done $0x0  }
0x197: {  	s18 =	sadd.s32 $0x580, s16;
	[sflag:s15] =	ssyncadd.s32 $0xFFFFC000  }
0x198: {  	[tilespmem:s31], [sflag:$0x6] =	stream.indirect.gather [hbm4b:s1+s20], $0x80, s18, s20, $0xb8;
	[tilespmem:$0x1E400] =	vst v63  }
0x199: {  	_ =	swait.ge [sflag:s23], $0x4000  }
0x19a: {  	[sflag:s23] =	ssyncset.done $0x0  }
0x19b: {  	s6 =	simm.s32 $0xE480;
	[sflag:s23] =	ssyncadd.s32 $0xFFFFC000  }
0x19c: {  	v0 =	vld [tilespmem:s6+$0xFFFFFF80]  }
0x19d: {  	v1 =	vld [tilespmem:s6+$0xFFFFFF90]  }
0x19e: {  	v2 =	vld [tilespmem:s6+$0xFFFFFFA0]  }
0x19f: {  	v3 =	vld [tilespmem:s6+$0xFFFFFFB0]  }
0x1a0: {  	v4 =	vld [tilespmem:s6+$0xFFFFFFC0]  }
0x1a1: {  	v5 =	vld [tilespmem:s6+$0xFFFFFFD0];
	v0 =	vmul.f32 $1.131370830e+01, v0  }
0x1a2: {  	v6 =	vld [tilespmem:s6+$0xFFFFFFE0];
	v1 =	vmul.f32 $1.131370830e+01, v1  }
0x1a3: {  	[tilespmem:s6+$0xFFFFFF80] =	vst v0;
	v0 =	vmul.f32 $1.131370830e+01, v2;
	v2 =	vld [tilespmem:s6+$0x0]  }
0x1a4: {  	[tilespmem:s6+$0xFFFFFF90] =	vst v1;
	v1 =	vmul.f32 $1.131370830e+01, v3;
	v3 =	vld [tilespmem:s6+$0x10]  }
0x1a5: {  	[tilespmem:s6+$0xFFFFFFA0] =	vst v0;
	v0 =	vmul.f32 $1.131370830e+01, v4;
	v4 =	vld [tilespmem:s6+$0x20]  }
0x1a6: {  	v7 =	vld [tilespmem:s6+$0x30];
	[tilespmem:s6+$0xFFFFFFB0] =	vst v1;
	v1 =	vmul.f32 $1.131370830e+01, v5  }
0x1a7: {  	v5 =	vmul.f32 $1.131370830e+01, v6;
	[tilespmem:s6+$0xFFFFFFC0] =	vst v0;
	v0 =	vld [tilespmem:s6+$0x40]  }
0x1a8: {  	[tilespmem:s6+$0xFFFFFFD0] =	vst v1;
	v1 =	vld [tilespmem:s6+$0x50];
	v2 =	vmul.f32 $1.131370830e+01, v2  }
0x1a9: {  	[tilespmem:s6+$0xFFFFFFE0] =	vst v5;
	v6 =	vmul.f32 $1.131370830e+01, v3;
	v3 =	vld [tilespmem:s6+$0x60]  }
0x1aa: {  	[tilespmem:s6+$0x0] =	vst v2;
	v5 =	vmul.f32 $1.131370830e+01, v4;
	v4 =	vld [tilespmem:s6+$0x70]  }
0x1ab: {  	s11 =	simm.s32 $0xE580;
	s10 =	simm.s32 $0x0;
	v2 =	vld [tilespmem:s6+$0xFFFFFFF0];
	[tilespmem:s6+$0x10] =	vst v6;
	v6 =	vmul.f32 $1.131370830e+01, v7  }
.LBB2_19:
0x1ac: {  	v7 =	vld [tilespmem:s11+$0xFFFFFF80];
	[tilespmem:s6+$0x20] =	vst v5;
	v0 =	vmul.f32 $1.131370830e+01, v0  }
0x1ad: {  	v5 =	vld [tilespmem:s11+$0xFFFFFF90];
	[tilespmem:s6+$0x30] =	vst v6;
	v1 =	vmul.f32 $1.131370830e+01, v1  }
0x1ae: {  	v6 =	vld [tilespmem:s11+$0xFFFFFFA0];
	[tilespmem:s6+$0x40] =	vst v0;
	v0 =	vmul.f32 $1.131370830e+01, v3  }
0x1af: {  	v3 =	vld [tilespmem:s11+$0xFFFFFFB0];
	[tilespmem:s6+$0x50] =	vst v1;
	v1 =	vmul.f32 $1.131370830e+01, v4  }
0x1b0: {  	v4 =	vld [tilespmem:s11+$0xFFFFFFC0];
	v2 =	vmul.f32 $1.131370830e+01, v2;
	[tilespmem:s6+$0x60] =	vst v0  }
0x1b1: {  	v0 =	vmul.f32 $1.131370830e+01, v7;
	v7 =	vld [tilespmem:s11+$0xFFFFFFD0];
	[tilespmem:s6+$0x70] =	vst v1  }
0x1b2: {  	v1 =	vmul.f32 $1.131370830e+01, v5;
	v5 =	vld [tilespmem:s11+$0xFFFFFFE0];
	[tilespmem:s6+$0xFFFFFFF0] =	vst v2;
	s6 =	smov.u32 s11  }
0x1b3: {  	[tilespmem:s11+$0xFFFFFF80] =	vst v0;
	v0 =	vmul.f32 $1.131370830e+01, v6;
	v2 =	vld [tilespmem:s11+$0x0]  }
0x1b4: {  	[tilespmem:s11+$0xFFFFFF90] =	vst v1;
	v1 =	vmul.f32 $1.131370830e+01, v3;
	v3 =	vld [tilespmem:s11+$0x10]  }
0x1b5: {  	s10 =	sadd.s32 $0x2, s10;
	[tilespmem:s11+$0xFFFFFFA0] =	vst v0;
	v0 =	vmul.f32 $1.131370830e+01, v4;
	v4 =	vld [tilespmem:s11+$0x20]  }
0x1b6: {  	p0 =	slt.u32 s10, $0x7E;
	[tilespmem:s11+$0xFFFFFFB0] =	vst v1;
	v1 =	vmul.f32 $1.131370830e+01, v7;
	v6 =	vld [tilespmem:s11+$0x30]  }
.Ltmp8:
0x1b7: {  	[tilespmem:s11+$0xFFFFFFC0] =	vst v0;
	v5 =	vmul.f32 $1.131370830e+01, v5;
	v0 =	vld [tilespmem:s11+$0x40];
	(pc) =	sbr.rel @p0 .LBB2_19-.Ltmp8, $4  }
0x1b8: {  	[tilespmem:s11+$0xFFFFFFD0] =	vst v1;
	v2 =	vmul.f32 $1.131370830e+01, v2;
	v1 =	vld [tilespmem:s11+$0x50]  }
0x1b9: {  	[tilespmem:s11+$0xFFFFFFE0] =	vst v5;
	v7 =	vmul.f32 $1.131370830e+01, v3;
	v3 =	vld [tilespmem:s11+$0x60]  }
0x1ba: {  	[tilespmem:s11+$0x0] =	vst v2;
	v5 =	vmul.f32 $1.131370830e+01, v4;
	v4 =	vld [tilespmem:s11+$0x70]  }
0x1bb: {  	s11 =	sadd.s32 $0x100, s11;
	v2 =	vld [tilespmem:s6+$0xFFFFFFF0];
	[tilespmem:s6+$0x10] =	vst v7;
	v6 =	vmul.f32 $1.131370830e+01, v6  }
0x1bc: {  	[tilespmem:s6+$0x20] =	vst v5;
	v0 =	vmul.f32 $1.131370830e+01, v0  }
0x1bd: {  	s17 =	sadd.s32 $0x1, s17;
	[tilespmem:s6+$0x30] =	vst v6;
	v1 =	vmul.f32 $1.131370830e+01, v1  }
0x1be: {  	p0 =	sne.s32 s17, $0x20;
	[tilespmem:s6+$0x40] =	vst v0;
	v62 =	vmul.f32 $1.131370830e+01, v3  }
.Ltmp9:
0x1bf: {  	[tilespmem:s6+$0x50] =	vst v1;
	v63 =	vmul.f32 $1.131370830e+01, v4;
	(pc) =	sbr.rel @p0 .LBB2_8-.Ltmp9, $4  }
0x1c0: {  	s10 =	sadd.s32 s4, s19;
	v2 =	vmul.f32 $1.131370830e+01, v2;
	[tilespmem:s6+$0x60] =	vst v62  }
0x1c1: {  	s10 =	sshll.u32 s10, $0x4;
	[tilespmem:s6+$0x70] =	vst v63  }
0x1c2: {  	s19 =	sadd.s32 s3, s10;
	[tilespmem:s6+$0xFFFFFFF0] =	vst v2  }
0x1c3: {  	[hbm4b:s19+s5] =	stream.linear.scatter [tilespmem:s24], [sflag:$0x9], $0x4000, $0x38;
	[tilespmem:$0x1E400] =	vst v63  }
0x1c4: {  	_ =	swait.ge [sflag:s25], $0x4000  }
0x1c5: {  	[sflag:s25] =	ssyncset.done $0x0  }
0x1c6: {  	s6 =	simm.s32 $0x6300;
	[sflag:s25] =	ssyncadd.s32 $0xFFFFC000  }
0x1c7: {  	[tilespmem:s21], [sflag:$0x1] =	stream.indirect.gather [hbm4b:s1+s20], $0x80, s6, s20, $0xb8;
	[tilespmem:$0x1E400] =	vst v63  }
0x1c8: {  	_ =	swait.ge [sflag:s28], $0x4000  }
0x1c9: {  	[sflag:s28] =	ssyncset.done $0x0  }
0x1ca: {  	s6 =	simm.s32 $0x12480;
	[sflag:s28] =	ssyncadd.s32 $0xFFFFC000  }
0x1cb: {  	v0 =	vld [tilespmem:s6+$0xFFFFFF80]  }
0x1cc: {  	v1 =	vld [tilespmem:s6+$0xFFFFFF90]  }
0x1cd: {  	v2 =	vld [tilespmem:s6+$0xFFFFFFA0]  }
0x1ce: {  	v3 =	vld [tilespmem:s6+$0xFFFFFFB0]  }
0x1cf: {  	v4 =	vld [tilespmem:s6+$0xFFFFFFC0]  }
0x1d0: {  	v5 =	vld [tilespmem:s6+$0xFFFFFFD0];
	v0 =	vmul.f32 $1.131370830e+01, v0  }
0x1d1: {  	v6 =	vld [tilespmem:s6+$0xFFFFFFE0];
	v1 =	vmul.f32 $1.131370830e+01, v1  }
0x1d2: {  	[tilespmem:s6+$0xFFFFFF80] =	vst v0;
	v0 =	vmul.f32 $1.131370830e+01, v2;
	v2 =	vld [tilespmem:s6+$0x0]  }
0x1d3: {  	[tilespmem:s6+$0xFFFFFF90] =	vst v1;
	v1 =	vmul.f32 $1.131370830e+01, v3;
	v3 =	vld [tilespmem:s6+$0x10]  }
0x1d4: {  	[tilespmem:s6+$0xFFFFFFA0] =	vst v0;
	v0 =	vmul.f32 $1.131370830e+01, v4;
	v4 =	vld [tilespmem:s6+$0x20]  }
0x1d5: {  	v7 =	vld [tilespmem:s6+$0x30];
	[tilespmem:s6+$0xFFFFFFB0] =	vst v1;
	v1 =	vmul.f32 $1.131370830e+01, v5  }
0x1d6: {  	v5 =	vmul.f32 $1.131370830e+01, v6;
	[tilespmem:s6+$0xFFFFFFC0] =	vst v0;
	v0 =	vld [tilespmem:s6+$0x40]  }
0x1d7: {  	[tilespmem:s6+$0xFFFFFFD0] =	vst v1;
	v1 =	vld [tilespmem:s6+$0x50];
	v2 =	vmul.f32 $1.131370830e+01, v2  }
0x1d8: {  	[tilespmem:s6+$0xFFFFFFE0] =	vst v5;
	v6 =	vmul.f32 $1.131370830e+01, v3;
	v3 =	vld [tilespmem:s6+$0x60]  }
0x1d9: {  	[tilespmem:s6+$0x0] =	vst v2;
	v5 =	vmul.f32 $1.131370830e+01, v4;
	v4 =	vld [tilespmem:s6+$0x70]  }
0x1da: {  	s10 =	simm.s32 $0x0;
	s11 =	simm.s32 $0x12580;
	v2 =	vld [tilespmem:s6+$0xFFFFFFF0];
	[tilespmem:s6+$0x10] =	vst v6;
	v6 =	vmul.f32 $1.131370830e+01, v7  }
.LBB2_22:
0x1db: {  	v7 =	vld [tilespmem:s11+$0xFFFFFF80];
	[tilespmem:s6+$0x20] =	vst v5;
	v0 =	vmul.f32 $1.131370830e+01, v0  }
0x1dc: {  	v5 =	vld [tilespmem:s11+$0xFFFFFF90];
	[tilespmem:s6+$0x30] =	vst v6;
	v1 =	vmul.f32 $1.131370830e+01, v1  }
0x1dd: {  	v6 =	vld [tilespmem:s11+$0xFFFFFFA0];
	[tilespmem:s6+$0x40] =	vst v0;
	v0 =	vmul.f32 $1.131370830e+01, v3  }
0x1de: {  	v3 =	vld [tilespmem:s11+$0xFFFFFFB0];
	[tilespmem:s6+$0x50] =	vst v1;
	v1 =	vmul.f32 $1.131370830e+01, v4  }
0x1df: {  	v4 =	vld [tilespmem:s11+$0xFFFFFFC0];
	v2 =	vmul.f32 $1.131370830e+01, v2;
	[tilespmem:s6+$0x60] =	vst v0  }
0x1e0: {  	v0 =	vmul.f32 $1.131370830e+01, v7;
	v7 =	vld [tilespmem:s11+$0xFFFFFFD0];
	[tilespmem:s6+$0x70] =	vst v1  }
0x1e1: {  	v1 =	vmul.f32 $1.131370830e+01, v5;
	v5 =	vld [tilespmem:s11+$0xFFFFFFE0];
	[tilespmem:s6+$0xFFFFFFF0] =	vst v2;
	s6 =	smov.u32 s11  }
0x1e2: {  	[tilespmem:s11+$0xFFFFFF80] =	vst v0;
	v0 =	vmul.f32 $1.131370830e+01, v6;
	v2 =	vld [tilespmem:s11+$0x0]  }
0x1e3: {  	[tilespmem:s11+$0xFFFFFF90] =	vst v1;
	v1 =	vmul.f32 $1.131370830e+01, v3;
	v3 =	vld [tilespmem:s11+$0x10]  }
0x1e4: {  	s10 =	sadd.s32 $0x2, s10;
	[tilespmem:s11+$0xFFFFFFA0] =	vst v0;
	v0 =	vmul.f32 $1.131370830e+01, v4;
	v4 =	vld [tilespmem:s11+$0x20]  }
0x1e5: {  	p0 =	slt.u32 s10, $0x7E;
	[tilespmem:s11+$0xFFFFFFB0] =	vst v1;
	v1 =	vmul.f32 $1.131370830e+01, v7;
	v6 =	vld [tilespmem:s11+$0x30]  }
.Ltmp10:
0x1e6: {  	[tilespmem:s11+$0xFFFFFFC0] =	vst v0;
	v5 =	vmul.f32 $1.131370830e+01, v5;
	v0 =	vld [tilespmem:s11+$0x40];
	(pc) =	sbr.rel @p0 .LBB2_22-.Ltmp10, $4  }
0x1e7: {  	[tilespmem:s11+$0xFFFFFFD0] =	vst v1;
	v2 =	vmul.f32 $1.131370830e+01, v2;
	v1 =	vld [tilespmem:s11+$0x50]  }
0x1e8: {  	[tilespmem:s11+$0xFFFFFFE0] =	vst v5;
	v7 =	vmul.f32 $1.131370830e+01, v3;
	v3 =	vld [tilespmem:s11+$0x60]  }
0x1e9: {  	[tilespmem:s11+$0x0] =	vst v2;
	v5 =	vmul.f32 $1.131370830e+01, v4;
	v4 =	vld [tilespmem:s11+$0x70]  }
0x1ea: {  	s11 =	sadd.s32 $0x100, s11;
	v2 =	vld [tilespmem:s6+$0xFFFFFFF0];
	[tilespmem:s6+$0x10] =	vst v7;
	v6 =	vmul.f32 $1.131370830e+01, v6  }
0x1eb: {  	[tilespmem:s6+$0x20] =	vst v5;
	v0 =	vmul.f32 $1.131370830e+01, v0  }
0x1ec: {  	[tilespmem:s6+$0x30] =	vst v6;
	v1 =	vmul.f32 $1.131370830e+01, v1  }
0x1ed: {  	[tilespmem:s6+$0x40] =	vst v0;
	v0 =	vmul.f32 $1.131370830e+01, v3  }
0x1ee: {  	[tilespmem:s6+$0x50] =	vst v1;
	v1 =	vmul.f32 $1.131370830e+01, v4  }
0x1ef: {  	v2 =	vmul.f32 $1.131370830e+01, v2;
	[tilespmem:s6+$0x60] =	vst v0  }
0x1f0: {  	[tilespmem:s6+$0x70] =	vst v1  }
0x1f1: {  	s18 =	rddreg [dreg:$0xb];
	[tilespmem:s6+$0xFFFFFFF0] =	vst v2  }
0x1f2: {  	[hbm4b:s18+s5] =	stream.linear.scatter [tilespmem:s26], [sflag:$0xA], $0x4000, $0x38;
	[tilespmem:$0x1E400] =	vst v63  }
0x1f3: {  	_ =	swait.ge [sflag:s30], $0x4000  }
0x1f4: {  	[sflag:s30] =	ssyncset.done $0x0  }
0x1f5: {  	s19 =	simm.s32 $0x6380;
	[sflag:s30] =	ssyncadd.s32 $0xFFFFC000  }
0x1f6: {  	[tilespmem:s22], [sflag:$0x2] =	stream.indirect.gather [hbm4b:s1+s20], $0x80, s19, s20, $0xb8;
	[tilespmem:$0x1E400] =	vst v63  }
0x1f7: {  	_ =	swait.ge [sflag:s7], $0x4000  }
0x1f8: {  	[sflag:s7] =	ssyncset.done $0x0  }
0x1f9: {  	s6 =	simm.s32 $0x16480;
	[sflag:s7] =	ssyncadd.s32 $0xFFFFC000  }
0x1fa: {  	v0 =	vld [tilespmem:s6+$0xFFFFFF80]  }
0x1fb: {  	v1 =	vld [tilespmem:s6+$0xFFFFFF90]  }
0x1fc: {  	v2 =	vld [tilespmem:s6+$0xFFFFFFA0]  }
0x1fd: {  	v3 =	vld [tilespmem:s6+$0xFFFFFFB0]  }
0x1fe: {  	v4 =	vld [tilespmem:s6+$0xFFFFFFC0]  }
0x1ff: {  	v5 =	vld [tilespmem:s6+$0xFFFFFFD0];
	v0 =	vmul.f32 $1.131370830e+01, v0  }
0x200: {  	v6 =	vld [tilespmem:s6+$0xFFFFFFE0];
	v1 =	vmul.f32 $1.131370830e+01, v1  }
0x201: {  	[tilespmem:s6+$0xFFFFFF80] =	vst v0;
	v0 =	vmul.f32 $1.131370830e+01, v2;
	v2 =	vld [tilespmem:s6+$0x0]  }
0x202: {  	[tilespmem:s6+$0xFFFFFF90] =	vst v1;
	v1 =	vmul.f32 $1.131370830e+01, v3;
	v3 =	vld [tilespmem:s6+$0x10]  }
0x203: {  	[tilespmem:s6+$0xFFFFFFA0] =	vst v0;
	v0 =	vmul.f32 $1.131370830e+01, v4;
	v4 =	vld [tilespmem:s6+$0x20]  }
0x204: {  	v7 =	vld [tilespmem:s6+$0x30];
	[tilespmem:s6+$0xFFFFFFB0] =	vst v1;
	v1 =	vmul.f32 $1.131370830e+01, v5  }
0x205: {  	v5 =	vmul.f32 $1.131370830e+01, v6;
	[tilespmem:s6+$0xFFFFFFC0] =	vst v0;
	v0 =	vld [tilespmem:s6+$0x40]  }
0x206: {  	[tilespmem:s6+$0xFFFFFFD0] =	vst v1;
	v1 =	vld [tilespmem:s6+$0x50];
	v2 =	vmul.f32 $1.131370830e+01, v2  }
0x207: {  	[tilespmem:s6+$0xFFFFFFE0] =	vst v5;
	v6 =	vmul.f32 $1.131370830e+01, v3;
	v3 =	vld [tilespmem:s6+$0x60]  }
0x208: {  	[tilespmem:s6+$0x0] =	vst v2;
	v5 =	vmul.f32 $1.131370830e+01, v4;
	v4 =	vld [tilespmem:s6+$0x70]  }
0x209: {  	s10 =	simm.s32 $0x0;
	s11 =	simm.s32 $0x16580;
	v2 =	vld [tilespmem:s6+$0xFFFFFFF0];
	[tilespmem:s6+$0x10] =	vst v6;
	v6 =	vmul.f32 $1.131370830e+01, v7  }
.LBB2_24:
0x20a: {  	v7 =	vld [tilespmem:s11+$0xFFFFFF80];
	[tilespmem:s6+$0x20] =	vst v5;
	v0 =	vmul.f32 $1.131370830e+01, v0  }
0x20b: {  	v5 =	vld [tilespmem:s11+$0xFFFFFF90];
	[tilespmem:s6+$0x30] =	vst v6;
	v1 =	vmul.f32 $1.131370830e+01, v1  }
0x20c: {  	v6 =	vld [tilespmem:s11+$0xFFFFFFA0];
	[tilespmem:s6+$0x40] =	vst v0;
	v0 =	vmul.f32 $1.131370830e+01, v3  }
0x20d: {  	v3 =	vld [tilespmem:s11+$0xFFFFFFB0];
	[tilespmem:s6+$0x50] =	vst v1;
	v1 =	vmul.f32 $1.131370830e+01, v4  }
0x20e: {  	v4 =	vld [tilespmem:s11+$0xFFFFFFC0];
	v2 =	vmul.f32 $1.131370830e+01, v2;
	[tilespmem:s6+$0x60] =	vst v0  }
0x20f: {  	v0 =	vmul.f32 $1.131370830e+01, v7;
	v7 =	vld [tilespmem:s11+$0xFFFFFFD0];
	[tilespmem:s6+$0x70] =	vst v1  }
0x210: {  	v1 =	vmul.f32 $1.131370830e+01, v5;
	v5 =	vld [tilespmem:s11+$0xFFFFFFE0];
	[tilespmem:s6+$0xFFFFFFF0] =	vst v2;
	s6 =	smov.u32 s11  }
0x211: {  	[tilespmem:s11+$0xFFFFFF80] =	vst v0;
	v0 =	vmul.f32 $1.131370830e+01, v6;
	v2 =	vld [tilespmem:s11+$0x0]  }
0x212: {  	[tilespmem:s11+$0xFFFFFF90] =	vst v1;
	v1 =	vmul.f32 $1.131370830e+01, v3;
	v3 =	vld [tilespmem:s11+$0x10]  }
0x213: {  	s10 =	sadd.s32 $0x2, s10;
	[tilespmem:s11+$0xFFFFFFA0] =	vst v0;
	v0 =	vmul.f32 $1.131370830e+01, v4;
	v4 =	vld [tilespmem:s11+$0x20]  }
0x214: {  	p0 =	slt.u32 s10, $0x7E;
	[tilespmem:s11+$0xFFFFFFB0] =	vst v1;
	v1 =	vmul.f32 $1.131370830e+01, v7;
	v6 =	vld [tilespmem:s11+$0x30]  }
.Ltmp11:
0x215: {  	[tilespmem:s11+$0xFFFFFFC0] =	vst v0;
	v5 =	vmul.f32 $1.131370830e+01, v5;
	v0 =	vld [tilespmem:s11+$0x40];
	(pc) =	sbr.rel @p0 .LBB2_24-.Ltmp11, $4  }
0x216: {  	[tilespmem:s11+$0xFFFFFFD0] =	vst v1;
	v2 =	vmul.f32 $1.131370830e+01, v2;
	v1 =	vld [tilespmem:s11+$0x50]  }
0x217: {  	[tilespmem:s11+$0xFFFFFFE0] =	vst v5;
	v7 =	vmul.f32 $1.131370830e+01, v3;
	v3 =	vld [tilespmem:s11+$0x60]  }
0x218: {  	[tilespmem:s11+$0x0] =	vst v2;
	v5 =	vmul.f32 $1.131370830e+01, v4;
	v4 =	vld [tilespmem:s11+$0x70]  }
0x219: {  	s11 =	sadd.s32 $0x100, s11;
	v2 =	vld [tilespmem:s6+$0xFFFFFFF0];
	[tilespmem:s6+$0x10] =	vst v7;
	v6 =	vmul.f32 $1.131370830e+01, v6  }
0x21a: {  	[tilespmem:s6+$0x20] =	vst v5;
	v0 =	vmul.f32 $1.131370830e+01, v0  }
0x21b: {  	[tilespmem:s6+$0x30] =	vst v6;
	v1 =	vmul.f32 $1.131370830e+01, v1  }
0x21c: {  	[tilespmem:s6+$0x40] =	vst v0;
	v0 =	vmul.f32 $1.131370830e+01, v3  }
0x21d: {  	[tilespmem:s6+$0x50] =	vst v1;
	v1 =	vmul.f32 $1.131370830e+01, v4  }
0x21e: {  	v2 =	vmul.f32 $1.131370830e+01, v2;
	[tilespmem:s6+$0x60] =	vst v0  }
0x21f: {  	[tilespmem:s6+$0x70] =	vst v1  }
0x220: {  	s19 =	rddreg [dreg:$0xc];
	[tilespmem:s6+$0xFFFFFFF0] =	vst v2  }
0x221: {  	[hbm4b:s19+s5] =	stream.linear.scatter [tilespmem:s29], [sflag:$0xB], $0x4000, $0x38;
	[tilespmem:$0x1E400] =	vst v63  }
0x222: {  	_ =	swait.ge [sflag:s9], $0x4000  }
0x223: {  	[sflag:s9] =	ssyncset.done $0x0  }
0x224: {  	s6 =	simm.s32 $0x1A480;
	[sflag:s9] =	ssyncadd.s32 $0xFFFFC000  }
0x225: {  	v0 =	vld [tilespmem:s6+$0xFFFFFF80]  }
0x226: {  	v1 =	vld [tilespmem:s6+$0xFFFFFF90]  }
0x227: {  	v2 =	vld [tilespmem:s6+$0xFFFFFFA0]  }
0x228: {  	v3 =	vld [tilespmem:s6+$0xFFFFFFB0]  }
0x229: {  	v4 =	vld [tilespmem:s6+$0xFFFFFFC0]  }
0x22a: {  	v5 =	vld [tilespmem:s6+$0xFFFFFFD0];
	v0 =	vmul.f32 $1.131370830e+01, v0  }
0x22b: {  	v6 =	vld [tilespmem:s6+$0xFFFFFFE0];
	v1 =	vmul.f32 $1.131370830e+01, v1  }
0x22c: {  	[tilespmem:s6+$0xFFFFFF80] =	vst v0;
	v0 =	vmul.f32 $1.131370830e+01, v2;
	v2 =	vld [tilespmem:s6+$0x0]  }
0x22d: {  	[tilespmem:s6+$0xFFFFFF90] =	vst v1;
	v1 =	vmul.f32 $1.131370830e+01, v3;
	v3 =	vld [tilespmem:s6+$0x10]  }
0x22e: {  	[tilespmem:s6+$0xFFFFFFA0] =	vst v0;
	v0 =	vmul.f32 $1.131370830e+01, v4;
	v4 =	vld [tilespmem:s6+$0x20]  }
0x22f: {  	v7 =	vld [tilespmem:s6+$0x30];
	[tilespmem:s6+$0xFFFFFFB0] =	vst v1;
	v1 =	vmul.f32 $1.131370830e+01, v5  }
0x230: {  	v5 =	vmul.f32 $1.131370830e+01, v6;
	[tilespmem:s6+$0xFFFFFFC0] =	vst v0;
	v0 =	vld [tilespmem:s6+$0x40]  }
0x231: {  	[tilespmem:s6+$0xFFFFFFD0] =	vst v1;
	v1 =	vld [tilespmem:s6+$0x50];
	v2 =	vmul.f32 $1.131370830e+01, v2  }
0x232: {  	[tilespmem:s6+$0xFFFFFFE0] =	vst v5;
	v6 =	vmul.f32 $1.131370830e+01, v3;
	v3 =	vld [tilespmem:s6+$0x60]  }
0x233: {  	[tilespmem:s6+$0x0] =	vst v2;
	v5 =	vmul.f32 $1.131370830e+01, v4;
	v4 =	vld [tilespmem:s6+$0x70]  }
0x234: {  	s10 =	simm.s32 $0x0;
	s11 =	simm.s32 $0x1A580;
	v2 =	vld [tilespmem:s6+$0xFFFFFFF0];
	[tilespmem:s6+$0x10] =	vst v6;
	v6 =	vmul.f32 $1.131370830e+01, v7  }
.LBB2_26:
0x235: {  	v7 =	vld [tilespmem:s11+$0xFFFFFF80];
	[tilespmem:s6+$0x20] =	vst v5;
	v0 =	vmul.f32 $1.131370830e+01, v0  }
0x236: {  	v5 =	vld [tilespmem:s11+$0xFFFFFF90];
	[tilespmem:s6+$0x30] =	vst v6;
	v1 =	vmul.f32 $1.131370830e+01, v1  }
0x237: {  	v6 =	vld [tilespmem:s11+$0xFFFFFFA0];
	[tilespmem:s6+$0x40] =	vst v0;
	v0 =	vmul.f32 $1.131370830e+01, v3  }
0x238: {  	v3 =	vld [tilespmem:s11+$0xFFFFFFB0];
	[tilespmem:s6+$0x50] =	vst v1;
	v1 =	vmul.f32 $1.131370830e+01, v4  }
0x239: {  	v4 =	vld [tilespmem:s11+$0xFFFFFFC0];
	v2 =	vmul.f32 $1.131370830e+01, v2;
	[tilespmem:s6+$0x60] =	vst v0  }
0x23a: {  	v0 =	vmul.f32 $1.131370830e+01, v7;
	v7 =	vld [tilespmem:s11+$0xFFFFFFD0];
	[tilespmem:s6+$0x70] =	vst v1  }
0x23b: {  	v1 =	vmul.f32 $1.131370830e+01, v5;
	v5 =	vld [tilespmem:s11+$0xFFFFFFE0];
	[tilespmem:s6+$0xFFFFFFF0] =	vst v2;
	s6 =	smov.u32 s11  }
0x23c: {  	[tilespmem:s11+$0xFFFFFF80] =	vst v0;
	v0 =	vmul.f32 $1.131370830e+01, v6;
	v2 =	vld [tilespmem:s11+$0x0]  }
0x23d: {  	[tilespmem:s11+$0xFFFFFF90] =	vst v1;
	v1 =	vmul.f32 $1.131370830e+01, v3;
	v3 =	vld [tilespmem:s11+$0x10]  }
0x23e: {  	s10 =	sadd.s32 $0x2, s10;
	[tilespmem:s11+$0xFFFFFFA0] =	vst v0;
	v0 =	vmul.f32 $1.131370830e+01, v4;
	v4 =	vld [tilespmem:s11+$0x20]  }
0x23f: {  	p0 =	slt.u32 s10, $0x7E;
	[tilespmem:s11+$0xFFFFFFB0] =	vst v1;
	v1 =	vmul.f32 $1.131370830e+01, v7;
	v6 =	vld [tilespmem:s11+$0x30]  }
.Ltmp12:
0x240: {  	[tilespmem:s11+$0xFFFFFFC0] =	vst v0;
	v5 =	vmul.f32 $1.131370830e+01, v5;
	v0 =	vld [tilespmem:s11+$0x40];
	(pc) =	sbr.rel @p0 .LBB2_26-.Ltmp12, $4  }
0x241: {  	[tilespmem:s11+$0xFFFFFFD0] =	vst v1;
	v2 =	vmul.f32 $1.131370830e+01, v2;
	v1 =	vld [tilespmem:s11+$0x50]  }
0x242: {  	[tilespmem:s11+$0xFFFFFFE0] =	vst v5;
	v7 =	vmul.f32 $1.131370830e+01, v3;
	v3 =	vld [tilespmem:s11+$0x60]  }
0x243: {  	[tilespmem:s11+$0x0] =	vst v2;
	v5 =	vmul.f32 $1.131370830e+01, v4;
	v4 =	vld [tilespmem:s11+$0x70]  }
0x244: {  	s11 =	sadd.s32 $0x100, s11;
	v2 =	vld [tilespmem:s6+$0xFFFFFFF0];
	[tilespmem:s6+$0x10] =	vst v7;
	v6 =	vmul.f32 $1.131370830e+01, v6  }
0x245: {  	[tilespmem:s6+$0x20] =	vst v5;
	v0 =	vmul.f32 $1.131370830e+01, v0  }
0x246: {  	[tilespmem:s6+$0x30] =	vst v6;
	v1 =	vmul.f32 $1.131370830e+01, v1  }
0x247: {  	[tilespmem:s6+$0x40] =	vst v0;
	v0 =	vmul.f32 $1.131370830e+01, v3  }
0x248: {  	[tilespmem:s6+$0x50] =	vst v1;
	v1 =	vmul.f32 $1.131370830e+01, v4  }
0x249: {  	v2 =	vmul.f32 $1.131370830e+01, v2;
	[tilespmem:s6+$0x60] =	vst v0  }
0x24a: {  	[tilespmem:s6+$0x70] =	vst v1  }
0x24b: {  	s19 =	rddreg [dreg:$0xd];
	[tilespmem:s6+$0xFFFFFFF0] =	vst v2  }
0x24c: {  	[hbm4b:s19+s5] =	stream.linear.scatter [tilespmem:s31], [sflag:$0xC], $0x4000, $0x38;
	[tilespmem:$0x1E400] =	vst v63  }
0x24d: {  	_ =	swait.ge [sflag:s2], $0x4000  }
0x24e: {  	[sflag:s2] =	ssyncset.done $0x0  }
0x24f: {  	s6 =	simm.s32 $0x6480;
	[sflag:s2] =	ssyncadd.s32 $0xFFFFC000  }
0x250: {  	v0 =	vld [tilespmem:s6+$0xFFFFFF80]  }
0x251: {  	v1 =	vld [tilespmem:s6+$0xFFFFFF90]  }
0x252: {  	v2 =	vld [tilespmem:s6+$0xFFFFFFA0]  }
0x253: {  	v3 =	vld [tilespmem:s6+$0xFFFFFFB0]  }
0x254: {  	v4 =	vld [tilespmem:s6+$0xFFFFFFC0]  }
0x255: {  	v5 =	vld [tilespmem:s6+$0xFFFFFFD0];
	v0 =	vmul.f32 $1.131370830e+01, v0  }
0x256: {  	v6 =	vld [tilespmem:s6+$0xFFFFFFE0];
	v1 =	vmul.f32 $1.131370830e+01, v1  }
0x257: {  	[tilespmem:s6+$0xFFFFFF80] =	vst v0;
	v0 =	vmul.f32 $1.131370830e+01, v2;
	v2 =	vld [tilespmem:s6+$0x0]  }
0x258: {  	[tilespmem:s6+$0xFFFFFF90] =	vst v1;
	v1 =	vmul.f32 $1.131370830e+01, v3;
	v3 =	vld [tilespmem:s6+$0x10]  }
0x259: {  	[tilespmem:s6+$0xFFFFFFA0] =	vst v0;
	v0 =	vmul.f32 $1.131370830e+01, v4;
	v4 =	vld [tilespmem:s6+$0x20]  }
0x25a: {  	v7 =	vld [tilespmem:s6+$0x30];
	[tilespmem:s6+$0xFFFFFFB0] =	vst v1;
	v1 =	vmul.f32 $1.131370830e+01, v5  }
0x25b: {  	v5 =	vmul.f32 $1.131370830e+01, v6;
	[tilespmem:s6+$0xFFFFFFC0] =	vst v0;
	v0 =	vld [tilespmem:s6+$0x40]  }
0x25c: {  	[tilespmem:s6+$0xFFFFFFD0] =	vst v1;
	v1 =	vld [tilespmem:s6+$0x50];
	v2 =	vmul.f32 $1.131370830e+01, v2  }
0x25d: {  	[tilespmem:s6+$0xFFFFFFE0] =	vst v5;
	v6 =	vmul.f32 $1.131370830e+01, v3;
	v3 =	vld [tilespmem:s6+$0x60]  }
0x25e: {  	[tilespmem:s6+$0x0] =	vst v2;
	v5 =	vmul.f32 $1.131370830e+01, v4;
	v4 =	vld [tilespmem:s6+$0x70]  }
0x25f: {  	s10 =	simm.s32 $0x0;
	s11 =	simm.s32 $0x6580;
	v2 =	vld [tilespmem:s6+$0xFFFFFFF0];
	[tilespmem:s6+$0x10] =	vst v6;
	v6 =	vmul.f32 $1.131370830e+01, v7  }
.LBB2_28:
0x260: {  	v7 =	vld [tilespmem:s11+$0xFFFFFF80];
	[tilespmem:s6+$0x20] =	vst v5;
	v0 =	vmul.f32 $1.131370830e+01, v0  }
0x261: {  	v5 =	vld [tilespmem:s11+$0xFFFFFF90];
	[tilespmem:s6+$0x30] =	vst v6;
	v1 =	vmul.f32 $1.131370830e+01, v1  }
0x262: {  	v6 =	vld [tilespmem:s11+$0xFFFFFFA0];
	[tilespmem:s6+$0x40] =	vst v0;
	v0 =	vmul.f32 $1.131370830e+01, v3  }
0x263: {  	v3 =	vld [tilespmem:s11+$0xFFFFFFB0];
	[tilespmem:s6+$0x50] =	vst v1;
	v1 =	vmul.f32 $1.131370830e+01, v4  }
0x264: {  	v4 =	vld [tilespmem:s11+$0xFFFFFFC0];
	v2 =	vmul.f32 $1.131370830e+01, v2;
	[tilespmem:s6+$0x60] =	vst v0  }
0x265: {  	v0 =	vmul.f32 $1.131370830e+01, v7;
	v7 =	vld [tilespmem:s11+$0xFFFFFFD0];
	[tilespmem:s6+$0x70] =	vst v1  }
0x266: {  	v1 =	vmul.f32 $1.131370830e+01, v5;
	v5 =	vld [tilespmem:s11+$0xFFFFFFE0];
	[tilespmem:s6+$0xFFFFFFF0] =	vst v2;
	s6 =	smov.u32 s11  }
0x267: {  	[tilespmem:s11+$0xFFFFFF80] =	vst v0;
	v0 =	vmul.f32 $1.131370830e+01, v6;
	v2 =	vld [tilespmem:s11+$0x0]  }
0x268: {  	[tilespmem:s11+$0xFFFFFF90] =	vst v1;
	v1 =	vmul.f32 $1.131370830e+01, v3;
	v3 =	vld [tilespmem:s11+$0x10]  }
0x269: {  	s10 =	sadd.s32 $0x2, s10;
	[tilespmem:s11+$0xFFFFFFA0] =	vst v0;
	v0 =	vmul.f32 $1.131370830e+01, v4;
	v4 =	vld [tilespmem:s11+$0x20]  }
0x26a: {  	p0 =	slt.u32 s10, $0x7E;
	[tilespmem:s11+$0xFFFFFFB0] =	vst v1;
	v1 =	vmul.f32 $1.131370830e+01, v7;
	v6 =	vld [tilespmem:s11+$0x30]  }
.Ltmp13:
0x26b: {  	[tilespmem:s11+$0xFFFFFFC0] =	vst v0;
	v5 =	vmul.f32 $1.131370830e+01, v5;
	v0 =	vld [tilespmem:s11+$0x40];
	(pc) =	sbr.rel @p0 .LBB2_28-.Ltmp13, $4  }
0x26c: {  	[tilespmem:s11+$0xFFFFFFD0] =	vst v1;
	v2 =	vmul.f32 $1.131370830e+01, v2;
	v1 =	vld [tilespmem:s11+$0x50]  }
0x26d: {  	[tilespmem:s11+$0xFFFFFFE0] =	vst v5;
	v7 =	vmul.f32 $1.131370830e+01, v3;
	v3 =	vld [tilespmem:s11+$0x60]  }
0x26e: {  	[tilespmem:s11+$0x0] =	vst v2;
	v5 =	vmul.f32 $1.131370830e+01, v4;
	v4 =	vld [tilespmem:s11+$0x70]  }
0x26f: {  	s11 =	sadd.s32 $0x100, s11;
	v2 =	vld [tilespmem:s6+$0xFFFFFFF0];
	[tilespmem:s6+$0x10] =	vst v7;
	v6 =	vmul.f32 $1.131370830e+01, v6  }
0x270: {  	[tilespmem:s6+$0x20] =	vst v5;
	v0 =	vmul.f32 $1.131370830e+01, v0  }
0x271: {  	[tilespmem:s6+$0x30] =	vst v6;
	v1 =	vmul.f32 $1.131370830e+01, v1  }
0x272: {  	[tilespmem:s6+$0x40] =	vst v0;
	v0 =	vmul.f32 $1.131370830e+01, v3  }
0x273: {  	[tilespmem:s6+$0x50] =	vst v1;
	v1 =	vmul.f32 $1.131370830e+01, v4  }
0x274: {  	v2 =	vmul.f32 $1.131370830e+01, v2;
	[tilespmem:s6+$0x60] =	vst v0  }
0x275: {  	[tilespmem:s6+$0x70] =	vst v1  }
0x276: {  	s19 =	rddreg [dreg:$0xe];
	[tilespmem:s6+$0xFFFFFFF0] =	vst v2  }
0x277: {  	[hbm4b:s19+s5] =	stream.linear.scatter [tilespmem:s21], [sflag:$0x7], $0x4000, $0x38;
	[tilespmem:$0x1E400] =	vst v63  }
0x278: {  	_ =	swait.ge [sflag:s0], $0x4000  }
0x279: {  	[sflag:s0] =	ssyncset.done $0x0  }
0x27a: {  	s6 =	simm.s32 $0xA480;
	[sflag:s0] =	ssyncadd.s32 $0xFFFFC000  }
0x27b: {  	v0 =	vld [tilespmem:s6+$0xFFFFFF80]  }
0x27c: {  	v1 =	vld [tilespmem:s6+$0xFFFFFF90]  }
0x27d: {  	v2 =	vld [tilespmem:s6+$0xFFFFFFA0]  }
0x27e: {  	v3 =	vld [tilespmem:s6+$0xFFFFFFB0]  }
0x27f: {  	v4 =	vld [tilespmem:s6+$0xFFFFFFC0]  }
0x280: {  	v5 =	vld [tilespmem:s6+$0xFFFFFFD0];
	v0 =	vmul.f32 $1.131370830e+01, v0  }
0x281: {  	v6 =	vld [tilespmem:s6+$0xFFFFFFE0];
	v1 =	vmul.f32 $1.131370830e+01, v1  }
0x282: {  	[tilespmem:s6+$0xFFFFFF80] =	vst v0;
	v0 =	vmul.f32 $1.131370830e+01, v2;
	v2 =	vld [tilespmem:s6+$0x0]  }
0x283: {  	[tilespmem:s6+$0xFFFFFF90] =	vst v1;
	v1 =	vmul.f32 $1.131370830e+01, v3;
	v3 =	vld [tilespmem:s6+$0x10]  }
0x284: {  	[tilespmem:s6+$0xFFFFFFA0] =	vst v0;
	v0 =	vmul.f32 $1.131370830e+01, v4;
	v4 =	vld [tilespmem:s6+$0x20]  }
0x285: {  	v7 =	vld [tilespmem:s6+$0x30];
	[tilespmem:s6+$0xFFFFFFB0] =	vst v1;
	v1 =	vmul.f32 $1.131370830e+01, v5  }
0x286: {  	v5 =	vmul.f32 $1.131370830e+01, v6;
	[tilespmem:s6+$0xFFFFFFC0] =	vst v0;
	v0 =	vld [tilespmem:s6+$0x40]  }
0x287: {  	[tilespmem:s6+$0xFFFFFFD0] =	vst v1;
	v1 =	vld [tilespmem:s6+$0x50];
	v2 =	vmul.f32 $1.131370830e+01, v2  }
0x288: {  	[tilespmem:s6+$0xFFFFFFE0] =	vst v5;
	v6 =	vmul.f32 $1.131370830e+01, v3;
	v3 =	vld [tilespmem:s6+$0x60]  }
0x289: {  	[tilespmem:s6+$0x0] =	vst v2;
	v5 =	vmul.f32 $1.131370830e+01, v4;
	v4 =	vld [tilespmem:s6+$0x70]  }
0x28a: {  	s10 =	simm.s32 $0x0;
	s11 =	simm.s32 $0xA580;
	v2 =	vld [tilespmem:s6+$0xFFFFFFF0];
	[tilespmem:s6+$0x10] =	vst v6;
	v6 =	vmul.f32 $1.131370830e+01, v7  }
.LBB2_30:
0x28b: {  	v7 =	vld [tilespmem:s11+$0xFFFFFF80];
	[tilespmem:s6+$0x20] =	vst v5;
	v0 =	vmul.f32 $1.131370830e+01, v0  }
0x28c: {  	v5 =	vld [tilespmem:s11+$0xFFFFFF90];
	[tilespmem:s6+$0x30] =	vst v6;
	v1 =	vmul.f32 $1.131370830e+01, v1  }
0x28d: {  	v6 =	vld [tilespmem:s11+$0xFFFFFFA0];
	[tilespmem:s6+$0x40] =	vst v0;
	v0 =	vmul.f32 $1.131370830e+01, v3  }
0x28e: {  	v3 =	vld [tilespmem:s11+$0xFFFFFFB0];
	[tilespmem:s6+$0x50] =	vst v1;
	v1 =	vmul.f32 $1.131370830e+01, v4  }
0x28f: {  	v4 =	vld [tilespmem:s11+$0xFFFFFFC0];
	v2 =	vmul.f32 $1.131370830e+01, v2;
	[tilespmem:s6+$0x60] =	vst v0  }
0x290: {  	v0 =	vmul.f32 $1.131370830e+01, v7;
	v7 =	vld [tilespmem:s11+$0xFFFFFFD0];
	[tilespmem:s6+$0x70] =	vst v1  }
0x291: {  	v1 =	vmul.f32 $1.131370830e+01, v5;
	v5 =	vld [tilespmem:s11+$0xFFFFFFE0];
	[tilespmem:s6+$0xFFFFFFF0] =	vst v2;
	s6 =	smov.u32 s11  }
0x292: {  	[tilespmem:s11+$0xFFFFFF80] =	vst v0;
	v0 =	vmul.f32 $1.131370830e+01, v6;
	v2 =	vld [tilespmem:s11+$0x0]  }
0x293: {  	[tilespmem:s11+$0xFFFFFF90] =	vst v1;
	v1 =	vmul.f32 $1.131370830e+01, v3;
	v3 =	vld [tilespmem:s11+$0x10]  }
0x294: {  	s10 =	sadd.s32 $0x2, s10;
	[tilespmem:s11+$0xFFFFFFA0] =	vst v0;
	v0 =	vmul.f32 $1.131370830e+01, v4;
	v4 =	vld [tilespmem:s11+$0x20]  }
0x295: {  	p0 =	slt.u32 s10, $0x7E;
	[tilespmem:s11+$0xFFFFFFB0] =	vst v1;
	v1 =	vmul.f32 $1.131370830e+01, v7;
	v6 =	vld [tilespmem:s11+$0x30]  }
.Ltmp14:
0x296: {  	[tilespmem:s11+$0xFFFFFFC0] =	vst v0;
	v5 =	vmul.f32 $1.131370830e+01, v5;
	v0 =	vld [tilespmem:s11+$0x40];
	(pc) =	sbr.rel @p0 .LBB2_30-.Ltmp14, $4  }
0x297: {  	[tilespmem:s11+$0xFFFFFFD0] =	vst v1;
	v2 =	vmul.f32 $1.131370830e+01, v2;
	v1 =	vld [tilespmem:s11+$0x50]  }
0x298: {  	[tilespmem:s11+$0xFFFFFFE0] =	vst v5;
	v7 =	vmul.f32 $1.131370830e+01, v3;
	v3 =	vld [tilespmem:s11+$0x60]  }
0x299: {  	[tilespmem:s11+$0x0] =	vst v2;
	v5 =	vmul.f32 $1.131370830e+01, v4;
	v4 =	vld [tilespmem:s11+$0x70]  }
0x29a: {  	s11 =	sadd.s32 $0x100, s11;
	v2 =	vld [tilespmem:s6+$0xFFFFFFF0];
	[tilespmem:s6+$0x10] =	vst v7;
	v6 =	vmul.f32 $1.131370830e+01, v6  }
0x29b: {  	[tilespmem:s6+$0x20] =	vst v5;
	v0 =	vmul.f32 $1.131370830e+01, v0  }
0x29c: {  	[tilespmem:s6+$0x30] =	vst v6;
	v1 =	vmul.f32 $1.131370830e+01, v1  }
0x29d: {  	[tilespmem:s6+$0x40] =	vst v0;
	v62 =	vmul.f32 $1.131370830e+01, v3  }
0x29e: {  	[tilespmem:s6+$0x50] =	vst v1;
	v63 =	vmul.f32 $1.131370830e+01, v4  }
0x29f: {  	v2 =	vmul.f32 $1.131370830e+01, v2;
	[tilespmem:s6+$0x60] =	vst v62  }
0x2a0: {  	[tilespmem:s6+$0x70] =	vst v63  }
0x2a1: {  	s18 =	rddreg [dreg:$0xf];
	[tilespmem:s6+$0xFFFFFFF0] =	vst v2  }
0x2a2: {  	[hbm4b:s18+s5] =	stream.linear.scatter [tilespmem:s22], [sflag:$0x8], $0x4000, $0x38;
	[tilespmem:$0x1E400] =	vst v63  }
0x2a3: {  	_ =	swait.ge [sflag:s8], $0x4000  }
0x2a4: {  	[sflag:s8] =	ssyncset.done $0x0  }
0x2a5: {  	[sflag:s8] =	ssyncadd.s32 $0xFFFFC000  }
0x2a6: {  	_ =	swait.ge [sflag:s13], $0x4000  }
0x2a7: {  	[sflag:s13] =	ssyncset.done $0x0  }
0x2a8: {  	[sflag:s13] =	ssyncadd.s32 $0xFFFFC000  }
0x2a9: {  	_ =	swait.ge [sflag:s14], $0x4000  }
0x2aa: {  	[sflag:s14] =	ssyncset.done $0x0  }
0x2ab: {  	[sflag:s14] =	ssyncadd.s32 $0xFFFFC000  }
0x2ac: {  	_ =	swait.ge [sflag:s15], $0x4000  }
0x2ad: {  	[sflag:s15] =	ssyncset.done $0x0  }
0x2ae: {  	[sflag:s15] =	ssyncadd.s32 $0xFFFFC000  }
0x2af: {  	_ =	swait.ge [sflag:s25], $0x4000  }
0x2b0: {  	[sflag:s25] =	ssyncset.done $0x0  }
0x2b1: {  	[sflag:s25] =	ssyncadd.s32 $0xFFFFC000  }
0x2b2: {  	_ =	swait.ge [sflag:s30], $0x4000  }
0x2b3: {  	s10 =	rddreg [dreg:$0x11]  }
0x2b4: {  	s19 =	rddreg [dreg:$0x10];
	s10 =	sadd.s32 $0x1, s10  }
0x2b5: {  	p0 =	sne.s32 s10, s19  }
.Ltmp15:
0x2b6: {  	_ = 	snop;
	(pc) =	sbr.rel @p0 .LBB2_1-.Ltmp15, $3  }
0x2b7: {  	_ =	sdelay $0x1  }
0x2b8: {  	[sflag:s30] =	ssyncset.done $0x0  }
0x2b9: {  	[sflag:s30] =	ssyncadd.s32 $0xFFFFC000  }
0x2ba: {  	_ =	sfence.sel $0x180000  }
0x2bb: {  	[bflag:$0x0] =	sbarrier.arrive $0xFFFF  }
0x2bc: {  	_ =	strace $0x90000047  }
0x2bd: {  	s0 =	stileid.u32;
	[bflag:$0x2] =	sbarrier.arrive $0xFFFF  }
0x2be: {  	p0 =	sne.s32 s0, $0x0;
	s0 =	rddreg [dreg:$0x3]  }
0x2bf: {  	s0 =	sadd.s32 @!p0 $0x100000, s0  }
0x2c0: {  	[sflag:s0] =	ssyncadd.tile.s32 @!p0 $0x1;
	_ =	shalt  }
.Lfunc_end2:
_tile_overlayer_lowered:
.L_overlay_start_2:
0x2c1: {  	(tag) =	ssettag $0x2  }
0x2c2: {  	s0 =	rddreg [dreg:$0x0];
	s2 =	stileid.u32  }
0x2c3: {  	s1 =	rddreg [dreg:$0x1];
	p0 =	sne.s32 s2, $0x0  }
0x2c4: {  	s3 =	rddreg [dreg:$0x2];
	[bflag:$0x3] =	sbarrier.arrive $0xFFFF;
	s2 =	simm.s32 @!p0 $0x1C0D  }
0x2c5: {  	[timem:s3], [sflag:s2] =	dma.local @!p0 [hbm:s0], s1  }
0x2c6: {  	s0 =	simm.s32 @!p0 $0xD  }
0x2c7: {  	_ =	swait.ge @!p0 [sflag:s0], s1  }
0x2c8: {  	s1 =	ssub.s32 @!p0 $0x0, s1;
	[sflag:s0] =	ssyncset.done @!p0 $0x0  }
0x2c9: {  	[sflag:s0] =	ssyncadd.s32 @!p0 s1  }
0x2ca: {  	[bflag:$0x3] =	sbarrier.arrive $0xFFFF  }
0x2cb: {  	_ =	shalt  }

</sc_bundles>
